<compile_context>
chip_gen: v7x
topology: tpu7x:2x2x1
jax: 0.10.2.dev20260603
libtpu: 0.0.44.dev20260713+nightly
codegen_flags: <defaults>
</compile_context>

<pallas_src>
import jax
import jax.numpy as jnp
from jax import lax
from jax.experimental import pallas as pl
from jax.experimental.pallas import tpu as pltpu
from jax.experimental.pallas import tpu_sc as plsc

NN = 10000
DD = 128
GG = 64
NOUT = 10
NP = 10240
EE = 320000
ET = EE + NN
NW = 32
CK = 96
NG = 108
CPT = NG * CK
ETP = NW * CPT
VPT = CPT // 16
RPT = NP // 16

_mesh = plsc.VectorSubcoreMesh(core_axis_name="c", subcore_axis_name="s")


def _prep_body(x_ref, w_ref, as_ref, ad_ref, h_ref, s_ref, d_ref):
    h = jnp.dot(x_ref[...], w_ref[...], preferred_element_type=jnp.float32)
    h_ref[...] = h
    s_ref[...] = jnp.sum(h * as_ref[...], axis=-1, keepdims=True)
    d_ref[...] = jnp.sum(h * ad_ref[...], axis=-1, keepdims=True)


def _prep(x, W, a_src, a_dst):
    nb = NN // 1000
    return pl.pallas_call(
        _prep_body,
        grid=(nb,),
        in_specs=[
            pl.BlockSpec((1000, DD), lambda i: (i, 0)),
            pl.BlockSpec((DD, DD), lambda i: (0, 0)),
            pl.BlockSpec((1, DD), lambda i: (0, 0)),
            pl.BlockSpec((1, DD), lambda i: (0, 0)),
        ],
        out_specs=[
            pl.BlockSpec((1000, DD), lambda i: (i, 0)),
            pl.BlockSpec((1000, 1), lambda i: (i, 0)),
            pl.BlockSpec((1000, 1), lambda i: (i, 0)),
        ],
        out_shape=[
            jax.ShapeDtypeStruct((NN, DD), jnp.float32),
            jax.ShapeDtypeStruct((NN, 1), jnp.float32),
            jax.ShapeDtypeStruct((NN, 1), jnp.float32),
        ],
    )(x, W, a_src[None, :], a_dst[None, :])


def _edge_logits_body(src_h, dst_h, as_h, ad_h, e_h, mx_h,
                      src_v, dst_v, as_v, ad_v, e_v, m_v):
    cid = lax.axis_index("c")
    sid = lax.axis_index("s")
    wid = sid * 2 + cid
    base = wid * CPT
    pltpu.sync_copy(src_h.at[pl.ds(base, CPT)], src_v)
    pltpu.sync_copy(dst_h.at[pl.ds(base, CPT)], dst_v)
    pltpu.sync_copy(as_h, as_v)
    pltpu.sync_copy(ad_h, ad_v)

    def initb(i, carry):
        m_v[pl.ds(i * 16, 16)] = jnp.full((16,), -jnp.inf, jnp.float32)
        return carry
    lax.fori_loop(0, NP // 16, initb, 0)

    def step(i, carry):
        off = i * 16
        s16 = src_v[pl.ds(off, 16)]
        d16 = dst_v[pl.ds(off, 16)]
        e16 = plsc.load_gather(as_v, [s16]) + plsc.load_gather(ad_v, [d16])
        e16 = jnp.where(e16 >= 0.0, e16, e16 * jnp.float32(0.2))
        flat = base + off + lax.iota(jnp.int32, 16)
        e16 = jnp.where(flat < ET, e16, jnp.float32(-1e30))
        e_v[pl.ds(off, 16)] = e16

        def wcond(need):
            return jnp.any(need)

        def wbody(need):
            plsc.store_scatter(m_v, [d16], e16, mask=need)
            cur = plsc.load_gather(m_v, [d16])
            return jnp.logical_and(need, e16 > cur)

        cur0 = plsc.load_gather(m_v, [d16])
        lax.while_loop(wcond, wbody, e16 > cur0)
        return carry
    lax.fori_loop(0, VPT, step, 0)

    pltpu.sync_copy(e_v, e_h.at[pl.ds(base, CPT)])
    pltpu.sync_copy(m_v, mx_h.at[wid])


_edge_logits = pl.kernel(
    _edge_logits_body,
    out_type=(
        jax.ShapeDtypeStruct((ETP,), jnp.float32),
        jax.ShapeDtypeStruct((NW, NP), jnp.float32),
    ),
    mesh=_mesh,
    scratch_types=[
        pltpu.VMEM((CPT,), jnp.int32),
        pltpu.VMEM((CPT,), jnp.int32),
        pltpu.VMEM((NN,), jnp.float32),
        pltpu.VMEM((NN,), jnp.float32),
        pltpu.VMEM((CPT,), jnp.float32),
        pltpu.VMEM((NP,), jnp.float32),
    ],
    compiler_params=pltpu.CompilerParams(needs_layout_passes=False),
)


def _combine_body(mx_ref, m_ref):
    m = jnp.max(mx_ref[...], axis=0, keepdims=True)
    m_ref[...] = jnp.where(jnp.isfinite(m), m, 0.0)


def _combine(maxes):
    return pl.pallas_call(
        _combine_body,
        out_shape=jax.ShapeDtypeStruct((1, NP), jnp.float32),
    )(maxes)


def _aggregate_body_real(p_h, m_h, h_h, den_h, outp_h,
                         pA, pB, dA, dB, m_v, den_v, rowsA, rowsB, acc_sp,
                         gsA, gsB, ssA, ssB, stA, stB):
    cid = lax.axis_index("c")
    sid = lax.axis_index("s")
    wid = sid * 2 + cid
    pltpu.sync_copy(m_h, m_v)

    zero16 = jnp.zeros((16,), jnp.float32)

    def zeroden(i, carry):
        den_v[pl.ds(i * 16, 16)] = zero16
        return carry
    lax.fori_loop(0, NP // 16, zeroden, 0)

    def zerorows(i, carry):
        rowsA[i // 8, pl.ds((i % 8) * 16, 16)] = zero16
        return carry
    lax.fori_loop(0, CK * 8, zerorows, 0)

    def zeroacc(k, carry):
        pltpu.sync_copy(rowsA, acc_sp.at[pl.ds(sid * RPT + k * CK, CK)])
        return carry
    lax.fori_loop(0, RPT // CK, zeroacc, 0)
    if RPT % CK:
        pltpu.sync_copy(rowsA.at[pl.ds(0, RPT % CK)],
                        acc_sp.at[pl.ds(sid * RPT + (RPT // CK) * CK, RPT % CK)])

    plsc.subcore_barrier()

    HK = CK // 2

    def gather_cp(pX, rowsX, gsX):
        lo = pltpu.make_async_copy(
            h_h.at[pX.at[0, pl.ds(0, HK)]], rowsX.at[pl.ds(0, HK)], gsX)
        hi = pltpu.make_async_copy(
            h_h.at[pX.at[0, pl.ds(HK, HK)]], rowsX.at[pl.ds(HK, HK)], gsX)
        return lo, hi



    def stage_cp(g, pX, stX):
        return pltpu.make_async_copy(p_h.at[wid, g], pX, stX)

    def scatter_cp(dX, rowsX, ssX):
        return pltpu.async_copy(rowsX, acc_sp.at[dX], ssX, add=True)

    def scatter_wait(dX, rowsX, ssX):
        pltpu.make_async_copy(rowsX, acc_sp.at[dX], ssX).wait()

    def dcopy(pX, dX):
        for i in range(CK // 16):
            dX[pl.ds(i * 16, 16)] = pX[1, pl.ds(i * 16, 16)]

    def compute(pX, rowsX):
        def vec(v, carry):
            d16 = pX[1, pl.ds(v * 16, 16)]
            e16 = plsc.bitcast(pX[2, pl.ds(v * 16, 16)], jnp.float32)
            mm = plsc.load_gather(m_v, [d16])
            ex = jnp.exp(e16 - mm)
            plsc.addupdate_scatter(den_v, [d16], ex)
            gdn = lax.GatherDimensionNumbers(
                offset_dims=(), collapsed_slice_dims=(0,),
                start_index_map=(0,))
            for r in range(16):
                lane = lax.gather(
                    ex, jnp.full((16, 1), r, jnp.int32), gdn, (1,),
                    mode=lax.GatherScatterMode.PROMISE_IN_BOUNDS)
                row = v * 16 + r
                for c8 in range(8):
                    sl = pl.ds(c8 * 16, 16)
                    rowsX[row, sl] = rowsX[row, sl] * lane
            return carry
        lax.fori_loop(0, CK // 16, vec, 0)

    NH = NG // 2
    pltpu.sync_copy(p_h.at[wid, 0], pA)
    stage_cp(1, pB, stB).start()
    for _c in gather_cp(pA, rowsA, gsA):
        _c.start()

    def half(p, carry):
        for _c in gather_cp(pA, rowsA, gsA):
            _c.wait()

        @pl.when(p > 0)
        def _freeB():
            scatter_wait(dB, rowsB, ssB)
        stage_cp(2 * p + 1, pB, stB).wait()
        for _c in gather_cp(pB, rowsB, gsB):
            _c.start()
        compute(pA, rowsA)
        dcopy(pA, dA)
        scatter_cp(dA, rowsA, ssA)

        @pl.when(p < NH - 1)
        def _stA():
            stage_cp(2 * p + 2, pA, stA).start()

        for _c in gather_cp(pB, rowsB, gsB):
            _c.wait()
        scatter_wait(dA, rowsA, ssA)

        @pl.when(p < NH - 1)
        def _gA():
            stage_cp(2 * p + 2, pA, stA).wait()
            for _c in gather_cp(pA, rowsA, gsA):
                _c.start()
        compute(pB, rowsB)
        dcopy(pB, dB)
        scatter_cp(dB, rowsB, ssB)

        @pl.when(p < NH - 1)
        def _stB():
            stage_cp(2 * p + 3, pB, stB).start()
        return carry

    lax.fori_loop(0, NH, half, 0)
    scatter_wait(dB, rowsB, ssB)

    plsc.subcore_barrier()
    pltpu.sync_copy(acc_sp.at[pl.ds(sid * RPT, RPT)],
                    outp_h.at[cid, pl.ds(sid * RPT, RPT)])
    pltpu.sync_copy(den_v, den_h.at[wid])


_aggregate = pl.kernel(
    _aggregate_body_real,
    out_type=(
        jax.ShapeDtypeStruct((NW, NP), jnp.float32),
        jax.ShapeDtypeStruct((2, NP, DD), jnp.float32),
    ),
    mesh=_mesh,
    scratch_types=[
        pltpu.VMEM((3, CK), jnp.int32),
        pltpu.VMEM((3, CK), jnp.int32),
        pltpu.VMEM((CK,), jnp.int32),
        pltpu.VMEM((CK,), jnp.int32),
        pltpu.VMEM((NP,), jnp.float32),
        pltpu.VMEM((NP,), jnp.float32),
        pltpu.VMEM((CK, DD), jnp.float32),
        pltpu.VMEM((CK, DD), jnp.float32),
        pltpu.VMEM_SHARED((NP, DD), jnp.float32),
        pltpu.SemaphoreType.DMA,
        pltpu.SemaphoreType.DMA,
        pltpu.SemaphoreType.DMA,
        pltpu.SemaphoreType.DMA,
        pltpu.SemaphoreType.DMA,
        pltpu.SemaphoreType.DMA,
    ],
    compiler_params=pltpu.CompilerParams(needs_layout_passes=False),
)


def _final_body(outp_ref, den_ref, batch_ref, bias_ref, wl_ref, bl_ref,
                y_ref, pool, cnt):
    i = pl.program_id(0)

    @pl.when(i == 0)
    def _init():
        pool[...] = jnp.zeros((GG, DD), jnp.float32)
        cnt[...] = jnp.zeros((GG, DD), jnp.float32)

    ds = jnp.sum(den_ref[...], axis=0)
    acc = outp_ref[0] + outp_ref[1]
    rows = acc / (ds + 1e-16)[:, None] + bias_ref[...]
    b = batch_ref[0, 0, :]
    M = (lax.broadcasted_iota(jnp.int32, (GG, 1280), 0) == b[None, :]
         ).astype(jnp.float32)
    pool[...] += jnp.dot(M, rows, preferred_element_type=jnp.float32)
    cnt[...] += jnp.dot(M, jnp.ones((1280, DD), jnp.float32),
                        preferred_element_type=jnp.float32)

    @pl.when(i == NP // 1280 - 1)
    def _fin():
        pooled = pool[...] / jnp.maximum(cnt[...], 1.0)
        y = jnp.dot(pooled, wl_ref[...], preferred_element_type=jnp.float32)
        y_ref[...] = jnp.maximum(y + bl_ref[...], 0.0)


def _final(outp, denoms, batch3, bias, W_lin, b_lin):
    nb = NP // 1280
    return pl.pallas_call(
        _final_body,
        grid=(nb,),
        in_specs=[
            pl.BlockSpec((2, 1280, DD), lambda i: (0, i, 0)),
            pl.BlockSpec((NW, 1280), lambda i: (0, i)),
            pl.BlockSpec((1, 1, 1280), lambda i: (i, 0, 0)),
            pl.BlockSpec((1, DD), lambda i: (0, 0)),
            pl.BlockSpec((DD, NOUT), lambda i: (0, 0)),
            pl.BlockSpec((1, NOUT), lambda i: (0, 0)),
        ],
        out_specs=pl.BlockSpec((GG, NOUT), lambda i: (0, 0)),
        out_shape=jax.ShapeDtypeStruct((GG, NOUT), jnp.float32),
        scratch_shapes=[
            pltpu.VMEM((GG, DD), jnp.float32),
            pltpu.VMEM((GG, DD), jnp.float32),
        ],
    )(outp, denoms, batch3, bias[None, :], W_lin, b_lin[None, :])


def kernel(x, edge_index, batch, W, a_src, a_dst, bias, W_lin, b_lin):
    loop = jnp.arange(NN, dtype=jnp.int32)
    pad = jnp.zeros((ETP - ET,), jnp.int32)
    src = jnp.concatenate([edge_index[0], loop, pad])
    dst = jnp.concatenate([edge_index[1], loop, pad])
    batch_pad = jnp.pad(batch, (0, NP - NN), constant_values=GG)
    batch3 = batch_pad.reshape(NP // 1280, 1, 1280)

    h, s2, d2 = _prep(x, W, a_src, a_dst)

    e, maxes = _edge_logits(src, dst, s2[:, 0], d2[:, 0])
    m = _combine(maxes)[0]
    ebits = lax.bitcast_convert_type(e, jnp.int32)
    P = jnp.stack([src.reshape(NW, NG, CK), dst.reshape(NW, NG, CK),
                   ebits.reshape(NW, NG, CK)], axis=2)
    denoms, outp = _aggregate(P, m, h)
    return _final(outp, denoms, batch3, bias, W_lin, b_lin)

# --- scband reference (transcript-rebuilt; emitter-appended) ---
"""Pipeline reference for scband-gatmodel-11063835754668 (READ-ONLY COPY).

The authoritative reference and input builder live on the scoring server;
editing this copy changes nothing except your own understanding.
"""

import jax, jax.numpy as jnp
import numpy as np

N = 10000
E = 320000
D = 128
G = 64
OUT = 10


def setup_inputs(seed: int = 0) -> dict:
    key = jax.random.key(seed)
    ks = jax.random.split(key, 9)
    x = jax.random.normal(ks[0], (N, D), dtype=jnp.float32)
    edge_index = jax.random.randint(ks[1], (2, E), 0, N, dtype=jnp.int32)
    batch = jnp.sort(jax.random.randint(ks[2], (N,), 0, G, dtype=jnp.int32))
    s = 1.0 / np.sqrt(D)
    W = jax.random.normal(ks[3], (D, D), dtype=jnp.float32) * s
    a_src = jax.random.normal(ks[4], (D,), dtype=jnp.float32) * s
    a_dst = jax.random.normal(ks[5], (D,), dtype=jnp.float32) * s
    bias = jnp.zeros((D,), dtype=jnp.float32)
    W_lin = jax.random.normal(ks[6], (D, OUT), dtype=jnp.float32) * s
    b_lin = jnp.zeros((OUT,), dtype=jnp.float32)
    return {"x": x, "edge_index": edge_index, "batch": batch, "W": W,
            "a_src": a_src, "a_dst": a_dst, "bias": bias,
            "W_lin": W_lin, "b_lin": b_lin}


def _gat_conv(x, edge_index, W, a_src, a_dst, bias):
    # PyG GATConv (heads=1, concat=True, negative_slope=0.2, add_self_loops=True)
    loop = jnp.arange(N, dtype=edge_index.dtype)
    ei = jnp.concatenate([edge_index, jnp.stack([loop, loop])], axis=1)
    src, dst = ei[0], ei[1]
    h = x @ W
    alpha_s = (h * a_src).sum(-1)
    alpha_d = (h * a_dst).sum(-1)
    e = alpha_s[src] + alpha_d[dst]
    e = jax.nn.leaky_relu(e, negative_slope=0.2)
    m = jax.ops.segment_max(e, dst, num_segments=N)
    m = jax.lax.stop_gradient(jnp.where(jnp.isfinite(m), m, 0.0))
    ex = jnp.exp(e - m[dst])
    denom = jax.ops.segment_sum(ex, dst, num_segments=N)
    alpha = ex / (denom[dst] + 1e-16)
    out = jax.ops.segment_sum(h[src] * alpha[:, None], dst, num_segments=N)
    return out + bias


def reference(x, edge_index, batch, W, a_src, a_dst, bias, W_lin, b_lin):
    out = _gat_conv(x, edge_index, W, a_src, a_dst, bias)
    # global_mean_pool over graph assignment
    pooled_sum = jax.ops.segment_sum(out, batch, num_segments=G)
    counts = jax.ops.segment_sum(jnp.ones((N,), dtype=out.dtype), batch, num_segments=G)
    pooled = pooled_sum / jnp.clip(counts, 1.0)[:, None]
    # MLP head: single linear 128 -> 10 with relu activation
    y = jax.nn.relu(pooled @ W_lin + b_lin)
    return y

if __name__ == "__main__":
    import jax
    _d = setup_inputs()
    print(jax.jit(kernel)(*tuple(_d.values())))

</pallas_src>

<mosaic_0001>
#map = affine_map<(d0, d1) -> (0)>
#map1 = affine_map<(d0, d1) -> (0, 0)>
module attributes {stable_mosaic.version = 14 : i64} {
  func.func @_edge_logits_body(%arg0: i32, %arg1: i32, %arg2: memref<331776xi32, #tpu.memory_space<hbm>>, %arg3: memref<331776xi32, #tpu.memory_space<hbm>>, %arg4: memref<10000xf32, #tpu.memory_space<hbm>>, %arg5: memref<10000xf32, #tpu.memory_space<hbm>>, %arg6: memref<331776xf32, #tpu.memory_space<hbm>>, %arg7: memref<32x10240xf32, #tpu.memory_space<hbm>>, %arg8: memref<10368xi32, #tpu.memory_space<vmem>>, %arg9: memref<10368xi32, #tpu.memory_space<vmem>>, %arg10: memref<10000xf32, #tpu.memory_space<vmem>>, %arg11: memref<10000xf32, #tpu.memory_space<vmem>>, %arg12: memref<10368xf32, #tpu.memory_space<vmem>>, %arg13: memref<10240xf32, #tpu.memory_space<vmem>>) attributes {dimension_semantics = [#tpu.dimension_semantics<core_parallel>, #tpu.dimension_semantics<subcore_parallel>], iteration_bounds = array<i64: 2, 16>, scalar_prefetch = 0 : i64, scratch_operands = 6 : i64, tpu.core_type = #tpu.core_type<sc_vector_subcore>, window_params = [{transform_indices = #map}, {transform_indices = #map}, {transform_indices = #map}, {transform_indices = #map}, {transform_indices = #map}, {transform_indices = #map1}]} {
    %mul3A = arith.constant 2 : i32
    %mul3A_0 = arith.muli %arg1, %mul3A : i32
    %add3A = arith.addi %mul3A_0, %arg0 : i32
    %mul3A_1 = arith.constant 10368 : i32
    %mul3A_2 = arith.muli %add3A, %mul3A_1 : i32
    "tpu.region"() ({
      %run_scoped3A = tpu.sem_alloc : memref<!tpu.dma_semaphore, #tpu.memory_space<semaphore_mem>>
      %dma_start3A = tpu.memref_slice %arg2[%mul3A_2] : memref<331776xi32, #tpu.memory_space<hbm>> -> memref<10368xi32, #tpu.memory_space<hbm>>
      %dma_start3A_14 = tpu.memref_slice %arg2[%mul3A_2] : memref<331776xi32, #tpu.memory_space<hbm>> -> memref<10368xi32, #tpu.memory_space<hbm>>
      tpu.enqueue_dma source(%dma_start3A_14 : memref<10368xi32, #tpu.memory_space<hbm>>) target(%arg8 : memref<10368xi32, #tpu.memory_space<vmem>>) target_semaphore(%run_scoped3A : memref<!tpu.dma_semaphore, #tpu.memory_space<semaphore_mem>>)
      %dma_wait3A = tpu.memref_slice %arg2[%mul3A_2] : memref<331776xi32, #tpu.memory_space<hbm>> -> memref<10368xi32, #tpu.memory_space<hbm>>
      %dma_wait3A_15 = tpu.memref_slice %arg2[%mul3A_2] : memref<331776xi32, #tpu.memory_space<hbm>> -> memref<10368xi32, #tpu.memory_space<hbm>>
      tpu.wait_dma2 semaphore(%run_scoped3A : memref<!tpu.dma_semaphore, #tpu.memory_space<semaphore_mem>>) src(%dma_wait3A_15 : memref<10368xi32, #tpu.memory_space<hbm>>) dst(%arg8 : memref<10368xi32, #tpu.memory_space<vmem>>)
      tpu.yield
    }) : () -> ()
    "tpu.region"() ({
      %run_scoped3A = tpu.sem_alloc : memref<!tpu.dma_semaphore, #tpu.memory_space<semaphore_mem>>
      %dma_start3A = tpu.memref_slice %arg3[%mul3A_2] : memref<331776xi32, #tpu.memory_space<hbm>> -> memref<10368xi32, #tpu.memory_space<hbm>>
      %dma_start3A_14 = tpu.memref_slice %arg3[%mul3A_2] : memref<331776xi32, #tpu.memory_space<hbm>> -> memref<10368xi32, #tpu.memory_space<hbm>>
      tpu.enqueue_dma source(%dma_start3A_14 : memref<10368xi32, #tpu.memory_space<hbm>>) target(%arg9 : memref<10368xi32, #tpu.memory_space<vmem>>) target_semaphore(%run_scoped3A : memref<!tpu.dma_semaphore, #tpu.memory_space<semaphore_mem>>)
      %dma_wait3A = tpu.memref_slice %arg3[%mul3A_2] : memref<331776xi32, #tpu.memory_space<hbm>> -> memref<10368xi32, #tpu.memory_space<hbm>>
      %dma_wait3A_15 = tpu.memref_slice %arg3[%mul3A_2] : memref<331776xi32, #tpu.memory_space<hbm>> -> memref<10368xi32, #tpu.memory_space<hbm>>
      tpu.wait_dma2 semaphore(%run_scoped3A : memref<!tpu.dma_semaphore, #tpu.memory_space<semaphore_mem>>) src(%dma_wait3A_15 : memref<10368xi32, #tpu.memory_space<hbm>>) dst(%arg9 : memref<10368xi32, #tpu.memory_space<vmem>>)
      tpu.yield
    }) : () -> ()
    "tpu.region"() ({
      %run_scoped3A = tpu.sem_alloc : memref<!tpu.dma_semaphore, #tpu.memory_space<semaphore_mem>>
      tpu.enqueue_dma source(%arg4 : memref<10000xf32, #tpu.memory_space<hbm>>) target(%arg10 : memref<10000xf32, #tpu.memory_space<vmem>>) target_semaphore(%run_scoped3A : memref<!tpu.dma_semaphore, #tpu.memory_space<semaphore_mem>>)
      tpu.wait_dma2 semaphore(%run_scoped3A : memref<!tpu.dma_semaphore, #tpu.memory_space<semaphore_mem>>) src(%arg4 : memref<10000xf32, #tpu.memory_space<hbm>>) dst(%arg10 : memref<10000xf32, #tpu.memory_space<vmem>>)
      tpu.yield
    }) : () -> ()
    "tpu.region"() ({
      %run_scoped3A = tpu.sem_alloc : memref<!tpu.dma_semaphore, #tpu.memory_space<semaphore_mem>>
      tpu.enqueue_dma source(%arg5 : memref<10000xf32, #tpu.memory_space<hbm>>) target(%arg11 : memref<10000xf32, #tpu.memory_space<vmem>>) target_semaphore(%run_scoped3A : memref<!tpu.dma_semaphore, #tpu.memory_space<semaphore_mem>>)
      tpu.wait_dma2 semaphore(%run_scoped3A : memref<!tpu.dma_semaphore, #tpu.memory_space<semaphore_mem>>) src(%arg5 : memref<10000xf32, #tpu.memory_space<hbm>>) dst(%arg11 : memref<10000xf32, #tpu.memory_space<vmem>>)
      tpu.yield
    }) : () -> ()
    %scan3A = arith.constant 0 : i32
    %scan3A_3 = arith.constant 0 : i32
    %scan3A_4 = arith.constant 640 : i32
    %scan3A_5 = arith.addi %scan3A_3, %scan3A_4 : i32
    %scan3A_6 = arith.constant 1 : i32
    scf.for %scan3A_14 = %scan3A_3 to %scan3A_5 step %scan3A_6  : i32 {
      %broadcast_in_dim3A = arith.constant 0xFF800000 : f32
      %broadcast_in_dim3A_15 = vector.broadcast %broadcast_in_dim3A : f32 to vector<16xf32>
      %mul3A_16 = arith.constant 16 : i32
      %mul3A_17 = arith.muli %scan3A_14, %mul3A_16 : i32
      %swap3A = arith.index_cast %mul3A_17 : i32 to index
      %swap3A_18 = tpu.vector_load %arg13[%swap3A] {strides = array<i32>} : memref<10240xf32, #tpu.memory_space<vmem>>, vector<16xf32>,
      tpu.vector_store %arg13[%swap3A], %broadcast_in_dim3A_15 {strides = array<i32>} : memref<10240xf32, #tpu.memory_space<vmem>>, vector<16xf32>,
    }
    %scan3A_7 = arith.constant 640 : i32
    %scan3A_8 = arith.constant 0 : i32
    %scan3A_9 = arith.constant 0 : i32
    %scan3A_10 = arith.constant 648 : i32
    %scan3A_11 = arith.addi %scan3A_9, %scan3A_10 : i32
    %scan3A_12 = arith.constant 1 : i32
    scf.for %scan3A_14 = %scan3A_9 to %scan3A_11 step %scan3A_12  : i32 {
      %mul3A_15 = arith.constant 16 : i32
      %mul3A_16 = arith.muli %scan3A_14, %mul3A_15 : i32
      %get3A = arith.index_cast %mul3A_16 : i32 to index
      %get3A_17 = tpu.vector_load %arg8[%get3A] {strides = array<i32>} : memref<10368xi32, #tpu.memory_space<vmem>>, vector<16xi32>,
      %get3A_18 = arith.index_cast %mul3A_16 : i32 to index
      %get3A_19 = tpu.vector_load %arg9[%get3A_18] {strides = array<i32>} : memref<10368xi32, #tpu.memory_space<vmem>>, vector<16xi32>,
      %gather3A = tpu.vector_load_idx %arg10[%get3A_17] : memref<10000xf32, #tpu.memory_space<vmem>>[vector<16xi32>], vector<16xf32>,
      %gather3A_20 = tpu.vector_load_idx %arg11[%get3A_19] : memref<10000xf32, #tpu.memory_space<vmem>>[vector<16xi32>], vector<16xf32>,
      %add3A_21 = arith.addf %gather3A, %gather3A_20 : vector<16xf32>
      %ge3A = arith.constant 0.000000e+00 : f32
      %ge3A_22 = vector.broadcast %ge3A : f32 to vector<16xf32>
      %ge3A_23 = arith.cmpf oge, %add3A_21, %ge3A_22 : vector<16xf32>
      %mul3A_24 = arith.constant 2.000000e-01 : f32
      %mul3A_25 = vector.broadcast %mul3A_24 : f32 to vector<16xf32>
      %mul3A_26 = arith.mulf %add3A_21, %mul3A_25 : vector<16xf32>
      %select_n3A = arith.select %ge3A_23, %add3A_21, %mul3A_26 : vector<16xi1>, vector<16xf32>
      %add3A_27 = arith.addi %mul3A_2, %mul3A_16 : i32
      %iota3A = tpu.iota {dimensions = array<i32: 0>} : vector<16xi32>
      %add3A_28 = vector.broadcast %add3A_27 : i32 to vector<16xi32>
      %add3A_29 = arith.addi %add3A_28, %iota3A : vector<16xi32>
      %lt3A = arith.constant 330000 : i32
      %lt3A_30 = vector.broadcast %lt3A : i32 to vector<16xi32>
      %lt3A_31 = arith.cmpi slt, %add3A_29, %lt3A_30 : vector<16xi32>
      %jit3A = arith.constant -1.000000e+30 : f32
      %broadcast_in_dim3A = vector.broadcast %jit3A : f32 to vector<16xf32>
      %select_n3A_32 = arith.select %lt3A_31, %select_n3A, %broadcast_in_dim3A : vector<16xi1>, vector<16xf32>
      %swap3A = arith.index_cast %mul3A_16 : i32 to index
      %swap3A_33 = tpu.vector_load %arg12[%swap3A] {strides = array<i32>} : memref<10368xf32, #tpu.memory_space<vmem>>, vector<16xf32>,
      tpu.vector_store %arg12[%swap3A], %select_n3A_32 {strides = array<i32>} : memref<10368xf32, #tpu.memory_space<vmem>>, vector<16xf32>,
      %gather3A_34 = tpu.vector_load_idx %arg13[%get3A_19] : memref<10240xf32, #tpu.memory_space<vmem>>[vector<16xi32>], vector<16xf32>,
      %gt3A = arith.cmpf ogt, %select_n3A_32, %gather3A_34 : vector<16xf32>
      %while3A = scf.while (%while3A_35 = %gt3A) : (vector<16xi1>) -> vector<16xi1> {
        %reduce_or3A = arith.constant 1.000000e+00 : f32
        %reduce_or3A_36 = arith.constant 0.000000e+00 : f32
        %reduce_or3A_37 = vector.broadcast %reduce_or3A : f32 to vector<16xf32>
        %reduce_or3A_38 = vector.broadcast %reduce_or3A_36 : f32 to vector<16xf32>
        %reduce_or3A_39 = arith.select %while3A_35, %reduce_or3A_37, %reduce_or3A_38 : vector<16xi1>, vector<16xf32>
        %reduce_or3A_40 = arith.constant true
        %reduce_or3A_41 = vector.broadcast %reduce_or3A_40 : i1 to vector<16xi1>
        %reduce_or3A_42 = tpu.scan <max>, %reduce_or3A_39 masked %reduce_or3A_41 : vector<16xf32>, vector<16xi1> -> vector<16xf32>
        %reduce_or3A_43 = vector.extract %reduce_or3A_42[15] : f32 from vector<16xf32>
        %reduce_or3A_44 = arith.constant 0.000000e+00 : f32
        %reduce_or3A_45 = arith.cmpf ogt, %reduce_or3A_43, %reduce_or3A_44 : f32
        scf.condition(%reduce_or3A_45) %while3A_35 : vector<16xi1>
      } do {
      ^bb0(%while3A_35: vector<16xi1>):
        tpu.vector_store_idx %arg13[%get3A_19], %select_n3A_32 masked %while3A_35 : memref<10240xf32, #tpu.memory_space<vmem>>[vector<16xi32>], vector<16xf32>, vector<16xi1>
        %gather3A_36 = tpu.vector_load_idx %arg13[%get3A_19] : memref<10240xf32, #tpu.memory_space<vmem>>[vector<16xi32>], vector<16xf32>,
        %gt3A_37 = arith.cmpf ogt, %select_n3A_32, %gather3A_36 : vector<16xf32>
        %and3A = arith.andi %while3A_35, %gt3A_37 : vector<16xi1>
        scf.yield %and3A : vector<16xi1>
      }
    }
    %scan3A_13 = arith.constant 648 : i32
    "tpu.region"() ({
      %run_scoped3A = tpu.sem_alloc : memref<!tpu.dma_semaphore, #tpu.memory_space<semaphore_mem>>
      %dma_start3A = tpu.memref_slice %arg6[%mul3A_2] : memref<331776xf32, #tpu.memory_space<hbm>> -> memref<10368xf32, #tpu.memory_space<hbm>>
      %dma_start3A_14 = tpu.memref_slice %arg6[%mul3A_2] : memref<331776xf32, #tpu.memory_space<hbm>> -> memref<10368xf32, #tpu.memory_space<hbm>>
      tpu.enqueue_dma source(%arg12 : memref<10368xf32, #tpu.memory_space<vmem>>) target(%dma_start3A_14 : memref<10368xf32, #tpu.memory_space<hbm>>) target_semaphore(%run_scoped3A : memref<!tpu.dma_semaphore, #tpu.memory_space<semaphore_mem>>)
      %dma_wait3A = tpu.memref_slice %arg6[%mul3A_2] : memref<331776xf32, #tpu.memory_space<hbm>> -> memref<10368xf32, #tpu.memory_space<hbm>>
      %dma_wait3A_15 = tpu.memref_slice %arg6[%mul3A_2] : memref<331776xf32, #tpu.memory_space<hbm>> -> memref<10368xf32, #tpu.memory_space<hbm>>
      tpu.wait_dma2 semaphore(%run_scoped3A : memref<!tpu.dma_semaphore, #tpu.memory_space<semaphore_mem>>) src(%arg12 : memref<10368xf32, #tpu.memory_space<vmem>>) dst(%dma_wait3A_15 : memref<10368xf32, #tpu.memory_space<hbm>>)
      tpu.yield
    }) : () -> ()
    "tpu.region"() ({
      %run_scoped3A = tpu.sem_alloc : memref<!tpu.dma_semaphore, #tpu.memory_space<semaphore_mem>>
      %dma_start3A = arith.constant 0 : i32
      %dma_start3A_14 = tpu.memref_slice %arg7[%add3A, %dma_start3A] : memref<32x10240xf32, #tpu.memory_space<hbm>> -> memref<1x10240xf32, #tpu.memory_space<hbm>>
      %dma_start3A_15 = tpu.memref_squeeze %dma_start3A_14 : memref<1x10240xf32, #tpu.memory_space<hbm>> -> memref<10240xf32, #tpu.memory_space<hbm>>
      %dma_start3A_16 = arith.constant 0 : i32
      %dma_start3A_17 = tpu.memref_slice %arg7[%add3A, %dma_start3A_16] : memref<32x10240xf32, #tpu.memory_space<hbm>> -> memref<1x10240xf32, #tpu.memory_space<hbm>>
      %dma_start3A_18 = tpu.memref_squeeze %dma_start3A_17 : memref<1x10240xf32, #tpu.memory_space<hbm>> -> memref<10240xf32, #tpu.memory_space<hbm>>
      tpu.enqueue_dma source(%arg13 : memref<10240xf32, #tpu.memory_space<vmem>>) target(%dma_start3A_18 : memref<10240xf32, #tpu.memory_space<hbm>>) target_semaphore(%run_scoped3A : memref<!tpu.dma_semaphore, #tpu.memory_space<semaphore_mem>>)
      %dma_wait3A = arith.constant 0 : i32
      %dma_wait3A_19 = tpu.memref_slice %arg7[%add3A, %dma_wait3A] : memref<32x10240xf32, #tpu.memory_space<hbm>> -> memref<1x10240xf32, #tpu.memory_space<hbm>>
      %dma_wait3A_20 = tpu.memref_squeeze %dma_wait3A_19 : memref<1x10240xf32, #tpu.memory_space<hbm>> -> memref<10240xf32, #tpu.memory_space<hbm>>
      %dma_wait3A_21 = arith.constant 0 : i32
      %dma_wait3A_22 = tpu.memref_slice %arg7[%add3A, %dma_wait3A_21] : memref<32x10240xf32, #tpu.memory_space<hbm>> -> memref<1x10240xf32, #tpu.memory_space<hbm>>
      %dma_wait3A_23 = tpu.memref_squeeze %dma_wait3A_22 : memref<1x10240xf32, #tpu.memory_space<hbm>> -> memref<10240xf32, #tpu.memory_space<hbm>>
      tpu.wait_dma2 semaphore(%run_scoped3A : memref<!tpu.dma_semaphore, #tpu.memory_space<semaphore_mem>>) src(%arg13 : memref<10240xf32, #tpu.memory_space<vmem>>) dst(%dma_wait3A_23 : memref<10240xf32, #tpu.memory_space<hbm>>)
      tpu.yield
    }) : () -> ()
    return
  }
}

#map = affine_map<(d0, d1) -> (0, 0, 0, 0)>
#map1 = affine_map<(d0, d1) -> (0)>
#map2 = affine_map<(d0, d1) -> (0, 0)>
#map3 = affine_map<(d0, d1) -> (0, 0, 0)>
module attributes {stable_mosaic.version = 14 : i64} {
  func.func @_aggregate_body_real(%arg0: i32, %arg1: i32, %arg2: memref<32x108x3x96xi32, #tpu.memory_space<hbm>>, %arg3: memref<10240xf32, #tpu.memory_space<hbm>>, %arg4: memref<10000x128xf32, #tpu.memory_space<hbm>>, %arg5: memref<32x10240xf32, #tpu.memory_space<hbm>>, %arg6: memref<2x10240x128xf32, #tpu.memory_space<hbm>>, %arg7: memref<3x96xi32, #tpu.memory_space<vmem>>, %arg8: memref<3x96xi32, #tpu.memory_space<vmem>>, %arg9: memref<96xi32, #tpu.memory_space<vmem>>, %arg10: memref<96xi32, #tpu.memory_space<vmem>>, %arg11: memref<10240xf32, #tpu.memory_space<vmem>>, %arg12: memref<10240xf32, #tpu.memory_space<vmem>>, %arg13: memref<96x128xf32, #tpu.memory_space<vmem>>, %arg14: memref<96x128xf32, #tpu.memory_space<vmem>>, %arg15: memref<10240x128xf32, #tpu.memory_space<vmem_shared>>, %arg16: memref<!tpu.dma_semaphore, #tpu.memory_space<semaphore_mem>>, %arg17: memref<!tpu.dma_semaphore, #tpu.memory_space<semaphore_mem>>, %arg18: memref<!tpu.dma_semaphore, #tpu.memory_space<semaphore_mem>>, %arg19: memref<!tpu.dma_semaphore, #tpu.memory_space<semaphore_mem>>, %arg20: memref<!tpu.dma_semaphore, #tpu.memory_space<semaphore_mem>>, %arg21: memref<!tpu.dma_semaphore, #tpu.memory_space<semaphore_mem>>) attributes {dimension_semantics = [#tpu.dimension_semantics<core_parallel>, #tpu.dimension_semantics<subcore_parallel>], iteration_bounds = array<i64: 2, 16>, scalar_prefetch = 0 : i64, scratch_operands = 15 : i64, tpu.core_type = #tpu.core_type<sc_vector_subcore>, window_params = [{transform_indices = #map}, {transform_indices = #map1}, {transform_indices = #map2}, {transform_indices = #map2}, {transform_indices = #map3}]} {
    %mul3A = arith.constant 2 : i32
    %mul3A_0 = arith.muli %arg1, %mul3A : i32
    %add3A = arith.addi %mul3A_0, %arg0 : i32
    "tpu.region"() ({
      %run_scoped3A_64 = tpu.sem_alloc : memref<!tpu.dma_semaphore, #tpu.memory_space<semaphore_mem>>
      tpu.enqueue_dma source(%arg3 : memref<10240xf32, #tpu.memory_space<hbm>>) target(%arg11 : memref<10240xf32, #tpu.memory_space<vmem>>) target_semaphore(%run_scoped3A_64 : memref<!tpu.dma_semaphore, #tpu.memory_space<semaphore_mem>>)
      tpu.wait_dma2 semaphore(%run_scoped3A_64 : memref<!tpu.dma_semaphore, #tpu.memory_space<semaphore_mem>>) src(%arg3 : memref<10240xf32, #tpu.memory_space<hbm>>) dst(%arg11 : memref<10240xf32, #tpu.memory_space<vmem>>)
      tpu.yield
    }) : () -> ()
    %broadcast_in_dim3A = arith.constant 0.000000e+00 : f32
    %broadcast_in_dim3A_1 = vector.broadcast %broadcast_in_dim3A : f32 to vector<16xf32>
    %scan3A = arith.constant 0 : i32
    %scan3A_2 = arith.constant 0 : i32
    %scan3A_3 = arith.constant 640 : i32
    %scan3A_4 = arith.addi %scan3A_2, %scan3A_3 : i32
    %scan3A_5 = arith.constant 1 : i32
    scf.for %scan3A_64 = %scan3A_2 to %scan3A_4 step %scan3A_5  : i32 {
      %mul3A_65 = arith.constant 16 : i32
      %mul3A_66 = arith.muli %scan3A_64, %mul3A_65 : i32
      %swap3A = arith.index_cast %mul3A_66 : i32 to index
      %swap3A_67 = tpu.vector_load %arg12[%swap3A] {strides = array<i32>} : memref<10240xf32, #tpu.memory_space<vmem>>, vector<16xf32>,
      tpu.vector_store %arg12[%swap3A], %broadcast_in_dim3A_1 {strides = array<i32>} : memref<10240xf32, #tpu.memory_space<vmem>>, vector<16xf32>,
    }
    %scan3A_6 = arith.constant 640 : i32
    %scan3A_7 = arith.constant 0 : i32
    %scan3A_8 = arith.constant 0 : i32
    %scan3A_9 = arith.constant 768 : i32
    %scan3A_10 = arith.addi %scan3A_8, %scan3A_9 : i32
    %scan3A_11 = arith.constant 1 : i32
    scf.for %scan3A_64 = %scan3A_8 to %scan3A_10 step %scan3A_11  : i32 {
      %jit3A = arith.constant 8 : i32
      %div3A = arith.divsi %scan3A_64, %jit3A : i32
      %sign3A = arith.constant 0 : i32
      %sign3A_65 = arith.cmpi sgt, %scan3A_64, %sign3A : i32
      %sign3A_66 = arith.extui %sign3A_65 : i1 to i32
      %sign3A_67 = arith.constant 0 : i32
      %sign3A_68 = arith.cmpi slt, %scan3A_64, %sign3A_67 : i32
      %sign3A_69 = arith.extui %sign3A_68 : i1 to i32
      %sign3A_70 = arith.subi %sign3A_66, %sign3A_69 : i32
      %sign3A_71 = arith.constant 0 : i32
      %sign3A_72 = arith.cmpi sgt, %jit3A, %sign3A_71 : i32
      %sign3A_73 = arith.extui %sign3A_72 : i1 to i32
      %sign3A_74 = arith.constant 0 : i32
      %sign3A_75 = arith.cmpi slt, %jit3A, %sign3A_74 : i32
      %sign3A_76 = arith.extui %sign3A_75 : i1 to i32
      %sign3A_77 = arith.subi %sign3A_73, %sign3A_76 : i32
      %ne3A = arith.cmpi ne, %sign3A_70, %sign3A_77 : i32
      %rem3A = arith.remsi %scan3A_64, %jit3A : i32
      %ne3A_78 = arith.constant 0 : i32
      %ne3A_79 = arith.cmpi ne, %rem3A, %ne3A_78 : i32
      %and3A = arith.andi %ne3A, %ne3A_79 : i1
      %sub3A = arith.constant 1 : i32
      %sub3A_80 = arith.subi %div3A, %sub3A : i32
      %select_n3A = arith.select %and3A, %sub3A_80, %div3A : i32
      %jit3A_81 = arith.constant 8 : i32
      %eq3A = arith.constant 0 : i32
      %eq3A_82 = arith.cmpi eq, %jit3A_81, %eq3A : i32
      %jit3A_83 = arith.constant 1 : i32
      %select_n3A_84 = arith.select %eq3A_82, %jit3A_83, %jit3A_81 : i32
      %rem3A_85 = arith.remsi %scan3A_64, %select_n3A_84 : i32
      %ne3A_86 = arith.constant 0 : i32
      %ne3A_87 = arith.cmpi ne, %rem3A_85, %ne3A_86 : i32
      %lt3A = arith.constant 0 : i32
      %lt3A_88 = arith.cmpi slt, %rem3A_85, %lt3A : i32
      %lt3A_89 = arith.constant 0 : i32
      %lt3A_90 = arith.cmpi slt, %select_n3A_84, %lt3A_89 : i32
      %ne3A_91 = arith.xori %lt3A_88, %lt3A_90 : i1
      %and3A_92 = arith.andi %ne3A_91, %ne3A_87 : i1
      %add3A_93 = arith.addi %rem3A_85, %select_n3A_84 : i32
      %select_n3A_94 = arith.select %and3A_92, %add3A_93, %rem3A_85 : i32
      %mul3A_95 = arith.constant 16 : i32
      %mul3A_96 = arith.muli %select_n3A_94, %mul3A_95 : i32
      %swap3A = arith.index_cast %select_n3A : i32 to index
      %swap3A_97 = arith.index_cast %mul3A_96 : i32 to index
      %swap3A_98 = tpu.vector_load %arg13[%swap3A, %swap3A_97] {strides = array<i32>} : memref<96x128xf32, #tpu.memory_space<vmem>>, vector<16xf32>,
      tpu.vector_store %arg13[%swap3A, %swap3A_97], %broadcast_in_dim3A_1 {strides = array<i32>} : memref<96x128xf32, #tpu.memory_space<vmem>>, vector<16xf32>,
    }
    %scan3A_12 = arith.constant 768 : i32
    %scan3A_13 = arith.constant 0 : i32
    %scan3A_14 = arith.constant 0 : i32
    %scan3A_15 = arith.constant 6 : i32
    %scan3A_16 = arith.addi %scan3A_14, %scan3A_15 : i32
    %scan3A_17 = arith.constant 1 : i32
    scf.for %scan3A_64 = %scan3A_14 to %scan3A_16 step %scan3A_17  : i32 {
      %mul3A_65 = arith.constant 640 : i32
      %mul3A_66 = arith.muli %arg1, %mul3A_65 : i32
      %mul3A_67 = arith.constant 96 : i32
      %mul3A_68 = arith.muli %scan3A_64, %mul3A_67 : i32
      %add3A_69 = arith.addi %mul3A_66, %mul3A_68 : i32
      "tpu.region"() ({
        %run_scoped3A_70 = tpu.sem_alloc : memref<!tpu.dma_semaphore, #tpu.memory_space<semaphore_mem>>
        %dma_start3A_71 = arith.constant 0 : i32
        %dma_start3A_72 = tpu.memref_slice %arg15[%add3A_69, %dma_start3A_71] : memref<10240x128xf32, #tpu.memory_space<vmem_shared>> -> memref<96x128xf32, #tpu.memory_space<vmem_shared>>
        %dma_start3A_73 = arith.constant 0 : i32
        %dma_start3A_74 = tpu.memref_slice %arg15[%add3A_69, %dma_start3A_73] : memref<10240x128xf32, #tpu.memory_space<vmem_shared>> -> memref<96x128xf32, #tpu.memory_space<vmem_shared>>
        tpu.enqueue_dma source(%arg13 : memref<96x128xf32, #tpu.memory_space<vmem>>) target(%dma_start3A_74 : memref<96x128xf32, #tpu.memory_space<vmem_shared>>) target_semaphore(%run_scoped3A_70 : memref<!tpu.dma_semaphore, #tpu.memory_space<semaphore_mem>>)
        %dma_wait3A_75 = arith.constant 0 : i32
        %dma_wait3A_76 = tpu.memref_slice %arg15[%add3A_69, %dma_wait3A_75] : memref<10240x128xf32, #tpu.memory_space<vmem_shared>> -> memref<96x128xf32, #tpu.memory_space<vmem_shared>>
        %dma_wait3A_77 = arith.constant 0 : i32
        %dma_wait3A_78 = tpu.memref_slice %arg15[%add3A_69, %dma_wait3A_77] : memref<10240x128xf32, #tpu.memory_space<vmem_shared>> -> memref<96x128xf32, #tpu.memory_space<vmem_shared>>
        tpu.wait_dma2 semaphore(%run_scoped3A_70 : memref<!tpu.dma_semaphore, #tpu.memory_space<semaphore_mem>>) src(%arg13 : memref<96x128xf32, #tpu.memory_space<vmem>>) dst(%dma_wait3A_78 : memref<96x128xf32, #tpu.memory_space<vmem_shared>>)
        tpu.yield
      }) : () -> ()
    }
    %scan3A_18 = arith.constant 6 : i32
    %mul3A_19 = arith.constant 640 : i32
    %mul3A_20 = arith.muli %arg1, %mul3A_19 : i32
    %add3A_21 = arith.constant 576 : i32
    %add3A_22 = arith.addi %mul3A_20, %add3A_21 : i32
    "tpu.region"() ({
      %run_scoped3A_64 = tpu.sem_alloc : memref<!tpu.dma_semaphore, #tpu.memory_space<semaphore_mem>>
      %dma_start3A_65 = arith.constant 0 : i32
      %dma_start3A_66 = arith.constant 0 : i32
      %dma_start3A_67 = tpu.memref_slice %arg13[%dma_start3A_65, %dma_start3A_66] : memref<96x128xf32, #tpu.memory_space<vmem>> -> memref<64x128xf32, #tpu.memory_space<vmem>>
      %dma_start3A_68 = arith.constant 0 : i32
      %dma_start3A_69 = tpu.memref_slice %arg15[%add3A_22, %dma_start3A_68] : memref<10240x128xf32, #tpu.memory_space<vmem_shared>> -> memref<64x128xf32, #tpu.memory_space<vmem_shared>>
      %dma_start3A_70 = arith.constant 0 : i32
      %dma_start3A_71 = tpu.memref_slice %arg15[%add3A_22, %dma_start3A_70] : memref<10240x128xf32, #tpu.memory_space<vmem_shared>> -> memref<64x128xf32, #tpu.memory_space<vmem_shared>>
      %dma_start3A_72 = arith.constant 0 : i32
      %dma_start3A_73 = arith.constant 0 : i32
      %dma_start3A_74 = tpu.memref_slice %arg13[%dma_start3A_72, %dma_start3A_73] : memref<96x128xf32, #tpu.memory_space<vmem>> -> memref<64x128xf32, #tpu.memory_space<vmem>>
      tpu.enqueue_dma source(%dma_start3A_74 : memref<64x128xf32, #tpu.memory_space<vmem>>) target(%dma_start3A_71 : memref<64x128xf32, #tpu.memory_space<vmem_shared>>) target_semaphore(%run_scoped3A_64 : memref<!tpu.dma_semaphore, #tpu.memory_space<semaphore_mem>>)
      %dma_wait3A_75 = arith.constant 0 : i32
      %dma_wait3A_76 = arith.constant 0 : i32
      %dma_wait3A_77 = tpu.memref_slice %arg13[%dma_wait3A_75, %dma_wait3A_76] : memref<96x128xf32, #tpu.memory_space<vmem>> -> memref<64x128xf32, #tpu.memory_space<vmem>>
      %dma_wait3A_78 = arith.constant 0 : i32
      %dma_wait3A_79 = tpu.memref_slice %arg15[%add3A_22, %dma_wait3A_78] : memref<10240x128xf32, #tpu.memory_space<vmem_shared>> -> memref<64x128xf32, #tpu.memory_space<vmem_shared>>
      %dma_wait3A_80 = arith.constant 0 : i32
      %dma_wait3A_81 = tpu.memref_slice %arg15[%add3A_22, %dma_wait3A_80] : memref<10240x128xf32, #tpu.memory_space<vmem_shared>> -> memref<64x128xf32, #tpu.memory_space<vmem_shared>>
      %dma_wait3A_82 = arith.constant 0 : i32
      %dma_wait3A_83 = arith.constant 0 : i32
      %dma_wait3A_84 = tpu.memref_slice %arg13[%dma_wait3A_82, %dma_wait3A_83] : memref<96x128xf32, #tpu.memory_space<vmem>> -> memref<64x128xf32, #tpu.memory_space<vmem>>
      tpu.wait_dma2 semaphore(%run_scoped3A_64 : memref<!tpu.dma_semaphore, #tpu.memory_space<semaphore_mem>>) src(%dma_wait3A_84 : memref<64x128xf32, #tpu.memory_space<vmem>>) dst(%dma_wait3A_81 : memref<64x128xf32, #tpu.memory_space<vmem_shared>>)
      tpu.yield
    }) : () -> ()
    %barrier3A = arith.constant 0 : index
    tpu.barrier barrier_id(%barrier3A)
    %run_scoped3A = arith.constant 0 : i32
    "tpu.region"() ({
      %run_scoped3A_64 = tpu.sem_alloc : memref<!tpu.dma_semaphore, #tpu.memory_space<semaphore_mem>>
      %dma_start3A_65 = arith.constant 0 : i32
      %dma_start3A_66 = arith.constant 0 : i32
      %dma_start3A_67 = tpu.memref_slice %arg2[%add3A, %run_scoped3A, %dma_start3A_65, %dma_start3A_66] : memref<32x108x3x96xi32, #tpu.memory_space<hbm>> -> memref<1x1x3x96xi32, #tpu.memory_space<hbm>>
      %dma_start3A_68 = tpu.memref_squeeze %dma_start3A_67 : memref<1x1x3x96xi32, #tpu.memory_space<hbm>> -> memref<3x96xi32, #tpu.memory_space<hbm>>
      %dma_start3A_69 = arith.constant 0 : i32
      %dma_start3A_70 = arith.constant 0 : i32
      %dma_start3A_71 = tpu.memref_slice %arg2[%add3A, %run_scoped3A, %dma_start3A_69, %dma_start3A_70] : memref<32x108x3x96xi32, #tpu.memory_space<hbm>> -> memref<1x1x3x96xi32, #tpu.memory_space<hbm>>
      %dma_start3A_72 = tpu.memref_squeeze %dma_start3A_71 : memref<1x1x3x96xi32, #tpu.memory_space<hbm>> -> memref<3x96xi32, #tpu.memory_space<hbm>>
      tpu.enqueue_dma source(%dma_start3A_72 : memref<3x96xi32, #tpu.memory_space<hbm>>) target(%arg7 : memref<3x96xi32, #tpu.memory_space<vmem>>) target_semaphore(%run_scoped3A_64 : memref<!tpu.dma_semaphore, #tpu.memory_space<semaphore_mem>>)
      %dma_wait3A_73 = arith.constant 0 : i32
      %dma_wait3A_74 = arith.constant 0 : i32
      %dma_wait3A_75 = tpu.memref_slice %arg2[%add3A, %run_scoped3A, %dma_wait3A_73, %dma_wait3A_74] : memref<32x108x3x96xi32, #tpu.memory_space<hbm>> -> memref<1x1x3x96xi32, #tpu.memory_space<hbm>>
      %dma_wait3A_76 = tpu.memref_squeeze %dma_wait3A_75 : memref<1x1x3x96xi32, #tpu.memory_space<hbm>> -> memref<3x96xi32, #tpu.memory_space<hbm>>
      %dma_wait3A_77 = arith.constant 0 : i32
      %dma_wait3A_78 = arith.constant 0 : i32
      %dma_wait3A_79 = tpu.memref_slice %arg2[%add3A, %run_scoped3A, %dma_wait3A_77, %dma_wait3A_78] : memref<32x108x3x96xi32, #tpu.memory_space<hbm>> -> memref<1x1x3x96xi32, #tpu.memory_space<hbm>>
      %dma_wait3A_80 = tpu.memref_squeeze %dma_wait3A_79 : memref<1x1x3x96xi32, #tpu.memory_space<hbm>> -> memref<3x96xi32, #tpu.memory_space<hbm>>
      tpu.wait_dma2 semaphore(%run_scoped3A_64 : memref<!tpu.dma_semaphore, #tpu.memory_space<semaphore_mem>>) src(%dma_wait3A_80 : memref<3x96xi32, #tpu.memory_space<hbm>>) dst(%arg7 : memref<3x96xi32, #tpu.memory_space<vmem>>)
      tpu.yield
    }) : () -> ()
    %dma_start3A = arith.constant 1 : i32
    %dma_start3A_23 = arith.constant 0 : i32
    %dma_start3A_24 = arith.constant 0 : i32
    %dma_start3A_25 = tpu.memref_slice %arg2[%add3A, %dma_start3A, %dma_start3A_23, %dma_start3A_24] : memref<32x108x3x96xi32, #tpu.memory_space<hbm>> -> memref<1x1x3x96xi32, #tpu.memory_space<hbm>>
    %dma_start3A_26 = tpu.memref_squeeze %dma_start3A_25 : memref<1x1x3x96xi32, #tpu.memory_space<hbm>> -> memref<3x96xi32, #tpu.memory_space<hbm>>
    %dma_start3A_27 = arith.constant 0 : i32
    %dma_start3A_28 = arith.constant 0 : i32
    %dma_start3A_29 = tpu.memref_slice %arg2[%add3A, %dma_start3A, %dma_start3A_27, %dma_start3A_28] : memref<32x108x3x96xi32, #tpu.memory_space<hbm>> -> memref<1x1x3x96xi32, #tpu.memory_space<hbm>>
    %dma_start3A_30 = tpu.memref_squeeze %dma_start3A_29 : memref<1x1x3x96xi32, #tpu.memory_space<hbm>> -> memref<3x96xi32, #tpu.memory_space<hbm>>
    tpu.enqueue_dma source(%dma_start3A_30 : memref<3x96xi32, #tpu.memory_space<hbm>>) target(%arg8 : memref<3x96xi32, #tpu.memory_space<vmem>>) target_semaphore(%arg21 : memref<!tpu.dma_semaphore, #tpu.memory_space<semaphore_mem>>)
    %dma_start3A_31 = arith.constant 0 : i32
    %dma_start3A_32 = arith.constant 0 : i32
    %dma_start3A_33 = arith.constant 0 : i32
    %dma_start3A_34 = tpu.memref_slice %arg13[%dma_start3A_32, %dma_start3A_33] : memref<96x128xf32, #tpu.memory_space<vmem>> -> memref<48x128xf32, #tpu.memory_space<vmem>>
    %dma_start3A_35 = arith.constant 0 : i32
    %dma_start3A_36 = tpu.memref_slice %arg7[%dma_start3A_31, %dma_start3A_35] : memref<3x96xi32, #tpu.memory_space<vmem>> -> memref<1x48xi32, #tpu.memory_space<vmem>>
    %dma_start3A_37 = tpu.memref_squeeze %dma_start3A_36 : memref<1x48xi32, #tpu.memory_space<vmem>> -> memref<48xi32, #tpu.memory_space<vmem>>
    %dma_start3A_38 = arith.constant 0 : i32
    %dma_start3A_39 = arith.constant 0 : i32
    %dma_start3A_40 = tpu.memref_slice %arg4[%dma_start3A_38, %dma_start3A_39] : memref<10000x128xf32, #tpu.memory_space<hbm>> -> memref<10000x128xf32, #tpu.memory_space<hbm>>
    tpu.enqueue_indirect_dma source(%dma_start3A_40 : memref<10000x128xf32, #tpu.memory_space<hbm>>) target(%dma_start3A_34 : memref<48x128xf32, #tpu.memory_space<vmem>>) offsets(%dma_start3A_37 : memref<48xi32, #tpu.memory_space<vmem>>) semaphore(%arg16 : memref<!tpu.dma_semaphore, #tpu.memory_space<semaphore_mem>>)
    %dma_start3A_41 = arith.constant 0 : i32
    %dma_start3A_42 = arith.constant 48 : i32
    %dma_start3A_43 = arith.constant 0 : i32
    %dma_start3A_44 = tpu.memref_slice %arg13[%dma_start3A_42, %dma_start3A_43] : memref<96x128xf32, #tpu.memory_space<vmem>> -> memref<48x128xf32, #tpu.memory_space<vmem>>
    %dma_start3A_45 = arith.constant 48 : i32
    %dma_start3A_46 = tpu.memref_slice %arg7[%dma_start3A_41, %dma_start3A_45] : memref<3x96xi32, #tpu.memory_space<vmem>> -> memref<1x48xi32, #tpu.memory_space<vmem>>
    %dma_start3A_47 = tpu.memref_squeeze %dma_start3A_46 : memref<1x48xi32, #tpu.memory_space<vmem>> -> memref<48xi32, #tpu.memory_space<vmem>>
    %dma_start3A_48 = arith.constant 0 : i32
    %dma_start3A_49 = arith.constant 0 : i32
    %dma_start3A_50 = tpu.memref_slice %arg4[%dma_start3A_48, %dma_start3A_49] : memref<10000x128xf32, #tpu.memory_space<hbm>> -> memref<10000x128xf32, #tpu.memory_space<hbm>>
    tpu.enqueue_indirect_dma source(%dma_start3A_50 : memref<10000x128xf32, #tpu.memory_space<hbm>>) target(%dma_start3A_44 : memref<48x128xf32, #tpu.memory_space<vmem>>) offsets(%dma_start3A_47 : memref<48xi32, #tpu.memory_space<vmem>>) semaphore(%arg16 : memref<!tpu.dma_semaphore, #tpu.memory_space<semaphore_mem>>)
    %scan3A_51 = arith.constant 0 : i32
    %scan3A_52 = arith.constant 0 : i32
    %scan3A_53 = arith.constant 54 : i32
    %scan3A_54 = arith.addi %scan3A_52, %scan3A_53 : i32
    %scan3A_55 = arith.constant 1 : i32
    scf.for %scan3A_64 = %scan3A_52 to %scan3A_54 step %scan3A_55  : i32 {
      %dma_wait3A_65 = arith.constant 0 : i32
      %dma_wait3A_66 = arith.constant 0 : i32
      %dma_wait3A_67 = arith.constant 0 : i32
      %dma_wait3A_68 = tpu.memref_slice %arg13[%dma_wait3A_66, %dma_wait3A_67] : memref<96x128xf32, #tpu.memory_space<vmem>> -> memref<48x128xf32, #tpu.memory_space<vmem>>
      %dma_wait3A_69 = arith.constant 0 : i32
      %dma_wait3A_70 = tpu.memref_slice %arg7[%dma_wait3A_65, %dma_wait3A_69] : memref<3x96xi32, #tpu.memory_space<vmem>> -> memref<1x48xi32, #tpu.memory_space<vmem>>
      %dma_wait3A_71 = tpu.memref_squeeze %dma_wait3A_70 : memref<1x48xi32, #tpu.memory_space<vmem>> -> memref<48xi32, #tpu.memory_space<vmem>>
      %dma_wait3A_72 = arith.constant 0 : i32
      %dma_wait3A_73 = arith.constant 0 : i32
      %dma_wait3A_74 = tpu.memref_slice %arg4[%dma_wait3A_72, %dma_wait3A_73] : memref<10000x128xf32, #tpu.memory_space<hbm>> -> memref<10000x128xf32, #tpu.memory_space<hbm>>
      tpu.wait_indirect_dma semaphore(%arg16 : memref<!tpu.dma_semaphore, #tpu.memory_space<semaphore_mem>>) src(%dma_wait3A_74 : memref<10000x128xf32, #tpu.memory_space<hbm>>) dst(%dma_wait3A_68 : memref<48x128xf32, #tpu.memory_space<vmem>>)
      %dma_wait3A_75 = arith.constant 0 : i32
      %dma_wait3A_76 = arith.constant 48 : i32
      %dma_wait3A_77 = arith.constant 0 : i32
      %dma_wait3A_78 = tpu.memref_slice %arg13[%dma_wait3A_76, %dma_wait3A_77] : memref<96x128xf32, #tpu.memory_space<vmem>> -> memref<48x128xf32, #tpu.memory_space<vmem>>
      %dma_wait3A_79 = arith.constant 48 : i32
      %dma_wait3A_80 = tpu.memref_slice %arg7[%dma_wait3A_75, %dma_wait3A_79] : memref<3x96xi32, #tpu.memory_space<vmem>> -> memref<1x48xi32, #tpu.memory_space<vmem>>
      %dma_wait3A_81 = tpu.memref_squeeze %dma_wait3A_80 : memref<1x48xi32, #tpu.memory_space<vmem>> -> memref<48xi32, #tpu.memory_space<vmem>>
      %dma_wait3A_82 = arith.constant 0 : i32
      %dma_wait3A_83 = arith.constant 0 : i32
      %dma_wait3A_84 = tpu.memref_slice %arg4[%dma_wait3A_82, %dma_wait3A_83] : memref<10000x128xf32, #tpu.memory_space<hbm>> -> memref<10000x128xf32, #tpu.memory_space<hbm>>
      tpu.wait_indirect_dma semaphore(%arg16 : memref<!tpu.dma_semaphore, #tpu.memory_space<semaphore_mem>>) src(%dma_wait3A_84 : memref<10000x128xf32, #tpu.memory_space<hbm>>) dst(%dma_wait3A_78 : memref<48x128xf32, #tpu.memory_space<vmem>>)
      %gt3A = arith.constant 0 : i32
      %gt3A_85 = arith.cmpi sgt, %scan3A_64, %gt3A : i32
      %convert_element_type3A = arith.extui %gt3A_85 : i1 to i32
      %cond3A = arith.constant 0 : i32
      %cond3A_86 = arith.cmpi ne, %convert_element_type3A, %cond3A : i32
      scf.if %cond3A_86 {
        %dma_wait3A_244 = arith.constant 0 : i32
        %dma_wait3A_245 = arith.constant 0 : i32
        %dma_wait3A_246 = tpu.memref_slice %arg15[%dma_wait3A_244, %dma_wait3A_245] : memref<10240x128xf32, #tpu.memory_space<vmem_shared>> -> memref<10240x128xf32, #tpu.memory_space<vmem_shared>>
        tpu.wait_indirect_dma semaphore(%arg19 : memref<!tpu.dma_semaphore, #tpu.memory_space<semaphore_mem>>) src(%arg14 : memref<96x128xf32, #tpu.memory_space<vmem>>) dst(%dma_wait3A_246 : memref<10240x128xf32, #tpu.memory_space<vmem_shared>>)
      } else {
      }
      %mul3A_87 = arith.constant 2 : i32
      %mul3A_88 = arith.muli %mul3A_87, %scan3A_64 : i32
      %add3A_89 = arith.constant 1 : i32
      %add3A_90 = arith.addi %mul3A_88, %add3A_89 : i32
      %dma_wait3A_91 = arith.constant 0 : i32
      %dma_wait3A_92 = arith.constant 0 : i32
      %dma_wait3A_93 = tpu.memref_slice %arg2[%add3A, %add3A_90, %dma_wait3A_91, %dma_wait3A_92] : memref<32x108x3x96xi32, #tpu.memory_space<hbm>> -> memref<1x1x3x96xi32, #tpu.memory_space<hbm>>
      %dma_wait3A_94 = tpu.memref_squeeze %dma_wait3A_93 : memref<1x1x3x96xi32, #tpu.memory_space<hbm>> -> memref<3x96xi32, #tpu.memory_space<hbm>>
      %dma_wait3A_95 = arith.constant 0 : i32
      %dma_wait3A_96 = arith.constant 0 : i32
      %dma_wait3A_97 = tpu.memref_slice %arg2[%add3A, %add3A_90, %dma_wait3A_95, %dma_wait3A_96] : memref<32x108x3x96xi32, #tpu.memory_space<hbm>> -> memref<1x1x3x96xi32, #tpu.memory_space<hbm>>
      %dma_wait3A_98 = tpu.memref_squeeze %dma_wait3A_97 : memref<1x1x3x96xi32, #tpu.memory_space<hbm>> -> memref<3x96xi32, #tpu.memory_space<hbm>>
      tpu.wait_dma2 semaphore(%arg21 : memref<!tpu.dma_semaphore, #tpu.memory_space<semaphore_mem>>) src(%dma_wait3A_98 : memref<3x96xi32, #tpu.memory_space<hbm>>) dst(%arg8 : memref<3x96xi32, #tpu.memory_space<vmem>>)
      %dma_start3A_99 = arith.constant 0 : i32
      %dma_start3A_100 = arith.constant 0 : i32
      %dma_start3A_101 = arith.constant 0 : i32
      %dma_start3A_102 = tpu.memref_slice %arg14[%dma_start3A_100, %dma_start3A_101] : memref<96x128xf32, #tpu.memory_space<vmem>> -> memref<48x128xf32, #tpu.memory_space<vmem>>
      %dma_start3A_103 = arith.constant 0 : i32
      %dma_start3A_104 = tpu.memref_slice %arg8[%dma_start3A_99, %dma_start3A_103] : memref<3x96xi32, #tpu.memory_space<vmem>> -> memref<1x48xi32, #tpu.memory_space<vmem>>
      %dma_start3A_105 = tpu.memref_squeeze %dma_start3A_104 : memref<1x48xi32, #tpu.memory_space<vmem>> -> memref<48xi32, #tpu.memory_space<vmem>>
      %dma_start3A_106 = arith.constant 0 : i32
      %dma_start3A_107 = arith.constant 0 : i32
      %dma_start3A_108 = tpu.memref_slice %arg4[%dma_start3A_106, %dma_start3A_107] : memref<10000x128xf32, #tpu.memory_space<hbm>> -> memref<10000x128xf32, #tpu.memory_space<hbm>>
      tpu.enqueue_indirect_dma source(%dma_start3A_108 : memref<10000x128xf32, #tpu.memory_space<hbm>>) target(%dma_start3A_102 : memref<48x128xf32, #tpu.memory_space<vmem>>) offsets(%dma_start3A_105 : memref<48xi32, #tpu.memory_space<vmem>>) semaphore(%arg17 : memref<!tpu.dma_semaphore, #tpu.memory_space<semaphore_mem>>)
      %dma_start3A_109 = arith.constant 0 : i32
      %dma_start3A_110 = arith.constant 48 : i32
      %dma_start3A_111 = arith.constant 0 : i32
      %dma_start3A_112 = tpu.memref_slice %arg14[%dma_start3A_110, %dma_start3A_111] : memref<96x128xf32, #tpu.memory_space<vmem>> -> memref<48x128xf32, #tpu.memory_space<vmem>>
      %dma_start3A_113 = arith.constant 48 : i32
      %dma_start3A_114 = tpu.memref_slice %arg8[%dma_start3A_109, %dma_start3A_113] : memref<3x96xi32, #tpu.memory_space<vmem>> -> memref<1x48xi32, #tpu.memory_space<vmem>>
      %dma_start3A_115 = tpu.memref_squeeze %dma_start3A_114 : memref<1x48xi32, #tpu.memory_space<vmem>> -> memref<48xi32, #tpu.memory_space<vmem>>
      %dma_start3A_116 = arith.constant 0 : i32
      %dma_start3A_117 = arith.constant 0 : i32
      %dma_start3A_118 = tpu.memref_slice %arg4[%dma_start3A_116, %dma_start3A_117] : memref<10000x128xf32, #tpu.memory_space<hbm>> -> memref<10000x128xf32, #tpu.memory_space<hbm>>
      tpu.enqueue_indirect_dma source(%dma_start3A_118 : memref<10000x128xf32, #tpu.memory_space<hbm>>) target(%dma_start3A_112 : memref<48x128xf32, #tpu.memory_space<vmem>>) offsets(%dma_start3A_115 : memref<48xi32, #tpu.memory_space<vmem>>) semaphore(%arg17 : memref<!tpu.dma_semaphore, #tpu.memory_space<semaphore_mem>>)
      %scan3A_119 = arith.constant 0 : i32
      %scan3A_120 = arith.constant 0 : i32
      %scan3A_121 = arith.constant 6 : i32
      %scan3A_122 = arith.addi %scan3A_120, %scan3A_121 : i32
      %scan3A_123 = arith.constant 1 : i32
      scf.for %scan3A_244 = %scan3A_120 to %scan3A_122 step %scan3A_123  : i32 {
        %mul3A_245 = arith.constant 16 : i32
        %mul3A_246 = arith.muli %scan3A_244, %mul3A_245 : i32
        %get3A_247 = arith.constant 1 : i32
        %get3A_248 = arith.index_cast %get3A_247 : i32 to index
        %get3A_249 = arith.index_cast %mul3A_246 : i32 to index
        %get3A_250 = tpu.vector_load %arg7[%get3A_248, %get3A_249] {strides = array<i32>} : memref<3x96xi32, #tpu.memory_space<vmem>>, vector<16xi32>,
        %mul3A_251 = arith.constant 16 : i32
        %mul3A_252 = arith.muli %scan3A_244, %mul3A_251 : i32
        %get3A_253 = arith.constant 2 : i32
        %get3A_254 = arith.index_cast %get3A_253 : i32 to index
        %get3A_255 = arith.index_cast %mul3A_252 : i32 to index
        %get3A_256 = tpu.vector_load %arg7[%get3A_254, %get3A_255] {strides = array<i32>} : memref<3x96xi32, #tpu.memory_space<vmem>>, vector<16xi32>,
        %bitcast3A = vector.bitcast %get3A_256 : vector<16xi32> to vector<16xf32>
        %gather3A = tpu.vector_load_idx %arg11[%get3A_250] : memref<10240xf32, #tpu.memory_space<vmem>>[vector<16xi32>], vector<16xf32>,
        %sub3A = arith.subf %bitcast3A, %gather3A : vector<16xf32>
        %exp3A = math.exp %sub3A : vector<16xf32>
        tpu.vector_store_idx %arg12[%get3A_250], %exp3A {add = true} : memref<10240xf32, #tpu.memory_space<vmem>>[vector<16xi32>], vector<16xf32>,
        %broadcast_in_dim3A_257 = arith.constant 0 : i32
        %broadcast_in_dim3A_258 = vector.broadcast %broadcast_in_dim3A_257 : i32 to vector<16x1xi32>
        %gather3A_259 = vector.shape_cast %broadcast_in_dim3A_258 : vector<16x1xi32> to vector<16xi32>
        %gather3A_260 = tpu.dynamic_gather %exp3A[%gather3A_259] in [0] : vector<16xf32>, vector<16xi32> -> vector<16xf32>
        %mul3A_261 = arith.constant 16 : i32
        %mul3A_262 = arith.muli %scan3A_244, %mul3A_261 : i32
        %add3A_263 = arith.constant 0 : i32
        %add3A_264 = arith.addi %mul3A_262, %add3A_263 : i32
        %get3A_265 = arith.index_cast %add3A_264 : i32 to index
        %get3A_266 = arith.constant 0 : index
        %get3A_267 = tpu.vector_load %arg13[%get3A_265, %get3A_266] {strides = array<i32>} : memref<96x128xf32, #tpu.memory_space<vmem>>, vector<16xf32>,
        %mul3A_268 = arith.mulf %get3A_267, %gather3A_260 : vector<16xf32>
        %swap3A_269 = arith.index_cast %add3A_264 : i32 to index
        %swap3A_270 = arith.constant 0 : index
        %swap3A_271 = tpu.vector_load %arg13[%swap3A_269, %swap3A_270] {strides = array<i32>} : memref<96x128xf32, #tpu.memory_space<vmem>>, vector<16xf32>,
        tpu.vector_store %arg13[%swap3A_269, %swap3A_270], %mul3A_268 {strides = array<i32>} : memref<96x128xf32, #tpu.memory_space<vmem>>, vector<16xf32>,
        %get3A_272 = arith.index_cast %add3A_264 : i32 to index
        %get3A_273 = arith.constant 16 : index
        %get3A_274 = tpu.vector_load %arg13[%get3A_272, %get3A_273] {strides = array<i32>} : memref<96x128xf32, #tpu.memory_space<vmem>>, vector<16xf32>,
        %mul3A_275 = arith.mulf %get3A_274, %gather3A_260 : vector<16xf32>
        %swap3A_276 = arith.index_cast %add3A_264 : i32 to index
        %swap3A_277 = arith.constant 16 : index
        %swap3A_278 = tpu.vector_load %arg13[%swap3A_276, %swap3A_277] {strides = array<i32>} : memref<96x128xf32, #tpu.memory_space<vmem>>, vector<16xf32>,
        tpu.vector_store %arg13[%swap3A_276, %swap3A_277], %mul3A_275 {strides = array<i32>} : memref<96x128xf32, #tpu.memory_space<vmem>>, vector<16xf32>,
        %get3A_279 = arith.index_cast %add3A_264 : i32 to index
        %get3A_280 = arith.constant 32 : index
        %get3A_281 = tpu.vector_load %arg13[%get3A_279, %get3A_280] {strides = array<i32>} : memref<96x128xf32, #tpu.memory_space<vmem>>, vector<16xf32>,
        %mul3A_282 = arith.mulf %get3A_281, %gather3A_260 : vector<16xf32>
        %swap3A_283 = arith.index_cast %add3A_264 : i32 to index
        %swap3A_284 = arith.constant 32 : index
        %swap3A_285 = tpu.vector_load %arg13[%swap3A_283, %swap3A_284] {strides = array<i32>} : memref<96x128xf32, #tpu.memory_space<vmem>>, vector<16xf32>,
        tpu.vector_store %arg13[%swap3A_283, %swap3A_284], %mul3A_282 {strides = array<i32>} : memref<96x128xf32, #tpu.memory_space<vmem>>, vector<16xf32>,
        %get3A_286 = arith.index_cast %add3A_264 : i32 to index
        %get3A_287 = arith.constant 48 : index
        %get3A_288 = tpu.vector_load %arg13[%get3A_286, %get3A_287] {strides = array<i32>} : memref<96x128xf32, #tpu.memory_space<vmem>>, vector<16xf32>,
        %mul3A_289 = arith.mulf %get3A_288, %gather3A_260 : vector<16xf32>
        %swap3A_290 = arith.index_cast %add3A_264 : i32 to index
        %swap3A_291 = arith.constant 48 : index
        %swap3A_292 = tpu.vector_load %arg13[%swap3A_290, %swap3A_291] {strides = array<i32>} : memref<96x128xf32, #tpu.memory_space<vmem>>, vector<16xf32>,
        tpu.vector_store %arg13[%swap3A_290, %swap3A_291], %mul3A_289 {strides = array<i32>} : memref<96x128xf32, #tpu.memory_space<vmem>>, vector<16xf32>,
        %get3A_293 = arith.index_cast %add3A_264 : i32 to index
        %get3A_294 = arith.constant 64 : index
        %get3A_295 = tpu.vector_load %arg13[%get3A_293, %get3A_294] {strides = array<i32>} : memref<96x128xf32, #tpu.memory_space<vmem>>, vector<16xf32>,
        %mul3A_296 = arith.mulf %get3A_295, %gather3A_260 : vector<16xf32>
        %swap3A_297 = arith.index_cast %add3A_264 : i32 to index
        %swap3A_298 = arith.constant 64 : index
        %swap3A_299 = tpu.vector_load %arg13[%swap3A_297, %swap3A_298] {strides = array<i32>} : memref<96x128xf32, #tpu.memory_space<vmem>>, vector<16xf32>,
        tpu.vector_store %arg13[%swap3A_297, %swap3A_298], %mul3A_296 {strides = array<i32>} : memref<96x128xf32, #tpu.memory_space<vmem>>, vector<16xf32>,
        %get3A_300 = arith.index_cast %add3A_264 : i32 to index
        %get3A_301 = arith.constant 80 : index
        %get3A_302 = tpu.vector_load %arg13[%get3A_300, %get3A_301] {strides = array<i32>} : memref<96x128xf32, #tpu.memory_space<vmem>>, vector<16xf32>,
        %mul3A_303 = arith.mulf %get3A_302, %gather3A_260 : vector<16xf32>
        %swap3A_304 = arith.index_cast %add3A_264 : i32 to index
        %swap3A_305 = arith.constant 80 : index
        %swap3A_306 = tpu.vector_load %arg13[%swap3A_304, %swap3A_305] {strides = array<i32>} : memref<96x128xf32, #tpu.memory_space<vmem>>, vector<16xf32>,
        tpu.vector_store %arg13[%swap3A_304, %swap3A_305], %mul3A_303 {strides = array<i32>} : memref<96x128xf32, #tpu.memory_space<vmem>>, vector<16xf32>,
        %get3A_307 = arith.index_cast %add3A_264 : i32 to index
        %get3A_308 = arith.constant 96 : index
        %get3A_309 = tpu.vector_load %arg13[%get3A_307, %get3A_308] {strides = array<i32>} : memref<96x128xf32, #tpu.memory_space<vmem>>, vector<16xf32>,
        %mul3A_310 = arith.mulf %get3A_309, %gather3A_260 : vector<16xf32>
        %swap3A_311 = arith.index_cast %add3A_264 : i32 to index
        %swap3A_312 = arith.constant 96 : index
        %swap3A_313 = tpu.vector_load %arg13[%swap3A_311, %swap3A_312] {strides = array<i32>} : memref<96x128xf32, #tpu.memory_space<vmem>>, vector<16xf32>,
        tpu.vector_store %arg13[%swap3A_311, %swap3A_312], %mul3A_310 {strides = array<i32>} : memref<96x128xf32, #tpu.memory_space<vmem>>, vector<16xf32>,
        %get3A_314 = arith.index_cast %add3A_264 : i32 to index
        %get3A_315 = arith.constant 112 : index
        %get3A_316 = tpu.vector_load %arg13[%get3A_314, %get3A_315] {strides = array<i32>} : memref<96x128xf32, #tpu.memory_space<vmem>>, vector<16xf32>,
        %mul3A_317 = arith.mulf %get3A_316, %gather3A_260 : vector<16xf32>
        %swap3A_318 = arith.index_cast %add3A_264 : i32 to index
        %swap3A_319 = arith.constant 112 : index
        %swap3A_320 = tpu.vector_load %arg13[%swap3A_318, %swap3A_319] {strides = array<i32>} : memref<96x128xf32, #tpu.memory_space<vmem>>, vector<16xf32>,
        tpu.vector_store %arg13[%swap3A_318, %swap3A_319], %mul3A_317 {strides = array<i32>} : memref<96x128xf32, #tpu.memory_space<vmem>>, vector<16xf32>,
        %broadcast_in_dim3A_321 = arith.constant 1 : i32
        %broadcast_in_dim3A_322 = vector.broadcast %broadcast_in_dim3A_321 : i32 to vector<16x1xi32>
        %gather3A_323 = vector.shape_cast %broadcast_in_dim3A_322 : vector<16x1xi32> to vector<16xi32>
        %gather3A_324 = tpu.dynamic_gather %exp3A[%gather3A_323] in [0] : vector<16xf32>, vector<16xi32> -> vector<16xf32>
        %mul3A_325 = arith.constant 16 : i32
        %mul3A_326 = arith.muli %scan3A_244, %mul3A_325 : i32
        %add3A_327 = arith.constant 1 : i32
        %add3A_328 = arith.addi %mul3A_326, %add3A_327 : i32
        %get3A_329 = arith.index_cast %add3A_328 : i32 to index
        %get3A_330 = arith.constant 0 : index
        %get3A_331 = tpu.vector_load %arg13[%get3A_329, %get3A_330] {strides = array<i32>} : memref<96x128xf32, #tpu.memory_space<vmem>>, vector<16xf32>,
        %mul3A_332 = arith.mulf %get3A_331, %gather3A_324 : vector<16xf32>
        %swap3A_333 = arith.index_cast %add3A_328 : i32 to index
        %swap3A_334 = arith.constant 0 : index
        %swap3A_335 = tpu.vector_load %arg13[%swap3A_333, %swap3A_334] {strides = array<i32>} : memref<96x128xf32, #tpu.memory_space<vmem>>, vector<16xf32>,
        tpu.vector_store %arg13[%swap3A_333, %swap3A_334], %mul3A_332 {strides = array<i32>} : memref<96x128xf32, #tpu.memory_space<vmem>>, vector<16xf32>,
        %get3A_336 = arith.index_cast %add3A_328 : i32 to index
        %get3A_337 = arith.constant 16 : index
        %get3A_338 = tpu.vector_load %arg13[%get3A_336, %get3A_337] {strides = array<i32>} : memref<96x128xf32, #tpu.memory_space<vmem>>, vector<16xf32>,
        %mul3A_339 = arith.mulf %get3A_338, %gather3A_324 : vector<16xf32>
        %swap3A_340 = arith.index_cast %add3A_328 : i32 to index
        %swap3A_341 = arith.constant 16 : index
        %swap3A_342 = tpu.vector_load %arg13[%swap3A_340, %swap3A_341] {strides = array<i32>} : memref<96x128xf32, #tpu.memory_space<vmem>>, vector<16xf32>,
        tpu.vector_store %arg13[%swap3A_340, %swap3A_341], %mul3A_339 {strides = array<i32>} : memref<96x128xf32, #tpu.memory_space<vmem>>, vector<16xf32>,
        %get3A_343 = arith.index_cast %add3A_328 : i32 to index
        %get3A_344 = arith.constant 32 : index
        %get3A_345 = tpu.vector_load %arg13[%get3A_343, %get3A_344] {strides = array<i32>} : memref<96x128xf32, #tpu.memory_space<vmem>>, vector<16xf32>,
        %mul3A_346 = arith.mulf %get3A_345, %gather3A_324 : vector<16xf32>
        %swap3A_347 = arith.index_cast %add3A_328 : i32 to index
        %swap3A_348 = arith.constant 32 : index
        %swap3A_349 = tpu.vector_load %arg13[%swap3A_347, %swap3A_348] {strides = array<i32>} : memref<96x128xf32, #tpu.memory_space<vmem>>, vector<16xf32>,
        tpu.vector_store %arg13[%swap3A_347, %swap3A_348], %mul3A_346 {strides = array<i32>} : memref<96x128xf32, #tpu.memory_space<vmem>>, vector<16xf32>,
        %get3A_350 = arith.index_cast %add3A_328 : i32 to index
        %get3A_351 = arith.constant 48 : index
        %get3A_352 = tpu.vector_load %arg13[%get3A_350, %get3A_351] {strides = array<i32>} : memref<96x128xf32, #tpu.memory_space<vmem>>, vector<16xf32>,
        %mul3A_353 = arith.mulf %get3A_352, %gather3A_324 : vector<16xf32>
        %swap3A_354 = arith.index_cast %add3A_328 : i32 to index
        %swap3A_355 = arith.constant 48 : index
        %swap3A_356 = tpu.vector_load %arg13[%swap3A_354, %swap3A_355] {strides = array<i32>} : memref<96x128xf32, #tpu.memory_space<vmem>>, vector<16xf32>,
        tpu.vector_store %arg13[%swap3A_354, %swap3A_355], %mul3A_353 {strides = array<i32>} : memref<96x128xf32, #tpu.memory_space<vmem>>, vector<16xf32>,
        %get3A_357 = arith.index_cast %add3A_328 : i32 to index
        %get3A_358 = arith.constant 64 : index
        %get3A_359 = tpu.vector_load %arg13[%get3A_357, %get3A_358] {strides = array<i32>} : memref<96x128xf32, #tpu.memory_space<vmem>>, vector<16xf32>,
        %mul3A_360 = arith.mulf %get3A_359, %gather3A_324 : vector<16xf32>
        %swap3A_361 = arith.index_cast %add3A_328 : i32 to index
        %swap3A_362 = arith.constant 64 : index
        %swap3A_363 = tpu.vector_load %arg13[%swap3A_361, %swap3A_362] {strides = array<i32>} : memref<96x128xf32, #tpu.memory_space<vmem>>, vector<16xf32>,
        tpu.vector_store %arg13[%swap3A_361, %swap3A_362], %mul3A_360 {strides = array<i32>} : memref<96x128xf32, #tpu.memory_space<vmem>>, vector<16xf32>,
        %get3A_364 = arith.index_cast %add3A_328 : i32 to index
        %get3A_365 = arith.constant 80 : index
        %get3A_366 = tpu.vector_load %arg13[%get3A_364, %get3A_365] {strides = array<i32>} : memref<96x128xf32, #tpu.memory_space<vmem>>, vector<16xf32>,
        %mul3A_367 = arith.mulf %get3A_366, %gather3A_324 : vector<16xf32>
        %swap3A_368 = arith.index_cast %add3A_328 : i32 to index
        %swap3A_369 = arith.constant 80 : index
        %swap3A_370 = tpu.vector_load %arg13[%swap3A_368, %swap3A_369] {strides = array<i32>} : memref<96x128xf32, #tpu.memory_space<vmem>>, vector<16xf32>,
        tpu.vector_store %arg13[%swap3A_368, %swap3A_369], %mul3A_367 {strides = array<i32>} : memref<96x128xf32, #tpu.memory_space<vmem>>, vector<16xf32>,
        %get3A_371 = arith.index_cast %add3A_328 : i32 to index
        %get3A_372 = arith.constant 96 : index
        %get3A_373 = tpu.vector_load %arg13[%get3A_371, %get3A_372] {strides = array<i32>} : memref<96x128xf32, #tpu.memory_space<vmem>>, vector<16xf32>,
        %mul3A_374 = arith.mulf %get3A_373, %gather3A_324 : vector<16xf32>
        %swap3A_375 = arith.index_cast %add3A_328 : i32 to index
        %swap3A_376 = arith.constant 96 : index
        %swap3A_377 = tpu.vector_load %arg13[%swap3A_375, %swap3A_376] {strides = array<i32>} : memref<96x128xf32, #tpu.memory_space<vmem>>, vector<16xf32>,
        tpu.vector_store %arg13[%swap3A_375, %swap3A_376], %mul3A_374 {strides = array<i32>} : memref<96x128xf32, #tpu.memory_space<vmem>>, vector<16xf32>,
        %get3A_378 = arith.index_cast %add3A_328 : i32 to index
        %get3A_379 = arith.constant 112 : index
        %get3A_380 = tpu.vector_load %arg13[%get3A_378, %get3A_379] {strides = array<i32>} : memref<96x128xf32, #tpu.memory_space<vmem>>, vector<16xf32>,
        %mul3A_381 = arith.mulf %get3A_380, %gather3A_324 : vector<16xf32>
        %swap3A_382 = arith.index_cast %add3A_328 : i32 to index
        %swap3A_383 = arith.constant 112 : index
        %swap3A_384 = tpu.vector_load %arg13[%swap3A_382, %swap3A_383] {strides = array<i32>} : memref<96x128xf32, #tpu.memory_space<vmem>>, vector<16xf32>,
        tpu.vector_store %arg13[%swap3A_382, %swap3A_383], %mul3A_381 {strides = array<i32>} : memref<96x128xf32, #tpu.memory_space<vmem>>, vector<16xf32>,
        %broadcast_in_dim3A_385 = arith.constant 2 : i32
        %broadcast_in_dim3A_386 = vector.broadcast %broadcast_in_dim3A_385 : i32 to vector<16x1xi32>
        %gather3A_387 = vector.shape_cast %broadcast_in_dim3A_386 : vector<16x1xi32> to vector<16xi32>
        %gather3A_388 = tpu.dynamic_gather %exp3A[%gather3A_387] in [0] : vector<16xf32>, vector<16xi32> -> vector<16xf32>
        %mul3A_389 = arith.constant 16 : i32
        %mul3A_390 = arith.muli %scan3A_244, %mul3A_389 : i32
        %add3A_391 = arith.constant 2 : i32
        %add3A_392 = arith.addi %mul3A_390, %add3A_391 : i32
        %get3A_393 = arith.index_cast %add3A_392 : i32 to index
        %get3A_394 = arith.constant 0 : index
        %get3A_395 = tpu.vector_load %arg13[%get3A_393, %get3A_394] {strides = array<i32>} : memref<96x128xf32, #tpu.memory_space<vmem>>, vector<16xf32>,
        %mul3A_396 = arith.mulf %get3A_395, %gather3A_388 : vector<16xf32>
        %swap3A_397 = arith.index_cast %add3A_392 : i32 to index
        %swap3A_398 = arith.constant 0 : index
        %swap3A_399 = tpu.vector_load %arg13[%swap3A_397, %swap3A_398] {strides = array<i32>} : memref<96x128xf32, #tpu.memory_space<vmem>>, vector<16xf32>,
        tpu.vector_store %arg13[%swap3A_397, %swap3A_398], %mul3A_396 {strides = array<i32>} : memref<96x128xf32, #tpu.memory_space<vmem>>, vector<16xf32>,
        %get3A_400 = arith.index_cast %add3A_392 : i32 to index
        %get3A_401 = arith.constant 16 : index
        %get3A_402 = tpu.vector_load %arg13[%get3A_400, %get3A_401] {strides = array<i32>} : memref<96x128xf32, #tpu.memory_space<vmem>>, vector<16xf32>,
        %mul3A_403 = arith.mulf %get3A_402, %gather3A_388 : vector<16xf32>
        %swap3A_404 = arith.index_cast %add3A_392 : i32 to index
        %swap3A_405 = arith.constant 16 : index
        %swap3A_406 = tpu.vector_load %arg13[%swap3A_404, %swap3A_405] {strides = array<i32>} : memref<96x128xf32, #tpu.memory_space<vmem>>, vector<16xf32>,
        tpu.vector_store %arg13[%swap3A_404, %swap3A_405], %mul3A_403 {strides = array<i32>} : memref<96x128xf32, #tpu.memory_space<vmem>>, vector<16xf32>,
        %get3A_407 = arith.index_cast %add3A_392 : i32 to index
        %get3A_408 = arith.constant 32 : index
        %get3A_409 = tpu.vector_load %arg13[%get3A_407, %get3A_408] {strides = array<i32>} : memref<96x128xf32, #tpu.memory_space<vmem>>, vector<16xf32>,
        %mul3A_410 = arith.mulf %get3A_409, %gather3A_388 : vector<16xf32>
        %swap3A_411 = arith.index_cast %add3A_392 : i32 to index
        %swap3A_412 = arith.constant 32 : index
        %swap3A_413 = tpu.vector_load %arg13[%swap3A_411, %swap3A_412] {strides = array<i32>} : memref<96x128xf32, #tpu.memory_space<vmem>>, vector<16xf32>,
        tpu.vector_store %arg13[%swap3A_411, %swap3A_412], %mul3A_410 {strides = array<i32>} : memref<96x128xf32, #tpu.memory_space<vmem>>, vector<16xf32>,
        %get3A_414 = arith.index_cast %add3A_392 : i32 to index
        %get3A_415 = arith.constant 48 : index
        %get3A_416 = tpu.vector_load %arg13[%get3A_414, %get3A_415] {strides = array<i32>} : memref<96x128xf32, #tpu.memory_space<vmem>>, vector<16xf32>,
        %mul3A_417 = arith.mulf %get3A_416, %gather3A_388 : vector<16xf32>
        %swap3A_418 = arith.index_cast %add3A_392 : i32 to index
        %swap3A_419 = arith.constant 48 : index
        %swap3A_420 = tpu.vector_load %arg13[%swap3A_418, %swap3A_419] {strides = array<i32>} : memref<96x128xf32, #tpu.memory_space<vmem>>, vector<16xf32>,
        tpu.vector_store %arg13[%swap3A_418, %swap3A_419], %mul3A_417 {strides = array<i32>} : memref<96x128xf32, #tpu.memory_space<vmem>>, vector<16xf32>,
        %get3A_421 = arith.index_cast %add3A_392 : i32 to index
        %get3A_422 = arith.constant 64 : index
        %get3A_423 = tpu.vector_load %arg13[%get3A_421, %get3A_422] {strides = array<i32>} : memref<96x128xf32, #tpu.memory_space<vmem>>, vector<16xf32>,
        %mul3A_424 = arith.mulf %get3A_423, %gather3A_388 : vector<16xf32>
        %swap3A_425 = arith.index_cast %add3A_392 : i32 to index
        %swap3A_426 = arith.constant 64 : index
        %swap3A_427 = tpu.vector_load %arg13[%swap3A_425, %swap3A_426] {strides = array<i32>} : memref<96x128xf32, #tpu.memory_space<vmem>>, vector<16xf32>,
        tpu.vector_store %arg13[%swap3A_425, %swap3A_426], %mul3A_424 {strides = array<i32>} : memref<96x128xf32, #tpu.memory_space<vmem>>, vector<16xf32>,
        %get3A_428 = arith.index_cast %add3A_392 : i32 to index
        %get3A_429 = arith.constant 80 : index
        %get3A_430 = tpu.vector_load %arg13[%get3A_428, %get3A_429] {strides = array<i32>} : memref<96x128xf32, #tpu.memory_space<vmem>>, vector<16xf32>,
        %mul3A_431 = arith.mulf %get3A_430, %gather3A_388 : vector<16xf32>
        %swap3A_432 = arith.index_cast %add3A_392 : i32 to index
        %swap3A_433 = arith.constant 80 : index
        %swap3A_434 = tpu.vector_load %arg13[%swap3A_432, %swap3A_433] {strides = array<i32>} : memref<96x128xf32, #tpu.memory_space<vmem>>, vector<16xf32>,
        tpu.vector_store %arg13[%swap3A_432, %swap3A_433], %mul3A_431 {strides = array<i32>} : memref<96x128xf32, #tpu.memory_space<vmem>>, vector<16xf32>,
        %get3A_435 = arith.index_cast %add3A_392 : i32 to index
        %get3A_436 = arith.constant 96 : index
        %get3A_437 = tpu.vector_load %arg13[%get3A_435, %get3A_436] {strides = array<i32>} : memref<96x128xf32, #tpu.memory_space<vmem>>, vector<16xf32>,
        %mul3A_438 = arith.mulf %get3A_437, %gather3A_388 : vector<16xf32>
        %swap3A_439 = arith.index_cast %add3A_392 : i32 to index
        %swap3A_440 = arith.constant 96 : index
        %swap3A_441 = tpu.vector_load %arg13[%swap3A_439, %swap3A_440] {strides = array<i32>} : memref<96x128xf32, #tpu.memory_space<vmem>>, vector<16xf32>,
        tpu.vector_store %arg13[%swap3A_439, %swap3A_440], %mul3A_438 {strides = array<i32>} : memref<96x128xf32, #tpu.memory_space<vmem>>, vector<16xf32>,
        %get3A_442 = arith.index_cast %add3A_392 : i32 to index
        %get3A_443 = arith.constant 112 : index
        %get3A_444 = tpu.vector_load %arg13[%get3A_442, %get3A_443] {strides = array<i32>} : memref<96x128xf32, #tpu.memory_space<vmem>>, vector<16xf32>,
        %mul3A_445 = arith.mulf %get3A_444, %gather3A_388 : vector<16xf32>
        %swap3A_446 = arith.index_cast %add3A_392 : i32 to index
        %swap3A_447 = arith.constant 112 : index
        %swap3A_448 = tpu.vector_load %arg13[%swap3A_446, %swap3A_447] {strides = array<i32>} : memref<96x128xf32, #tpu.memory_space<vmem>>, vector<16xf32>,
        tpu.vector_store %arg13[%swap3A_446, %swap3A_447], %mul3A_445 {strides = array<i32>} : memref<96x128xf32, #tpu.memory_space<vmem>>, vector<16xf32>,
        %broadcast_in_dim3A_449 = arith.constant 3 : i32
        %broadcast_in_dim3A_450 = vector.broadcast %broadcast_in_dim3A_449 : i32 to vector<16x1xi32>
        %gather3A_451 = vector.shape_cast %broadcast_in_dim3A_450 : vector<16x1xi32> to vector<16xi32>
        %gather3A_452 = tpu.dynamic_gather %exp3A[%gather3A_451] in [0] : vector<16xf32>, vector<16xi32> -> vector<16xf32>
        %mul3A_453 = arith.constant 16 : i32
        %mul3A_454 = arith.muli %scan3A_244, %mul3A_453 : i32
        %add3A_455 = arith.constant 3 : i32
        %add3A_456 = arith.addi %mul3A_454, %add3A_455 : i32
        %get3A_457 = arith.index_cast %add3A_456 : i32 to index
        %get3A_458 = arith.constant 0 : index
        %get3A_459 = tpu.vector_load %arg13[%get3A_457, %get3A_458] {strides = array<i32>} : memref<96x128xf32, #tpu.memory_space<vmem>>, vector<16xf32>,
        %mul3A_460 = arith.mulf %get3A_459, %gather3A_452 : vector<16xf32>
        %swap3A_461 = arith.index_cast %add3A_456 : i32 to index
        %swap3A_462 = arith.constant 0 : index
        %swap3A_463 = tpu.vector_load %arg13[%swap3A_461, %swap3A_462] {strides = array<i32>} : memref<96x128xf32, #tpu.memory_space<vmem>>, vector<16xf32>,
        tpu.vector_store %arg13[%swap3A_461, %swap3A_462], %mul3A_460 {strides = array<i32>} : memref<96x128xf32, #tpu.memory_space<vmem>>, vector<16xf32>,
        %get3A_464 = arith.index_cast %add3A_456 : i32 to index
        %get3A_465 = arith.constant 16 : index
        %get3A_466 = tpu.vector_load %arg13[%get3A_464, %get3A_465] {strides = array<i32>} : memref<96x128xf32, #tpu.memory_space<vmem>>, vector<16xf32>,
        %mul3A_467 = arith.mulf %get3A_466, %gather3A_452 : vector<16xf32>
        %swap3A_468 = arith.index_cast %add3A_456 : i32 to index
        %swap3A_469 = arith.constant 16 : index
        %swap3A_470 = tpu.vector_load %arg13[%swap3A_468, %swap3A_469] {strides = array<i32>} : memref<96x128xf32, #tpu.memory_space<vmem>>, vector<16xf32>,
        tpu.vector_store %arg13[%swap3A_468, %swap3A_469], %mul3A_467 {strides = array<i32>} : memref<96x128xf32, #tpu.memory_space<vmem>>, vector<16xf32>,
        %get3A_471 = arith.index_cast %add3A_456 : i32 to index
        %get3A_472 = arith.constant 32 : index
        %get3A_473 = tpu.vector_load %arg13[%get3A_471, %get3A_472] {strides = array<i32>} : memref<96x128xf32, #tpu.memory_space<vmem>>, vector<16xf32>,
        %mul3A_474 = arith.mulf %get3A_473, %gather3A_452 : vector<16xf32>
        %swap3A_475 = arith.index_cast %add3A_456 : i32 to index
        %swap3A_476 = arith.constant 32 : index
        %swap3A_477 = tpu.vector_load %arg13[%swap3A_475, %swap3A_476] {strides = array<i32>} : memref<96x128xf32, #tpu.memory_space<vmem>>, vector<16xf32>,
        tpu.vector_store %arg13[%swap3A_475, %swap3A_476], %mul3A_474 {strides = array<i32>} : memref<96x128xf32, #tpu.memory_space<vmem>>, vector<16xf32>,
        %get3A_478 = arith.index_cast %add3A_456 : i32 to index
        %get3A_479 = arith.constant 48 : index
        %get3A_480 = tpu.vector_load %arg13[%get3A_478, %get3A_479] {strides = array<i32>} : memref<96x128xf32, #tpu.memory_space<vmem>>, vector<16xf32>,
        %mul3A_481 = arith.mulf %get3A_480, %gather3A_452 : vector<16xf32>
        %swap3A_482 = arith.index_cast %add3A_456 : i32 to index
        %swap3A_483 = arith.constant 48 : index
        %swap3A_484 = tpu.vector_load %arg13[%swap3A_482, %swap3A_483] {strides = array<i32>} : memref<96x128xf32, #tpu.memory_space<vmem>>, vector<16xf32>,
        tpu.vector_store %arg13[%swap3A_482, %swap3A_483], %mul3A_481 {strides = array<i32>} : memref<96x128xf32, #tpu.memory_space<vmem>>, vector<16xf32>,
        %get3A_485 = arith.index_cast %add3A_456 : i32 to index
        %get3A_486 = arith.constant 64 : index
        %get3A_487 = tpu.vector_load %arg13[%get3A_485, %get3A_486] {strides = array<i32>} : memref<96x128xf32, #tpu.memory_space<vmem>>, vector<16xf32>,
        %mul3A_488 = arith.mulf %get3A_487, %gather3A_452 : vector<16xf32>
        %swap3A_489 = arith.index_cast %add3A_456 : i32 to index
        %swap3A_490 = arith.constant 64 : index
        %swap3A_491 = tpu.vector_load %arg13[%swap3A_489, %swap3A_490] {strides = array<i32>} : memref<96x128xf32, #tpu.memory_space<vmem>>, vector<16xf32>,
        tpu.vector_store %arg13[%swap3A_489, %swap3A_490], %mul3A_488 {strides = array<i32>} : memref<96x128xf32, #tpu.memory_space<vmem>>, vector<16xf32>,
        %get3A_492 = arith.index_cast %add3A_456 : i32 to index
        %get3A_493 = arith.constant 80 : index
        %get3A_494 = tpu.vector_load %arg13[%get3A_492, %get3A_493] {strides = array<i32>} : memref<96x128xf32, #tpu.memory_space<vmem>>, vector<16xf32>,
        %mul3A_495 = arith.mulf %get3A_494, %gather3A_452 : vector<16xf32>
        %swap3A_496 = arith.index_cast %add3A_456 : i32 to index
        %swap3A_497 = arith.constant 80 : index
        %swap3A_498 = tpu.vector_load %arg13[%swap3A_496, %swap3A_497] {strides = array<i32>} : memref<96x128xf32, #tpu.memory_space<vmem>>, vector<16xf32>,
        tpu.vector_store %arg13[%swap3A_496, %swap3A_497], %mul3A_495 {strides = array<i32>} : memref<96x128xf32, #tpu.memory_space<vmem>>, vector<16xf32>,
        %get3A_499 = arith.index_cast %add3A_456 : i32 to index
        %get3A_500 = arith.constant 96 : index
        %get3A_501 = tpu.vector_load %arg13[%get3A_499, %get3A_500] {strides = array<i32>} : memref<96x128xf32, #tpu.memory_space<vmem>>, vector<16xf32>,
        %mul3A_502 = arith.mulf %get3A_501, %gather3A_452 : vector<16xf32>
        %swap3A_503 = arith.index_cast %add3A_456 : i32 to index
        %swap3A_504 = arith.constant 96 : index
        %swap3A_505 = tpu.vector_load %arg13[%swap3A_503, %swap3A_504] {strides = array<i32>} : memref<96x128xf32, #tpu.memory_space<vmem>>, vector<16xf32>,
        tpu.vector_store %arg13[%swap3A_503, %swap3A_504], %mul3A_502 {strides = array<i32>} : memref<96x128xf32, #tpu.memory_space<vmem>>, vector<16xf32>,
        %get3A_506 = arith.index_cast %add3A_456 : i32 to index
        %get3A_507 = arith.constant 112 : index
        %get3A_508 = tpu.vector_load %arg13[%get3A_506, %get3A_507] {strides = array<i32>} : memref<96x128xf32, #tpu.memory_space<vmem>>, vector<16xf32>,
        %mul3A_509 = arith.mulf %get3A_508, %gather3A_452 : vector<16xf32>
        %swap3A_510 = arith.index_cast %add3A_456 : i32 to index
        %swap3A_511 = arith.constant 112 : index
        %swap3A_512 = tpu.vector_load %arg13[%swap3A_510, %swap3A_511] {strides = array<i32>} : memref<96x128xf32, #tpu.memory_space<vmem>>, vector<16xf32>,
        tpu.vector_store %arg13[%swap3A_510, %swap3A_511], %mul3A_509 {strides = array<i32>} : memref<96x128xf32, #tpu.memory_space<vmem>>, vector<16xf32>,
        %broadcast_in_dim3A_513 = arith.constant 4 : i32
        %broadcast_in_dim3A_514 = vector.broadcast %broadcast_in_dim3A_513 : i32 to vector<16x1xi32>
        %gather3A_515 = vector.shape_cast %broadcast_in_dim3A_514 : vector<16x1xi32> to vector<16xi32>
        %gather3A_516 = tpu.dynamic_gather %exp3A[%gather3A_515] in [0] : vector<16xf32>, vector<16xi32> -> vector<16xf32>
        %mul3A_517 = arith.constant 16 : i32
        %mul3A_518 = arith.muli %scan3A_244, %mul3A_517 : i32
        %add3A_519 = arith.constant 4 : i32
        %add3A_520 = arith.addi %mul3A_518, %add3A_519 : i32
        %get3A_521 = arith.index_cast %add3A_520 : i32 to index
        %get3A_522 = arith.constant 0 : index
        %get3A_523 = tpu.vector_load %arg13[%get3A_521, %get3A_522] {strides = array<i32>} : memref<96x128xf32, #tpu.memory_space<vmem>>, vector<16xf32>,
        %mul3A_524 = arith.mulf %get3A_523, %gather3A_516 : vector<16xf32>
        %swap3A_525 = arith.index_cast %add3A_520 : i32 to index
        %swap3A_526 = arith.constant 0 : index
        %swap3A_527 = tpu.vector_load %arg13[%swap3A_525, %swap3A_526] {strides = array<i32>} : memref<96x128xf32, #tpu.memory_space<vmem>>, vector<16xf32>,
        tpu.vector_store %arg13[%swap3A_525, %swap3A_526], %mul3A_524 {strides = array<i32>} : memref<96x128xf32, #tpu.memory_space<vmem>>, vector<16xf32>,
        %get3A_528 = arith.index_cast %add3A_520 : i32 to index
        %get3A_529 = arith.constant 16 : index
        %get3A_530 = tpu.vector_load %arg13[%get3A_528, %get3A_529] {strides = array<i32>} : memref<96x128xf32, #tpu.memory_space<vmem>>, vector<16xf32>,
        %mul3A_531 = arith.mulf %get3A_530, %gather3A_516 : vector<16xf32>
        %swap3A_532 = arith.index_cast %add3A_520 : i32 to index
        %swap3A_533 = arith.constant 16 : index
        %swap3A_534 = tpu.vector_load %arg13[%swap3A_532, %swap3A_533] {strides = array<i32>} : memref<96x128xf32, #tpu.memory_space<vmem>>, vector<16xf32>,
        tpu.vector_store %arg13[%swap3A_532, %swap3A_533], %mul3A_531 {strides = array<i32>} : memref<96x128xf32, #tpu.memory_space<vmem>>, vector<16xf32>,
        %get3A_535 = arith.index_cast %add3A_520 : i32 to index
        %get3A_536 = arith.constant 32 : index
        %get3A_537 = tpu.vector_load %arg13[%get3A_535, %get3A_536] {strides = array<i32>} : memref<96x128xf32, #tpu.memory_space<vmem>>, vector<16xf32>,
        %mul3A_538 = arith.mulf %get3A_537, %gather3A_516 : vector<16xf32>
        %swap3A_539 = arith.index_cast %add3A_520 : i32 to index
        %swap3A_540 = arith.constant 32 : index
        %swap3A_541 = tpu.vector_load %arg13[%swap3A_539, %swap3A_540] {strides = array<i32>} : memref<96x128xf32, #tpu.memory_space<vmem>>, vector<16xf32>,
        tpu.vector_store %arg13[%swap3A_539, %swap3A_540], %mul3A_538 {strides = array<i32>} : memref<96x128xf32, #tpu.memory_space<vmem>>, vector<16xf32>,
        %get3A_542 = arith.index_cast %add3A_520 : i32 to index
        %get3A_543 = arith.constant 48 : index
        %get3A_544 = tpu.vector_load %arg13[%get3A_542, %get3A_543] {strides = array<i32>} : memref<96x128xf32, #tpu.memory_space<vmem>>, vector<16xf32>,
        %mul3A_545 = arith.mulf %get3A_544, %gather3A_516 : vector<16xf32>
        %swap3A_546 = arith.index_cast %add3A_520 : i32 to index
        %swap3A_547 = arith.constant 48 : index
        %swap3A_548 = tpu.vector_load %arg13[%swap3A_546, %swap3A_547] {strides = array<i32>} : memref<96x128xf32, #tpu.memory_space<vmem>>, vector<16xf32>,
        tpu.vector_store %arg13[%swap3A_546, %swap3A_547], %mul3A_545 {strides = array<i32>} : memref<96x128xf32, #tpu.memory_space<vmem>>, vector<16xf32>,
        %get3A_549 = arith.index_cast %add3A_520 : i32 to index
        %get3A_550 = arith.constant 64 : index
        %get3A_551 = tpu.vector_load %arg13[%get3A_549, %get3A_550] {strides = array<i32>} : memref<96x128xf32, #tpu.memory_space<vmem>>, vector<16xf32>,
        %mul3A_552 = arith.mulf %get3A_551, %gather3A_516 : vector<16xf32>
        %swap3A_553 = arith.index_cast %add3A_520 : i32 to index
        %swap3A_554 = arith.constant 64 : index
        %swap3A_555 = tpu.vector_load %arg13[%swap3A_553, %swap3A_554] {strides = array<i32>} : memref<96x128xf32, #tpu.memory_space<vmem>>, vector<16xf32>,
        tpu.vector_store %arg13[%swap3A_553, %swap3A_554], %mul3A_552 {strides = array<i32>} : memref<96x128xf32, #tpu.memory_space<vmem>>, vector<16xf32>,
        %get3A_556 = arith.index_cast %add3A_520 : i32 to index
        %get3A_557 = arith.constant 80 : index
        %get3A_558 = tpu.vector_load %arg13[%get3A_556, %get3A_557] {strides = array<i32>} : memref<96x128xf32, #tpu.memory_space<vmem>>, vector<16xf32>,
        %mul3A_559 = arith.mulf %get3A_558, %gather3A_516 : vector<16xf32>
        %swap3A_560 = arith.index_cast %add3A_520 : i32 to index
        %swap3A_561 = arith.constant 80 : index
        %swap3A_562 = tpu.vector_load %arg13[%swap3A_560, %swap3A_561] {strides = array<i32>} : memref<96x128xf32, #tpu.memory_space<vmem>>, vector<16xf32>,
        tpu.vector_store %arg13[%swap3A_560, %swap3A_561], %mul3A_559 {strides = array<i32>} : memref<96x128xf32, #tpu.memory_space<vmem>>, vector<16xf32>,
        %get3A_563 = arith.index_cast %add3A_520 : i32 to index
        %get3A_564 = arith.constant 96 : index
        %get3A_565 = tpu.vector_load %arg13[%get3A_563, %get3A_564] {strides = array<i32>} : memref<96x128xf32, #tpu.memory_space<vmem>>, vector<16xf32>,
        %mul3A_566 = arith.mulf %get3A_565, %gather3A_516 : vector<16xf32>
        %swap3A_567 = arith.index_cast %add3A_520 : i32 to index
        %swap3A_568 = arith.constant 96 : index
        %swap3A_569 = tpu.vector_load %arg13[%swap3A_567, %swap3A_568] {strides = array<i32>} : memref<96x128xf32, #tpu.memory_space<vmem>>, vector<16xf32>,
        tpu.vector_store %arg13[%swap3A_567, %swap3A_568], %mul3A_566 {strides = array<i32>} : memref<96x128xf32, #tpu.memory_space<vmem>>, vector<16xf32>,
        %get3A_570 = arith.index_cast %add3A_520 : i32 to index
        %get3A_571 = arith.constant 112 : index
        %get3A_572 = tpu.vector_load %arg13[%get3A_570, %get3A_571] {strides = array<i32>} : memref<96x128xf32, #tpu.memory_space<vmem>>, vector<16xf32>,
        %mul3A_573 = arith.mulf %get3A_572, %gather3A_516 : vector<16xf32>
        %swap3A_574 = arith.index_cast %add3A_520 : i32 to index
        %swap3A_575 = arith.constant 112 : index
        %swap3A_576 = tpu.vector_load %arg13[%swap3A_574, %swap3A_575] {strides = array<i32>} : memref<96x128xf32, #tpu.memory_space<vmem>>, vector<16xf32>,
        tpu.vector_store %arg13[%swap3A_574, %swap3A_575], %mul3A_573 {strides = array<i32>} : memref<96x128xf32, #tpu.memory_space<vmem>>, vector<16xf32>,
        %broadcast_in_dim3A_577 = arith.constant 5 : i32
        %broadcast_in_dim3A_578 = vector.broadcast %broadcast_in_dim3A_577 : i32 to vector<16x1xi32>
        %gather3A_579 = vector.shape_cast %broadcast_in_dim3A_578 : vector<16x1xi32> to vector<16xi32>
        %gather3A_580 = tpu.dynamic_gather %exp3A[%gather3A_579] in [0] : vector<16xf32>, vector<16xi32> -> vector<16xf32>
        %mul3A_581 = arith.constant 16 : i32
        %mul3A_582 = arith.muli %scan3A_244, %mul3A_581 : i32
        %add3A_583 = arith.constant 5 : i32
        %add3A_584 = arith.addi %mul3A_582, %add3A_583 : i32
        %get3A_585 = arith.index_cast %add3A_584 : i32 to index
        %get3A_586 = arith.constant 0 : index
        %get3A_587 = tpu.vector_load %arg13[%get3A_585, %get3A_586] {strides = array<i32>} : memref<96x128xf32, #tpu.memory_space<vmem>>, vector<16xf32>,
        %mul3A_588 = arith.mulf %get3A_587, %gather3A_580 : vector<16xf32>
        %swap3A_589 = arith.index_cast %add3A_584 : i32 to index
        %swap3A_590 = arith.constant 0 : index
        %swap3A_591 = tpu.vector_load %arg13[%swap3A_589, %swap3A_590] {strides = array<i32>} : memref<96x128xf32, #tpu.memory_space<vmem>>, vector<16xf32>,
        tpu.vector_store %arg13[%swap3A_589, %swap3A_590], %mul3A_588 {strides = array<i32>} : memref<96x128xf32, #tpu.memory_space<vmem>>, vector<16xf32>,
        %get3A_592 = arith.index_cast %add3A_584 : i32 to index
        %get3A_593 = arith.constant 16 : index
        %get3A_594 = tpu.vector_load %arg13[%get3A_592, %get3A_593] {strides = array<i32>} : memref<96x128xf32, #tpu.memory_space<vmem>>, vector<16xf32>,
        %mul3A_595 = arith.mulf %get3A_594, %gather3A_580 : vector<16xf32>
        %swap3A_596 = arith.index_cast %add3A_584 : i32 to index
        %swap3A_597 = arith.constant 16 : index
        %swap3A_598 = tpu.vector_load %arg13[%swap3A_596, %swap3A_597] {strides = array<i32>} : memref<96x128xf32, #tpu.memory_space<vmem>>, vector<16xf32>,
        tpu.vector_store %arg13[%swap3A_596, %swap3A_597], %mul3A_595 {strides = array<i32>} : memref<96x128xf32, #tpu.memory_space<vmem>>, vector<16xf32>,
        %get3A_599 = arith.index_cast %add3A_584 : i32 to index
        %get3A_600 = arith.constant 32 : index
        %get3A_601 = tpu.vector_load %arg13[%get3A_599, %get3A_600] {strides = array<i32>} : memref<96x128xf32, #tpu.memory_space<vmem>>, vector<16xf32>,
        %mul3A_602 = arith.mulf %get3A_601, %gather3A_580 : vector<16xf32>
        %swap3A_603 = arith.index_cast %add3A_584 : i32 to index
        %swap3A_604 = arith.constant 32 : index
        %swap3A_605 = tpu.vector_load %arg13[%swap3A_603, %swap3A_604] {strides = array<i32>} : memref<96x128xf32, #tpu.memory_space<vmem>>, vector<16xf32>,
        tpu.vector_store %arg13[%swap3A_603, %swap3A_604], %mul3A_602 {strides = array<i32>} : memref<96x128xf32, #tpu.memory_space<vmem>>, vector<16xf32>,
        %get3A_606 = arith.index_cast %add3A_584 : i32 to index
        %get3A_607 = arith.constant 48 : index
        %get3A_608 = tpu.vector_load %arg13[%get3A_606, %get3A_607] {strides = array<i32>} : memref<96x128xf32, #tpu.memory_space<vmem>>, vector<16xf32>,
        %mul3A_609 = arith.mulf %get3A_608, %gather3A_580 : vector<16xf32>
        %swap3A_610 = arith.index_cast %add3A_584 : i32 to index
        %swap3A_611 = arith.constant 48 : index
        %swap3A_612 = tpu.vector_load %arg13[%swap3A_610, %swap3A_611] {strides = array<i32>} : memref<96x128xf32, #tpu.memory_space<vmem>>, vector<16xf32>,
        tpu.vector_store %arg13[%swap3A_610, %swap3A_611], %mul3A_609 {strides = array<i32>} : memref<96x128xf32, #tpu.memory_space<vmem>>, vector<16xf32>,
        %get3A_613 = arith.index_cast %add3A_584 : i32 to index
        %get3A_614 = arith.constant 64 : index
        %get3A_615 = tpu.vector_load %arg13[%get3A_613, %get3A_614] {strides = array<i32>} : memref<96x128xf32, #tpu.memory_space<vmem>>, vector<16xf32>,
        %mul3A_616 = arith.mulf %get3A_615, %gather3A_580 : vector<16xf32>
        %swap3A_617 = arith.index_cast %add3A_584 : i32 to index
        %swap3A_618 = arith.constant 64 : index
        %swap3A_619 = tpu.vector_load %arg13[%swap3A_617, %swap3A_618] {strides = array<i32>} : memref<96x128xf32, #tpu.memory_space<vmem>>, vector<16xf32>,
        tpu.vector_store %arg13[%swap3A_617, %swap3A_618], %mul3A_616 {strides = array<i32>} : memref<96x128xf32, #tpu.memory_space<vmem>>, vector<16xf32>,
        %get3A_620 = arith.index_cast %add3A_584 : i32 to index
        %get3A_621 = arith.constant 80 : index
        %get3A_622 = tpu.vector_load %arg13[%get3A_620, %get3A_621] {strides = array<i32>} : memref<96x128xf32, #tpu.memory_space<vmem>>, vector<16xf32>,
        %mul3A_623 = arith.mulf %get3A_622, %gather3A_580 : vector<16xf32>
        %swap3A_624 = arith.index_cast %add3A_584 : i32 to index
        %swap3A_625 = arith.constant 80 : index
        %swap3A_626 = tpu.vector_load %arg13[%swap3A_624, %swap3A_625] {strides = array<i32>} : memref<96x128xf32, #tpu.memory_space<vmem>>, vector<16xf32>,
        tpu.vector_store %arg13[%swap3A_624, %swap3A_625], %mul3A_623 {strides = array<i32>} : memref<96x128xf32, #tpu.memory_space<vmem>>, vector<16xf32>,
        %get3A_627 = arith.index_cast %add3A_584 : i32 to index
        %get3A_628 = arith.constant 96 : index
        %get3A_629 = tpu.vector_load %arg13[%get3A_627, %get3A_628] {strides = array<i32>} : memref<96x128xf32, #tpu.memory_space<vmem>>, vector<16xf32>,
        %mul3A_630 = arith.mulf %get3A_629, %gather3A_580 : vector<16xf32>
        %swap3A_631 = arith.index_cast %add3A_584 : i32 to index
        %swap3A_632 = arith.constant 96 : index
        %swap3A_633 = tpu.vector_load %arg13[%swap3A_631, %swap3A_632] {strides = array<i32>} : memref<96x128xf32, #tpu.memory_space<vmem>>, vector<16xf32>,
        tpu.vector_store %arg13[%swap3A_631, %swap3A_632], %mul3A_630 {strides = array<i32>} : memref<96x128xf32, #tpu.memory_space<vmem>>, vector<16xf32>,
        %get3A_634 = arith.index_cast %add3A_584 : i32 to index
        %get3A_635 = arith.constant 112 : index
        %get3A_636 = tpu.vector_load %arg13[%get3A_634, %get3A_635] {strides = array<i32>} : memref<96x128xf32, #tpu.memory_space<vmem>>, vector<16xf32>,
        %mul3A_637 = arith.mulf %get3A_636, %gather3A_580 : vector<16xf32>
        %swap3A_638 = arith.index_cast %add3A_584 : i32 to index
        %swap3A_639 = arith.constant 112 : index
        %swap3A_640 = tpu.vector_load %arg13[%swap3A_638, %swap3A_639] {strides = array<i32>} : memref<96x128xf32, #tpu.memory_space<vmem>>, vector<16xf32>,
        tpu.vector_store %arg13[%swap3A_638, %swap3A_639], %mul3A_637 {strides = array<i32>} : memref<96x128xf32, #tpu.memory_space<vmem>>, vector<16xf32>,
        %broadcast_in_dim3A_641 = arith.constant 6 : i32
        %broadcast_in_dim3A_642 = vector.broadcast %broadcast_in_dim3A_641 : i32 to vector<16x1xi32>
        %gather3A_643 = vector.shape_cast %broadcast_in_dim3A_642 : vector<16x1xi32> to vector<16xi32>
        %gather3A_644 = tpu.dynamic_gather %exp3A[%gather3A_643] in [0] : vector<16xf32>, vector<16xi32> -> vector<16xf32>
        %mul3A_645 = arith.constant 16 : i32
        %mul3A_646 = arith.muli %scan3A_244, %mul3A_645 : i32
        %add3A_647 = arith.constant 6 : i32
        %add3A_648 = arith.addi %mul3A_646, %add3A_647 : i32
        %get3A_649 = arith.index_cast %add3A_648 : i32 to index
        %get3A_650 = arith.constant 0 : index
        %get3A_651 = tpu.vector_load %arg13[%get3A_649, %get3A_650] {strides = array<i32>} : memref<96x128xf32, #tpu.memory_space<vmem>>, vector<16xf32>,
        %mul3A_652 = arith.mulf %get3A_651, %gather3A_644 : vector<16xf32>
        %swap3A_653 = arith.index_cast %add3A_648 : i32 to index
        %swap3A_654 = arith.constant 0 : index
        %swap3A_655 = tpu.vector_load %arg13[%swap3A_653, %swap3A_654] {strides = array<i32>} : memref<96x128xf32, #tpu.memory_space<vmem>>, vector<16xf32>,
        tpu.vector_store %arg13[%swap3A_653, %swap3A_654], %mul3A_652 {strides = array<i32>} : memref<96x128xf32, #tpu.memory_space<vmem>>, vector<16xf32>,
        %get3A_656 = arith.index_cast %add3A_648 : i32 to index
        %get3A_657 = arith.constant 16 : index
        %get3A_658 = tpu.vector_load %arg13[%get3A_656, %get3A_657] {strides = array<i32>} : memref<96x128xf32, #tpu.memory_space<vmem>>, vector<16xf32>,
        %mul3A_659 = arith.mulf %get3A_658, %gather3A_644 : vector<16xf32>
        %swap3A_660 = arith.index_cast %add3A_648 : i32 to index
        %swap3A_661 = arith.constant 16 : index
        %swap3A_662 = tpu.vector_load %arg13[%swap3A_660, %swap3A_661] {strides = array<i32>} : memref<96x128xf32, #tpu.memory_space<vmem>>, vector<16xf32>,
        tpu.vector_store %arg13[%swap3A_660, %swap3A_661], %mul3A_659 {strides = array<i32>} : memref<96x128xf32, #tpu.memory_space<vmem>>, vector<16xf32>,
        %get3A_663 = arith.index_cast %add3A_648 : i32 to index
        %get3A_664 = arith.constant 32 : index
        %get3A_665 = tpu.vector_load %arg13[%get3A_663, %get3A_664] {strides = array<i32>} : memref<96x128xf32, #tpu.memory_space<vmem>>, vector<16xf32>,
        %mul3A_666 = arith.mulf %get3A_665, %gather3A_644 : vector<16xf32>
        %swap3A_667 = arith.index_cast %add3A_648 : i32 to index
        %swap3A_668 = arith.constant 32 : index
        %swap3A_669 = tpu.vector_load %arg13[%swap3A_667, %swap3A_668] {strides = array<i32>} : memref<96x128xf32, #tpu.memory_space<vmem>>, vector<16xf32>,
        tpu.vector_store %arg13[%swap3A_667, %swap3A_668], %mul3A_666 {strides = array<i32>} : memref<96x128xf32, #tpu.memory_space<vmem>>, vector<16xf32>,
        %get3A_670 = arith.index_cast %add3A_648 : i32 to index
        %get3A_671 = arith.constant 48 : index
        %get3A_672 = tpu.vector_load %arg13[%get3A_670, %get3A_671] {strides = array<i32>} : memref<96x128xf32, #tpu.memory_space<vmem>>, vector<16xf32>,
        %mul3A_673 = arith.mulf %get3A_672, %gather3A_644 : vector<16xf32>
        %swap3A_674 = arith.index_cast %add3A_648 : i32 to index
        %swap3A_675 = arith.constant 48 : index
        %swap3A_676 = tpu.vector_load %arg13[%swap3A_674, %swap3A_675] {strides = array<i32>} : memref<96x128xf32, #tpu.memory_space<vmem>>, vector<16xf32>,
        tpu.vector_store %arg13[%swap3A_674, %swap3A_675], %mul3A_673 {strides = array<i32>} : memref<96x128xf32, #tpu.memory_space<vmem>>, vector<16xf32>,
        %get3A_677 = arith.index_cast %add3A_648 : i32 to index
        %get3A_678 = arith.constant 64 : index
        %get3A_679 = tpu.vector_load %arg13[%get3A_677, %get3A_678] {strides = array<i32>} : memref<96x128xf32, #tpu.memory_space<vmem>>, vector<16xf32>,
        %mul3A_680 = arith.mulf %get3A_679, %gather3A_644 : vector<16xf32>
        %swap3A_681 = arith.index_cast %add3A_648 : i32 to index
        %swap3A_682 = arith.constant 64 : index
        %swap3A_683 = tpu.vector_load %arg13[%swap3A_681, %swap3A_682] {strides = array<i32>} : memref<96x128xf32, #tpu.memory_space<vmem>>, vector<16xf32>,
        tpu.vector_store %arg13[%swap3A_681, %swap3A_682], %mul3A_680 {strides = array<i32>} : memref<96x128xf32, #tpu.memory_space<vmem>>, vector<16xf32>,
        %get3A_684 = arith.index_cast %add3A_648 : i32 to index
        %get3A_685 = arith.constant 80 : index
        %get3A_686 = tpu.vector_load %arg13[%get3A_684, %get3A_685] {strides = array<i32>} : memref<96x128xf32, #tpu.memory_space<vmem>>, vector<16xf32>,
        %mul3A_687 = arith.mulf %get3A_686, %gather3A_644 : vector<16xf32>
        %swap3A_688 = arith.index_cast %add3A_648 : i32 to index
        %swap3A_689 = arith.constant 80 : index
        %swap3A_690 = tpu.vector_load %arg13[%swap3A_688, %swap3A_689] {strides = array<i32>} : memref<96x128xf32, #tpu.memory_space<vmem>>, vector<16xf32>,
        tpu.vector_store %arg13[%swap3A_688, %swap3A_689], %mul3A_687 {strides = array<i32>} : memref<96x128xf32, #tpu.memory_space<vmem>>, vector<16xf32>,
        %get3A_691 = arith.index_cast %add3A_648 : i32 to index
        %get3A_692 = arith.constant 96 : index
        %get3A_693 = tpu.vector_load %arg13[%get3A_691, %get3A_692] {strides = array<i32>} : memref<96x128xf32, #tpu.memory_space<vmem>>, vector<16xf32>,
        %mul3A_694 = arith.mulf %get3A_693, %gather3A_644 : vector<16xf32>
        %swap3A_695 = arith.index_cast %add3A_648 : i32 to index
        %swap3A_696 = arith.constant 96 : index
        %swap3A_697 = tpu.vector_load %arg13[%swap3A_695, %swap3A_696] {strides = array<i32>} : memref<96x128xf32, #tpu.memory_space<vmem>>, vector<16xf32>,
        tpu.vector_store %arg13[%swap3A_695, %swap3A_696], %mul3A_694 {strides = array<i32>} : memref<96x128xf32, #tpu.memory_space<vmem>>, vector<16xf32>,
        %get3A_698 = arith.index_cast %add3A_648 : i32 to index
        %get3A_699 = arith.constant 112 : index
        %get3A_700 = tpu.vector_load %arg13[%get3A_698, %get3A_699] {strides = array<i32>} : memref<96x128xf32, #tpu.memory_space<vmem>>, vector<16xf32>,
        %mul3A_701 = arith.mulf %get3A_700, %gather3A_644 : vector<16xf32>
        %swap3A_702 = arith.index_cast %add3A_648 : i32 to index
        %swap3A_703 = arith.constant 112 : index
        %swap3A_704 = tpu.vector_load %arg13[%swap3A_702, %swap3A_703] {strides = array<i32>} : memref<96x128xf32, #tpu.memory_space<vmem>>, vector<16xf32>,
        tpu.vector_store %arg13[%swap3A_702, %swap3A_703], %mul3A_701 {strides = array<i32>} : memref<96x128xf32, #tpu.memory_space<vmem>>, vector<16xf32>,
        %broadcast_in_dim3A_705 = arith.constant 7 : i32
        %broadcast_in_dim3A_706 = vector.broadcast %broadcast_in_dim3A_705 : i32 to vector<16x1xi32>
        %gather3A_707 = vector.shape_cast %broadcast_in_dim3A_706 : vector<16x1xi32> to vector<16xi32>
        %gather3A_708 = tpu.dynamic_gather %exp3A[%gather3A_707] in [0] : vector<16xf32>, vector<16xi32> -> vector<16xf32>
        %mul3A_709 = arith.constant 16 : i32
        %mul3A_710 = arith.muli %scan3A_244, %mul3A_709 : i32
        %add3A_711 = arith.constant 7 : i32
        %add3A_712 = arith.addi %mul3A_710, %add3A_711 : i32
        %get3A_713 = arith.index_cast %add3A_712 : i32 to index
        %get3A_714 = arith.constant 0 : index
        %get3A_715 = tpu.vector_load %arg13[%get3A_713, %get3A_714] {strides = array<i32>} : memref<96x128xf32, #tpu.memory_space<vmem>>, vector<16xf32>,
        %mul3A_716 = arith.mulf %get3A_715, %gather3A_708 : vector<16xf32>
        %swap3A_717 = arith.index_cast %add3A_712 : i32 to index
        %swap3A_718 = arith.constant 0 : index
        %swap3A_719 = tpu.vector_load %arg13[%swap3A_717, %swap3A_718] {strides = array<i32>} : memref<96x128xf32, #tpu.memory_space<vmem>>, vector<16xf32>,
        tpu.vector_store %arg13[%swap3A_717, %swap3A_718], %mul3A_716 {strides = array<i32>} : memref<96x128xf32, #tpu.memory_space<vmem>>, vector<16xf32>,
        %get3A_720 = arith.index_cast %add3A_712 : i32 to index
        %get3A_721 = arith.constant 16 : index
        %get3A_722 = tpu.vector_load %arg13[%get3A_720, %get3A_721] {strides = array<i32>} : memref<96x128xf32, #tpu.memory_space<vmem>>, vector<16xf32>,
        %mul3A_723 = arith.mulf %get3A_722, %gather3A_708 : vector<16xf32>
        %swap3A_724 = arith.index_cast %add3A_712 : i32 to index
        %swap3A_725 = arith.constant 16 : index
        %swap3A_726 = tpu.vector_load %arg13[%swap3A_724, %swap3A_725] {strides = array<i32>} : memref<96x128xf32, #tpu.memory_space<vmem>>, vector<16xf32>,
        tpu.vector_store %arg13[%swap3A_724, %swap3A_725], %mul3A_723 {strides = array<i32>} : memref<96x128xf32, #tpu.memory_space<vmem>>, vector<16xf32>,
        %get3A_727 = arith.index_cast %add3A_712 : i32 to index
        %get3A_728 = arith.constant 32 : index
        %get3A_729 = tpu.vector_load %arg13[%get3A_727, %get3A_728] {strides = array<i32>} : memref<96x128xf32, #tpu.memory_space<vmem>>, vector<16xf32>,
        %mul3A_730 = arith.mulf %get3A_729, %gather3A_708 : vector<16xf32>
        %swap3A_731 = arith.index_cast %add3A_712 : i32 to index
        %swap3A_732 = arith.constant 32 : index
        %swap3A_733 = tpu.vector_load %arg13[%swap3A_731, %swap3A_732] {strides = array<i32>} : memref<96x128xf32, #tpu.memory_space<vmem>>, vector<16xf32>,
        tpu.vector_store %arg13[%swap3A_731, %swap3A_732], %mul3A_730 {strides = array<i32>} : memref<96x128xf32, #tpu.memory_space<vmem>>, vector<16xf32>,
        %get3A_734 = arith.index_cast %add3A_712 : i32 to index
        %get3A_735 = arith.constant 48 : index
        %get3A_736 = tpu.vector_load %arg13[%get3A_734, %get3A_735] {strides = array<i32>} : memref<96x128xf32, #tpu.memory_space<vmem>>, vector<16xf32>,
        %mul3A_737 = arith.mulf %get3A_736, %gather3A_708 : vector<16xf32>
        %swap3A_738 = arith.index_cast %add3A_712 : i32 to index
        %swap3A_739 = arith.constant 48 : index
        %swap3A_740 = tpu.vector_load %arg13[%swap3A_738, %swap3A_739] {strides = array<i32>} : memref<96x128xf32, #tpu.memory_space<vmem>>, vector<16xf32>,
        tpu.vector_store %arg13[%swap3A_738, %swap3A_739], %mul3A_737 {strides = array<i32>} : memref<96x128xf32, #tpu.memory_space<vmem>>, vector<16xf32>,
        %get3A_741 = arith.index_cast %add3A_712 : i32 to index
        %get3A_742 = arith.constant 64 : index
        %get3A_743 = tpu.vector_load %arg13[%get3A_741, %get3A_742] {strides = array<i32>} : memref<96x128xf32, #tpu.memory_space<vmem>>, vector<16xf32>,
        %mul3A_744 = arith.mulf %get3A_743, %gather3A_708 : vector<16xf32>
        %swap3A_745 = arith.index_cast %add3A_712 : i32 to index
        %swap3A_746 = arith.constant 64 : index
        %swap3A_747 = tpu.vector_load %arg13[%swap3A_745, %swap3A_746] {strides = array<i32>} : memref<96x128xf32, #tpu.memory_space<vmem>>, vector<16xf32>,
        tpu.vector_store %arg13[%swap3A_745, %swap3A_746], %mul3A_744 {strides = array<i32>} : memref<96x128xf32, #tpu.memory_space<vmem>>, vector<16xf32>,
        %get3A_748 = arith.index_cast %add3A_712 : i32 to index
        %get3A_749 = arith.constant 80 : index
        %get3A_750 = tpu.vector_load %arg13[%get3A_748, %get3A_749] {strides = array<i32>} : memref<96x128xf32, #tpu.memory_space<vmem>>, vector<16xf32>,
        %mul3A_751 = arith.mulf %get3A_750, %gather3A_708 : vector<16xf32>
        %swap3A_752 = arith.index_cast %add3A_712 : i32 to index
        %swap3A_753 = arith.constant 80 : index
        %swap3A_754 = tpu.vector_load %arg13[%swap3A_752, %swap3A_753] {strides = array<i32>} : memref<96x128xf32, #tpu.memory_space<vmem>>, vector<16xf32>,
        tpu.vector_store %arg13[%swap3A_752, %swap3A_753], %mul3A_751 {strides = array<i32>} : memref<96x128xf32, #tpu.memory_space<vmem>>, vector<16xf32>,
        %get3A_755 = arith.index_cast %add3A_712 : i32 to index
        %get3A_756 = arith.constant 96 : index
        %get3A_757 = tpu.vector_load %arg13[%get3A_755, %get3A_756] {strides = array<i32>} : memref<96x128xf32, #tpu.memory_space<vmem>>, vector<16xf32>,
        %mul3A_758 = arith.mulf %get3A_757, %gather3A_708 : vector<16xf32>
        %swap3A_759 = arith.index_cast %add3A_712 : i32 to index
        %swap3A_760 = arith.constant 96 : index
        %swap3A_761 = tpu.vector_load %arg13[%swap3A_759, %swap3A_760] {strides = array<i32>} : memref<96x128xf32, #tpu.memory_space<vmem>>, vector<16xf32>,
        tpu.vector_store %arg13[%swap3A_759, %swap3A_760], %mul3A_758 {strides = array<i32>} : memref<96x128xf32, #tpu.memory_space<vmem>>, vector<16xf32>,
        %get3A_762 = arith.index_cast %add3A_712 : i32 to index
        %get3A_763 = arith.constant 112 : index
        %get3A_764 = tpu.vector_load %arg13[%get3A_762, %get3A_763] {strides = array<i32>} : memref<96x128xf32, #tpu.memory_space<vmem>>, vector<16xf32>,
        %mul3A_765 = arith.mulf %get3A_764, %gather3A_708 : vector<16xf32>
        %swap3A_766 = arith.index_cast %add3A_712 : i32 to index
        %swap3A_767 = arith.constant 112 : index
        %swap3A_768 = tpu.vector_load %arg13[%swap3A_766, %swap3A_767] {strides = array<i32>} : memref<96x128xf32, #tpu.memory_space<vmem>>, vector<16xf32>,
        tpu.vector_store %arg13[%swap3A_766, %swap3A_767], %mul3A_765 {strides = array<i32>} : memref<96x128xf32, #tpu.memory_space<vmem>>, vector<16xf32>,
        %broadcast_in_dim3A_769 = arith.constant 8 : i32
        %broadcast_in_dim3A_770 = vector.broadcast %broadcast_in_dim3A_769 : i32 to vector<16x1xi32>
        %gather3A_771 = vector.shape_cast %broadcast_in_dim3A_770 : vector<16x1xi32> to vector<16xi32>
        %gather3A_772 = tpu.dynamic_gather %exp3A[%gather3A_771] in [0] : vector<16xf32>, vector<16xi32> -> vector<16xf32>
        %mul3A_773 = arith.constant 16 : i32
        %mul3A_774 = arith.muli %scan3A_244, %mul3A_773 : i32
        %add3A_775 = arith.constant 8 : i32
        %add3A_776 = arith.addi %mul3A_774, %add3A_775 : i32
        %get3A_777 = arith.index_cast %add3A_776 : i32 to index
        %get3A_778 = arith.constant 0 : index
        %get3A_779 = tpu.vector_load %arg13[%get3A_777, %get3A_778] {strides = array<i32>} : memref<96x128xf32, #tpu.memory_space<vmem>>, vector<16xf32>,
        %mul3A_780 = arith.mulf %get3A_779, %gather3A_772 : vector<16xf32>
        %swap3A_781 = arith.index_cast %add3A_776 : i32 to index
        %swap3A_782 = arith.constant 0 : index
        %swap3A_783 = tpu.vector_load %arg13[%swap3A_781, %swap3A_782] {strides = array<i32>} : memref<96x128xf32, #tpu.memory_space<vmem>>, vector<16xf32>,
        tpu.vector_store %arg13[%swap3A_781, %swap3A_782], %mul3A_780 {strides = array<i32>} : memref<96x128xf32, #tpu.memory_space<vmem>>, vector<16xf32>,
        %get3A_784 = arith.index_cast %add3A_776 : i32 to index
        %get3A_785 = arith.constant 16 : index
        %get3A_786 = tpu.vector_load %arg13[%get3A_784, %get3A_785] {strides = array<i32>} : memref<96x128xf32, #tpu.memory_space<vmem>>, vector<16xf32>,
        %mul3A_787 = arith.mulf %get3A_786, %gather3A_772 : vector<16xf32>
        %swap3A_788 = arith.index_cast %add3A_776 : i32 to index
        %swap3A_789 = arith.constant 16 : index
        %swap3A_790 = tpu.vector_load %arg13[%swap3A_788, %swap3A_789] {strides = array<i32>} : memref<96x128xf32, #tpu.memory_space<vmem>>, vector<16xf32>,
        tpu.vector_store %arg13[%swap3A_788, %swap3A_789], %mul3A_787 {strides = array<i32>} : memref<96x128xf32, #tpu.memory_space<vmem>>, vector<16xf32>,
        %get3A_791 = arith.index_cast %add3A_776 : i32 to index
        %get3A_792 = arith.constant 32 : index
        %get3A_793 = tpu.vector_load %arg13[%get3A_791, %get3A_792] {strides = array<i32>} : memref<96x128xf32, #tpu.memory_space<vmem>>, vector<16xf32>,
        %mul3A_794 = arith.mulf %get3A_793, %gather3A_772 : vector<16xf32>
        %swap3A_795 = arith.index_cast %add3A_776 : i32 to index
        %swap3A_796 = arith.constant 32 : index
        %swap3A_797 = tpu.vector_load %arg13[%swap3A_795, %swap3A_796] {strides = array<i32>} : memref<96x128xf32, #tpu.memory_space<vmem>>, vector<16xf32>,
        tpu.vector_store %arg13[%swap3A_795, %swap3A_796], %mul3A_794 {strides = array<i32>} : memref<96x128xf32, #tpu.memory_space<vmem>>, vector<16xf32>,
        %get3A_798 = arith.index_cast %add3A_776 : i32 to index
        %get3A_799 = arith.constant 48 : index
        %get3A_800 = tpu.vector_load %arg13[%get3A_798, %get3A_799] {strides = array<i32>} : memref<96x128xf32, #tpu.memory_space<vmem>>, vector<16xf32>,
        %mul3A_801 = arith.mulf %get3A_800, %gather3A_772 : vector<16xf32>
        %swap3A_802 = arith.index_cast %add3A_776 : i32 to index
        %swap3A_803 = arith.constant 48 : index
        %swap3A_804 = tpu.vector_load %arg13[%swap3A_802, %swap3A_803] {strides = array<i32>} : memref<96x128xf32, #tpu.memory_space<vmem>>, vector<16xf32>,
        tpu.vector_store %arg13[%swap3A_802, %swap3A_803], %mul3A_801 {strides = array<i32>} : memref<96x128xf32, #tpu.memory_space<vmem>>, vector<16xf32>,
        %get3A_805 = arith.index_cast %add3A_776 : i32 to index
        %get3A_806 = arith.constant 64 : index
        %get3A_807 = tpu.vector_load %arg13[%get3A_805, %get3A_806] {strides = array<i32>} : memref<96x128xf32, #tpu.memory_space<vmem>>, vector<16xf32>,
        %mul3A_808 = arith.mulf %get3A_807, %gather3A_772 : vector<16xf32>
        %swap3A_809 = arith.index_cast %add3A_776 : i32 to index
        %swap3A_810 = arith.constant 64 : index
        %swap3A_811 = tpu.vector_load %arg13[%swap3A_809, %swap3A_810] {strides = array<i32>} : memref<96x128xf32, #tpu.memory_space<vmem>>, vector<16xf32>,
        tpu.vector_store %arg13[%swap3A_809, %swap3A_810], %mul3A_808 {strides = array<i32>} : memref<96x128xf32, #tpu.memory_space<vmem>>, vector<16xf32>,
        %get3A_812 = arith.index_cast %add3A_776 : i32 to index
        %get3A_813 = arith.constant 80 : index
        %get3A_814 = tpu.vector_load %arg13[%get3A_812, %get3A_813] {strides = array<i32>} : memref<96x128xf32, #tpu.memory_space<vmem>>, vector<16xf32>,
        %mul3A_815 = arith.mulf %get3A_814, %gather3A_772 : vector<16xf32>
        %swap3A_816 = arith.index_cast %add3A_776 : i32 to index
        %swap3A_817 = arith.constant 80 : index
        %swap3A_818 = tpu.vector_load %arg13[%swap3A_816, %swap3A_817] {strides = array<i32>} : memref<96x128xf32, #tpu.memory_space<vmem>>, vector<16xf32>,
        tpu.vector_store %arg13[%swap3A_816, %swap3A_817], %mul3A_815 {strides = array<i32>} : memref<96x128xf32, #tpu.memory_space<vmem>>, vector<16xf32>,
        %get3A_819 = arith.index_cast %add3A_776 : i32 to index
        %get3A_820 = arith.constant 96 : index
        %get3A_821 = tpu.vector_load %arg13[%get3A_819, %get3A_820] {strides = array<i32>} : memref<96x128xf32, #tpu.memory_space<vmem>>, vector<16xf32>,
        %mul3A_822 = arith.mulf %get3A_821, %gather3A_772 : vector<16xf32>
        %swap3A_823 = arith.index_cast %add3A_776 : i32 to index
        %swap3A_824 = arith.constant 96 : index
        %swap3A_825 = tpu.vector_load %arg13[%swap3A_823, %swap3A_824] {strides = array<i32>} : memref<96x128xf32, #tpu.memory_space<vmem>>, vector<16xf32>,
        tpu.vector_store %arg13[%swap3A_823, %swap3A_824], %mul3A_822 {strides = array<i32>} : memref<96x128xf32, #tpu.memory_space<vmem>>, vector<16xf32>,
        %get3A_826 = arith.index_cast %add3A_776 : i32 to index
        %get3A_827 = arith.constant 112 : index
        %get3A_828 = tpu.vector_load %arg13[%get3A_826, %get3A_827] {strides = array<i32>} : memref<96x128xf32, #tpu.memory_space<vmem>>, vector<16xf32>,
        %mul3A_829 = arith.mulf %get3A_828, %gather3A_772 : vector<16xf32>
        %swap3A_830 = arith.index_cast %add3A_776 : i32 to index
        %swap3A_831 = arith.constant 112 : index
        %swap3A_832 = tpu.vector_load %arg13[%swap3A_830, %swap3A_831] {strides = array<i32>} : memref<96x128xf32, #tpu.memory_space<vmem>>, vector<16xf32>,
        tpu.vector_store %arg13[%swap3A_830, %swap3A_831], %mul3A_829 {strides = array<i32>} : memref<96x128xf32, #tpu.memory_space<vmem>>, vector<16xf32>,
        %broadcast_in_dim3A_833 = arith.constant 9 : i32
        %broadcast_in_dim3A_834 = vector.broadcast %broadcast_in_dim3A_833 : i32 to vector<16x1xi32>
        %gather3A_835 = vector.shape_cast %broadcast_in_dim3A_834 : vector<16x1xi32> to vector<16xi32>
        %gather3A_836 = tpu.dynamic_gather %exp3A[%gather3A_835] in [0] : vector<16xf32>, vector<16xi32> -> vector<16xf32>
        %mul3A_837 = arith.constant 16 : i32
        %mul3A_838 = arith.muli %scan3A_244, %mul3A_837 : i32
        %add3A_839 = arith.constant 9 : i32
        %add3A_840 = arith.addi %mul3A_838, %add3A_839 : i32
        %get3A_841 = arith.index_cast %add3A_840 : i32 to index
        %get3A_842 = arith.constant 0 : index
        %get3A_843 = tpu.vector_load %arg13[%get3A_841, %get3A_842] {strides = array<i32>} : memref<96x128xf32, #tpu.memory_space<vmem>>, vector<16xf32>,
        %mul3A_844 = arith.mulf %get3A_843, %gather3A_836 : vector<16xf32>
        %swap3A_845 = arith.index_cast %add3A_840 : i32 to index
        %swap3A_846 = arith.constant 0 : index
        %swap3A_847 = tpu.vector_load %arg13[%swap3A_845, %swap3A_846] {strides = array<i32>} : memref<96x128xf32, #tpu.memory_space<vmem>>, vector<16xf32>,
        tpu.vector_store %arg13[%swap3A_845, %swap3A_846], %mul3A_844 {strides = array<i32>} : memref<96x128xf32, #tpu.memory_space<vmem>>, vector<16xf32>,
        %get3A_848 = arith.index_cast %add3A_840 : i32 to index
        %get3A_849 = arith.constant 16 : index
        %get3A_850 = tpu.vector_load %arg13[%get3A_848, %get3A_849] {strides = array<i32>} : memref<96x128xf32, #tpu.memory_space<vmem>>, vector<16xf32>,
        %mul3A_851 = arith.mulf %get3A_850, %gather3A_836 : vector<16xf32>
        %swap3A_852 = arith.index_cast %add3A_840 : i32 to index
        %swap3A_853 = arith.constant 16 : index
        %swap3A_854 = tpu.vector_load %arg13[%swap3A_852, %swap3A_853] {strides = array<i32>} : memref<96x128xf32, #tpu.memory_space<vmem>>, vector<16xf32>,
        tpu.vector_store %arg13[%swap3A_852, %swap3A_853], %mul3A_851 {strides = array<i32>} : memref<96x128xf32, #tpu.memory_space<vmem>>, vector<16xf32>,
        %get3A_855 = arith.index_cast %add3A_840 : i32 to index
        %get3A_856 = arith.constant 32 : index
        %get3A_857 = tpu.vector_load %arg13[%get3A_855, %get3A_856] {strides = array<i32>} : memref<96x128xf32, #tpu.memory_space<vmem>>, vector<16xf32>,
        %mul3A_858 = arith.mulf %get3A_857, %gather3A_836 : vector<16xf32>
        %swap3A_859 = arith.index_cast %add3A_840 : i32 to index
        %swap3A_860 = arith.constant 32 : index
        %swap3A_861 = tpu.vector_load %arg13[%swap3A_859, %swap3A_860] {strides = array<i32>} : memref<96x128xf32, #tpu.memory_space<vmem>>, vector<16xf32>,
        tpu.vector_store %arg13[%swap3A_859, %swap3A_860], %mul3A_858 {strides = array<i32>} : memref<96x128xf32, #tpu.memory_space<vmem>>, vector<16xf32>,
        %get3A_862 = arith.index_cast %add3A_840 : i32 to index
        %get3A_863 = arith.constant 48 : index
        %get3A_864 = tpu.vector_load %arg13[%get3A_862, %get3A_863] {strides = array<i32>} : memref<96x128xf32, #tpu.memory_space<vmem>>, vector<16xf32>,
        %mul3A_865 = arith.mulf %get3A_864, %gather3A_836 : vector<16xf32>
        %swap3A_866 = arith.index_cast %add3A_840 : i32 to index
        %swap3A_867 = arith.constant 48 : index
        %swap3A_868 = tpu.vector_load %arg13[%swap3A_866, %swap3A_867] {strides = array<i32>} : memref<96x128xf32, #tpu.memory_space<vmem>>, vector<16xf32>,
        tpu.vector_store %arg13[%swap3A_866, %swap3A_867], %mul3A_865 {strides = array<i32>} : memref<96x128xf32, #tpu.memory_space<vmem>>, vector<16xf32>,
        %get3A_869 = arith.index_cast %add3A_840 : i32 to index
        %get3A_870 = arith.constant 64 : index
        %get3A_871 = tpu.vector_load %arg13[%get3A_869, %get3A_870] {strides = array<i32>} : memref<96x128xf32, #tpu.memory_space<vmem>>, vector<16xf32>,
        %mul3A_872 = arith.mulf %get3A_871, %gather3A_836 : vector<16xf32>
        %swap3A_873 = arith.index_cast %add3A_840 : i32 to index
        %swap3A_874 = arith.constant 64 : index
        %swap3A_875 = tpu.vector_load %arg13[%swap3A_873, %swap3A_874] {strides = array<i32>} : memref<96x128xf32, #tpu.memory_space<vmem>>, vector<16xf32>,
        tpu.vector_store %arg13[%swap3A_873, %swap3A_874], %mul3A_872 {strides = array<i32>} : memref<96x128xf32, #tpu.memory_space<vmem>>, vector<16xf32>,
        %get3A_876 = arith.index_cast %add3A_840 : i32 to index
        %get3A_877 = arith.constant 80 : index
        %get3A_878 = tpu.vector_load %arg13[%get3A_876, %get3A_877] {strides = array<i32>} : memref<96x128xf32, #tpu.memory_space<vmem>>, vector<16xf32>,
        %mul3A_879 = arith.mulf %get3A_878, %gather3A_836 : vector<16xf32>
        %swap3A_880 = arith.index_cast %add3A_840 : i32 to index
        %swap3A_881 = arith.constant 80 : index
        %swap3A_882 = tpu.vector_load %arg13[%swap3A_880, %swap3A_881] {strides = array<i32>} : memref<96x128xf32, #tpu.memory_space<vmem>>, vector<16xf32>,
        tpu.vector_store %arg13[%swap3A_880, %swap3A_881], %mul3A_879 {strides = array<i32>} : memref<96x128xf32, #tpu.memory_space<vmem>>, vector<16xf32>,
        %get3A_883 = arith.index_cast %add3A_840 : i32 to index
        %get3A_884 = arith.constant 96 : index
        %get3A_885 = tpu.vector_load %arg13[%get3A_883, %get3A_884] {strides = array<i32>} : memref<96x128xf32, #tpu.memory_space<vmem>>, vector<16xf32>,
        %mul3A_886 = arith.mulf %get3A_885, %gather3A_836 : vector<16xf32>
        %swap3A_887 = arith.index_cast %add3A_840 : i32 to index
        %swap3A_888 = arith.constant 96 : index
        %swap3A_889 = tpu.vector_load %arg13[%swap3A_887, %swap3A_888] {strides = array<i32>} : memref<96x128xf32, #tpu.memory_space<vmem>>, vector<16xf32>,
        tpu.vector_store %arg13[%swap3A_887, %swap3A_888], %mul3A_886 {strides = array<i32>} : memref<96x128xf32, #tpu.memory_space<vmem>>, vector<16xf32>,
        %get3A_890 = arith.index_cast %add3A_840 : i32 to index
        %get3A_891 = arith.constant 112 : index
        %get3A_892 = tpu.vector_load %arg13[%get3A_890, %get3A_891] {strides = array<i32>} : memref<96x128xf32, #tpu.memory_space<vmem>>, vector<16xf32>,
        %mul3A_893 = arith.mulf %get3A_892, %gather3A_836 : vector<16xf32>
        %swap3A_894 = arith.index_cast %add3A_840 : i32 to index
        %swap3A_895 = arith.constant 112 : index
        %swap3A_896 = tpu.vector_load %arg13[%swap3A_894, %swap3A_895] {strides = array<i32>} : memref<96x128xf32, #tpu.memory_space<vmem>>, vector<16xf32>,
        tpu.vector_store %arg13[%swap3A_894, %swap3A_895], %mul3A_893 {strides = array<i32>} : memref<96x128xf32, #tpu.memory_space<vmem>>, vector<16xf32>,
        %broadcast_in_dim3A_897 = arith.constant 10 : i32
        %broadcast_in_dim3A_898 = vector.broadcast %broadcast_in_dim3A_897 : i32 to vector<16x1xi32>
        %gather3A_899 = vector.shape_cast %broadcast_in_dim3A_898 : vector<16x1xi32> to vector<16xi32>
        %gather3A_900 = tpu.dynamic_gather %exp3A[%gather3A_899] in [0] : vector<16xf32>, vector<16xi32> -> vector<16xf32>
        %mul3A_901 = arith.constant 16 : i32
        %mul3A_902 = arith.muli %scan3A_244, %mul3A_901 : i32
        %add3A_903 = arith.constant 10 : i32
        %add3A_904 = arith.addi %mul3A_902, %add3A_903 : i32
        %get3A_905 = arith.index_cast %add3A_904 : i32 to index
        %get3A_906 = arith.constant 0 : index
        %get3A_907 = tpu.vector_load %arg13[%get3A_905, %get3A_906] {strides = array<i32>} : memref<96x128xf32, #tpu.memory_space<vmem>>, vector<16xf32>,
        %mul3A_908 = arith.mulf %get3A_907, %gather3A_900 : vector<16xf32>
        %swap3A_909 = arith.index_cast %add3A_904 : i32 to index
        %swap3A_910 = arith.constant 0 : index
        %swap3A_911 = tpu.vector_load %arg13[%swap3A_909, %swap3A_910] {strides = array<i32>} : memref<96x128xf32, #tpu.memory_space<vmem>>, vector<16xf32>,
        tpu.vector_store %arg13[%swap3A_909, %swap3A_910], %mul3A_908 {strides = array<i32>} : memref<96x128xf32, #tpu.memory_space<vmem>>, vector<16xf32>,
        %get3A_912 = arith.index_cast %add3A_904 : i32 to index
        %get3A_913 = arith.constant 16 : index
        %get3A_914 = tpu.vector_load %arg13[%get3A_912, %get3A_913] {strides = array<i32>} : memref<96x128xf32, #tpu.memory_space<vmem>>, vector<16xf32>,
        %mul3A_915 = arith.mulf %get3A_914, %gather3A_900 : vector<16xf32>
        %swap3A_916 = arith.index_cast %add3A_904 : i32 to index
        %swap3A_917 = arith.constant 16 : index
        %swap3A_918 = tpu.vector_load %arg13[%swap3A_916, %swap3A_917] {strides = array<i32>} : memref<96x128xf32, #tpu.memory_space<vmem>>, vector<16xf32>,
        tpu.vector_store %arg13[%swap3A_916, %swap3A_917], %mul3A_915 {strides = array<i32>} : memref<96x128xf32, #tpu.memory_space<vmem>>, vector<16xf32>,
        %get3A_919 = arith.index_cast %add3A_904 : i32 to index
        %get3A_920 = arith.constant 32 : index
        %get3A_921 = tpu.vector_load %arg13[%get3A_919, %get3A_920] {strides = array<i32>} : memref<96x128xf32, #tpu.memory_space<vmem>>, vector<16xf32>,
        %mul3A_922 = arith.mulf %get3A_921, %gather3A_900 : vector<16xf32>
        %swap3A_923 = arith.index_cast %add3A_904 : i32 to index
        %swap3A_924 = arith.constant 32 : index
        %swap3A_925 = tpu.vector_load %arg13[%swap3A_923, %swap3A_924] {strides = array<i32>} : memref<96x128xf32, #tpu.memory_space<vmem>>, vector<16xf32>,
        tpu.vector_store %arg13[%swap3A_923, %swap3A_924], %mul3A_922 {strides = array<i32>} : memref<96x128xf32, #tpu.memory_space<vmem>>, vector<16xf32>,
        %get3A_926 = arith.index_cast %add3A_904 : i32 to index
        %get3A_927 = arith.constant 48 : index
        %get3A_928 = tpu.vector_load %arg13[%get3A_926, %get3A_927] {strides = array<i32>} : memref<96x128xf32, #tpu.memory_space<vmem>>, vector<16xf32>,
        %mul3A_929 = arith.mulf %get3A_928, %gather3A_900 : vector<16xf32>
        %swap3A_930 = arith.index_cast %add3A_904 : i32 to index
        %swap3A_931 = arith.constant 48 : index
        %swap3A_932 = tpu.vector_load %arg13[%swap3A_930, %swap3A_931] {strides = array<i32>} : memref<96x128xf32, #tpu.memory_space<vmem>>, vector<16xf32>,
        tpu.vector_store %arg13[%swap3A_930, %swap3A_931], %mul3A_929 {strides = array<i32>} : memref<96x128xf32, #tpu.memory_space<vmem>>, vector<16xf32>,
        %get3A_933 = arith.index_cast %add3A_904 : i32 to index
        %get3A_934 = arith.constant 64 : index
        %get3A_935 = tpu.vector_load %arg13[%get3A_933, %get3A_934] {strides = array<i32>} : memref<96x128xf32, #tpu.memory_space<vmem>>, vector<16xf32>,
        %mul3A_936 = arith.mulf %get3A_935, %gather3A_900 : vector<16xf32>
        %swap3A_937 = arith.index_cast %add3A_904 : i32 to index
        %swap3A_938 = arith.constant 64 : index
        %swap3A_939 = tpu.vector_load %arg13[%swap3A_937, %swap3A_938] {strides = array<i32>} : memref<96x128xf32, #tpu.memory_space<vmem>>, vector<16xf32>,
        tpu.vector_store %arg13[%swap3A_937, %swap3A_938], %mul3A_936 {strides = array<i32>} : memref<96x128xf32, #tpu.memory_space<vmem>>, vector<16xf32>,
        %get3A_940 = arith.index_cast %add3A_904 : i32 to index
        %get3A_941 = arith.constant 80 : index
        %get3A_942 = tpu.vector_load %arg13[%get3A_940, %get3A_941] {strides = array<i32>} : memref<96x128xf32, #tpu.memory_space<vmem>>, vector<16xf32>,
        %mul3A_943 = arith.mulf %get3A_942, %gather3A_900 : vector<16xf32>
        %swap3A_944 = arith.index_cast %add3A_904 : i32 to index
        %swap3A_945 = arith.constant 80 : index
        %swap3A_946 = tpu.vector_load %arg13[%swap3A_944, %swap3A_945] {strides = array<i32>} : memref<96x128xf32, #tpu.memory_space<vmem>>, vector<16xf32>,
        tpu.vector_store %arg13[%swap3A_944, %swap3A_945], %mul3A_943 {strides = array<i32>} : memref<96x128xf32, #tpu.memory_space<vmem>>, vector<16xf32>,
        %get3A_947 = arith.index_cast %add3A_904 : i32 to index
        %get3A_948 = arith.constant 96 : index
        %get3A_949 = tpu.vector_load %arg13[%get3A_947, %get3A_948] {strides = array<i32>} : memref<96x128xf32, #tpu.memory_space<vmem>>, vector<16xf32>,
        %mul3A_950 = arith.mulf %get3A_949, %gather3A_900 : vector<16xf32>
        %swap3A_951 = arith.index_cast %add3A_904 : i32 to index
        %swap3A_952 = arith.constant 96 : index
        %swap3A_953 = tpu.vector_load %arg13[%swap3A_951, %swap3A_952] {strides = array<i32>} : memref<96x128xf32, #tpu.memory_space<vmem>>, vector<16xf32>,
        tpu.vector_store %arg13[%swap3A_951, %swap3A_952], %mul3A_950 {strides = array<i32>} : memref<96x128xf32, #tpu.memory_space<vmem>>, vector<16xf32>,
        %get3A_954 = arith.index_cast %add3A_904 : i32 to index
        %get3A_955 = arith.constant 112 : index
        %get3A_956 = tpu.vector_load %arg13[%get3A_954, %get3A_955] {strides = array<i32>} : memref<96x128xf32, #tpu.memory_space<vmem>>, vector<16xf32>,
        %mul3A_957 = arith.mulf %get3A_956, %gather3A_900 : vector<16xf32>
        %swap3A_958 = arith.index_cast %add3A_904 : i32 to index
        %swap3A_959 = arith.constant 112 : index
        %swap3A_960 = tpu.vector_load %arg13[%swap3A_958, %swap3A_959] {strides = array<i32>} : memref<96x128xf32, #tpu.memory_space<vmem>>, vector<16xf32>,
        tpu.vector_store %arg13[%swap3A_958, %swap3A_959], %mul3A_957 {strides = array<i32>} : memref<96x128xf32, #tpu.memory_space<vmem>>, vector<16xf32>,
        %broadcast_in_dim3A_961 = arith.constant 11 : i32
        %broadcast_in_dim3A_962 = vector.broadcast %broadcast_in_dim3A_961 : i32 to vector<16x1xi32>
        %gather3A_963 = vector.shape_cast %broadcast_in_dim3A_962 : vector<16x1xi32> to vector<16xi32>
        %gather3A_964 = tpu.dynamic_gather %exp3A[%gather3A_963] in [0] : vector<16xf32>, vector<16xi32> -> vector<16xf32>
        %mul3A_965 = arith.constant 16 : i32
        %mul3A_966 = arith.muli %scan3A_244, %mul3A_965 : i32
        %add3A_967 = arith.constant 11 : i32
        %add3A_968 = arith.addi %mul3A_966, %add3A_967 : i32
        %get3A_969 = arith.index_cast %add3A_968 : i32 to index
        %get3A_970 = arith.constant 0 : index
        %get3A_971 = tpu.vector_load %arg13[%get3A_969, %get3A_970] {strides = array<i32>} : memref<96x128xf32, #tpu.memory_space<vmem>>, vector<16xf32>,
        %mul3A_972 = arith.mulf %get3A_971, %gather3A_964 : vector<16xf32>
        %swap3A_973 = arith.index_cast %add3A_968 : i32 to index
        %swap3A_974 = arith.constant 0 : index
        %swap3A_975 = tpu.vector_load %arg13[%swap3A_973, %swap3A_974] {strides = array<i32>} : memref<96x128xf32, #tpu.memory_space<vmem>>, vector<16xf32>,
        tpu.vector_store %arg13[%swap3A_973, %swap3A_974], %mul3A_972 {strides = array<i32>} : memref<96x128xf32, #tpu.memory_space<vmem>>, vector<16xf32>,
        %get3A_976 = arith.index_cast %add3A_968 : i32 to index
        %get3A_977 = arith.constant 16 : index
        %get3A_978 = tpu.vector_load %arg13[%get3A_976, %get3A_977] {strides = array<i32>} : memref<96x128xf32, #tpu.memory_space<vmem>>, vector<16xf32>,
        %mul3A_979 = arith.mulf %get3A_978, %gather3A_964 : vector<16xf32>
        %swap3A_980 = arith.index_cast %add3A_968 : i32 to index
        %swap3A_981 = arith.constant 16 : index
        %swap3A_982 = tpu.vector_load %arg13[%swap3A_980, %swap3A_981] {strides = array<i32>} : memref<96x128xf32, #tpu.memory_space<vmem>>, vector<16xf32>,
        tpu.vector_store %arg13[%swap3A_980, %swap3A_981], %mul3A_979 {strides = array<i32>} : memref<96x128xf32, #tpu.memory_space<vmem>>, vector<16xf32>,
        %get3A_983 = arith.index_cast %add3A_968 : i32 to index
        %get3A_984 = arith.constant 32 : index
        %get3A_985 = tpu.vector_load %arg13[%get3A_983, %get3A_984] {strides = array<i32>} : memref<96x128xf32, #tpu.memory_space<vmem>>, vector<16xf32>,
        %mul3A_986 = arith.mulf %get3A_985, %gather3A_964 : vector<16xf32>
        %swap3A_987 = arith.index_cast %add3A_968 : i32 to index
        %swap3A_988 = arith.constant 32 : index
        %swap3A_989 = tpu.vector_load %arg13[%swap3A_987, %swap3A_988] {strides = array<i32>} : memref<96x128xf32, #tpu.memory_space<vmem>>, vector<16xf32>,
        tpu.vector_store %arg13[%swap3A_987, %swap3A_988], %mul3A_986 {strides = array<i32>} : memref<96x128xf32, #tpu.memory_space<vmem>>, vector<16xf32>,
        %get3A_990 = arith.index_cast %add3A_968 : i32 to index
        %get3A_991 = arith.constant 48 : index
        %get3A_992 = tpu.vector_load %arg13[%get3A_990, %get3A_991] {strides = array<i32>} : memref<96x128xf32, #tpu.memory_space<vmem>>, vector<16xf32>,
        %mul3A_993 = arith.mulf %get3A_992, %gather3A_964 : vector<16xf32>
        %swap3A_994 = arith.index_cast %add3A_968 : i32 to index
        %swap3A_995 = arith.constant 48 : index
        %swap3A_996 = tpu.vector_load %arg13[%swap3A_994, %swap3A_995] {strides = array<i32>} : memref<96x128xf32, #tpu.memory_space<vmem>>, vector<16xf32>,
        tpu.vector_store %arg13[%swap3A_994, %swap3A_995], %mul3A_993 {strides = array<i32>} : memref<96x128xf32, #tpu.memory_space<vmem>>, vector<16xf32>,
        %get3A_997 = arith.index_cast %add3A_968 : i32 to index
        %get3A_998 = arith.constant 64 : index
        %get3A_999 = tpu.vector_load %arg13[%get3A_997, %get3A_998] {strides = array<i32>} : memref<96x128xf32, #tpu.memory_space<vmem>>, vector<16xf32>,
        %mul3A_1000 = arith.mulf %get3A_999, %gather3A_964 : vector<16xf32>
        %swap3A_1001 = arith.index_cast %add3A_968 : i32 to index
        %swap3A_1002 = arith.constant 64 : index
        %swap3A_1003 = tpu.vector_load %arg13[%swap3A_1001, %swap3A_1002] {strides = array<i32>} : memref<96x128xf32, #tpu.memory_space<vmem>>, vector<16xf32>,
        tpu.vector_store %arg13[%swap3A_1001, %swap3A_1002], %mul3A_1000 {strides = array<i32>} : memref<96x128xf32, #tpu.memory_space<vmem>>, vector<16xf32>,
        %get3A_1004 = arith.index_cast %add3A_968 : i32 to index
        %get3A_1005 = arith.constant 80 : index
        %get3A_1006 = tpu.vector_load %arg13[%get3A_1004, %get3A_1005] {strides = array<i32>} : memref<96x128xf32, #tpu.memory_space<vmem>>, vector<16xf32>,
        %mul3A_1007 = arith.mulf %get3A_1006, %gather3A_964 : vector<16xf32>
        %swap3A_1008 = arith.index_cast %add3A_968 : i32 to index
        %swap3A_1009 = arith.constant 80 : index
        %swap3A_1010 = tpu.vector_load %arg13[%swap3A_1008, %swap3A_1009] {strides = array<i32>} : memref<96x128xf32, #tpu.memory_space<vmem>>, vector<16xf32>,
        tpu.vector_store %arg13[%swap3A_1008, %swap3A_1009], %mul3A_1007 {strides = array<i32>} : memref<96x128xf32, #tpu.memory_space<vmem>>, vector<16xf32>,
        %get3A_1011 = arith.index_cast %add3A_968 : i32 to index
        %get3A_1012 = arith.constant 96 : index
        %get3A_1013 = tpu.vector_load %arg13[%get3A_1011, %get3A_1012] {strides = array<i32>} : memref<96x128xf32, #tpu.memory_space<vmem>>, vector<16xf32>,
        %mul3A_1014 = arith.mulf %get3A_1013, %gather3A_964 : vector<16xf32>
        %swap3A_1015 = arith.index_cast %add3A_968 : i32 to index
        %swap3A_1016 = arith.constant 96 : index
        %swap3A_1017 = tpu.vector_load %arg13[%swap3A_1015, %swap3A_1016] {strides = array<i32>} : memref<96x128xf32, #tpu.memory_space<vmem>>, vector<16xf32>,
        tpu.vector_store %arg13[%swap3A_1015, %swap3A_1016], %mul3A_1014 {strides = array<i32>} : memref<96x128xf32, #tpu.memory_space<vmem>>, vector<16xf32>,
        %get3A_1018 = arith.index_cast %add3A_968 : i32 to index
        %get3A_1019 = arith.constant 112 : index
        %get3A_1020 = tpu.vector_load %arg13[%get3A_1018, %get3A_1019] {strides = array<i32>} : memref<96x128xf32, #tpu.memory_space<vmem>>, vector<16xf32>,
        %mul3A_1021 = arith.mulf %get3A_1020, %gather3A_964 : vector<16xf32>
        %swap3A_1022 = arith.index_cast %add3A_968 : i32 to index
        %swap3A_1023 = arith.constant 112 : index
        %swap3A_1024 = tpu.vector_load %arg13[%swap3A_1022, %swap3A_1023] {strides = array<i32>} : memref<96x128xf32, #tpu.memory_space<vmem>>, vector<16xf32>,
        tpu.vector_store %arg13[%swap3A_1022, %swap3A_1023], %mul3A_1021 {strides = array<i32>} : memref<96x128xf32, #tpu.memory_space<vmem>>, vector<16xf32>,
        %broadcast_in_dim3A_1025 = arith.constant 12 : i32
        %broadcast_in_dim3A_1026 = vector.broadcast %broadcast_in_dim3A_1025 : i32 to vector<16x1xi32>
        %gather3A_1027 = vector.shape_cast %broadcast_in_dim3A_1026 : vector<16x1xi32> to vector<16xi32>
        %gather3A_1028 = tpu.dynamic_gather %exp3A[%gather3A_1027] in [0] : vector<16xf32>, vector<16xi32> -> vector<16xf32>
        %mul3A_1029 = arith.constant 16 : i32
        %mul3A_1030 = arith.muli %scan3A_244, %mul3A_1029 : i32
        %add3A_1031 = arith.constant 12 : i32
        %add3A_1032 = arith.addi %mul3A_1030, %add3A_1031 : i32
        %get3A_1033 = arith.index_cast %add3A_1032 : i32 to index
        %get3A_1034 = arith.constant 0 : index
        %get3A_1035 = tpu.vector_load %arg13[%get3A_1033, %get3A_1034] {strides = array<i32>} : memref<96x128xf32, #tpu.memory_space<vmem>>, vector<16xf32>,
        %mul3A_1036 = arith.mulf %get3A_1035, %gather3A_1028 : vector<16xf32>
        %swap3A_1037 = arith.index_cast %add3A_1032 : i32 to index
        %swap3A_1038 = arith.constant 0 : index
        %swap3A_1039 = tpu.vector_load %arg13[%swap3A_1037, %swap3A_1038] {strides = array<i32>} : memref<96x128xf32, #tpu.memory_space<vmem>>, vector<16xf32>,
        tpu.vector_store %arg13[%swap3A_1037, %swap3A_1038], %mul3A_1036 {strides = array<i32>} : memref<96x128xf32, #tpu.memory_space<vmem>>, vector<16xf32>,
        %get3A_1040 = arith.index_cast %add3A_1032 : i32 to index
        %get3A_1041 = arith.constant 16 : index
        %get3A_1042 = tpu.vector_load %arg13[%get3A_1040, %get3A_1041] {strides = array<i32>} : memref<96x128xf32, #tpu.memory_space<vmem>>, vector<16xf32>,
        %mul3A_1043 = arith.mulf %get3A_1042, %gather3A_1028 : vector<16xf32>
        %swap3A_1044 = arith.index_cast %add3A_1032 : i32 to index
        %swap3A_1045 = arith.constant 16 : index
        %swap3A_1046 = tpu.vector_load %arg13[%swap3A_1044, %swap3A_1045] {strides = array<i32>} : memref<96x128xf32, #tpu.memory_space<vmem>>, vector<16xf32>,
        tpu.vector_store %arg13[%swap3A_1044, %swap3A_1045], %mul3A_1043 {strides = array<i32>} : memref<96x128xf32, #tpu.memory_space<vmem>>, vector<16xf32>,
        %get3A_1047 = arith.index_cast %add3A_1032 : i32 to index
        %get3A_1048 = arith.constant 32 : index
        %get3A_1049 = tpu.vector_load %arg13[%get3A_1047, %get3A_1048] {strides = array<i32>} : memref<96x128xf32, #tpu.memory_space<vmem>>, vector<16xf32>,
        %mul3A_1050 = arith.mulf %get3A_1049, %gather3A_1028 : vector<16xf32>
        %swap3A_1051 = arith.index_cast %add3A_1032 : i32 to index
        %swap3A_1052 = arith.constant 32 : index
        %swap3A_1053 = tpu.vector_load %arg13[%swap3A_1051, %swap3A_1052] {strides = array<i32>} : memref<96x128xf32, #tpu.memory_space<vmem>>, vector<16xf32>,
        tpu.vector_store %arg13[%swap3A_1051, %swap3A_1052], %mul3A_1050 {strides = array<i32>} : memref<96x128xf32, #tpu.memory_space<vmem>>, vector<16xf32>,
        %get3A_1054 = arith.index_cast %add3A_1032 : i32 to index
        %get3A_1055 = arith.constant 48 : index
        %get3A_1056 = tpu.vector_load %arg13[%get3A_1054, %get3A_1055] {strides = array<i32>} : memref<96x128xf32, #tpu.memory_space<vmem>>, vector<16xf32>,
        %mul3A_1057 = arith.mulf %get3A_1056, %gather3A_1028 : vector<16xf32>
        %swap3A_1058 = arith.index_cast %add3A_1032 : i32 to index
        %swap3A_1059 = arith.constant 48 : index
        %swap3A_1060 = tpu.vector_load %arg13[%swap3A_1058, %swap3A_1059] {strides = array<i32>} : memref<96x128xf32, #tpu.memory_space<vmem>>, vector<16xf32>,
        tpu.vector_store %arg13[%swap3A_1058, %swap3A_1059], %mul3A_1057 {strides = array<i32>} : memref<96x128xf32, #tpu.memory_space<vmem>>, vector<16xf32>,
        %get3A_1061 = arith.index_cast %add3A_1032 : i32 to index
        %get3A_1062 = arith.constant 64 : index
        %get3A_1063 = tpu.vector_load %arg13[%get3A_1061, %get3A_1062] {strides = array<i32>} : memref<96x128xf32, #tpu.memory_space<vmem>>, vector<16xf32>,
        %mul3A_1064 = arith.mulf %get3A_1063, %gather3A_1028 : vector<16xf32>
        %swap3A_1065 = arith.index_cast %add3A_1032 : i32 to index
        %swap3A_1066 = arith.constant 64 : index
        %swap3A_1067 = tpu.vector_load %arg13[%swap3A_1065, %swap3A_1066] {strides = array<i32>} : memref<96x128xf32, #tpu.memory_space<vmem>>, vector<16xf32>,
        tpu.vector_store %arg13[%swap3A_1065, %swap3A_1066], %mul3A_1064 {strides = array<i32>} : memref<96x128xf32, #tpu.memory_space<vmem>>, vector<16xf32>,
        %get3A_1068 = arith.index_cast %add3A_1032 : i32 to index
        %get3A_1069 = arith.constant 80 : index
        %get3A_1070 = tpu.vector_load %arg13[%get3A_1068, %get3A_1069] {strides = array<i32>} : memref<96x128xf32, #tpu.memory_space<vmem>>, vector<16xf32>,
        %mul3A_1071 = arith.mulf %get3A_1070, %gather3A_1028 : vector<16xf32>
        %swap3A_1072 = arith.index_cast %add3A_1032 : i32 to index
        %swap3A_1073 = arith.constant 80 : index
        %swap3A_1074 = tpu.vector_load %arg13[%swap3A_1072, %swap3A_1073] {strides = array<i32>} : memref<96x128xf32, #tpu.memory_space<vmem>>, vector<16xf32>,
        tpu.vector_store %arg13[%swap3A_1072, %swap3A_1073], %mul3A_1071 {strides = array<i32>} : memref<96x128xf32, #tpu.memory_space<vmem>>, vector<16xf32>,
        %get3A_1075 = arith.index_cast %add3A_1032 : i32 to index
        %get3A_1076 = arith.constant 96 : index
        %get3A_1077 = tpu.vector_load %arg13[%get3A_1075, %get3A_1076] {strides = array<i32>} : memref<96x128xf32, #tpu.memory_space<vmem>>, vector<16xf32>,
        %mul3A_1078 = arith.mulf %get3A_1077, %gather3A_1028 : vector<16xf32>
        %swap3A_1079 = arith.index_cast %add3A_1032 : i32 to index
        %swap3A_1080 = arith.constant 96 : index
        %swap3A_1081 = tpu.vector_load %arg13[%swap3A_1079, %swap3A_1080] {strides = array<i32>} : memref<96x128xf32, #tpu.memory_space<vmem>>, vector<16xf32>,
        tpu.vector_store %arg13[%swap3A_1079, %swap3A_1080], %mul3A_1078 {strides = array<i32>} : memref<96x128xf32, #tpu.memory_space<vmem>>, vector<16xf32>,
        %get3A_1082 = arith.index_cast %add3A_1032 : i32 to index
        %get3A_1083 = arith.constant 112 : index
        %get3A_1084 = tpu.vector_load %arg13[%get3A_1082, %get3A_1083] {strides = array<i32>} : memref<96x128xf32, #tpu.memory_space<vmem>>, vector<16xf32>,
        %mul3A_1085 = arith.mulf %get3A_1084, %gather3A_1028 : vector<16xf32>
        %swap3A_1086 = arith.index_cast %add3A_1032 : i32 to index
        %swap3A_1087 = arith.constant 112 : index
        %swap3A_1088 = tpu.vector_load %arg13[%swap3A_1086, %swap3A_1087] {strides = array<i32>} : memref<96x128xf32, #tpu.memory_space<vmem>>, vector<16xf32>,
        tpu.vector_store %arg13[%swap3A_1086, %swap3A_1087], %mul3A_1085 {strides = array<i32>} : memref<96x128xf32, #tpu.memory_space<vmem>>, vector<16xf32>,
        %broadcast_in_dim3A_1089 = arith.constant 13 : i32
        %broadcast_in_dim3A_1090 = vector.broadcast %broadcast_in_dim3A_1089 : i32 to vector<16x1xi32>
        %gather3A_1091 = vector.shape_cast %broadcast_in_dim3A_1090 : vector<16x1xi32> to vector<16xi32>
        %gather3A_1092 = tpu.dynamic_gather %exp3A[%gather3A_1091] in [0] : vector<16xf32>, vector<16xi32> -> vector<16xf32>
        %mul3A_1093 = arith.constant 16 : i32
        %mul3A_1094 = arith.muli %scan3A_244, %mul3A_1093 : i32
        %add3A_1095 = arith.constant 13 : i32
        %add3A_1096 = arith.addi %mul3A_1094, %add3A_1095 : i32
        %get3A_1097 = arith.index_cast %add3A_1096 : i32 to index
        %get3A_1098 = arith.constant 0 : index
        %get3A_1099 = tpu.vector_load %arg13[%get3A_1097, %get3A_1098] {strides = array<i32>} : memref<96x128xf32, #tpu.memory_space<vmem>>, vector<16xf32>,
        %mul3A_1100 = arith.mulf %get3A_1099, %gather3A_1092 : vector<16xf32>
        %swap3A_1101 = arith.index_cast %add3A_1096 : i32 to index
        %swap3A_1102 = arith.constant 0 : index
        %swap3A_1103 = tpu.vector_load %arg13[%swap3A_1101, %swap3A_1102] {strides = array<i32>} : memref<96x128xf32, #tpu.memory_space<vmem>>, vector<16xf32>,
        tpu.vector_store %arg13[%swap3A_1101, %swap3A_1102], %mul3A_1100 {strides = array<i32>} : memref<96x128xf32, #tpu.memory_space<vmem>>, vector<16xf32>,
        %get3A_1104 = arith.index_cast %add3A_1096 : i32 to index
        %get3A_1105 = arith.constant 16 : index
        %get3A_1106 = tpu.vector_load %arg13[%get3A_1104, %get3A_1105] {strides = array<i32>} : memref<96x128xf32, #tpu.memory_space<vmem>>, vector<16xf32>,
        %mul3A_1107 = arith.mulf %get3A_1106, %gather3A_1092 : vector<16xf32>
        %swap3A_1108 = arith.index_cast %add3A_1096 : i32 to index
        %swap3A_1109 = arith.constant 16 : index
        %swap3A_1110 = tpu.vector_load %arg13[%swap3A_1108, %swap3A_1109] {strides = array<i32>} : memref<96x128xf32, #tpu.memory_space<vmem>>, vector<16xf32>,
        tpu.vector_store %arg13[%swap3A_1108, %swap3A_1109], %mul3A_1107 {strides = array<i32>} : memref<96x128xf32, #tpu.memory_space<vmem>>, vector<16xf32>,
        %get3A_1111 = arith.index_cast %add3A_1096 : i32 to index
        %get3A_1112 = arith.constant 32 : index
        %get3A_1113 = tpu.vector_load %arg13[%get3A_1111, %get3A_1112] {strides = array<i32>} : memref<96x128xf32, #tpu.memory_space<vmem>>, vector<16xf32>,
        %mul3A_1114 = arith.mulf %get3A_1113, %gather3A_1092 : vector<16xf32>
        %swap3A_1115 = arith.index_cast %add3A_1096 : i32 to index
        %swap3A_1116 = arith.constant 32 : index
        %swap3A_1117 = tpu.vector_load %arg13[%swap3A_1115, %swap3A_1116] {strides = array<i32>} : memref<96x128xf32, #tpu.memory_space<vmem>>, vector<16xf32>,
        tpu.vector_store %arg13[%swap3A_1115, %swap3A_1116], %mul3A_1114 {strides = array<i32>} : memref<96x128xf32, #tpu.memory_space<vmem>>, vector<16xf32>,
        %get3A_1118 = arith.index_cast %add3A_1096 : i32 to index
        %get3A_1119 = arith.constant 48 : index
        %get3A_1120 = tpu.vector_load %arg13[%get3A_1118, %get3A_1119] {strides = array<i32>} : memref<96x128xf32, #tpu.memory_space<vmem>>, vector<16xf32>,
        %mul3A_1121 = arith.mulf %get3A_1120, %gather3A_1092 : vector<16xf32>
        %swap3A_1122 = arith.index_cast %add3A_1096 : i32 to index
        %swap3A_1123 = arith.constant 48 : index
        %swap3A_1124 = tpu.vector_load %arg13[%swap3A_1122, %swap3A_1123] {strides = array<i32>} : memref<96x128xf32, #tpu.memory_space<vmem>>, vector<16xf32>,
        tpu.vector_store %arg13[%swap3A_1122, %swap3A_1123], %mul3A_1121 {strides = array<i32>} : memref<96x128xf32, #tpu.memory_space<vmem>>, vector<16xf32>,
        %get3A_1125 = arith.index_cast %add3A_1096 : i32 to index
        %get3A_1126 = arith.constant 64 : index
        %get3A_1127 = tpu.vector_load %arg13[%get3A_1125, %get3A_1126] {strides = array<i32>} : memref<96x128xf32, #tpu.memory_space<vmem>>, vector<16xf32>,
        %mul3A_1128 = arith.mulf %get3A_1127, %gather3A_1092 : vector<16xf32>
        %swap3A_1129 = arith.index_cast %add3A_1096 : i32 to index
        %swap3A_1130 = arith.constant 64 : index
        %swap3A_1131 = tpu.vector_load %arg13[%swap3A_1129, %swap3A_1130] {strides = array<i32>} : memref<96x128xf32, #tpu.memory_space<vmem>>, vector<16xf32>,
        tpu.vector_store %arg13[%swap3A_1129, %swap3A_1130], %mul3A_1128 {strides = array<i32>} : memref<96x128xf32, #tpu.memory_space<vmem>>, vector<16xf32>,
        %get3A_1132 = arith.index_cast %add3A_1096 : i32 to index
        %get3A_1133 = arith.constant 80 : index
        %get3A_1134 = tpu.vector_load %arg13[%get3A_1132, %get3A_1133] {strides = array<i32>} : memref<96x128xf32, #tpu.memory_space<vmem>>, vector<16xf32>,
        %mul3A_1135 = arith.mulf %get3A_1134, %gather3A_1092 : vector<16xf32>
        %swap3A_1136 = arith.index_cast %add3A_1096 : i32 to index
        %swap3A_1137 = arith.constant 80 : index
        %swap3A_1138 = tpu.vector_load %arg13[%swap3A_1136, %swap3A_1137] {strides = array<i32>} : memref<96x128xf32, #tpu.memory_space<vmem>>, vector<16xf32>,
        tpu.vector_store %arg13[%swap3A_1136, %swap3A_1137], %mul3A_1135 {strides = array<i32>} : memref<96x128xf32, #tpu.memory_space<vmem>>, vector<16xf32>,
        %get3A_1139 = arith.index_cast %add3A_1096 : i32 to index
        %get3A_1140 = arith.constant 96 : index
        %get3A_1141 = tpu.vector_load %arg13[%get3A_1139, %get3A_1140] {strides = array<i32>} : memref<96x128xf32, #tpu.memory_space<vmem>>, vector<16xf32>,
        %mul3A_1142 = arith.mulf %get3A_1141, %gather3A_1092 : vector<16xf32>
        %swap3A_1143 = arith.index_cast %add3A_1096 : i32 to index
        %swap3A_1144 = arith.constant 96 : index
        %swap3A_1145 = tpu.vector_load %arg13[%swap3A_1143, %swap3A_1144] {strides = array<i32>} : memref<96x128xf32, #tpu.memory_space<vmem>>, vector<16xf32>,
        tpu.vector_store %arg13[%swap3A_1143, %swap3A_1144], %mul3A_1142 {strides = array<i32>} : memref<96x128xf32, #tpu.memory_space<vmem>>, vector<16xf32>,
        %get3A_1146 = arith.index_cast %add3A_1096 : i32 to index
        %get3A_1147 = arith.constant 112 : index
        %get3A_1148 = tpu.vector_load %arg13[%get3A_1146, %get3A_1147] {strides = array<i32>} : memref<96x128xf32, #tpu.memory_space<vmem>>, vector<16xf32>,
        %mul3A_1149 = arith.mulf %get3A_1148, %gather3A_1092 : vector<16xf32>
        %swap3A_1150 = arith.index_cast %add3A_1096 : i32 to index
        %swap3A_1151 = arith.constant 112 : index
        %swap3A_1152 = tpu.vector_load %arg13[%swap3A_1150, %swap3A_1151] {strides = array<i32>} : memref<96x128xf32, #tpu.memory_space<vmem>>, vector<16xf32>,
        tpu.vector_store %arg13[%swap3A_1150, %swap3A_1151], %mul3A_1149 {strides = array<i32>} : memref<96x128xf32, #tpu.memory_space<vmem>>, vector<16xf32>,
        %broadcast_in_dim3A_1153 = arith.constant 14 : i32
        %broadcast_in_dim3A_1154 = vector.broadcast %broadcast_in_dim3A_1153 : i32 to vector<16x1xi32>
        %gather3A_1155 = vector.shape_cast %broadcast_in_dim3A_1154 : vector<16x1xi32> to vector<16xi32>
        %gather3A_1156 = tpu.dynamic_gather %exp3A[%gather3A_1155] in [0] : vector<16xf32>, vector<16xi32> -> vector<16xf32>
        %mul3A_1157 = arith.constant 16 : i32
        %mul3A_1158 = arith.muli %scan3A_244, %mul3A_1157 : i32
        %add3A_1159 = arith.constant 14 : i32
        %add3A_1160 = arith.addi %mul3A_1158, %add3A_1159 : i32
        %get3A_1161 = arith.index_cast %add3A_1160 : i32 to index
        %get3A_1162 = arith.constant 0 : index
        %get3A_1163 = tpu.vector_load %arg13[%get3A_1161, %get3A_1162] {strides = array<i32>} : memref<96x128xf32, #tpu.memory_space<vmem>>, vector<16xf32>,
        %mul3A_1164 = arith.mulf %get3A_1163, %gather3A_1156 : vector<16xf32>
        %swap3A_1165 = arith.index_cast %add3A_1160 : i32 to index
        %swap3A_1166 = arith.constant 0 : index
        %swap3A_1167 = tpu.vector_load %arg13[%swap3A_1165, %swap3A_1166] {strides = array<i32>} : memref<96x128xf32, #tpu.memory_space<vmem>>, vector<16xf32>,
        tpu.vector_store %arg13[%swap3A_1165, %swap3A_1166], %mul3A_1164 {strides = array<i32>} : memref<96x128xf32, #tpu.memory_space<vmem>>, vector<16xf32>,
        %get3A_1168 = arith.index_cast %add3A_1160 : i32 to index
        %get3A_1169 = arith.constant 16 : index
        %get3A_1170 = tpu.vector_load %arg13[%get3A_1168, %get3A_1169] {strides = array<i32>} : memref<96x128xf32, #tpu.memory_space<vmem>>, vector<16xf32>,
        %mul3A_1171 = arith.mulf %get3A_1170, %gather3A_1156 : vector<16xf32>
        %swap3A_1172 = arith.index_cast %add3A_1160 : i32 to index
        %swap3A_1173 = arith.constant 16 : index
        %swap3A_1174 = tpu.vector_load %arg13[%swap3A_1172, %swap3A_1173] {strides = array<i32>} : memref<96x128xf32, #tpu.memory_space<vmem>>, vector<16xf32>,
        tpu.vector_store %arg13[%swap3A_1172, %swap3A_1173], %mul3A_1171 {strides = array<i32>} : memref<96x128xf32, #tpu.memory_space<vmem>>, vector<16xf32>,
        %get3A_1175 = arith.index_cast %add3A_1160 : i32 to index
        %get3A_1176 = arith.constant 32 : index
        %get3A_1177 = tpu.vector_load %arg13[%get3A_1175, %get3A_1176] {strides = array<i32>} : memref<96x128xf32, #tpu.memory_space<vmem>>, vector<16xf32>,
        %mul3A_1178 = arith.mulf %get3A_1177, %gather3A_1156 : vector<16xf32>
        %swap3A_1179 = arith.index_cast %add3A_1160 : i32 to index
        %swap3A_1180 = arith.constant 32 : index
        %swap3A_1181 = tpu.vector_load %arg13[%swap3A_1179, %swap3A_1180] {strides = array<i32>} : memref<96x128xf32, #tpu.memory_space<vmem>>, vector<16xf32>,
        tpu.vector_store %arg13[%swap3A_1179, %swap3A_1180], %mul3A_1178 {strides = array<i32>} : memref<96x128xf32, #tpu.memory_space<vmem>>, vector<16xf32>,
        %get3A_1182 = arith.index_cast %add3A_1160 : i32 to index
        %get3A_1183 = arith.constant 48 : index
        %get3A_1184 = tpu.vector_load %arg13[%get3A_1182, %get3A_1183] {strides = array<i32>} : memref<96x128xf32, #tpu.memory_space<vmem>>, vector<16xf32>,
        %mul3A_1185 = arith.mulf %get3A_1184, %gather3A_1156 : vector<16xf32>
        %swap3A_1186 = arith.index_cast %add3A_1160 : i32 to index
        %swap3A_1187 = arith.constant 48 : index
        %swap3A_1188 = tpu.vector_load %arg13[%swap3A_1186, %swap3A_1187] {strides = array<i32>} : memref<96x128xf32, #tpu.memory_space<vmem>>, vector<16xf32>,
        tpu.vector_store %arg13[%swap3A_1186, %swap3A_1187], %mul3A_1185 {strides = array<i32>} : memref<96x128xf32, #tpu.memory_space<vmem>>, vector<16xf32>,
        %get3A_1189 = arith.index_cast %add3A_1160 : i32 to index
        %get3A_1190 = arith.constant 64 : index
        %get3A_1191 = tpu.vector_load %arg13[%get3A_1189, %get3A_1190] {strides = array<i32>} : memref<96x128xf32, #tpu.memory_space<vmem>>, vector<16xf32>,
        %mul3A_1192 = arith.mulf %get3A_1191, %gather3A_1156 : vector<16xf32>
        %swap3A_1193 = arith.index_cast %add3A_1160 : i32 to index
        %swap3A_1194 = arith.constant 64 : index
        %swap3A_1195 = tpu.vector_load %arg13[%swap3A_1193, %swap3A_1194] {strides = array<i32>} : memref<96x128xf32, #tpu.memory_space<vmem>>, vector<16xf32>,
        tpu.vector_store %arg13[%swap3A_1193, %swap3A_1194], %mul3A_1192 {strides = array<i32>} : memref<96x128xf32, #tpu.memory_space<vmem>>, vector<16xf32>,
        %get3A_1196 = arith.index_cast %add3A_1160 : i32 to index
        %get3A_1197 = arith.constant 80 : index
        %get3A_1198 = tpu.vector_load %arg13[%get3A_1196, %get3A_1197] {strides = array<i32>} : memref<96x128xf32, #tpu.memory_space<vmem>>, vector<16xf32>,
        %mul3A_1199 = arith.mulf %get3A_1198, %gather3A_1156 : vector<16xf32>
        %swap3A_1200 = arith.index_cast %add3A_1160 : i32 to index
        %swap3A_1201 = arith.constant 80 : index
        %swap3A_1202 = tpu.vector_load %arg13[%swap3A_1200, %swap3A_1201] {strides = array<i32>} : memref<96x128xf32, #tpu.memory_space<vmem>>, vector<16xf32>,
        tpu.vector_store %arg13[%swap3A_1200, %swap3A_1201], %mul3A_1199 {strides = array<i32>} : memref<96x128xf32, #tpu.memory_space<vmem>>, vector<16xf32>,
        %get3A_1203 = arith.index_cast %add3A_1160 : i32 to index
        %get3A_1204 = arith.constant 96 : index
        %get3A_1205 = tpu.vector_load %arg13[%get3A_1203, %get3A_1204] {strides = array<i32>} : memref<96x128xf32, #tpu.memory_space<vmem>>, vector<16xf32>,
        %mul3A_1206 = arith.mulf %get3A_1205, %gather3A_1156 : vector<16xf32>
        %swap3A_1207 = arith.index_cast %add3A_1160 : i32 to index
        %swap3A_1208 = arith.constant 96 : index
        %swap3A_1209 = tpu.vector_load %arg13[%swap3A_1207, %swap3A_1208] {strides = array<i32>} : memref<96x128xf32, #tpu.memory_space<vmem>>, vector<16xf32>,
        tpu.vector_store %arg13[%swap3A_1207, %swap3A_1208], %mul3A_1206 {strides = array<i32>} : memref<96x128xf32, #tpu.memory_space<vmem>>, vector<16xf32>,
        %get3A_1210 = arith.index_cast %add3A_1160 : i32 to index
        %get3A_1211 = arith.constant 112 : index
        %get3A_1212 = tpu.vector_load %arg13[%get3A_1210, %get3A_1211] {strides = array<i32>} : memref<96x128xf32, #tpu.memory_space<vmem>>, vector<16xf32>,
        %mul3A_1213 = arith.mulf %get3A_1212, %gather3A_1156 : vector<16xf32>
        %swap3A_1214 = arith.index_cast %add3A_1160 : i32 to index
        %swap3A_1215 = arith.constant 112 : index
        %swap3A_1216 = tpu.vector_load %arg13[%swap3A_1214, %swap3A_1215] {strides = array<i32>} : memref<96x128xf32, #tpu.memory_space<vmem>>, vector<16xf32>,
        tpu.vector_store %arg13[%swap3A_1214, %swap3A_1215], %mul3A_1213 {strides = array<i32>} : memref<96x128xf32, #tpu.memory_space<vmem>>, vector<16xf32>,
        %broadcast_in_dim3A_1217 = arith.constant 15 : i32
        %broadcast_in_dim3A_1218 = vector.broadcast %broadcast_in_dim3A_1217 : i32 to vector<16x1xi32>
        %gather3A_1219 = vector.shape_cast %broadcast_in_dim3A_1218 : vector<16x1xi32> to vector<16xi32>
        %gather3A_1220 = tpu.dynamic_gather %exp3A[%gather3A_1219] in [0] : vector<16xf32>, vector<16xi32> -> vector<16xf32>
        %mul3A_1221 = arith.constant 16 : i32
        %mul3A_1222 = arith.muli %scan3A_244, %mul3A_1221 : i32
        %add3A_1223 = arith.constant 15 : i32
        %add3A_1224 = arith.addi %mul3A_1222, %add3A_1223 : i32
        %get3A_1225 = arith.index_cast %add3A_1224 : i32 to index
        %get3A_1226 = arith.constant 0 : index
        %get3A_1227 = tpu.vector_load %arg13[%get3A_1225, %get3A_1226] {strides = array<i32>} : memref<96x128xf32, #tpu.memory_space<vmem>>, vector<16xf32>,
        %mul3A_1228 = arith.mulf %get3A_1227, %gather3A_1220 : vector<16xf32>
        %swap3A_1229 = arith.index_cast %add3A_1224 : i32 to index
        %swap3A_1230 = arith.constant 0 : index
        %swap3A_1231 = tpu.vector_load %arg13[%swap3A_1229, %swap3A_1230] {strides = array<i32>} : memref<96x128xf32, #tpu.memory_space<vmem>>, vector<16xf32>,
        tpu.vector_store %arg13[%swap3A_1229, %swap3A_1230], %mul3A_1228 {strides = array<i32>} : memref<96x128xf32, #tpu.memory_space<vmem>>, vector<16xf32>,
        %get3A_1232 = arith.index_cast %add3A_1224 : i32 to index
        %get3A_1233 = arith.constant 16 : index
        %get3A_1234 = tpu.vector_load %arg13[%get3A_1232, %get3A_1233] {strides = array<i32>} : memref<96x128xf32, #tpu.memory_space<vmem>>, vector<16xf32>,
        %mul3A_1235 = arith.mulf %get3A_1234, %gather3A_1220 : vector<16xf32>
        %swap3A_1236 = arith.index_cast %add3A_1224 : i32 to index
        %swap3A_1237 = arith.constant 16 : index
        %swap3A_1238 = tpu.vector_load %arg13[%swap3A_1236, %swap3A_1237] {strides = array<i32>} : memref<96x128xf32, #tpu.memory_space<vmem>>, vector<16xf32>,
        tpu.vector_store %arg13[%swap3A_1236, %swap3A_1237], %mul3A_1235 {strides = array<i32>} : memref<96x128xf32, #tpu.memory_space<vmem>>, vector<16xf32>,
        %get3A_1239 = arith.index_cast %add3A_1224 : i32 to index
        %get3A_1240 = arith.constant 32 : index
        %get3A_1241 = tpu.vector_load %arg13[%get3A_1239, %get3A_1240] {strides = array<i32>} : memref<96x128xf32, #tpu.memory_space<vmem>>, vector<16xf32>,
        %mul3A_1242 = arith.mulf %get3A_1241, %gather3A_1220 : vector<16xf32>
        %swap3A_1243 = arith.index_cast %add3A_1224 : i32 to index
        %swap3A_1244 = arith.constant 32 : index
        %swap3A_1245 = tpu.vector_load %arg13[%swap3A_1243, %swap3A_1244] {strides = array<i32>} : memref<96x128xf32, #tpu.memory_space<vmem>>, vector<16xf32>,
        tpu.vector_store %arg13[%swap3A_1243, %swap3A_1244], %mul3A_1242 {strides = array<i32>} : memref<96x128xf32, #tpu.memory_space<vmem>>, vector<16xf32>,
        %get3A_1246 = arith.index_cast %add3A_1224 : i32 to index
        %get3A_1247 = arith.constant 48 : index
        %get3A_1248 = tpu.vector_load %arg13[%get3A_1246, %get3A_1247] {strides = array<i32>} : memref<96x128xf32, #tpu.memory_space<vmem>>, vector<16xf32>,
        %mul3A_1249 = arith.mulf %get3A_1248, %gather3A_1220 : vector<16xf32>
        %swap3A_1250 = arith.index_cast %add3A_1224 : i32 to index
        %swap3A_1251 = arith.constant 48 : index
        %swap3A_1252 = tpu.vector_load %arg13[%swap3A_1250, %swap3A_1251] {strides = array<i32>} : memref<96x128xf32, #tpu.memory_space<vmem>>, vector<16xf32>,
        tpu.vector_store %arg13[%swap3A_1250, %swap3A_1251], %mul3A_1249 {strides = array<i32>} : memref<96x128xf32, #tpu.memory_space<vmem>>, vector<16xf32>,
        %get3A_1253 = arith.index_cast %add3A_1224 : i32 to index
        %get3A_1254 = arith.constant 64 : index
        %get3A_1255 = tpu.vector_load %arg13[%get3A_1253, %get3A_1254] {strides = array<i32>} : memref<96x128xf32, #tpu.memory_space<vmem>>, vector<16xf32>,
        %mul3A_1256 = arith.mulf %get3A_1255, %gather3A_1220 : vector<16xf32>
        %swap3A_1257 = arith.index_cast %add3A_1224 : i32 to index
        %swap3A_1258 = arith.constant 64 : index
        %swap3A_1259 = tpu.vector_load %arg13[%swap3A_1257, %swap3A_1258] {strides = array<i32>} : memref<96x128xf32, #tpu.memory_space<vmem>>, vector<16xf32>,
        tpu.vector_store %arg13[%swap3A_1257, %swap3A_1258], %mul3A_1256 {strides = array<i32>} : memref<96x128xf32, #tpu.memory_space<vmem>>, vector<16xf32>,
        %get3A_1260 = arith.index_cast %add3A_1224 : i32 to index
        %get3A_1261 = arith.constant 80 : index
        %get3A_1262 = tpu.vector_load %arg13[%get3A_1260, %get3A_1261] {strides = array<i32>} : memref<96x128xf32, #tpu.memory_space<vmem>>, vector<16xf32>,
        %mul3A_1263 = arith.mulf %get3A_1262, %gather3A_1220 : vector<16xf32>
        %swap3A_1264 = arith.index_cast %add3A_1224 : i32 to index
        %swap3A_1265 = arith.constant 80 : index
        %swap3A_1266 = tpu.vector_load %arg13[%swap3A_1264, %swap3A_1265] {strides = array<i32>} : memref<96x128xf32, #tpu.memory_space<vmem>>, vector<16xf32>,
        tpu.vector_store %arg13[%swap3A_1264, %swap3A_1265], %mul3A_1263 {strides = array<i32>} : memref<96x128xf32, #tpu.memory_space<vmem>>, vector<16xf32>,
        %get3A_1267 = arith.index_cast %add3A_1224 : i32 to index
        %get3A_1268 = arith.constant 96 : index
        %get3A_1269 = tpu.vector_load %arg13[%get3A_1267, %get3A_1268] {strides = array<i32>} : memref<96x128xf32, #tpu.memory_space<vmem>>, vector<16xf32>,
        %mul3A_1270 = arith.mulf %get3A_1269, %gather3A_1220 : vector<16xf32>
        %swap3A_1271 = arith.index_cast %add3A_1224 : i32 to index
        %swap3A_1272 = arith.constant 96 : index
        %swap3A_1273 = tpu.vector_load %arg13[%swap3A_1271, %swap3A_1272] {strides = array<i32>} : memref<96x128xf32, #tpu.memory_space<vmem>>, vector<16xf32>,
        tpu.vector_store %arg13[%swap3A_1271, %swap3A_1272], %mul3A_1270 {strides = array<i32>} : memref<96x128xf32, #tpu.memory_space<vmem>>, vector<16xf32>,
        %get3A_1274 = arith.index_cast %add3A_1224 : i32 to index
        %get3A_1275 = arith.constant 112 : index
        %get3A_1276 = tpu.vector_load %arg13[%get3A_1274, %get3A_1275] {strides = array<i32>} : memref<96x128xf32, #tpu.memory_space<vmem>>, vector<16xf32>,
        %mul3A_1277 = arith.mulf %get3A_1276, %gather3A_1220 : vector<16xf32>
        %swap3A_1278 = arith.index_cast %add3A_1224 : i32 to index
        %swap3A_1279 = arith.constant 112 : index
        %swap3A_1280 = tpu.vector_load %arg13[%swap3A_1278, %swap3A_1279] {strides = array<i32>} : memref<96x128xf32, #tpu.memory_space<vmem>>, vector<16xf32>,
        tpu.vector_store %arg13[%swap3A_1278, %swap3A_1279], %mul3A_1277 {strides = array<i32>} : memref<96x128xf32, #tpu.memory_space<vmem>>, vector<16xf32>,
      }
      %scan3A_124 = arith.constant 6 : i32
      %get3A = arith.constant 1 : i32
      %get3A_125 = arith.index_cast %get3A : i32 to index
      %get3A_126 = arith.constant 0 : index
      %get3A_127 = tpu.vector_load %arg7[%get3A_125, %get3A_126] {strides = array<i32>} : memref<3x96xi32, #tpu.memory_space<vmem>>, vector<16xi32>,
      %swap3A = arith.constant 0 : index
      %swap3A_128 = tpu.vector_load %arg9[%swap3A] {strides = array<i32>} : memref<96xi32, #tpu.memory_space<vmem>>, vector<16xi32>,
      tpu.vector_store %arg9[%swap3A], %get3A_127 {strides = array<i32>} : memref<96xi32, #tpu.memory_space<vmem>>, vector<16xi32>,
      %get3A_129 = arith.constant 1 : i32
      %get3A_130 = arith.index_cast %get3A_129 : i32 to index
      %get3A_131 = arith.constant 16 : index
      %get3A_132 = tpu.vector_load %arg7[%get3A_130, %get3A_131] {strides = array<i32>} : memref<3x96xi32, #tpu.memory_space<vmem>>, vector<16xi32>,
      %swap3A_133 = arith.constant 16 : index
      %swap3A_134 = tpu.vector_load %arg9[%swap3A_133] {strides = array<i32>} : memref<96xi32, #tpu.memory_space<vmem>>, vector<16xi32>,
      tpu.vector_store %arg9[%swap3A_133], %get3A_132 {strides = array<i32>} : memref<96xi32, #tpu.memory_space<vmem>>, vector<16xi32>,
      %get3A_135 = arith.constant 1 : i32
      %get3A_136 = arith.index_cast %get3A_135 : i32 to index
      %get3A_137 = arith.constant 32 : index
      %get3A_138 = tpu.vector_load %arg7[%get3A_136, %get3A_137] {strides = array<i32>} : memref<3x96xi32, #tpu.memory_space<vmem>>, vector<16xi32>,
      %swap3A_139 = arith.constant 32 : index
      %swap3A_140 = tpu.vector_load %arg9[%swap3A_139] {strides = array<i32>} : memref<96xi32, #tpu.memory_space<vmem>>, vector<16xi32>,
      tpu.vector_store %arg9[%swap3A_139], %get3A_138 {strides = array<i32>} : memref<96xi32, #tpu.memory_space<vmem>>, vector<16xi32>,
      %get3A_141 = arith.constant 1 : i32
      %get3A_142 = arith.index_cast %get3A_141 : i32 to index
      %get3A_143 = arith.constant 48 : index
      %get3A_144 = tpu.vector_load %arg7[%get3A_142, %get3A_143] {strides = array<i32>} : memref<3x96xi32, #tpu.memory_space<vmem>>, vector<16xi32>,
      %swap3A_145 = arith.constant 48 : index
      %swap3A_146 = tpu.vector_load %arg9[%swap3A_145] {strides = array<i32>} : memref<96xi32, #tpu.memory_space<vmem>>, vector<16xi32>,
      tpu.vector_store %arg9[%swap3A_145], %get3A_144 {strides = array<i32>} : memref<96xi32, #tpu.memory_space<vmem>>, vector<16xi32>,
      %get3A_147 = arith.constant 1 : i32
      %get3A_148 = arith.index_cast %get3A_147 : i32 to index
      %get3A_149 = arith.constant 64 : index
      %get3A_150 = tpu.vector_load %arg7[%get3A_148, %get3A_149] {strides = array<i32>} : memref<3x96xi32, #tpu.memory_space<vmem>>, vector<16xi32>,
      %swap3A_151 = arith.constant 64 : index
      %swap3A_152 = tpu.vector_load %arg9[%swap3A_151] {strides = array<i32>} : memref<96xi32, #tpu.memory_space<vmem>>, vector<16xi32>,
      tpu.vector_store %arg9[%swap3A_151], %get3A_150 {strides = array<i32>} : memref<96xi32, #tpu.memory_space<vmem>>, vector<16xi32>,
      %get3A_153 = arith.constant 1 : i32
      %get3A_154 = arith.index_cast %get3A_153 : i32 to index
      %get3A_155 = arith.constant 80 : index
      %get3A_156 = tpu.vector_load %arg7[%get3A_154, %get3A_155] {strides = array<i32>} : memref<3x96xi32, #tpu.memory_space<vmem>>, vector<16xi32>,
      %swap3A_157 = arith.constant 80 : index
      %swap3A_158 = tpu.vector_load %arg9[%swap3A_157] {strides = array<i32>} : memref<96xi32, #tpu.memory_space<vmem>>, vector<16xi32>,
      tpu.vector_store %arg9[%swap3A_157], %get3A_156 {strides = array<i32>} : memref<96xi32, #tpu.memory_space<vmem>>, vector<16xi32>,
      %dma_start3A_159 = arith.constant 0 : i32
      %dma_start3A_160 = arith.constant 0 : i32
      %dma_start3A_161 = tpu.memref_slice %arg15[%dma_start3A_159, %dma_start3A_160] : memref<10240x128xf32, #tpu.memory_space<vmem_shared>> -> memref<10240x128xf32, #tpu.memory_space<vmem_shared>>
      tpu.enqueue_indirect_dma source(%arg13 : memref<96x128xf32, #tpu.memory_space<vmem>>) target(%dma_start3A_161 : memref<10240x128xf32, #tpu.memory_space<vmem_shared>>) offsets(%arg9 : memref<96xi32, #tpu.memory_space<vmem>>) semaphore(%arg18 : memref<!tpu.dma_semaphore, #tpu.memory_space<semaphore_mem>>) {add = true}
      %lt3A = arith.constant 53 : i32
      %lt3A_162 = arith.cmpi slt, %scan3A_64, %lt3A : i32
      %convert_element_type3A_163 = arith.extui %lt3A_162 : i1 to i32
      %cond3A_164 = arith.constant 0 : i32
      %cond3A_165 = arith.cmpi ne, %convert_element_type3A_163, %cond3A_164 : i32
      scf.if %cond3A_165 {
        %mul3A_244 = arith.constant 2 : i32
        %mul3A_245 = arith.muli %mul3A_244, %scan3A_64 : i32
        %add3A_246 = arith.constant 2 : i32
        %add3A_247 = arith.addi %mul3A_245, %add3A_246 : i32
        %dma_start3A_248 = arith.constant 0 : i32
        %dma_start3A_249 = arith.constant 0 : i32
        %dma_start3A_250 = tpu.memref_slice %arg2[%add3A, %add3A_247, %dma_start3A_248, %dma_start3A_249] : memref<32x108x3x96xi32, #tpu.memory_space<hbm>> -> memref<1x1x3x96xi32, #tpu.memory_space<hbm>>
        %dma_start3A_251 = tpu.memref_squeeze %dma_start3A_250 : memref<1x1x3x96xi32, #tpu.memory_space<hbm>> -> memref<3x96xi32, #tpu.memory_space<hbm>>
        %dma_start3A_252 = arith.constant 0 : i32
        %dma_start3A_253 = arith.constant 0 : i32
        %dma_start3A_254 = tpu.memref_slice %arg2[%add3A, %add3A_247, %dma_start3A_252, %dma_start3A_253] : memref<32x108x3x96xi32, #tpu.memory_space<hbm>> -> memref<1x1x3x96xi32, #tpu.memory_space<hbm>>
        %dma_start3A_255 = tpu.memref_squeeze %dma_start3A_254 : memref<1x1x3x96xi32, #tpu.memory_space<hbm>> -> memref<3x96xi32, #tpu.memory_space<hbm>>
        tpu.enqueue_dma source(%dma_start3A_255 : memref<3x96xi32, #tpu.memory_space<hbm>>) target(%arg7 : memref<3x96xi32, #tpu.memory_space<vmem>>) target_semaphore(%arg20 : memref<!tpu.dma_semaphore, #tpu.memory_space<semaphore_mem>>)
      } else {
      }
      %dma_wait3A_166 = arith.constant 0 : i32
      %dma_wait3A_167 = arith.constant 0 : i32
      %dma_wait3A_168 = arith.constant 0 : i32
      %dma_wait3A_169 = tpu.memref_slice %arg14[%dma_wait3A_167, %dma_wait3A_168] : memref<96x128xf32, #tpu.memory_space<vmem>> -> memref<48x128xf32, #tpu.memory_space<vmem>>
      %dma_wait3A_170 = arith.constant 0 : i32
      %dma_wait3A_171 = tpu.memref_slice %arg8[%dma_wait3A_166, %dma_wait3A_170] : memref<3x96xi32, #tpu.memory_space<vmem>> -> memref<1x48xi32, #tpu.memory_space<vmem>>
      %dma_wait3A_172 = tpu.memref_squeeze %dma_wait3A_171 : memref<1x48xi32, #tpu.memory_space<vmem>> -> memref<48xi32, #tpu.memory_space<vmem>>
      %dma_wait3A_173 = arith.constant 0 : i32
      %dma_wait3A_174 = arith.constant 0 : i32
      %dma_wait3A_175 = tpu.memref_slice %arg4[%dma_wait3A_173, %dma_wait3A_174] : memref<10000x128xf32, #tpu.memory_space<hbm>> -> memref<10000x128xf32, #tpu.memory_space<hbm>>
      tpu.wait_indirect_dma semaphore(%arg17 : memref<!tpu.dma_semaphore, #tpu.memory_space<semaphore_mem>>) src(%dma_wait3A_175 : memref<10000x128xf32, #tpu.memory_space<hbm>>) dst(%dma_wait3A_169 : memref<48x128xf32, #tpu.memory_space<vmem>>)
      %dma_wait3A_176 = arith.constant 0 : i32
      %dma_wait3A_177 = arith.constant 48 : i32
      %dma_wait3A_178 = arith.constant 0 : i32
      %dma_wait3A_179 = tpu.memref_slice %arg14[%dma_wait3A_177, %dma_wait3A_178] : memref<96x128xf32, #tpu.memory_space<vmem>> -> memref<48x128xf32, #tpu.memory_space<vmem>>
      %dma_wait3A_180 = arith.constant 48 : i32
      %dma_wait3A_181 = tpu.memref_slice %arg8[%dma_wait3A_176, %dma_wait3A_180] : memref<3x96xi32, #tpu.memory_space<vmem>> -> memref<1x48xi32, #tpu.memory_space<vmem>>
      %dma_wait3A_182 = tpu.memref_squeeze %dma_wait3A_181 : memref<1x48xi32, #tpu.memory_space<vmem>> -> memref<48xi32, #tpu.memory_space<vmem>>
      %dma_wait3A_183 = arith.constant 0 : i32
      %dma_wait3A_184 = arith.constant 0 : i32
      %dma_wait3A_185 = tpu.memref_slice %arg4[%dma_wait3A_183, %dma_wait3A_184] : memref<10000x128xf32, #tpu.memory_space<hbm>> -> memref<10000x128xf32, #tpu.memory_space<hbm>>
      tpu.wait_indirect_dma semaphore(%arg17 : memref<!tpu.dma_semaphore, #tpu.memory_space<semaphore_mem>>) src(%dma_wait3A_185 : memref<10000x128xf32, #tpu.memory_space<hbm>>) dst(%dma_wait3A_179 : memref<48x128xf32, #tpu.memory_space<vmem>>)
      %dma_wait3A_186 = arith.constant 0 : i32
      %dma_wait3A_187 = arith.constant 0 : i32
      %dma_wait3A_188 = tpu.memref_slice %arg15[%dma_wait3A_186, %dma_wait3A_187] : memref<10240x128xf32, #tpu.memory_space<vmem_shared>> -> memref<10240x128xf32, #tpu.memory_space<vmem_shared>>
      tpu.wait_indirect_dma semaphore(%arg18 : memref<!tpu.dma_semaphore, #tpu.memory_space<semaphore_mem>>) src(%arg13 : memref<96x128xf32, #tpu.memory_space<vmem>>) dst(%dma_wait3A_188 : memref<10240x128xf32, #tpu.memory_space<vmem_shared>>)
      %lt3A_189 = arith.constant 53 : i32
      %lt3A_190 = arith.cmpi slt, %scan3A_64, %lt3A_189 : i32
      %convert_element_type3A_191 = arith.extui %lt3A_190 : i1 to i32
      %cond3A_192 = arith.constant 0 : i32
      %cond3A_193 = arith.cmpi ne, %convert_element_type3A_191, %cond3A_192 : i32
      scf.if %cond3A_193 {
        %mul3A_244 = arith.constant 2 : i32
        %mul3A_245 = arith.muli %mul3A_244, %scan3A_64 : i32
        %add3A_246 = arith.constant 2 : i32
        %add3A_247 = arith.addi %mul3A_245, %add3A_246 : i32
        %dma_wait3A_248 = arith.constant 0 : i32
        %dma_wait3A_249 = arith.constant 0 : i32
        %dma_wait3A_250 = tpu.memref_slice %arg2[%add3A, %add3A_247, %dma_wait3A_248, %dma_wait3A_249] : memref<32x108x3x96xi32, #tpu.memory_space<hbm>> -> memref<1x1x3x96xi32, #tpu.memory_space<hbm>>
        %dma_wait3A_251 = tpu.memref_squeeze %dma_wait3A_250 : memref<1x1x3x96xi32, #tpu.memory_space<hbm>> -> memref<3x96xi32, #tpu.memory_space<hbm>>
        %dma_wait3A_252 = arith.constant 0 : i32
        %dma_wait3A_253 = arith.constant 0 : i32
        %dma_wait3A_254 = tpu.memref_slice %arg2[%add3A, %add3A_247, %dma_wait3A_252, %dma_wait3A_253] : memref<32x108x3x96xi32, #tpu.memory_space<hbm>> -> memref<1x1x3x96xi32, #tpu.memory_space<hbm>>
        %dma_wait3A_255 = tpu.memref_squeeze %dma_wait3A_254 : memref<1x1x3x96xi32, #tpu.memory_space<hbm>> -> memref<3x96xi32, #tpu.memory_space<hbm>>
        tpu.wait_dma2 semaphore(%arg20 : memref<!tpu.dma_semaphore, #tpu.memory_space<semaphore_mem>>) src(%dma_wait3A_255 : memref<3x96xi32, #tpu.memory_space<hbm>>) dst(%arg7 : memref<3x96xi32, #tpu.memory_space<vmem>>)
        %dma_start3A_256 = arith.constant 0 : i32
        %dma_start3A_257 = arith.constant 0 : i32
        %dma_start3A_258 = arith.constant 0 : i32
        %dma_start3A_259 = tpu.memref_slice %arg13[%dma_start3A_257, %dma_start3A_258] : memref<96x128xf32, #tpu.memory_space<vmem>> -> memref<48x128xf32, #tpu.memory_space<vmem>>
        %dma_start3A_260 = arith.constant 0 : i32
        %dma_start3A_261 = tpu.memref_slice %arg7[%dma_start3A_256, %dma_start3A_260] : memref<3x96xi32, #tpu.memory_space<vmem>> -> memref<1x48xi32, #tpu.memory_space<vmem>>
        %dma_start3A_262 = tpu.memref_squeeze %dma_start3A_261 : memref<1x48xi32, #tpu.memory_space<vmem>> -> memref<48xi32, #tpu.memory_space<vmem>>
        %dma_start3A_263 = arith.constant 0 : i32
        %dma_start3A_264 = arith.constant 0 : i32
        %dma_start3A_265 = tpu.memref_slice %arg4[%dma_start3A_263, %dma_start3A_264] : memref<10000x128xf32, #tpu.memory_space<hbm>> -> memref<10000x128xf32, #tpu.memory_space<hbm>>
        tpu.enqueue_indirect_dma source(%dma_start3A_265 : memref<10000x128xf32, #tpu.memory_space<hbm>>) target(%dma_start3A_259 : memref<48x128xf32, #tpu.memory_space<vmem>>) offsets(%dma_start3A_262 : memref<48xi32, #tpu.memory_space<vmem>>) semaphore(%arg16 : memref<!tpu.dma_semaphore, #tpu.memory_space<semaphore_mem>>)
        %dma_start3A_266 = arith.constant 0 : i32
        %dma_start3A_267 = arith.constant 48 : i32
        %dma_start3A_268 = arith.constant 0 : i32
        %dma_start3A_269 = tpu.memref_slice %arg13[%dma_start3A_267, %dma_start3A_268] : memref<96x128xf32, #tpu.memory_space<vmem>> -> memref<48x128xf32, #tpu.memory_space<vmem>>
        %dma_start3A_270 = arith.constant 48 : i32
        %dma_start3A_271 = tpu.memref_slice %arg7[%dma_start3A_266, %dma_start3A_270] : memref<3x96xi32, #tpu.memory_space<vmem>> -> memref<1x48xi32, #tpu.memory_space<vmem>>
        %dma_start3A_272 = tpu.memref_squeeze %dma_start3A_271 : memref<1x48xi32, #tpu.memory_space<vmem>> -> memref<48xi32, #tpu.memory_space<vmem>>
        %dma_start3A_273 = arith.constant 0 : i32
        %dma_start3A_274 = arith.constant 0 : i32
        %dma_start3A_275 = tpu.memref_slice %arg4[%dma_start3A_273, %dma_start3A_274] : memref<10000x128xf32, #tpu.memory_space<hbm>> -> memref<10000x128xf32, #tpu.memory_space<hbm>>
        tpu.enqueue_indirect_dma source(%dma_start3A_275 : memref<10000x128xf32, #tpu.memory_space<hbm>>) target(%dma_start3A_269 : memref<48x128xf32, #tpu.memory_space<vmem>>) offsets(%dma_start3A_272 : memref<48xi32, #tpu.memory_space<vmem>>) semaphore(%arg16 : memref<!tpu.dma_semaphore, #tpu.memory_space<semaphore_mem>>)
      } else {
      }
      %scan3A_194 = arith.constant 0 : i32
      %scan3A_195 = arith.constant 0 : i32
      %scan3A_196 = arith.constant 6 : i32
      %scan3A_197 = arith.addi %scan3A_195, %scan3A_196 : i32
      %scan3A_198 = arith.constant 1 : i32
      scf.for %scan3A_244 = %scan3A_195 to %scan3A_197 step %scan3A_198  : i32 {
        %mul3A_245 = arith.constant 16 : i32
        %mul3A_246 = arith.muli %scan3A_244, %mul3A_245 : i32
        %get3A_247 = arith.constant 1 : i32
        %get3A_248 = arith.index_cast %get3A_247 : i32 to index
        %get3A_249 = arith.index_cast %mul3A_246 : i32 to index
        %get3A_250 = tpu.vector_load %arg8[%get3A_248, %get3A_249] {strides = array<i32>} : memref<3x96xi32, #tpu.memory_space<vmem>>, vector<16xi32>,
        %mul3A_251 = arith.constant 16 : i32
        %mul3A_252 = arith.muli %scan3A_244, %mul3A_251 : i32
        %get3A_253 = arith.constant 2 : i32
        %get3A_254 = arith.index_cast %get3A_253 : i32 to index
        %get3A_255 = arith.index_cast %mul3A_252 : i32 to index
        %get3A_256 = tpu.vector_load %arg8[%get3A_254, %get3A_255] {strides = array<i32>} : memref<3x96xi32, #tpu.memory_space<vmem>>, vector<16xi32>,
        %bitcast3A = vector.bitcast %get3A_256 : vector<16xi32> to vector<16xf32>
        %gather3A = tpu.vector_load_idx %arg11[%get3A_250] : memref<10240xf32, #tpu.memory_space<vmem>>[vector<16xi32>], vector<16xf32>,
        %sub3A = arith.subf %bitcast3A, %gather3A : vector<16xf32>
        %exp3A = math.exp %sub3A : vector<16xf32>
        tpu.vector_store_idx %arg12[%get3A_250], %exp3A {add = true} : memref<10240xf32, #tpu.memory_space<vmem>>[vector<16xi32>], vector<16xf32>,
        %broadcast_in_dim3A_257 = arith.constant 0 : i32
        %broadcast_in_dim3A_258 = vector.broadcast %broadcast_in_dim3A_257 : i32 to vector<16x1xi32>
        %gather3A_259 = vector.shape_cast %broadcast_in_dim3A_258 : vector<16x1xi32> to vector<16xi32>
        %gather3A_260 = tpu.dynamic_gather %exp3A[%gather3A_259] in [0] : vector<16xf32>, vector<16xi32> -> vector<16xf32>
        %mul3A_261 = arith.constant 16 : i32
        %mul3A_262 = arith.muli %scan3A_244, %mul3A_261 : i32
        %add3A_263 = arith.constant 0 : i32
        %add3A_264 = arith.addi %mul3A_262, %add3A_263 : i32
        %get3A_265 = arith.index_cast %add3A_264 : i32 to index
        %get3A_266 = arith.constant 0 : index
        %get3A_267 = tpu.vector_load %arg14[%get3A_265, %get3A_266] {strides = array<i32>} : memref<96x128xf32, #tpu.memory_space<vmem>>, vector<16xf32>,
        %mul3A_268 = arith.mulf %get3A_267, %gather3A_260 : vector<16xf32>
        %swap3A_269 = arith.index_cast %add3A_264 : i32 to index
        %swap3A_270 = arith.constant 0 : index
        %swap3A_271 = tpu.vector_load %arg14[%swap3A_269, %swap3A_270] {strides = array<i32>} : memref<96x128xf32, #tpu.memory_space<vmem>>, vector<16xf32>,
        tpu.vector_store %arg14[%swap3A_269, %swap3A_270], %mul3A_268 {strides = array<i32>} : memref<96x128xf32, #tpu.memory_space<vmem>>, vector<16xf32>,
        %get3A_272 = arith.index_cast %add3A_264 : i32 to index
        %get3A_273 = arith.constant 16 : index
        %get3A_274 = tpu.vector_load %arg14[%get3A_272, %get3A_273] {strides = array<i32>} : memref<96x128xf32, #tpu.memory_space<vmem>>, vector<16xf32>,
        %mul3A_275 = arith.mulf %get3A_274, %gather3A_260 : vector<16xf32>
        %swap3A_276 = arith.index_cast %add3A_264 : i32 to index
        %swap3A_277 = arith.constant 16 : index
        %swap3A_278 = tpu.vector_load %arg14[%swap3A_276, %swap3A_277] {strides = array<i32>} : memref<96x128xf32, #tpu.memory_space<vmem>>, vector<16xf32>,
        tpu.vector_store %arg14[%swap3A_276, %swap3A_277], %mul3A_275 {strides = array<i32>} : memref<96x128xf32, #tpu.memory_space<vmem>>, vector<16xf32>,
        %get3A_279 = arith.index_cast %add3A_264 : i32 to index
        %get3A_280 = arith.constant 32 : index
        %get3A_281 = tpu.vector_load %arg14[%get3A_279, %get3A_280] {strides = array<i32>} : memref<96x128xf32, #tpu.memory_space<vmem>>, vector<16xf32>,
        %mul3A_282 = arith.mulf %get3A_281, %gather3A_260 : vector<16xf32>
        %swap3A_283 = arith.index_cast %add3A_264 : i32 to index
        %swap3A_284 = arith.constant 32 : index
        %swap3A_285 = tpu.vector_load %arg14[%swap3A_283, %swap3A_284] {strides = array<i32>} : memref<96x128xf32, #tpu.memory_space<vmem>>, vector<16xf32>,
        tpu.vector_store %arg14[%swap3A_283, %swap3A_284], %mul3A_282 {strides = array<i32>} : memref<96x128xf32, #tpu.memory_space<vmem>>, vector<16xf32>,
        %get3A_286 = arith.index_cast %add3A_264 : i32 to index
        %get3A_287 = arith.constant 48 : index
        %get3A_288 = tpu.vector_load %arg14[%get3A_286, %get3A_287] {strides = array<i32>} : memref<96x128xf32, #tpu.memory_space<vmem>>, vector<16xf32>,
        %mul3A_289 = arith.mulf %get3A_288, %gather3A_260 : vector<16xf32>
        %swap3A_290 = arith.index_cast %add3A_264 : i32 to index
        %swap3A_291 = arith.constant 48 : index
        %swap3A_292 = tpu.vector_load %arg14[%swap3A_290, %swap3A_291] {strides = array<i32>} : memref<96x128xf32, #tpu.memory_space<vmem>>, vector<16xf32>,
        tpu.vector_store %arg14[%swap3A_290, %swap3A_291], %mul3A_289 {strides = array<i32>} : memref<96x128xf32, #tpu.memory_space<vmem>>, vector<16xf32>,
        %get3A_293 = arith.index_cast %add3A_264 : i32 to index
        %get3A_294 = arith.constant 64 : index
        %get3A_295 = tpu.vector_load %arg14[%get3A_293, %get3A_294] {strides = array<i32>} : memref<96x128xf32, #tpu.memory_space<vmem>>, vector<16xf32>,
        %mul3A_296 = arith.mulf %get3A_295, %gather3A_260 : vector<16xf32>
        %swap3A_297 = arith.index_cast %add3A_264 : i32 to index
        %swap3A_298 = arith.constant 64 : index
        %swap3A_299 = tpu.vector_load %arg14[%swap3A_297, %swap3A_298] {strides = array<i32>} : memref<96x128xf32, #tpu.memory_space<vmem>>, vector<16xf32>,
        tpu.vector_store %arg14[%swap3A_297, %swap3A_298], %mul3A_296 {strides = array<i32>} : memref<96x128xf32, #tpu.memory_space<vmem>>, vector<16xf32>,
        %get3A_300 = arith.index_cast %add3A_264 : i32 to index
        %get3A_301 = arith.constant 80 : index
        %get3A_302 = tpu.vector_load %arg14[%get3A_300, %get3A_301] {strides = array<i32>} : memref<96x128xf32, #tpu.memory_space<vmem>>, vector<16xf32>,
        %mul3A_303 = arith.mulf %get3A_302, %gather3A_260 : vector<16xf32>
        %swap3A_304 = arith.index_cast %add3A_264 : i32 to index
        %swap3A_305 = arith.constant 80 : index
        %swap3A_306 = tpu.vector_load %arg14[%swap3A_304, %swap3A_305] {strides = array<i32>} : memref<96x128xf32, #tpu.memory_space<vmem>>, vector<16xf32>,
        tpu.vector_store %arg14[%swap3A_304, %swap3A_305], %mul3A_303 {strides = array<i32>} : memref<96x128xf32, #tpu.memory_space<vmem>>, vector<16xf32>,
        %get3A_307 = arith.index_cast %add3A_264 : i32 to index
        %get3A_308 = arith.constant 96 : index
        %get3A_309 = tpu.vector_load %arg14[%get3A_307, %get3A_308] {strides = array<i32>} : memref<96x128xf32, #tpu.memory_space<vmem>>, vector<16xf32>,
        %mul3A_310 = arith.mulf %get3A_309, %gather3A_260 : vector<16xf32>
        %swap3A_311 = arith.index_cast %add3A_264 : i32 to index
        %swap3A_312 = arith.constant 96 : index
        %swap3A_313 = tpu.vector_load %arg14[%swap3A_311, %swap3A_312] {strides = array<i32>} : memref<96x128xf32, #tpu.memory_space<vmem>>, vector<16xf32>,
        tpu.vector_store %arg14[%swap3A_311, %swap3A_312], %mul3A_310 {strides = array<i32>} : memref<96x128xf32, #tpu.memory_space<vmem>>, vector<16xf32>,
        %get3A_314 = arith.index_cast %add3A_264 : i32 to index
        %get3A_315 = arith.constant 112 : index
        %get3A_316 = tpu.vector_load %arg14[%get3A_314, %get3A_315] {strides = array<i32>} : memref<96x128xf32, #tpu.memory_space<vmem>>, vector<16xf32>,
        %mul3A_317 = arith.mulf %get3A_316, %gather3A_260 : vector<16xf32>
        %swap3A_318 = arith.index_cast %add3A_264 : i32 to index
        %swap3A_319 = arith.constant 112 : index
        %swap3A_320 = tpu.vector_load %arg14[%swap3A_318, %swap3A_319] {strides = array<i32>} : memref<96x128xf32, #tpu.memory_space<vmem>>, vector<16xf32>,
        tpu.vector_store %arg14[%swap3A_318, %swap3A_319], %mul3A_317 {strides = array<i32>} : memref<96x128xf32, #tpu.memory_space<vmem>>, vector<16xf32>,
        %broadcast_in_dim3A_321 = arith.constant 1 : i32
        %broadcast_in_dim3A_322 = vector.broadcast %broadcast_in_dim3A_321 : i32 to vector<16x1xi32>
        %gather3A_323 = vector.shape_cast %broadcast_in_dim3A_322 : vector<16x1xi32> to vector<16xi32>
        %gather3A_324 = tpu.dynamic_gather %exp3A[%gather3A_323] in [0] : vector<16xf32>, vector<16xi32> -> vector<16xf32>
        %mul3A_325 = arith.constant 16 : i32
        %mul3A_326 = arith.muli %scan3A_244, %mul3A_325 : i32
        %add3A_327 = arith.constant 1 : i32
        %add3A_328 = arith.addi %mul3A_326, %add3A_327 : i32
        %get3A_329 = arith.index_cast %add3A_328 : i32 to index
        %get3A_330 = arith.constant 0 : index
        %get3A_331 = tpu.vector_load %arg14[%get3A_329, %get3A_330] {strides = array<i32>} : memref<96x128xf32, #tpu.memory_space<vmem>>, vector<16xf32>,
        %mul3A_332 = arith.mulf %get3A_331, %gather3A_324 : vector<16xf32>
        %swap3A_333 = arith.index_cast %add3A_328 : i32 to index
        %swap3A_334 = arith.constant 0 : index
        %swap3A_335 = tpu.vector_load %arg14[%swap3A_333, %swap3A_334] {strides = array<i32>} : memref<96x128xf32, #tpu.memory_space<vmem>>, vector<16xf32>,
        tpu.vector_store %arg14[%swap3A_333, %swap3A_334], %mul3A_332 {strides = array<i32>} : memref<96x128xf32, #tpu.memory_space<vmem>>, vector<16xf32>,
        %get3A_336 = arith.index_cast %add3A_328 : i32 to index
        %get3A_337 = arith.constant 16 : index
        %get3A_338 = tpu.vector_load %arg14[%get3A_336, %get3A_337] {strides = array<i32>} : memref<96x128xf32, #tpu.memory_space<vmem>>, vector<16xf32>,
        %mul3A_339 = arith.mulf %get3A_338, %gather3A_324 : vector<16xf32>
        %swap3A_340 = arith.index_cast %add3A_328 : i32 to index
        %swap3A_341 = arith.constant 16 : index
        %swap3A_342 = tpu.vector_load %arg14[%swap3A_340, %swap3A_341] {strides = array<i32>} : memref<96x128xf32, #tpu.memory_space<vmem>>, vector<16xf32>,
        tpu.vector_store %arg14[%swap3A_340, %swap3A_341], %mul3A_339 {strides = array<i32>} : memref<96x128xf32, #tpu.memory_space<vmem>>, vector<16xf32>,
        %get3A_343 = arith.index_cast %add3A_328 : i32 to index
        %get3A_344 = arith.constant 32 : index
        %get3A_345 = tpu.vector_load %arg14[%get3A_343, %get3A_344] {strides = array<i32>} : memref<96x128xf32, #tpu.memory_space<vmem>>, vector<16xf32>,
        %mul3A_346 = arith.mulf %get3A_345, %gather3A_324 : vector<16xf32>
        %swap3A_347 = arith.index_cast %add3A_328 : i32 to index
        %swap3A_348 = arith.constant 32 : index
        %swap3A_349 = tpu.vector_load %arg14[%swap3A_347, %swap3A_348] {strides = array<i32>} : memref<96x128xf32, #tpu.memory_space<vmem>>, vector<16xf32>,
        tpu.vector_store %arg14[%swap3A_347, %swap3A_348], %mul3A_346 {strides = array<i32>} : memref<96x128xf32, #tpu.memory_space<vmem>>, vector<16xf32>,
        %get3A_350 = arith.index_cast %add3A_328 : i32 to index
        %get3A_351 = arith.constant 48 : index
        %get3A_352 = tpu.vector_load %arg14[%get3A_350, %get3A_351] {strides = array<i32>} : memref<96x128xf32, #tpu.memory_space<vmem>>, vector<16xf32>,
        %mul3A_353 = arith.mulf %get3A_352, %gather3A_324 : vector<16xf32>
        %swap3A_354 = arith.index_cast %add3A_328 : i32 to index
        %swap3A_355 = arith.constant 48 : index
        %swap3A_356 = tpu.vector_load %arg14[%swap3A_354, %swap3A_355] {strides = array<i32>} : memref<96x128xf32, #tpu.memory_space<vmem>>, vector<16xf32>,
        tpu.vector_store %arg14[%swap3A_354, %swap3A_355], %mul3A_353 {strides = array<i32>} : memref<96x128xf32, #tpu.memory_space<vmem>>, vector<16xf32>,
        %get3A_357 = arith.index_cast %add3A_328 : i32 to index
        %get3A_358 = arith.constant 64 : index
        %get3A_359 = tpu.vector_load %arg14[%get3A_357, %get3A_358] {strides = array<i32>} : memref<96x128xf32, #tpu.memory_space<vmem>>, vector<16xf32>,
        %mul3A_360 = arith.mulf %get3A_359, %gather3A_324 : vector<16xf32>
        %swap3A_361 = arith.index_cast %add3A_328 : i32 to index
        %swap3A_362 = arith.constant 64 : index
        %swap3A_363 = tpu.vector_load %arg14[%swap3A_361, %swap3A_362] {strides = array<i32>} : memref<96x128xf32, #tpu.memory_space<vmem>>, vector<16xf32>,
        tpu.vector_store %arg14[%swap3A_361, %swap3A_362], %mul3A_360 {strides = array<i32>} : memref<96x128xf32, #tpu.memory_space<vmem>>, vector<16xf32>,
        %get3A_364 = arith.index_cast %add3A_328 : i32 to index
        %get3A_365 = arith.constant 80 : index
        %get3A_366 = tpu.vector_load %arg14[%get3A_364, %get3A_365] {strides = array<i32>} : memref<96x128xf32, #tpu.memory_space<vmem>>, vector<16xf32>,
        %mul3A_367 = arith.mulf %get3A_366, %gather3A_324 : vector<16xf32>
        %swap3A_368 = arith.index_cast %add3A_328 : i32 to index
        %swap3A_369 = arith.constant 80 : index
        %swap3A_370 = tpu.vector_load %arg14[%swap3A_368, %swap3A_369] {strides = array<i32>} : memref<96x128xf32, #tpu.memory_space<vmem>>, vector<16xf32>,
        tpu.vector_store %arg14[%swap3A_368, %swap3A_369], %mul3A_367 {strides = array<i32>} : memref<96x128xf32, #tpu.memory_space<vmem>>, vector<16xf32>,
        %get3A_371 = arith.index_cast %add3A_328 : i32 to index
        %get3A_372 = arith.constant 96 : index
        %get3A_373 = tpu.vector_load %arg14[%get3A_371, %get3A_372] {strides = array<i32>} : memref<96x128xf32, #tpu.memory_space<vmem>>, vector<16xf32>,
        %mul3A_374 = arith.mulf %get3A_373, %gather3A_324 : vector<16xf32>
        %swap3A_375 = arith.index_cast %add3A_328 : i32 to index
        %swap3A_376 = arith.constant 96 : index
        %swap3A_377 = tpu.vector_load %arg14[%swap3A_375, %swap3A_376] {strides = array<i32>} : memref<96x128xf32, #tpu.memory_space<vmem>>, vector<16xf32>,
        tpu.vector_store %arg14[%swap3A_375, %swap3A_376], %mul3A_374 {strides = array<i32>} : memref<96x128xf32, #tpu.memory_space<vmem>>, vector<16xf32>,
        %get3A_378 = arith.index_cast %add3A_328 : i32 to index
        %get3A_379 = arith.constant 112 : index
        %get3A_380 = tpu.vector_load %arg14[%get3A_378, %get3A_379] {strides = array<i32>} : memref<96x128xf32, #tpu.memory_space<vmem>>, vector<16xf32>,
        %mul3A_381 = arith.mulf %get3A_380, %gather3A_324 : vector<16xf32>
        %swap3A_382 = arith.index_cast %add3A_328 : i32 to index
        %swap3A_383 = arith.constant 112 : index
        %swap3A_384 = tpu.vector_load %arg14[%swap3A_382, %swap3A_383] {strides = array<i32>} : memref<96x128xf32, #tpu.memory_space<vmem>>, vector<16xf32>,
        tpu.vector_store %arg14[%swap3A_382, %swap3A_383], %mul3A_381 {strides = array<i32>} : memref<96x128xf32, #tpu.memory_space<vmem>>, vector<16xf32>,
        %broadcast_in_dim3A_385 = arith.constant 2 : i32
        %broadcast_in_dim3A_386 = vector.broadcast %broadcast_in_dim3A_385 : i32 to vector<16x1xi32>
        %gather3A_387 = vector.shape_cast %broadcast_in_dim3A_386 : vector<16x1xi32> to vector<16xi32>
        %gather3A_388 = tpu.dynamic_gather %exp3A[%gather3A_387] in [0] : vector<16xf32>, vector<16xi32> -> vector<16xf32>
        %mul3A_389 = arith.constant 16 : i32
        %mul3A_390 = arith.muli %scan3A_244, %mul3A_389 : i32
        %add3A_391 = arith.constant 2 : i32
        %add3A_392 = arith.addi %mul3A_390, %add3A_391 : i32
        %get3A_393 = arith.index_cast %add3A_392 : i32 to index
        %get3A_394 = arith.constant 0 : index
        %get3A_395 = tpu.vector_load %arg14[%get3A_393, %get3A_394] {strides = array<i32>} : memref<96x128xf32, #tpu.memory_space<vmem>>, vector<16xf32>,
        %mul3A_396 = arith.mulf %get3A_395, %gather3A_388 : vector<16xf32>
        %swap3A_397 = arith.index_cast %add3A_392 : i32 to index
        %swap3A_398 = arith.constant 0 : index
        %swap3A_399 = tpu.vector_load %arg14[%swap3A_397, %swap3A_398] {strides = array<i32>} : memref<96x128xf32, #tpu.memory_space<vmem>>, vector<16xf32>,
        tpu.vector_store %arg14[%swap3A_397, %swap3A_398], %mul3A_396 {strides = array<i32>} : memref<96x128xf32, #tpu.memory_space<vmem>>, vector<16xf32>,
        %get3A_400 = arith.index_cast %add3A_392 : i32 to index
        %get3A_401 = arith.constant 16 : index
        %get3A_402 = tpu.vector_load %arg14[%get3A_400, %get3A_401] {strides = array<i32>} : memref<96x128xf32, #tpu.memory_space<vmem>>, vector<16xf32>,
        %mul3A_403 = arith.mulf %get3A_402, %gather3A_388 : vector<16xf32>
        %swap3A_404 = arith.index_cast %add3A_392 : i32 to index
        %swap3A_405 = arith.constant 16 : index
        %swap3A_406 = tpu.vector_load %arg14[%swap3A_404, %swap3A_405] {strides = array<i32>} : memref<96x128xf32, #tpu.memory_space<vmem>>, vector<16xf32>,
        tpu.vector_store %arg14[%swap3A_404, %swap3A_405], %mul3A_403 {strides = array<i32>} : memref<96x128xf32, #tpu.memory_space<vmem>>, vector<16xf32>,
        %get3A_407 = arith.index_cast %add3A_392 : i32 to index
        %get3A_408 = arith.constant 32 : index
        %get3A_409 = tpu.vector_load %arg14[%get3A_407, %get3A_408] {strides = array<i32>} : memref<96x128xf32, #tpu.memory_space<vmem>>, vector<16xf32>,
        %mul3A_410 = arith.mulf %get3A_409, %gather3A_388 : vector<16xf32>
        %swap3A_411 = arith.index_cast %add3A_392 : i32 to index
        %swap3A_412 = arith.constant 32 : index
        %swap3A_413 = tpu.vector_load %arg14[%swap3A_411, %swap3A_412] {strides = array<i32>} : memref<96x128xf32, #tpu.memory_space<vmem>>, vector<16xf32>,
        tpu.vector_store %arg14[%swap3A_411, %swap3A_412], %mul3A_410 {strides = array<i32>} : memref<96x128xf32, #tpu.memory_space<vmem>>, vector<16xf32>,
        %get3A_414 = arith.index_cast %add3A_392 : i32 to index
        %get3A_415 = arith.constant 48 : index
        %get3A_416 = tpu.vector_load %arg14[%get3A_414, %get3A_415] {strides = array<i32>} : memref<96x128xf32, #tpu.memory_space<vmem>>, vector<16xf32>,
        %mul3A_417 = arith.mulf %get3A_416, %gather3A_388 : vector<16xf32>
        %swap3A_418 = arith.index_cast %add3A_392 : i32 to index
        %swap3A_419 = arith.constant 48 : index
        %swap3A_420 = tpu.vector_load %arg14[%swap3A_418, %swap3A_419] {strides = array<i32>} : memref<96x128xf32, #tpu.memory_space<vmem>>, vector<16xf32>,
        tpu.vector_store %arg14[%swap3A_418, %swap3A_419], %mul3A_417 {strides = array<i32>} : memref<96x128xf32, #tpu.memory_space<vmem>>, vector<16xf32>,
        %get3A_421 = arith.index_cast %add3A_392 : i32 to index
        %get3A_422 = arith.constant 64 : index
        %get3A_423 = tpu.vector_load %arg14[%get3A_421, %get3A_422] {strides = array<i32>} : memref<96x128xf32, #tpu.memory_space<vmem>>, vector<16xf32>,
        %mul3A_424 = arith.mulf %get3A_423, %gather3A_388 : vector<16xf32>
        %swap3A_425 = arith.index_cast %add3A_392 : i32 to index
        %swap3A_426 = arith.constant 64 : index
        %swap3A_427 = tpu.vector_load %arg14[%swap3A_425, %swap3A_426] {strides = array<i32>} : memref<96x128xf32, #tpu.memory_space<vmem>>, vector<16xf32>,
        tpu.vector_store %arg14[%swap3A_425, %swap3A_426], %mul3A_424 {strides = array<i32>} : memref<96x128xf32, #tpu.memory_space<vmem>>, vector<16xf32>,
        %get3A_428 = arith.index_cast %add3A_392 : i32 to index
        %get3A_429 = arith.constant 80 : index
        %get3A_430 = tpu.vector_load %arg14[%get3A_428, %get3A_429] {strides = array<i32>} : memref<96x128xf32, #tpu.memory_space<vmem>>, vector<16xf32>,
        %mul3A_431 = arith.mulf %get3A_430, %gather3A_388 : vector<16xf32>
        %swap3A_432 = arith.index_cast %add3A_392 : i32 to index
        %swap3A_433 = arith.constant 80 : index
        %swap3A_434 = tpu.vector_load %arg14[%swap3A_432, %swap3A_433] {strides = array<i32>} : memref<96x128xf32, #tpu.memory_space<vmem>>, vector<16xf32>,
        tpu.vector_store %arg14[%swap3A_432, %swap3A_433], %mul3A_431 {strides = array<i32>} : memref<96x128xf32, #tpu.memory_space<vmem>>, vector<16xf32>,
        %get3A_435 = arith.index_cast %add3A_392 : i32 to index
        %get3A_436 = arith.constant 96 : index
        %get3A_437 = tpu.vector_load %arg14[%get3A_435, %get3A_436] {strides = array<i32>} : memref<96x128xf32, #tpu.memory_space<vmem>>, vector<16xf32>,
        %mul3A_438 = arith.mulf %get3A_437, %gather3A_388 : vector<16xf32>
        %swap3A_439 = arith.index_cast %add3A_392 : i32 to index
        %swap3A_440 = arith.constant 96 : index
        %swap3A_441 = tpu.vector_load %arg14[%swap3A_439, %swap3A_440] {strides = array<i32>} : memref<96x128xf32, #tpu.memory_space<vmem>>, vector<16xf32>,
        tpu.vector_store %arg14[%swap3A_439, %swap3A_440], %mul3A_438 {strides = array<i32>} : memref<96x128xf32, #tpu.memory_space<vmem>>, vector<16xf32>,
        %get3A_442 = arith.index_cast %add3A_392 : i32 to index
        %get3A_443 = arith.constant 112 : index
        %get3A_444 = tpu.vector_load %arg14[%get3A_442, %get3A_443] {strides = array<i32>} : memref<96x128xf32, #tpu.memory_space<vmem>>, vector<16xf32>,
        %mul3A_445 = arith.mulf %get3A_444, %gather3A_388 : vector<16xf32>
        %swap3A_446 = arith.index_cast %add3A_392 : i32 to index
        %swap3A_447 = arith.constant 112 : index
        %swap3A_448 = tpu.vector_load %arg14[%swap3A_446, %swap3A_447] {strides = array<i32>} : memref<96x128xf32, #tpu.memory_space<vmem>>, vector<16xf32>,
        tpu.vector_store %arg14[%swap3A_446, %swap3A_447], %mul3A_445 {strides = array<i32>} : memref<96x128xf32, #tpu.memory_space<vmem>>, vector<16xf32>,
        %broadcast_in_dim3A_449 = arith.constant 3 : i32
        %broadcast_in_dim3A_450 = vector.broadcast %broadcast_in_dim3A_449 : i32 to vector<16x1xi32>
        %gather3A_451 = vector.shape_cast %broadcast_in_dim3A_450 : vector<16x1xi32> to vector<16xi32>
        %gather3A_452 = tpu.dynamic_gather %exp3A[%gather3A_451] in [0] : vector<16xf32>, vector<16xi32> -> vector<16xf32>
        %mul3A_453 = arith.constant 16 : i32
        %mul3A_454 = arith.muli %scan3A_244, %mul3A_453 : i32
        %add3A_455 = arith.constant 3 : i32
        %add3A_456 = arith.addi %mul3A_454, %add3A_455 : i32
        %get3A_457 = arith.index_cast %add3A_456 : i32 to index
        %get3A_458 = arith.constant 0 : index
        %get3A_459 = tpu.vector_load %arg14[%get3A_457, %get3A_458] {strides = array<i32>} : memref<96x128xf32, #tpu.memory_space<vmem>>, vector<16xf32>,
        %mul3A_460 = arith.mulf %get3A_459, %gather3A_452 : vector<16xf32>
        %swap3A_461 = arith.index_cast %add3A_456 : i32 to index
        %swap3A_462 = arith.constant 0 : index
        %swap3A_463 = tpu.vector_load %arg14[%swap3A_461, %swap3A_462] {strides = array<i32>} : memref<96x128xf32, #tpu.memory_space<vmem>>, vector<16xf32>,
        tpu.vector_store %arg14[%swap3A_461, %swap3A_462], %mul3A_460 {strides = array<i32>} : memref<96x128xf32, #tpu.memory_space<vmem>>, vector<16xf32>,
        %get3A_464 = arith.index_cast %add3A_456 : i32 to index
        %get3A_465 = arith.constant 16 : index
        %get3A_466 = tpu.vector_load %arg14[%get3A_464, %get3A_465] {strides = array<i32>} : memref<96x128xf32, #tpu.memory_space<vmem>>, vector<16xf32>,
        %mul3A_467 = arith.mulf %get3A_466, %gather3A_452 : vector<16xf32>
        %swap3A_468 = arith.index_cast %add3A_456 : i32 to index
        %swap3A_469 = arith.constant 16 : index
        %swap3A_470 = tpu.vector_load %arg14[%swap3A_468, %swap3A_469] {strides = array<i32>} : memref<96x128xf32, #tpu.memory_space<vmem>>, vector<16xf32>,
        tpu.vector_store %arg14[%swap3A_468, %swap3A_469], %mul3A_467 {strides = array<i32>} : memref<96x128xf32, #tpu.memory_space<vmem>>, vector<16xf32>,
        %get3A_471 = arith.index_cast %add3A_456 : i32 to index
        %get3A_472 = arith.constant 32 : index
        %get3A_473 = tpu.vector_load %arg14[%get3A_471, %get3A_472] {strides = array<i32>} : memref<96x128xf32, #tpu.memory_space<vmem>>, vector<16xf32>,
        %mul3A_474 = arith.mulf %get3A_473, %gather3A_452 : vector<16xf32>
        %swap3A_475 = arith.index_cast %add3A_456 : i32 to index
        %swap3A_476 = arith.constant 32 : index
        %swap3A_477 = tpu.vector_load %arg14[%swap3A_475, %swap3A_476] {strides = array<i32>} : memref<96x128xf32, #tpu.memory_space<vmem>>, vector<16xf32>,
        tpu.vector_store %arg14[%swap3A_475, %swap3A_476], %mul3A_474 {strides = array<i32>} : memref<96x128xf32, #tpu.memory_space<vmem>>, vector<16xf32>,
        %get3A_478 = arith.index_cast %add3A_456 : i32 to index
        %get3A_479 = arith.constant 48 : index
        %get3A_480 = tpu.vector_load %arg14[%get3A_478, %get3A_479] {strides = array<i32>} : memref<96x128xf32, #tpu.memory_space<vmem>>, vector<16xf32>,
        %mul3A_481 = arith.mulf %get3A_480, %gather3A_452 : vector<16xf32>
        %swap3A_482 = arith.index_cast %add3A_456 : i32 to index
        %swap3A_483 = arith.constant 48 : index
        %swap3A_484 = tpu.vector_load %arg14[%swap3A_482, %swap3A_483] {strides = array<i32>} : memref<96x128xf32, #tpu.memory_space<vmem>>, vector<16xf32>,
        tpu.vector_store %arg14[%swap3A_482, %swap3A_483], %mul3A_481 {strides = array<i32>} : memref<96x128xf32, #tpu.memory_space<vmem>>, vector<16xf32>,
        %get3A_485 = arith.index_cast %add3A_456 : i32 to index
        %get3A_486 = arith.constant 64 : index
        %get3A_487 = tpu.vector_load %arg14[%get3A_485, %get3A_486] {strides = array<i32>} : memref<96x128xf32, #tpu.memory_space<vmem>>, vector<16xf32>,
        %mul3A_488 = arith.mulf %get3A_487, %gather3A_452 : vector<16xf32>
        %swap3A_489 = arith.index_cast %add3A_456 : i32 to index
        %swap3A_490 = arith.constant 64 : index
        %swap3A_491 = tpu.vector_load %arg14[%swap3A_489, %swap3A_490] {strides = array<i32>} : memref<96x128xf32, #tpu.memory_space<vmem>>, vector<16xf32>,
        tpu.vector_store %arg14[%swap3A_489, %swap3A_490], %mul3A_488 {strides = array<i32>} : memref<96x128xf32, #tpu.memory_space<vmem>>, vector<16xf32>,
        %get3A_492 = arith.index_cast %add3A_456 : i32 to index
        %get3A_493 = arith.constant 80 : index
        %get3A_494 = tpu.vector_load %arg14[%get3A_492, %get3A_493] {strides = array<i32>} : memref<96x128xf32, #tpu.memory_space<vmem>>, vector<16xf32>,
        %mul3A_495 = arith.mulf %get3A_494, %gather3A_452 : vector<16xf32>
        %swap3A_496 = arith.index_cast %add3A_456 : i32 to index
        %swap3A_497 = arith.constant 80 : index
        %swap3A_498 = tpu.vector_load %arg14[%swap3A_496, %swap3A_497] {strides = array<i32>} : memref<96x128xf32, #tpu.memory_space<vmem>>, vector<16xf32>,
        tpu.vector_store %arg14[%swap3A_496, %swap3A_497], %mul3A_495 {strides = array<i32>} : memref<96x128xf32, #tpu.memory_space<vmem>>, vector<16xf32>,
        %get3A_499 = arith.index_cast %add3A_456 : i32 to index
        %get3A_500 = arith.constant 96 : index
        %get3A_501 = tpu.vector_load %arg14[%get3A_499, %get3A_500] {strides = array<i32>} : memref<96x128xf32, #tpu.memory_space<vmem>>, vector<16xf32>,
        %mul3A_502 = arith.mulf %get3A_501, %gather3A_452 : vector<16xf32>
        %swap3A_503 = arith.index_cast %add3A_456 : i32 to index
        %swap3A_504 = arith.constant 96 : index
        %swap3A_505 = tpu.vector_load %arg14[%swap3A_503, %swap3A_504] {strides = array<i32>} : memref<96x128xf32, #tpu.memory_space<vmem>>, vector<16xf32>,
        tpu.vector_store %arg14[%swap3A_503, %swap3A_504], %mul3A_502 {strides = array<i32>} : memref<96x128xf32, #tpu.memory_space<vmem>>, vector<16xf32>,
        %get3A_506 = arith.index_cast %add3A_456 : i32 to index
        %get3A_507 = arith.constant 112 : index
        %get3A_508 = tpu.vector_load %arg14[%get3A_506, %get3A_507] {strides = array<i32>} : memref<96x128xf32, #tpu.memory_space<vmem>>, vector<16xf32>,
        %mul3A_509 = arith.mulf %get3A_508, %gather3A_452 : vector<16xf32>
        %swap3A_510 = arith.index_cast %add3A_456 : i32 to index
        %swap3A_511 = arith.constant 112 : index
        %swap3A_512 = tpu.vector_load %arg14[%swap3A_510, %swap3A_511] {strides = array<i32>} : memref<96x128xf32, #tpu.memory_space<vmem>>, vector<16xf32>,
        tpu.vector_store %arg14[%swap3A_510, %swap3A_511], %mul3A_509 {strides = array<i32>} : memref<96x128xf32, #tpu.memory_space<vmem>>, vector<16xf32>,
        %broadcast_in_dim3A_513 = arith.constant 4 : i32
        %broadcast_in_dim3A_514 = vector.broadcast %broadcast_in_dim3A_513 : i32 to vector<16x1xi32>
        %gather3A_515 = vector.shape_cast %broadcast_in_dim3A_514 : vector<16x1xi32> to vector<16xi32>
        %gather3A_516 = tpu.dynamic_gather %exp3A[%gather3A_515] in [0] : vector<16xf32>, vector<16xi32> -> vector<16xf32>
        %mul3A_517 = arith.constant 16 : i32
        %mul3A_518 = arith.muli %scan3A_244, %mul3A_517 : i32
        %add3A_519 = arith.constant 4 : i32
        %add3A_520 = arith.addi %mul3A_518, %add3A_519 : i32
        %get3A_521 = arith.index_cast %add3A_520 : i32 to index
        %get3A_522 = arith.constant 0 : index
        %get3A_523 = tpu.vector_load %arg14[%get3A_521, %get3A_522] {strides = array<i32>} : memref<96x128xf32, #tpu.memory_space<vmem>>, vector<16xf32>,
        %mul3A_524 = arith.mulf %get3A_523, %gather3A_516 : vector<16xf32>
        %swap3A_525 = arith.index_cast %add3A_520 : i32 to index
        %swap3A_526 = arith.constant 0 : index
        %swap3A_527 = tpu.vector_load %arg14[%swap3A_525, %swap3A_526] {strides = array<i32>} : memref<96x128xf32, #tpu.memory_space<vmem>>, vector<16xf32>,
        tpu.vector_store %arg14[%swap3A_525, %swap3A_526], %mul3A_524 {strides = array<i32>} : memref<96x128xf32, #tpu.memory_space<vmem>>, vector<16xf32>,
        %get3A_528 = arith.index_cast %add3A_520 : i32 to index
        %get3A_529 = arith.constant 16 : index
        %get3A_530 = tpu.vector_load %arg14[%get3A_528, %get3A_529] {strides = array<i32>} : memref<96x128xf32, #tpu.memory_space<vmem>>, vector<16xf32>,
        %mul3A_531 = arith.mulf %get3A_530, %gather3A_516 : vector<16xf32>
        %swap3A_532 = arith.index_cast %add3A_520 : i32 to index
        %swap3A_533 = arith.constant 16 : index
        %swap3A_534 = tpu.vector_load %arg14[%swap3A_532, %swap3A_533] {strides = array<i32>} : memref<96x128xf32, #tpu.memory_space<vmem>>, vector<16xf32>,
        tpu.vector_store %arg14[%swap3A_532, %swap3A_533], %mul3A_531 {strides = array<i32>} : memref<96x128xf32, #tpu.memory_space<vmem>>, vector<16xf32>,
        %get3A_535 = arith.index_cast %add3A_520 : i32 to index
        %get3A_536 = arith.constant 32 : index
        %get3A_537 = tpu.vector_load %arg14[%get3A_535, %get3A_536] {strides = array<i32>} : memref<96x128xf32, #tpu.memory_space<vmem>>, vector<16xf32>,
        %mul3A_538 = arith.mulf %get3A_537, %gather3A_516 : vector<16xf32>
        %swap3A_539 = arith.index_cast %add3A_520 : i32 to index
        %swap3A_540 = arith.constant 32 : index
        %swap3A_541 = tpu.vector_load %arg14[%swap3A_539, %swap3A_540] {strides = array<i32>} : memref<96x128xf32, #tpu.memory_space<vmem>>, vector<16xf32>,
        tpu.vector_store %arg14[%swap3A_539, %swap3A_540], %mul3A_538 {strides = array<i32>} : memref<96x128xf32, #tpu.memory_space<vmem>>, vector<16xf32>,
        %get3A_542 = arith.index_cast %add3A_520 : i32 to index
        %get3A_543 = arith.constant 48 : index
        %get3A_544 = tpu.vector_load %arg14[%get3A_542, %get3A_543] {strides = array<i32>} : memref<96x128xf32, #tpu.memory_space<vmem>>, vector<16xf32>,
        %mul3A_545 = arith.mulf %get3A_544, %gather3A_516 : vector<16xf32>
        %swap3A_546 = arith.index_cast %add3A_520 : i32 to index
        %swap3A_547 = arith.constant 48 : index
        %swap3A_548 = tpu.vector_load %arg14[%swap3A_546, %swap3A_547] {strides = array<i32>} : memref<96x128xf32, #tpu.memory_space<vmem>>, vector<16xf32>,
        tpu.vector_store %arg14[%swap3A_546, %swap3A_547], %mul3A_545 {strides = array<i32>} : memref<96x128xf32, #tpu.memory_space<vmem>>, vector<16xf32>,
        %get3A_549 = arith.index_cast %add3A_520 : i32 to index
        %get3A_550 = arith.constant 64 : index
        %get3A_551 = tpu.vector_load %arg14[%get3A_549, %get3A_550] {strides = array<i32>} : memref<96x128xf32, #tpu.memory_space<vmem>>, vector<16xf32>,
        %mul3A_552 = arith.mulf %get3A_551, %gather3A_516 : vector<16xf32>
        %swap3A_553 = arith.index_cast %add3A_520 : i32 to index
        %swap3A_554 = arith.constant 64 : index
        %swap3A_555 = tpu.vector_load %arg14[%swap3A_553, %swap3A_554] {strides = array<i32>} : memref<96x128xf32, #tpu.memory_space<vmem>>, vector<16xf32>,
        tpu.vector_store %arg14[%swap3A_553, %swap3A_554], %mul3A_552 {strides = array<i32>} : memref<96x128xf32, #tpu.memory_space<vmem>>, vector<16xf32>,
        %get3A_556 = arith.index_cast %add3A_520 : i32 to index
        %get3A_557 = arith.constant 80 : index
        %get3A_558 = tpu.vector_load %arg14[%get3A_556, %get3A_557] {strides = array<i32>} : memref<96x128xf32, #tpu.memory_space<vmem>>, vector<16xf32>,
        %mul3A_559 = arith.mulf %get3A_558, %gather3A_516 : vector<16xf32>
        %swap3A_560 = arith.index_cast %add3A_520 : i32 to index
        %swap3A_561 = arith.constant 80 : index
        %swap3A_562 = tpu.vector_load %arg14[%swap3A_560, %swap3A_561] {strides = array<i32>} : memref<96x128xf32, #tpu.memory_space<vmem>>, vector<16xf32>,
        tpu.vector_store %arg14[%swap3A_560, %swap3A_561], %mul3A_559 {strides = array<i32>} : memref<96x128xf32, #tpu.memory_space<vmem>>, vector<16xf32>,
        %get3A_563 = arith.index_cast %add3A_520 : i32 to index
        %get3A_564 = arith.constant 96 : index
        %get3A_565 = tpu.vector_load %arg14[%get3A_563, %get3A_564] {strides = array<i32>} : memref<96x128xf32, #tpu.memory_space<vmem>>, vector<16xf32>,
        %mul3A_566 = arith.mulf %get3A_565, %gather3A_516 : vector<16xf32>
        %swap3A_567 = arith.index_cast %add3A_520 : i32 to index
        %swap3A_568 = arith.constant 96 : index
        %swap3A_569 = tpu.vector_load %arg14[%swap3A_567, %swap3A_568] {strides = array<i32>} : memref<96x128xf32, #tpu.memory_space<vmem>>, vector<16xf32>,
        tpu.vector_store %arg14[%swap3A_567, %swap3A_568], %mul3A_566 {strides = array<i32>} : memref<96x128xf32, #tpu.memory_space<vmem>>, vector<16xf32>,
        %get3A_570 = arith.index_cast %add3A_520 : i32 to index
        %get3A_571 = arith.constant 112 : index
        %get3A_572 = tpu.vector_load %arg14[%get3A_570, %get3A_571] {strides = array<i32>} : memref<96x128xf32, #tpu.memory_space<vmem>>, vector<16xf32>,
        %mul3A_573 = arith.mulf %get3A_572, %gather3A_516 : vector<16xf32>
        %swap3A_574 = arith.index_cast %add3A_520 : i32 to index
        %swap3A_575 = arith.constant 112 : index
        %swap3A_576 = tpu.vector_load %arg14[%swap3A_574, %swap3A_575] {strides = array<i32>} : memref<96x128xf32, #tpu.memory_space<vmem>>, vector<16xf32>,
        tpu.vector_store %arg14[%swap3A_574, %swap3A_575], %mul3A_573 {strides = array<i32>} : memref<96x128xf32, #tpu.memory_space<vmem>>, vector<16xf32>,
        %broadcast_in_dim3A_577 = arith.constant 5 : i32
        %broadcast_in_dim3A_578 = vector.broadcast %broadcast_in_dim3A_577 : i32 to vector<16x1xi32>
        %gather3A_579 = vector.shape_cast %broadcast_in_dim3A_578 : vector<16x1xi32> to vector<16xi32>
        %gather3A_580 = tpu.dynamic_gather %exp3A[%gather3A_579] in [0] : vector<16xf32>, vector<16xi32> -> vector<16xf32>
        %mul3A_581 = arith.constant 16 : i32
        %mul3A_582 = arith.muli %scan3A_244, %mul3A_581 : i32
        %add3A_583 = arith.constant 5 : i32
        %add3A_584 = arith.addi %mul3A_582, %add3A_583 : i32
        %get3A_585 = arith.index_cast %add3A_584 : i32 to index
        %get3A_586 = arith.constant 0 : index
        %get3A_587 = tpu.vector_load %arg14[%get3A_585, %get3A_586] {strides = array<i32>} : memref<96x128xf32, #tpu.memory_space<vmem>>, vector<16xf32>,
        %mul3A_588 = arith.mulf %get3A_587, %gather3A_580 : vector<16xf32>
        %swap3A_589 = arith.index_cast %add3A_584 : i32 to index
        %swap3A_590 = arith.constant 0 : index
        %swap3A_591 = tpu.vector_load %arg14[%swap3A_589, %swap3A_590] {strides = array<i32>} : memref<96x128xf32, #tpu.memory_space<vmem>>, vector<16xf32>,
        tpu.vector_store %arg14[%swap3A_589, %swap3A_590], %mul3A_588 {strides = array<i32>} : memref<96x128xf32, #tpu.memory_space<vmem>>, vector<16xf32>,
        %get3A_592 = arith.index_cast %add3A_584 : i32 to index
        %get3A_593 = arith.constant 16 : index
        %get3A_594 = tpu.vector_load %arg14[%get3A_592, %get3A_593] {strides = array<i32>} : memref<96x128xf32, #tpu.memory_space<vmem>>, vector<16xf32>,
        %mul3A_595 = arith.mulf %get3A_594, %gather3A_580 : vector<16xf32>
        %swap3A_596 = arith.index_cast %add3A_584 : i32 to index
        %swap3A_597 = arith.constant 16 : index
        %swap3A_598 = tpu.vector_load %arg14[%swap3A_596, %swap3A_597] {strides = array<i32>} : memref<96x128xf32, #tpu.memory_space<vmem>>, vector<16xf32>,
        tpu.vector_store %arg14[%swap3A_596, %swap3A_597], %mul3A_595 {strides = array<i32>} : memref<96x128xf32, #tpu.memory_space<vmem>>, vector<16xf32>,
        %get3A_599 = arith.index_cast %add3A_584 : i32 to index
        %get3A_600 = arith.constant 32 : index
        %get3A_601 = tpu.vector_load %arg14[%get3A_599, %get3A_600] {strides = array<i32>} : memref<96x128xf32, #tpu.memory_space<vmem>>, vector<16xf32>,
        %mul3A_602 = arith.mulf %get3A_601, %gather3A_580 : vector<16xf32>
        %swap3A_603 = arith.index_cast %add3A_584 : i32 to index
        %swap3A_604 = arith.constant 32 : index
        %swap3A_605 = tpu.vector_load %arg14[%swap3A_603, %swap3A_604] {strides = array<i32>} : memref<96x128xf32, #tpu.memory_space<vmem>>, vector<16xf32>,
        tpu.vector_store %arg14[%swap3A_603, %swap3A_604], %mul3A_602 {strides = array<i32>} : memref<96x128xf32, #tpu.memory_space<vmem>>, vector<16xf32>,
        %get3A_606 = arith.index_cast %add3A_584 : i32 to index
        %get3A_607 = arith.constant 48 : index
        %get3A_608 = tpu.vector_load %arg14[%get3A_606, %get3A_607] {strides = array<i32>} : memref<96x128xf32, #tpu.memory_space<vmem>>, vector<16xf32>,
        %mul3A_609 = arith.mulf %get3A_608, %gather3A_580 : vector<16xf32>
        %swap3A_610 = arith.index_cast %add3A_584 : i32 to index
        %swap3A_611 = arith.constant 48 : index
        %swap3A_612 = tpu.vector_load %arg14[%swap3A_610, %swap3A_611] {strides = array<i32>} : memref<96x128xf32, #tpu.memory_space<vmem>>, vector<16xf32>,
        tpu.vector_store %arg14[%swap3A_610, %swap3A_611], %mul3A_609 {strides = array<i32>} : memref<96x128xf32, #tpu.memory_space<vmem>>, vector<16xf32>,
        %get3A_613 = arith.index_cast %add3A_584 : i32 to index
        %get3A_614 = arith.constant 64 : index
        %get3A_615 = tpu.vector_load %arg14[%get3A_613, %get3A_614] {strides = array<i32>} : memref<96x128xf32, #tpu.memory_space<vmem>>, vector<16xf32>,
        %mul3A_616 = arith.mulf %get3A_615, %gather3A_580 : vector<16xf32>
        %swap3A_617 = arith.index_cast %add3A_584 : i32 to index
        %swap3A_618 = arith.constant 64 : index
        %swap3A_619 = tpu.vector_load %arg14[%swap3A_617, %swap3A_618] {strides = array<i32>} : memref<96x128xf32, #tpu.memory_space<vmem>>, vector<16xf32>,
        tpu.vector_store %arg14[%swap3A_617, %swap3A_618], %mul3A_616 {strides = array<i32>} : memref<96x128xf32, #tpu.memory_space<vmem>>, vector<16xf32>,
        %get3A_620 = arith.index_cast %add3A_584 : i32 to index
        %get3A_621 = arith.constant 80 : index
        %get3A_622 = tpu.vector_load %arg14[%get3A_620, %get3A_621] {strides = array<i32>} : memref<96x128xf32, #tpu.memory_space<vmem>>, vector<16xf32>,
        %mul3A_623 = arith.mulf %get3A_622, %gather3A_580 : vector<16xf32>
        %swap3A_624 = arith.index_cast %add3A_584 : i32 to index
        %swap3A_625 = arith.constant 80 : index
        %swap3A_626 = tpu.vector_load %arg14[%swap3A_624, %swap3A_625] {strides = array<i32>} : memref<96x128xf32, #tpu.memory_space<vmem>>, vector<16xf32>,
        tpu.vector_store %arg14[%swap3A_624, %swap3A_625], %mul3A_623 {strides = array<i32>} : memref<96x128xf32, #tpu.memory_space<vmem>>, vector<16xf32>,
        %get3A_627 = arith.index_cast %add3A_584 : i32 to index
        %get3A_628 = arith.constant 96 : index
        %get3A_629 = tpu.vector_load %arg14[%get3A_627, %get3A_628] {strides = array<i32>} : memref<96x128xf32, #tpu.memory_space<vmem>>, vector<16xf32>,
        %mul3A_630 = arith.mulf %get3A_629, %gather3A_580 : vector<16xf32>
        %swap3A_631 = arith.index_cast %add3A_584 : i32 to index
        %swap3A_632 = arith.constant 96 : index
        %swap3A_633 = tpu.vector_load %arg14[%swap3A_631, %swap3A_632] {strides = array<i32>} : memref<96x128xf32, #tpu.memory_space<vmem>>, vector<16xf32>,
        tpu.vector_store %arg14[%swap3A_631, %swap3A_632], %mul3A_630 {strides = array<i32>} : memref<96x128xf32, #tpu.memory_space<vmem>>, vector<16xf32>,
        %get3A_634 = arith.index_cast %add3A_584 : i32 to index
        %get3A_635 = arith.constant 112 : index
        %get3A_636 = tpu.vector_load %arg14[%get3A_634, %get3A_635] {strides = array<i32>} : memref<96x128xf32, #tpu.memory_space<vmem>>, vector<16xf32>,
        %mul3A_637 = arith.mulf %get3A_636, %gather3A_580 : vector<16xf32>
        %swap3A_638 = arith.index_cast %add3A_584 : i32 to index
        %swap3A_639 = arith.constant 112 : index
        %swap3A_640 = tpu.vector_load %arg14[%swap3A_638, %swap3A_639] {strides = array<i32>} : memref<96x128xf32, #tpu.memory_space<vmem>>, vector<16xf32>,
        tpu.vector_store %arg14[%swap3A_638, %swap3A_639], %mul3A_637 {strides = array<i32>} : memref<96x128xf32, #tpu.memory_space<vmem>>, vector<16xf32>,
        %broadcast_in_dim3A_641 = arith.constant 6 : i32
        %broadcast_in_dim3A_642 = vector.broadcast %broadcast_in_dim3A_641 : i32 to vector<16x1xi32>
        %gather3A_643 = vector.shape_cast %broadcast_in_dim3A_642 : vector<16x1xi32> to vector<16xi32>
        %gather3A_644 = tpu.dynamic_gather %exp3A[%gather3A_643] in [0] : vector<16xf32>, vector<16xi32> -> vector<16xf32>
        %mul3A_645 = arith.constant 16 : i32
        %mul3A_646 = arith.muli %scan3A_244, %mul3A_645 : i32
        %add3A_647 = arith.constant 6 : i32
        %add3A_648 = arith.addi %mul3A_646, %add3A_647 : i32
        %get3A_649 = arith.index_cast %add3A_648 : i32 to index
        %get3A_650 = arith.constant 0 : index
        %get3A_651 = tpu.vector_load %arg14[%get3A_649, %get3A_650] {strides = array<i32>} : memref<96x128xf32, #tpu.memory_space<vmem>>, vector<16xf32>,
        %mul3A_652 = arith.mulf %get3A_651, %gather3A_644 : vector<16xf32>
        %swap3A_653 = arith.index_cast %add3A_648 : i32 to index
        %swap3A_654 = arith.constant 0 : index
        %swap3A_655 = tpu.vector_load %arg14[%swap3A_653, %swap3A_654] {strides = array<i32>} : memref<96x128xf32, #tpu.memory_space<vmem>>, vector<16xf32>,
        tpu.vector_store %arg14[%swap3A_653, %swap3A_654], %mul3A_652 {strides = array<i32>} : memref<96x128xf32, #tpu.memory_space<vmem>>, vector<16xf32>,
        %get3A_656 = arith.index_cast %add3A_648 : i32 to index
        %get3A_657 = arith.constant 16 : index
        %get3A_658 = tpu.vector_load %arg14[%get3A_656, %get3A_657] {strides = array<i32>} : memref<96x128xf32, #tpu.memory_space<vmem>>, vector<16xf32>,
        %mul3A_659 = arith.mulf %get3A_658, %gather3A_644 : vector<16xf32>
        %swap3A_660 = arith.index_cast %add3A_648 : i32 to index
        %swap3A_661 = arith.constant 16 : index
        %swap3A_662 = tpu.vector_load %arg14[%swap3A_660, %swap3A_661] {strides = array<i32>} : memref<96x128xf32, #tpu.memory_space<vmem>>, vector<16xf32>,
        tpu.vector_store %arg14[%swap3A_660, %swap3A_661], %mul3A_659 {strides = array<i32>} : memref<96x128xf32, #tpu.memory_space<vmem>>, vector<16xf32>,
        %get3A_663 = arith.index_cast %add3A_648 : i32 to index
        %get3A_664 = arith.constant 32 : index
        %get3A_665 = tpu.vector_load %arg14[%get3A_663, %get3A_664] {strides = array<i32>} : memref<96x128xf32, #tpu.memory_space<vmem>>, vector<16xf32>,
        %mul3A_666 = arith.mulf %get3A_665, %gather3A_644 : vector<16xf32>
        %swap3A_667 = arith.index_cast %add3A_648 : i32 to index
        %swap3A_668 = arith.constant 32 : index
        %swap3A_669 = tpu.vector_load %arg14[%swap3A_667, %swap3A_668] {strides = array<i32>} : memref<96x128xf32, #tpu.memory_space<vmem>>, vector<16xf32>,
        tpu.vector_store %arg14[%swap3A_667, %swap3A_668], %mul3A_666 {strides = array<i32>} : memref<96x128xf32, #tpu.memory_space<vmem>>, vector<16xf32>,
        %get3A_670 = arith.index_cast %add3A_648 : i32 to index
        %get3A_671 = arith.constant 48 : index
        %get3A_672 = tpu.vector_load %arg14[%get3A_670, %get3A_671] {strides = array<i32>} : memref<96x128xf32, #tpu.memory_space<vmem>>, vector<16xf32>,
        %mul3A_673 = arith.mulf %get3A_672, %gather3A_644 : vector<16xf32>
        %swap3A_674 = arith.index_cast %add3A_648 : i32 to index
        %swap3A_675 = arith.constant 48 : index
        %swap3A_676 = tpu.vector_load %arg14[%swap3A_674, %swap3A_675] {strides = array<i32>} : memref<96x128xf32, #tpu.memory_space<vmem>>, vector<16xf32>,
        tpu.vector_store %arg14[%swap3A_674, %swap3A_675], %mul3A_673 {strides = array<i32>} : memref<96x128xf32, #tpu.memory_space<vmem>>, vector<16xf32>,
        %get3A_677 = arith.index_cast %add3A_648 : i32 to index
        %get3A_678 = arith.constant 64 : index
        %get3A_679 = tpu.vector_load %arg14[%get3A_677, %get3A_678] {strides = array<i32>} : memref<96x128xf32, #tpu.memory_space<vmem>>, vector<16xf32>,
        %mul3A_680 = arith.mulf %get3A_679, %gather3A_644 : vector<16xf32>
        %swap3A_681 = arith.index_cast %add3A_648 : i32 to index
        %swap3A_682 = arith.constant 64 : index
        %swap3A_683 = tpu.vector_load %arg14[%swap3A_681, %swap3A_682] {strides = array<i32>} : memref<96x128xf32, #tpu.memory_space<vmem>>, vector<16xf32>,
        tpu.vector_store %arg14[%swap3A_681, %swap3A_682], %mul3A_680 {strides = array<i32>} : memref<96x128xf32, #tpu.memory_space<vmem>>, vector<16xf32>,
        %get3A_684 = arith.index_cast %add3A_648 : i32 to index
        %get3A_685 = arith.constant 80 : index
        %get3A_686 = tpu.vector_load %arg14[%get3A_684, %get3A_685] {strides = array<i32>} : memref<96x128xf32, #tpu.memory_space<vmem>>, vector<16xf32>,
        %mul3A_687 = arith.mulf %get3A_686, %gather3A_644 : vector<16xf32>
        %swap3A_688 = arith.index_cast %add3A_648 : i32 to index
        %swap3A_689 = arith.constant 80 : index
        %swap3A_690 = tpu.vector_load %arg14[%swap3A_688, %swap3A_689] {strides = array<i32>} : memref<96x128xf32, #tpu.memory_space<vmem>>, vector<16xf32>,
        tpu.vector_store %arg14[%swap3A_688, %swap3A_689], %mul3A_687 {strides = array<i32>} : memref<96x128xf32, #tpu.memory_space<vmem>>, vector<16xf32>,
        %get3A_691 = arith.index_cast %add3A_648 : i32 to index
        %get3A_692 = arith.constant 96 : index
        %get3A_693 = tpu.vector_load %arg14[%get3A_691, %get3A_692] {strides = array<i32>} : memref<96x128xf32, #tpu.memory_space<vmem>>, vector<16xf32>,
        %mul3A_694 = arith.mulf %get3A_693, %gather3A_644 : vector<16xf32>
        %swap3A_695 = arith.index_cast %add3A_648 : i32 to index
        %swap3A_696 = arith.constant 96 : index
        %swap3A_697 = tpu.vector_load %arg14[%swap3A_695, %swap3A_696] {strides = array<i32>} : memref<96x128xf32, #tpu.memory_space<vmem>>, vector<16xf32>,
        tpu.vector_store %arg14[%swap3A_695, %swap3A_696], %mul3A_694 {strides = array<i32>} : memref<96x128xf32, #tpu.memory_space<vmem>>, vector<16xf32>,
        %get3A_698 = arith.index_cast %add3A_648 : i32 to index
        %get3A_699 = arith.constant 112 : index
        %get3A_700 = tpu.vector_load %arg14[%get3A_698, %get3A_699] {strides = array<i32>} : memref<96x128xf32, #tpu.memory_space<vmem>>, vector<16xf32>,
        %mul3A_701 = arith.mulf %get3A_700, %gather3A_644 : vector<16xf32>
        %swap3A_702 = arith.index_cast %add3A_648 : i32 to index
        %swap3A_703 = arith.constant 112 : index
        %swap3A_704 = tpu.vector_load %arg14[%swap3A_702, %swap3A_703] {strides = array<i32>} : memref<96x128xf32, #tpu.memory_space<vmem>>, vector<16xf32>,
        tpu.vector_store %arg14[%swap3A_702, %swap3A_703], %mul3A_701 {strides = array<i32>} : memref<96x128xf32, #tpu.memory_space<vmem>>, vector<16xf32>,
        %broadcast_in_dim3A_705 = arith.constant 7 : i32
        %broadcast_in_dim3A_706 = vector.broadcast %broadcast_in_dim3A_705 : i32 to vector<16x1xi32>
        %gather3A_707 = vector.shape_cast %broadcast_in_dim3A_706 : vector<16x1xi32> to vector<16xi32>
        %gather3A_708 = tpu.dynamic_gather %exp3A[%gather3A_707] in [0] : vector<16xf32>, vector<16xi32> -> vector<16xf32>
        %mul3A_709 = arith.constant 16 : i32
        %mul3A_710 = arith.muli %scan3A_244, %mul3A_709 : i32
        %add3A_711 = arith.constant 7 : i32
        %add3A_712 = arith.addi %mul3A_710, %add3A_711 : i32
        %get3A_713 = arith.index_cast %add3A_712 : i32 to index
        %get3A_714 = arith.constant 0 : index
        %get3A_715 = tpu.vector_load %arg14[%get3A_713, %get3A_714] {strides = array<i32>} : memref<96x128xf32, #tpu.memory_space<vmem>>, vector<16xf32>,
        %mul3A_716 = arith.mulf %get3A_715, %gather3A_708 : vector<16xf32>
        %swap3A_717 = arith.index_cast %add3A_712 : i32 to index
        %swap3A_718 = arith.constant 0 : index
        %swap3A_719 = tpu.vector_load %arg14[%swap3A_717, %swap3A_718] {strides = array<i32>} : memref<96x128xf32, #tpu.memory_space<vmem>>, vector<16xf32>,
        tpu.vector_store %arg14[%swap3A_717, %swap3A_718], %mul3A_716 {strides = array<i32>} : memref<96x128xf32, #tpu.memory_space<vmem>>, vector<16xf32>,
        %get3A_720 = arith.index_cast %add3A_712 : i32 to index
        %get3A_721 = arith.constant 16 : index
        %get3A_722 = tpu.vector_load %arg14[%get3A_720, %get3A_721] {strides = array<i32>} : memref<96x128xf32, #tpu.memory_space<vmem>>, vector<16xf32>,
        %mul3A_723 = arith.mulf %get3A_722, %gather3A_708 : vector<16xf32>
        %swap3A_724 = arith.index_cast %add3A_712 : i32 to index
        %swap3A_725 = arith.constant 16 : index
        %swap3A_726 = tpu.vector_load %arg14[%swap3A_724, %swap3A_725] {strides = array<i32>} : memref<96x128xf32, #tpu.memory_space<vmem>>, vector<16xf32>,
        tpu.vector_store %arg14[%swap3A_724, %swap3A_725], %mul3A_723 {strides = array<i32>} : memref<96x128xf32, #tpu.memory_space<vmem>>, vector<16xf32>,
        %get3A_727 = arith.index_cast %add3A_712 : i32 to index
        %get3A_728 = arith.constant 32 : index
        %get3A_729 = tpu.vector_load %arg14[%get3A_727, %get3A_728] {strides = array<i32>} : memref<96x128xf32, #tpu.memory_space<vmem>>, vector<16xf32>,
        %mul3A_730 = arith.mulf %get3A_729, %gather3A_708 : vector<16xf32>
        %swap3A_731 = arith.index_cast %add3A_712 : i32 to index
        %swap3A_732 = arith.constant 32 : index
        %swap3A_733 = tpu.vector_load %arg14[%swap3A_731, %swap3A_732] {strides = array<i32>} : memref<96x128xf32, #tpu.memory_space<vmem>>, vector<16xf32>,
        tpu.vector_store %arg14[%swap3A_731, %swap3A_732], %mul3A_730 {strides = array<i32>} : memref<96x128xf32, #tpu.memory_space<vmem>>, vector<16xf32>,
        %get3A_734 = arith.index_cast %add3A_712 : i32 to index
        %get3A_735 = arith.constant 48 : index
        %get3A_736 = tpu.vector_load %arg14[%get3A_734, %get3A_735] {strides = array<i32>} : memref<96x128xf32, #tpu.memory_space<vmem>>, vector<16xf32>,
        %mul3A_737 = arith.mulf %get3A_736, %gather3A_708 : vector<16xf32>
        %swap3A_738 = arith.index_cast %add3A_712 : i32 to index
        %swap3A_739 = arith.constant 48 : index
        %swap3A_740 = tpu.vector_load %arg14[%swap3A_738, %swap3A_739] {strides = array<i32>} : memref<96x128xf32, #tpu.memory_space<vmem>>, vector<16xf32>,
        tpu.vector_store %arg14[%swap3A_738, %swap3A_739], %mul3A_737 {strides = array<i32>} : memref<96x128xf32, #tpu.memory_space<vmem>>, vector<16xf32>,
        %get3A_741 = arith.index_cast %add3A_712 : i32 to index
        %get3A_742 = arith.constant 64 : index
        %get3A_743 = tpu.vector_load %arg14[%get3A_741, %get3A_742] {strides = array<i32>} : memref<96x128xf32, #tpu.memory_space<vmem>>, vector<16xf32>,
        %mul3A_744 = arith.mulf %get3A_743, %gather3A_708 : vector<16xf32>
        %swap3A_745 = arith.index_cast %add3A_712 : i32 to index
        %swap3A_746 = arith.constant 64 : index
        %swap3A_747 = tpu.vector_load %arg14[%swap3A_745, %swap3A_746] {strides = array<i32>} : memref<96x128xf32, #tpu.memory_space<vmem>>, vector<16xf32>,
        tpu.vector_store %arg14[%swap3A_745, %swap3A_746], %mul3A_744 {strides = array<i32>} : memref<96x128xf32, #tpu.memory_space<vmem>>, vector<16xf32>,
        %get3A_748 = arith.index_cast %add3A_712 : i32 to index
        %get3A_749 = arith.constant 80 : index
        %get3A_750 = tpu.vector_load %arg14[%get3A_748, %get3A_749] {strides = array<i32>} : memref<96x128xf32, #tpu.memory_space<vmem>>, vector<16xf32>,
        %mul3A_751 = arith.mulf %get3A_750, %gather3A_708 : vector<16xf32>
        %swap3A_752 = arith.index_cast %add3A_712 : i32 to index
        %swap3A_753 = arith.constant 80 : index
        %swap3A_754 = tpu.vector_load %arg14[%swap3A_752, %swap3A_753] {strides = array<i32>} : memref<96x128xf32, #tpu.memory_space<vmem>>, vector<16xf32>,
        tpu.vector_store %arg14[%swap3A_752, %swap3A_753], %mul3A_751 {strides = array<i32>} : memref<96x128xf32, #tpu.memory_space<vmem>>, vector<16xf32>,
        %get3A_755 = arith.index_cast %add3A_712 : i32 to index
        %get3A_756 = arith.constant 96 : index
        %get3A_757 = tpu.vector_load %arg14[%get3A_755, %get3A_756] {strides = array<i32>} : memref<96x128xf32, #tpu.memory_space<vmem>>, vector<16xf32>,
        %mul3A_758 = arith.mulf %get3A_757, %gather3A_708 : vector<16xf32>
        %swap3A_759 = arith.index_cast %add3A_712 : i32 to index
        %swap3A_760 = arith.constant 96 : index
        %swap3A_761 = tpu.vector_load %arg14[%swap3A_759, %swap3A_760] {strides = array<i32>} : memref<96x128xf32, #tpu.memory_space<vmem>>, vector<16xf32>,
        tpu.vector_store %arg14[%swap3A_759, %swap3A_760], %mul3A_758 {strides = array<i32>} : memref<96x128xf32, #tpu.memory_space<vmem>>, vector<16xf32>,
        %get3A_762 = arith.index_cast %add3A_712 : i32 to index
        %get3A_763 = arith.constant 112 : index
        %get3A_764 = tpu.vector_load %arg14[%get3A_762, %get3A_763] {strides = array<i32>} : memref<96x128xf32, #tpu.memory_space<vmem>>, vector<16xf32>,
        %mul3A_765 = arith.mulf %get3A_764, %gather3A_708 : vector<16xf32>
        %swap3A_766 = arith.index_cast %add3A_712 : i32 to index
        %swap3A_767 = arith.constant 112 : index
        %swap3A_768 = tpu.vector_load %arg14[%swap3A_766, %swap3A_767] {strides = array<i32>} : memref<96x128xf32, #tpu.memory_space<vmem>>, vector<16xf32>,
        tpu.vector_store %arg14[%swap3A_766, %swap3A_767], %mul3A_765 {strides = array<i32>} : memref<96x128xf32, #tpu.memory_space<vmem>>, vector<16xf32>,
        %broadcast_in_dim3A_769 = arith.constant 8 : i32
        %broadcast_in_dim3A_770 = vector.broadcast %broadcast_in_dim3A_769 : i32 to vector<16x1xi32>
        %gather3A_771 = vector.shape_cast %broadcast_in_dim3A_770 : vector<16x1xi32> to vector<16xi32>
        %gather3A_772 = tpu.dynamic_gather %exp3A[%gather3A_771] in [0] : vector<16xf32>, vector<16xi32> -> vector<16xf32>
        %mul3A_773 = arith.constant 16 : i32
        %mul3A_774 = arith.muli %scan3A_244, %mul3A_773 : i32
        %add3A_775 = arith.constant 8 : i32
        %add3A_776 = arith.addi %mul3A_774, %add3A_775 : i32
        %get3A_777 = arith.index_cast %add3A_776 : i32 to index
        %get3A_778 = arith.constant 0 : index
        %get3A_779 = tpu.vector_load %arg14[%get3A_777, %get3A_778] {strides = array<i32>} : memref<96x128xf32, #tpu.memory_space<vmem>>, vector<16xf32>,
        %mul3A_780 = arith.mulf %get3A_779, %gather3A_772 : vector<16xf32>
        %swap3A_781 = arith.index_cast %add3A_776 : i32 to index
        %swap3A_782 = arith.constant 0 : index
        %swap3A_783 = tpu.vector_load %arg14[%swap3A_781, %swap3A_782] {strides = array<i32>} : memref<96x128xf32, #tpu.memory_space<vmem>>, vector<16xf32>,
        tpu.vector_store %arg14[%swap3A_781, %swap3A_782], %mul3A_780 {strides = array<i32>} : memref<96x128xf32, #tpu.memory_space<vmem>>, vector<16xf32>,
        %get3A_784 = arith.index_cast %add3A_776 : i32 to index
        %get3A_785 = arith.constant 16 : index
        %get3A_786 = tpu.vector_load %arg14[%get3A_784, %get3A_785] {strides = array<i32>} : memref<96x128xf32, #tpu.memory_space<vmem>>, vector<16xf32>,
        %mul3A_787 = arith.mulf %get3A_786, %gather3A_772 : vector<16xf32>
        %swap3A_788 = arith.index_cast %add3A_776 : i32 to index
        %swap3A_789 = arith.constant 16 : index
        %swap3A_790 = tpu.vector_load %arg14[%swap3A_788, %swap3A_789] {strides = array<i32>} : memref<96x128xf32, #tpu.memory_space<vmem>>, vector<16xf32>,
        tpu.vector_store %arg14[%swap3A_788, %swap3A_789], %mul3A_787 {strides = array<i32>} : memref<96x128xf32, #tpu.memory_space<vmem>>, vector<16xf32>,
        %get3A_791 = arith.index_cast %add3A_776 : i32 to index
        %get3A_792 = arith.constant 32 : index
        %get3A_793 = tpu.vector_load %arg14[%get3A_791, %get3A_792] {strides = array<i32>} : memref<96x128xf32, #tpu.memory_space<vmem>>, vector<16xf32>,
        %mul3A_794 = arith.mulf %get3A_793, %gather3A_772 : vector<16xf32>
        %swap3A_795 = arith.index_cast %add3A_776 : i32 to index
        %swap3A_796 = arith.constant 32 : index
        %swap3A_797 = tpu.vector_load %arg14[%swap3A_795, %swap3A_796] {strides = array<i32>} : memref<96x128xf32, #tpu.memory_space<vmem>>, vector<16xf32>,
        tpu.vector_store %arg14[%swap3A_795, %swap3A_796], %mul3A_794 {strides = array<i32>} : memref<96x128xf32, #tpu.memory_space<vmem>>, vector<16xf32>,
        %get3A_798 = arith.index_cast %add3A_776 : i32 to index
        %get3A_799 = arith.constant 48 : index
        %get3A_800 = tpu.vector_load %arg14[%get3A_798, %get3A_799] {strides = array<i32>} : memref<96x128xf32, #tpu.memory_space<vmem>>, vector<16xf32>,
        %mul3A_801 = arith.mulf %get3A_800, %gather3A_772 : vector<16xf32>
        %swap3A_802 = arith.index_cast %add3A_776 : i32 to index
        %swap3A_803 = arith.constant 48 : index
        %swap3A_804 = tpu.vector_load %arg14[%swap3A_802, %swap3A_803] {strides = array<i32>} : memref<96x128xf32, #tpu.memory_space<vmem>>, vector<16xf32>,
        tpu.vector_store %arg14[%swap3A_802, %swap3A_803], %mul3A_801 {strides = array<i32>} : memref<96x128xf32, #tpu.memory_space<vmem>>, vector<16xf32>,
        %get3A_805 = arith.index_cast %add3A_776 : i32 to index
        %get3A_806 = arith.constant 64 : index
        %get3A_807 = tpu.vector_load %arg14[%get3A_805, %get3A_806] {strides = array<i32>} : memref<96x128xf32, #tpu.memory_space<vmem>>, vector<16xf32>,
        %mul3A_808 = arith.mulf %get3A_807, %gather3A_772 : vector<16xf32>
        %swap3A_809 = arith.index_cast %add3A_776 : i32 to index
        %swap3A_810 = arith.constant 64 : index
        %swap3A_811 = tpu.vector_load %arg14[%swap3A_809, %swap3A_810] {strides = array<i32>} : memref<96x128xf32, #tpu.memory_space<vmem>>, vector<16xf32>,
        tpu.vector_store %arg14[%swap3A_809, %swap3A_810], %mul3A_808 {strides = array<i32>} : memref<96x128xf32, #tpu.memory_space<vmem>>, vector<16xf32>,
        %get3A_812 = arith.index_cast %add3A_776 : i32 to index
        %get3A_813 = arith.constant 80 : index
        %get3A_814 = tpu.vector_load %arg14[%get3A_812, %get3A_813] {strides = array<i32>} : memref<96x128xf32, #tpu.memory_space<vmem>>, vector<16xf32>,
        %mul3A_815 = arith.mulf %get3A_814, %gather3A_772 : vector<16xf32>
        %swap3A_816 = arith.index_cast %add3A_776 : i32 to index
        %swap3A_817 = arith.constant 80 : index
        %swap3A_818 = tpu.vector_load %arg14[%swap3A_816, %swap3A_817] {strides = array<i32>} : memref<96x128xf32, #tpu.memory_space<vmem>>, vector<16xf32>,
        tpu.vector_store %arg14[%swap3A_816, %swap3A_817], %mul3A_815 {strides = array<i32>} : memref<96x128xf32, #tpu.memory_space<vmem>>, vector<16xf32>,
        %get3A_819 = arith.index_cast %add3A_776 : i32 to index
        %get3A_820 = arith.constant 96 : index
        %get3A_821 = tpu.vector_load %arg14[%get3A_819, %get3A_820] {strides = array<i32>} : memref<96x128xf32, #tpu.memory_space<vmem>>, vector<16xf32>,
        %mul3A_822 = arith.mulf %get3A_821, %gather3A_772 : vector<16xf32>
        %swap3A_823 = arith.index_cast %add3A_776 : i32 to index
        %swap3A_824 = arith.constant 96 : index
        %swap3A_825 = tpu.vector_load %arg14[%swap3A_823, %swap3A_824] {strides = array<i32>} : memref<96x128xf32, #tpu.memory_space<vmem>>, vector<16xf32>,
        tpu.vector_store %arg14[%swap3A_823, %swap3A_824], %mul3A_822 {strides = array<i32>} : memref<96x128xf32, #tpu.memory_space<vmem>>, vector<16xf32>,
        %get3A_826 = arith.index_cast %add3A_776 : i32 to index
        %get3A_827 = arith.constant 112 : index
        %get3A_828 = tpu.vector_load %arg14[%get3A_826, %get3A_827] {strides = array<i32>} : memref<96x128xf32, #tpu.memory_space<vmem>>, vector<16xf32>,
        %mul3A_829 = arith.mulf %get3A_828, %gather3A_772 : vector<16xf32>
        %swap3A_830 = arith.index_cast %add3A_776 : i32 to index
        %swap3A_831 = arith.constant 112 : index
        %swap3A_832 = tpu.vector_load %arg14[%swap3A_830, %swap3A_831] {strides = array<i32>} : memref<96x128xf32, #tpu.memory_space<vmem>>, vector<16xf32>,
        tpu.vector_store %arg14[%swap3A_830, %swap3A_831], %mul3A_829 {strides = array<i32>} : memref<96x128xf32, #tpu.memory_space<vmem>>, vector<16xf32>,
        %broadcast_in_dim3A_833 = arith.constant 9 : i32
        %broadcast_in_dim3A_834 = vector.broadcast %broadcast_in_dim3A_833 : i32 to vector<16x1xi32>
        %gather3A_835 = vector.shape_cast %broadcast_in_dim3A_834 : vector<16x1xi32> to vector<16xi32>
        %gather3A_836 = tpu.dynamic_gather %exp3A[%gather3A_835] in [0] : vector<16xf32>, vector<16xi32> -> vector<16xf32>
        %mul3A_837 = arith.constant 16 : i32
        %mul3A_838 = arith.muli %scan3A_244, %mul3A_837 : i32
        %add3A_839 = arith.constant 9 : i32
        %add3A_840 = arith.addi %mul3A_838, %add3A_839 : i32
        %get3A_841 = arith.index_cast %add3A_840 : i32 to index
        %get3A_842 = arith.constant 0 : index
        %get3A_843 = tpu.vector_load %arg14[%get3A_841, %get3A_842] {strides = array<i32>} : memref<96x128xf32, #tpu.memory_space<vmem>>, vector<16xf32>,
        %mul3A_844 = arith.mulf %get3A_843, %gather3A_836 : vector<16xf32>
        %swap3A_845 = arith.index_cast %add3A_840 : i32 to index
        %swap3A_846 = arith.constant 0 : index
        %swap3A_847 = tpu.vector_load %arg14[%swap3A_845, %swap3A_846] {strides = array<i32>} : memref<96x128xf32, #tpu.memory_space<vmem>>, vector<16xf32>,
        tpu.vector_store %arg14[%swap3A_845, %swap3A_846], %mul3A_844 {strides = array<i32>} : memref<96x128xf32, #tpu.memory_space<vmem>>, vector<16xf32>,
        %get3A_848 = arith.index_cast %add3A_840 : i32 to index
        %get3A_849 = arith.constant 16 : index
        %get3A_850 = tpu.vector_load %arg14[%get3A_848, %get3A_849] {strides = array<i32>} : memref<96x128xf32, #tpu.memory_space<vmem>>, vector<16xf32>,
        %mul3A_851 = arith.mulf %get3A_850, %gather3A_836 : vector<16xf32>
        %swap3A_852 = arith.index_cast %add3A_840 : i32 to index
        %swap3A_853 = arith.constant 16 : index
        %swap3A_854 = tpu.vector_load %arg14[%swap3A_852, %swap3A_853] {strides = array<i32>} : memref<96x128xf32, #tpu.memory_space<vmem>>, vector<16xf32>,
        tpu.vector_store %arg14[%swap3A_852, %swap3A_853], %mul3A_851 {strides = array<i32>} : memref<96x128xf32, #tpu.memory_space<vmem>>, vector<16xf32>,
        %get3A_855 = arith.index_cast %add3A_840 : i32 to index
        %get3A_856 = arith.constant 32 : index
        %get3A_857 = tpu.vector_load %arg14[%get3A_855, %get3A_856] {strides = array<i32>} : memref<96x128xf32, #tpu.memory_space<vmem>>, vector<16xf32>,
        %mul3A_858 = arith.mulf %get3A_857, %gather3A_836 : vector<16xf32>
        %swap3A_859 = arith.index_cast %add3A_840 : i32 to index
        %swap3A_860 = arith.constant 32 : index
        %swap3A_861 = tpu.vector_load %arg14[%swap3A_859, %swap3A_860] {strides = array<i32>} : memref<96x128xf32, #tpu.memory_space<vmem>>, vector<16xf32>,
        tpu.vector_store %arg14[%swap3A_859, %swap3A_860], %mul3A_858 {strides = array<i32>} : memref<96x128xf32, #tpu.memory_space<vmem>>, vector<16xf32>,
        %get3A_862 = arith.index_cast %add3A_840 : i32 to index
        %get3A_863 = arith.constant 48 : index
        %get3A_864 = tpu.vector_load %arg14[%get3A_862, %get3A_863] {strides = array<i32>} : memref<96x128xf32, #tpu.memory_space<vmem>>, vector<16xf32>,
        %mul3A_865 = arith.mulf %get3A_864, %gather3A_836 : vector<16xf32>
        %swap3A_866 = arith.index_cast %add3A_840 : i32 to index
        %swap3A_867 = arith.constant 48 : index
        %swap3A_868 = tpu.vector_load %arg14[%swap3A_866, %swap3A_867] {strides = array<i32>} : memref<96x128xf32, #tpu.memory_space<vmem>>, vector<16xf32>,
        tpu.vector_store %arg14[%swap3A_866, %swap3A_867], %mul3A_865 {strides = array<i32>} : memref<96x128xf32, #tpu.memory_space<vmem>>, vector<16xf32>,
        %get3A_869 = arith.index_cast %add3A_840 : i32 to index
        %get3A_870 = arith.constant 64 : index
        %get3A_871 = tpu.vector_load %arg14[%get3A_869, %get3A_870] {strides = array<i32>} : memref<96x128xf32, #tpu.memory_space<vmem>>, vector<16xf32>,
        %mul3A_872 = arith.mulf %get3A_871, %gather3A_836 : vector<16xf32>
        %swap3A_873 = arith.index_cast %add3A_840 : i32 to index
        %swap3A_874 = arith.constant 64 : index
        %swap3A_875 = tpu.vector_load %arg14[%swap3A_873, %swap3A_874] {strides = array<i32>} : memref<96x128xf32, #tpu.memory_space<vmem>>, vector<16xf32>,
        tpu.vector_store %arg14[%swap3A_873, %swap3A_874], %mul3A_872 {strides = array<i32>} : memref<96x128xf32, #tpu.memory_space<vmem>>, vector<16xf32>,
        %get3A_876 = arith.index_cast %add3A_840 : i32 to index
        %get3A_877 = arith.constant 80 : index
        %get3A_878 = tpu.vector_load %arg14[%get3A_876, %get3A_877] {strides = array<i32>} : memref<96x128xf32, #tpu.memory_space<vmem>>, vector<16xf32>,
        %mul3A_879 = arith.mulf %get3A_878, %gather3A_836 : vector<16xf32>
        %swap3A_880 = arith.index_cast %add3A_840 : i32 to index
        %swap3A_881 = arith.constant 80 : index
        %swap3A_882 = tpu.vector_load %arg14[%swap3A_880, %swap3A_881] {strides = array<i32>} : memref<96x128xf32, #tpu.memory_space<vmem>>, vector<16xf32>,
        tpu.vector_store %arg14[%swap3A_880, %swap3A_881], %mul3A_879 {strides = array<i32>} : memref<96x128xf32, #tpu.memory_space<vmem>>, vector<16xf32>,
        %get3A_883 = arith.index_cast %add3A_840 : i32 to index
        %get3A_884 = arith.constant 96 : index
        %get3A_885 = tpu.vector_load %arg14[%get3A_883, %get3A_884] {strides = array<i32>} : memref<96x128xf32, #tpu.memory_space<vmem>>, vector<16xf32>,
        %mul3A_886 = arith.mulf %get3A_885, %gather3A_836 : vector<16xf32>
        %swap3A_887 = arith.index_cast %add3A_840 : i32 to index
        %swap3A_888 = arith.constant 96 : index
        %swap3A_889 = tpu.vector_load %arg14[%swap3A_887, %swap3A_888] {strides = array<i32>} : memref<96x128xf32, #tpu.memory_space<vmem>>, vector<16xf32>,
        tpu.vector_store %arg14[%swap3A_887, %swap3A_888], %mul3A_886 {strides = array<i32>} : memref<96x128xf32, #tpu.memory_space<vmem>>, vector<16xf32>,
        %get3A_890 = arith.index_cast %add3A_840 : i32 to index
        %get3A_891 = arith.constant 112 : index
        %get3A_892 = tpu.vector_load %arg14[%get3A_890, %get3A_891] {strides = array<i32>} : memref<96x128xf32, #tpu.memory_space<vmem>>, vector<16xf32>,
        %mul3A_893 = arith.mulf %get3A_892, %gather3A_836 : vector<16xf32>
        %swap3A_894 = arith.index_cast %add3A_840 : i32 to index
        %swap3A_895 = arith.constant 112 : index
        %swap3A_896 = tpu.vector_load %arg14[%swap3A_894, %swap3A_895] {strides = array<i32>} : memref<96x128xf32, #tpu.memory_space<vmem>>, vector<16xf32>,
        tpu.vector_store %arg14[%swap3A_894, %swap3A_895], %mul3A_893 {strides = array<i32>} : memref<96x128xf32, #tpu.memory_space<vmem>>, vector<16xf32>,
        %broadcast_in_dim3A_897 = arith.constant 10 : i32
        %broadcast_in_dim3A_898 = vector.broadcast %broadcast_in_dim3A_897 : i32 to vector<16x1xi32>
        %gather3A_899 = vector.shape_cast %broadcast_in_dim3A_898 : vector<16x1xi32> to vector<16xi32>
        %gather3A_900 = tpu.dynamic_gather %exp3A[%gather3A_899] in [0] : vector<16xf32>, vector<16xi32> -> vector<16xf32>
        %mul3A_901 = arith.constant 16 : i32
        %mul3A_902 = arith.muli %scan3A_244, %mul3A_901 : i32
        %add3A_903 = arith.constant 10 : i32
        %add3A_904 = arith.addi %mul3A_902, %add3A_903 : i32
        %get3A_905 = arith.index_cast %add3A_904 : i32 to index
        %get3A_906 = arith.constant 0 : index
        %get3A_907 = tpu.vector_load %arg14[%get3A_905, %get3A_906] {strides = array<i32>} : memref<96x128xf32, #tpu.memory_space<vmem>>, vector<16xf32>,
        %mul3A_908 = arith.mulf %get3A_907, %gather3A_900 : vector<16xf32>
        %swap3A_909 = arith.index_cast %add3A_904 : i32 to index
        %swap3A_910 = arith.constant 0 : index
        %swap3A_911 = tpu.vector_load %arg14[%swap3A_909, %swap3A_910] {strides = array<i32>} : memref<96x128xf32, #tpu.memory_space<vmem>>, vector<16xf32>,
        tpu.vector_store %arg14[%swap3A_909, %swap3A_910], %mul3A_908 {strides = array<i32>} : memref<96x128xf32, #tpu.memory_space<vmem>>, vector<16xf32>,
        %get3A_912 = arith.index_cast %add3A_904 : i32 to index
        %get3A_913 = arith.constant 16 : index
        %get3A_914 = tpu.vector_load %arg14[%get3A_912, %get3A_913] {strides = array<i32>} : memref<96x128xf32, #tpu.memory_space<vmem>>, vector<16xf32>,
        %mul3A_915 = arith.mulf %get3A_914, %gather3A_900 : vector<16xf32>
        %swap3A_916 = arith.index_cast %add3A_904 : i32 to index
        %swap3A_917 = arith.constant 16 : index
        %swap3A_918 = tpu.vector_load %arg14[%swap3A_916, %swap3A_917] {strides = array<i32>} : memref<96x128xf32, #tpu.memory_space<vmem>>, vector<16xf32>,
        tpu.vector_store %arg14[%swap3A_916, %swap3A_917], %mul3A_915 {strides = array<i32>} : memref<96x128xf32, #tpu.memory_space<vmem>>, vector<16xf32>,
        %get3A_919 = arith.index_cast %add3A_904 : i32 to index
        %get3A_920 = arith.constant 32 : index
        %get3A_921 = tpu.vector_load %arg14[%get3A_919, %get3A_920] {strides = array<i32>} : memref<96x128xf32, #tpu.memory_space<vmem>>, vector<16xf32>,
        %mul3A_922 = arith.mulf %get3A_921, %gather3A_900 : vector<16xf32>
        %swap3A_923 = arith.index_cast %add3A_904 : i32 to index
        %swap3A_924 = arith.constant 32 : index
        %swap3A_925 = tpu.vector_load %arg14[%swap3A_923, %swap3A_924] {strides = array<i32>} : memref<96x128xf32, #tpu.memory_space<vmem>>, vector<16xf32>,
        tpu.vector_store %arg14[%swap3A_923, %swap3A_924], %mul3A_922 {strides = array<i32>} : memref<96x128xf32, #tpu.memory_space<vmem>>, vector<16xf32>,
        %get3A_926 = arith.index_cast %add3A_904 : i32 to index
        %get3A_927 = arith.constant 48 : index
        %get3A_928 = tpu.vector_load %arg14[%get3A_926, %get3A_927] {strides = array<i32>} : memref<96x128xf32, #tpu.memory_space<vmem>>, vector<16xf32>,
        %mul3A_929 = arith.mulf %get3A_928, %gather3A_900 : vector<16xf32>
        %swap3A_930 = arith.index_cast %add3A_904 : i32 to index
        %swap3A_931 = arith.constant 48 : index
        %swap3A_932 = tpu.vector_load %arg14[%swap3A_930, %swap3A_931] {strides = array<i32>} : memref<96x128xf32, #tpu.memory_space<vmem>>, vector<16xf32>,
        tpu.vector_store %arg14[%swap3A_930, %swap3A_931], %mul3A_929 {strides = array<i32>} : memref<96x128xf32, #tpu.memory_space<vmem>>, vector<16xf32>,
        %get3A_933 = arith.index_cast %add3A_904 : i32 to index
        %get3A_934 = arith.constant 64 : index
        %get3A_935 = tpu.vector_load %arg14[%get3A_933, %get3A_934] {strides = array<i32>} : memref<96x128xf32, #tpu.memory_space<vmem>>, vector<16xf32>,
        %mul3A_936 = arith.mulf %get3A_935, %gather3A_900 : vector<16xf32>
        %swap3A_937 = arith.index_cast %add3A_904 : i32 to index
        %swap3A_938 = arith.constant 64 : index
        %swap3A_939 = tpu.vector_load %arg14[%swap3A_937, %swap3A_938] {strides = array<i32>} : memref<96x128xf32, #tpu.memory_space<vmem>>, vector<16xf32>,
        tpu.vector_store %arg14[%swap3A_937, %swap3A_938], %mul3A_936 {strides = array<i32>} : memref<96x128xf32, #tpu.memory_space<vmem>>, vector<16xf32>,
        %get3A_940 = arith.index_cast %add3A_904 : i32 to index
        %get3A_941 = arith.constant 80 : index
        %get3A_942 = tpu.vector_load %arg14[%get3A_940, %get3A_941] {strides = array<i32>} : memref<96x128xf32, #tpu.memory_space<vmem>>, vector<16xf32>,
        %mul3A_943 = arith.mulf %get3A_942, %gather3A_900 : vector<16xf32>
        %swap3A_944 = arith.index_cast %add3A_904 : i32 to index
        %swap3A_945 = arith.constant 80 : index
        %swap3A_946 = tpu.vector_load %arg14[%swap3A_944, %swap3A_945] {strides = array<i32>} : memref<96x128xf32, #tpu.memory_space<vmem>>, vector<16xf32>,
        tpu.vector_store %arg14[%swap3A_944, %swap3A_945], %mul3A_943 {strides = array<i32>} : memref<96x128xf32, #tpu.memory_space<vmem>>, vector<16xf32>,
        %get3A_947 = arith.index_cast %add3A_904 : i32 to index
        %get3A_948 = arith.constant 96 : index
        %get3A_949 = tpu.vector_load %arg14[%get3A_947, %get3A_948] {strides = array<i32>} : memref<96x128xf32, #tpu.memory_space<vmem>>, vector<16xf32>,
        %mul3A_950 = arith.mulf %get3A_949, %gather3A_900 : vector<16xf32>
        %swap3A_951 = arith.index_cast %add3A_904 : i32 to index
        %swap3A_952 = arith.constant 96 : index
        %swap3A_953 = tpu.vector_load %arg14[%swap3A_951, %swap3A_952] {strides = array<i32>} : memref<96x128xf32, #tpu.memory_space<vmem>>, vector<16xf32>,
        tpu.vector_store %arg14[%swap3A_951, %swap3A_952], %mul3A_950 {strides = array<i32>} : memref<96x128xf32, #tpu.memory_space<vmem>>, vector<16xf32>,
        %get3A_954 = arith.index_cast %add3A_904 : i32 to index
        %get3A_955 = arith.constant 112 : index
        %get3A_956 = tpu.vector_load %arg14[%get3A_954, %get3A_955] {strides = array<i32>} : memref<96x128xf32, #tpu.memory_space<vmem>>, vector<16xf32>,
        %mul3A_957 = arith.mulf %get3A_956, %gather3A_900 : vector<16xf32>
        %swap3A_958 = arith.index_cast %add3A_904 : i32 to index
        %swap3A_959 = arith.constant 112 : index
        %swap3A_960 = tpu.vector_load %arg14[%swap3A_958, %swap3A_959] {strides = array<i32>} : memref<96x128xf32, #tpu.memory_space<vmem>>, vector<16xf32>,
        tpu.vector_store %arg14[%swap3A_958, %swap3A_959], %mul3A_957 {strides = array<i32>} : memref<96x128xf32, #tpu.memory_space<vmem>>, vector<16xf32>,
        %broadcast_in_dim3A_961 = arith.constant 11 : i32
        %broadcast_in_dim3A_962 = vector.broadcast %broadcast_in_dim3A_961 : i32 to vector<16x1xi32>
        %gather3A_963 = vector.shape_cast %broadcast_in_dim3A_962 : vector<16x1xi32> to vector<16xi32>
        %gather3A_964 = tpu.dynamic_gather %exp3A[%gather3A_963] in [0] : vector<16xf32>, vector<16xi32> -> vector<16xf32>
        %mul3A_965 = arith.constant 16 : i32
        %mul3A_966 = arith.muli %scan3A_244, %mul3A_965 : i32
        %add3A_967 = arith.constant 11 : i32
        %add3A_968 = arith.addi %mul3A_966, %add3A_967 : i32
        %get3A_969 = arith.index_cast %add3A_968 : i32 to index
        %get3A_970 = arith.constant 0 : index
        %get3A_971 = tpu.vector_load %arg14[%get3A_969, %get3A_970] {strides = array<i32>} : memref<96x128xf32, #tpu.memory_space<vmem>>, vector<16xf32>,
        %mul3A_972 = arith.mulf %get3A_971, %gather3A_964 : vector<16xf32>
        %swap3A_973 = arith.index_cast %add3A_968 : i32 to index
        %swap3A_974 = arith.constant 0 : index
        %swap3A_975 = tpu.vector_load %arg14[%swap3A_973, %swap3A_974] {strides = array<i32>} : memref<96x128xf32, #tpu.memory_space<vmem>>, vector<16xf32>,
        tpu.vector_store %arg14[%swap3A_973, %swap3A_974], %mul3A_972 {strides = array<i32>} : memref<96x128xf32, #tpu.memory_space<vmem>>, vector<16xf32>,
        %get3A_976 = arith.index_cast %add3A_968 : i32 to index
        %get3A_977 = arith.constant 16 : index
        %get3A_978 = tpu.vector_load %arg14[%get3A_976, %get3A_977] {strides = array<i32>} : memref<96x128xf32, #tpu.memory_space<vmem>>, vector<16xf32>,
        %mul3A_979 = arith.mulf %get3A_978, %gather3A_964 : vector<16xf32>
        %swap3A_980 = arith.index_cast %add3A_968 : i32 to index
        %swap3A_981 = arith.constant 16 : index
        %swap3A_982 = tpu.vector_load %arg14[%swap3A_980, %swap3A_981] {strides = array<i32>} : memref<96x128xf32, #tpu.memory_space<vmem>>, vector<16xf32>,
        tpu.vector_store %arg14[%swap3A_980, %swap3A_981], %mul3A_979 {strides = array<i32>} : memref<96x128xf32, #tpu.memory_space<vmem>>, vector<16xf32>,
        %get3A_983 = arith.index_cast %add3A_968 : i32 to index
        %get3A_984 = arith.constant 32 : index
        %get3A_985 = tpu.vector_load %arg14[%get3A_983, %get3A_984] {strides = array<i32>} : memref<96x128xf32, #tpu.memory_space<vmem>>, vector<16xf32>,
        %mul3A_986 = arith.mulf %get3A_985, %gather3A_964 : vector<16xf32>
        %swap3A_987 = arith.index_cast %add3A_968 : i32 to index
        %swap3A_988 = arith.constant 32 : index
        %swap3A_989 = tpu.vector_load %arg14[%swap3A_987, %swap3A_988] {strides = array<i32>} : memref<96x128xf32, #tpu.memory_space<vmem>>, vector<16xf32>,
        tpu.vector_store %arg14[%swap3A_987, %swap3A_988], %mul3A_986 {strides = array<i32>} : memref<96x128xf32, #tpu.memory_space<vmem>>, vector<16xf32>,
        %get3A_990 = arith.index_cast %add3A_968 : i32 to index
        %get3A_991 = arith.constant 48 : index
        %get3A_992 = tpu.vector_load %arg14[%get3A_990, %get3A_991] {strides = array<i32>} : memref<96x128xf32, #tpu.memory_space<vmem>>, vector<16xf32>,
        %mul3A_993 = arith.mulf %get3A_992, %gather3A_964 : vector<16xf32>
        %swap3A_994 = arith.index_cast %add3A_968 : i32 to index
        %swap3A_995 = arith.constant 48 : index
        %swap3A_996 = tpu.vector_load %arg14[%swap3A_994, %swap3A_995] {strides = array<i32>} : memref<96x128xf32, #tpu.memory_space<vmem>>, vector<16xf32>,
        tpu.vector_store %arg14[%swap3A_994, %swap3A_995], %mul3A_993 {strides = array<i32>} : memref<96x128xf32, #tpu.memory_space<vmem>>, vector<16xf32>,
        %get3A_997 = arith.index_cast %add3A_968 : i32 to index
        %get3A_998 = arith.constant 64 : index
        %get3A_999 = tpu.vector_load %arg14[%get3A_997, %get3A_998] {strides = array<i32>} : memref<96x128xf32, #tpu.memory_space<vmem>>, vector<16xf32>,
        %mul3A_1000 = arith.mulf %get3A_999, %gather3A_964 : vector<16xf32>
        %swap3A_1001 = arith.index_cast %add3A_968 : i32 to index
        %swap3A_1002 = arith.constant 64 : index
        %swap3A_1003 = tpu.vector_load %arg14[%swap3A_1001, %swap3A_1002] {strides = array<i32>} : memref<96x128xf32, #tpu.memory_space<vmem>>, vector<16xf32>,
        tpu.vector_store %arg14[%swap3A_1001, %swap3A_1002], %mul3A_1000 {strides = array<i32>} : memref<96x128xf32, #tpu.memory_space<vmem>>, vector<16xf32>,
        %get3A_1004 = arith.index_cast %add3A_968 : i32 to index
        %get3A_1005 = arith.constant 80 : index
        %get3A_1006 = tpu.vector_load %arg14[%get3A_1004, %get3A_1005] {strides = array<i32>} : memref<96x128xf32, #tpu.memory_space<vmem>>, vector<16xf32>,
        %mul3A_1007 = arith.mulf %get3A_1006, %gather3A_964 : vector<16xf32>
        %swap3A_1008 = arith.index_cast %add3A_968 : i32 to index
        %swap3A_1009 = arith.constant 80 : index
        %swap3A_1010 = tpu.vector_load %arg14[%swap3A_1008, %swap3A_1009] {strides = array<i32>} : memref<96x128xf32, #tpu.memory_space<vmem>>, vector<16xf32>,
        tpu.vector_store %arg14[%swap3A_1008, %swap3A_1009], %mul3A_1007 {strides = array<i32>} : memref<96x128xf32, #tpu.memory_space<vmem>>, vector<16xf32>,
        %get3A_1011 = arith.index_cast %add3A_968 : i32 to index
        %get3A_1012 = arith.constant 96 : index
        %get3A_1013 = tpu.vector_load %arg14[%get3A_1011, %get3A_1012] {strides = array<i32>} : memref<96x128xf32, #tpu.memory_space<vmem>>, vector<16xf32>,
        %mul3A_1014 = arith.mulf %get3A_1013, %gather3A_964 : vector<16xf32>
        %swap3A_1015 = arith.index_cast %add3A_968 : i32 to index
        %swap3A_1016 = arith.constant 96 : index
        %swap3A_1017 = tpu.vector_load %arg14[%swap3A_1015, %swap3A_1016] {strides = array<i32>} : memref<96x128xf32, #tpu.memory_space<vmem>>, vector<16xf32>,
        tpu.vector_store %arg14[%swap3A_1015, %swap3A_1016], %mul3A_1014 {strides = array<i32>} : memref<96x128xf32, #tpu.memory_space<vmem>>, vector<16xf32>,
        %get3A_1018 = arith.index_cast %add3A_968 : i32 to index
        %get3A_1019 = arith.constant 112 : index
        %get3A_1020 = tpu.vector_load %arg14[%get3A_1018, %get3A_1019] {strides = array<i32>} : memref<96x128xf32, #tpu.memory_space<vmem>>, vector<16xf32>,
        %mul3A_1021 = arith.mulf %get3A_1020, %gather3A_964 : vector<16xf32>
        %swap3A_1022 = arith.index_cast %add3A_968 : i32 to index
        %swap3A_1023 = arith.constant 112 : index
        %swap3A_1024 = tpu.vector_load %arg14[%swap3A_1022, %swap3A_1023] {strides = array<i32>} : memref<96x128xf32, #tpu.memory_space<vmem>>, vector<16xf32>,
        tpu.vector_store %arg14[%swap3A_1022, %swap3A_1023], %mul3A_1021 {strides = array<i32>} : memref<96x128xf32, #tpu.memory_space<vmem>>, vector<16xf32>,
        %broadcast_in_dim3A_1025 = arith.constant 12 : i32
        %broadcast_in_dim3A_1026 = vector.broadcast %broadcast_in_dim3A_1025 : i32 to vector<16x1xi32>
        %gather3A_1027 = vector.shape_cast %broadcast_in_dim3A_1026 : vector<16x1xi32> to vector<16xi32>
        %gather3A_1028 = tpu.dynamic_gather %exp3A[%gather3A_1027] in [0] : vector<16xf32>, vector<16xi32> -> vector<16xf32>
        %mul3A_1029 = arith.constant 16 : i32
        %mul3A_1030 = arith.muli %scan3A_244, %mul3A_1029 : i32
        %add3A_1031 = arith.constant 12 : i32
        %add3A_1032 = arith.addi %mul3A_1030, %add3A_1031 : i32
        %get3A_1033 = arith.index_cast %add3A_1032 : i32 to index
        %get3A_1034 = arith.constant 0 : index
        %get3A_1035 = tpu.vector_load %arg14[%get3A_1033, %get3A_1034] {strides = array<i32>} : memref<96x128xf32, #tpu.memory_space<vmem>>, vector<16xf32>,
        %mul3A_1036 = arith.mulf %get3A_1035, %gather3A_1028 : vector<16xf32>
        %swap3A_1037 = arith.index_cast %add3A_1032 : i32 to index
        %swap3A_1038 = arith.constant 0 : index
        %swap3A_1039 = tpu.vector_load %arg14[%swap3A_1037, %swap3A_1038] {strides = array<i32>} : memref<96x128xf32, #tpu.memory_space<vmem>>, vector<16xf32>,
        tpu.vector_store %arg14[%swap3A_1037, %swap3A_1038], %mul3A_1036 {strides = array<i32>} : memref<96x128xf32, #tpu.memory_space<vmem>>, vector<16xf32>,
        %get3A_1040 = arith.index_cast %add3A_1032 : i32 to index
        %get3A_1041 = arith.constant 16 : index
        %get3A_1042 = tpu.vector_load %arg14[%get3A_1040, %get3A_1041] {strides = array<i32>} : memref<96x128xf32, #tpu.memory_space<vmem>>, vector<16xf32>,
        %mul3A_1043 = arith.mulf %get3A_1042, %gather3A_1028 : vector<16xf32>
        %swap3A_1044 = arith.index_cast %add3A_1032 : i32 to index
        %swap3A_1045 = arith.constant 16 : index
        %swap3A_1046 = tpu.vector_load %arg14[%swap3A_1044, %swap3A_1045] {strides = array<i32>} : memref<96x128xf32, #tpu.memory_space<vmem>>, vector<16xf32>,
        tpu.vector_store %arg14[%swap3A_1044, %swap3A_1045], %mul3A_1043 {strides = array<i32>} : memref<96x128xf32, #tpu.memory_space<vmem>>, vector<16xf32>,
        %get3A_1047 = arith.index_cast %add3A_1032 : i32 to index
        %get3A_1048 = arith.constant 32 : index
        %get3A_1049 = tpu.vector_load %arg14[%get3A_1047, %get3A_1048] {strides = array<i32>} : memref<96x128xf32, #tpu.memory_space<vmem>>, vector<16xf32>,
        %mul3A_1050 = arith.mulf %get3A_1049, %gather3A_1028 : vector<16xf32>
        %swap3A_1051 = arith.index_cast %add3A_1032 : i32 to index
        %swap3A_1052 = arith.constant 32 : index
        %swap3A_1053 = tpu.vector_load %arg14[%swap3A_1051, %swap3A_1052] {strides = array<i32>} : memref<96x128xf32, #tpu.memory_space<vmem>>, vector<16xf32>,
        tpu.vector_store %arg14[%swap3A_1051, %swap3A_1052], %mul3A_1050 {strides = array<i32>} : memref<96x128xf32, #tpu.memory_space<vmem>>, vector<16xf32>,
        %get3A_1054 = arith.index_cast %add3A_1032 : i32 to index
        %get3A_1055 = arith.constant 48 : index
        %get3A_1056 = tpu.vector_load %arg14[%get3A_1054, %get3A_1055] {strides = array<i32>} : memref<96x128xf32, #tpu.memory_space<vmem>>, vector<16xf32>,
        %mul3A_1057 = arith.mulf %get3A_1056, %gather3A_1028 : vector<16xf32>
        %swap3A_1058 = arith.index_cast %add3A_1032 : i32 to index
        %swap3A_1059 = arith.constant 48 : index
        %swap3A_1060 = tpu.vector_load %arg14[%swap3A_1058, %swap3A_1059] {strides = array<i32>} : memref<96x128xf32, #tpu.memory_space<vmem>>, vector<16xf32>,
        tpu.vector_store %arg14[%swap3A_1058, %swap3A_1059], %mul3A_1057 {strides = array<i32>} : memref<96x128xf32, #tpu.memory_space<vmem>>, vector<16xf32>,
        %get3A_1061 = arith.index_cast %add3A_1032 : i32 to index
        %get3A_1062 = arith.constant 64 : index
        %get3A_1063 = tpu.vector_load %arg14[%get3A_1061, %get3A_1062] {strides = array<i32>} : memref<96x128xf32, #tpu.memory_space<vmem>>, vector<16xf32>,
        %mul3A_1064 = arith.mulf %get3A_1063, %gather3A_1028 : vector<16xf32>
        %swap3A_1065 = arith.index_cast %add3A_1032 : i32 to index
        %swap3A_1066 = arith.constant 64 : index
        %swap3A_1067 = tpu.vector_load %arg14[%swap3A_1065, %swap3A_1066] {strides = array<i32>} : memref<96x128xf32, #tpu.memory_space<vmem>>, vector<16xf32>,
        tpu.vector_store %arg14[%swap3A_1065, %swap3A_1066], %mul3A_1064 {strides = array<i32>} : memref<96x128xf32, #tpu.memory_space<vmem>>, vector<16xf32>,
        %get3A_1068 = arith.index_cast %add3A_1032 : i32 to index
        %get3A_1069 = arith.constant 80 : index
        %get3A_1070 = tpu.vector_load %arg14[%get3A_1068, %get3A_1069] {strides = array<i32>} : memref<96x128xf32, #tpu.memory_space<vmem>>, vector<16xf32>,
        %mul3A_1071 = arith.mulf %get3A_1070, %gather3A_1028 : vector<16xf32>
        %swap3A_1072 = arith.index_cast %add3A_1032 : i32 to index
        %swap3A_1073 = arith.constant 80 : index
        %swap3A_1074 = tpu.vector_load %arg14[%swap3A_1072, %swap3A_1073] {strides = array<i32>} : memref<96x128xf32, #tpu.memory_space<vmem>>, vector<16xf32>,
        tpu.vector_store %arg14[%swap3A_1072, %swap3A_1073], %mul3A_1071 {strides = array<i32>} : memref<96x128xf32, #tpu.memory_space<vmem>>, vector<16xf32>,
        %get3A_1075 = arith.index_cast %add3A_1032 : i32 to index
        %get3A_1076 = arith.constant 96 : index
        %get3A_1077 = tpu.vector_load %arg14[%get3A_1075, %get3A_1076] {strides = array<i32>} : memref<96x128xf32, #tpu.memory_space<vmem>>, vector<16xf32>,
        %mul3A_1078 = arith.mulf %get3A_1077, %gather3A_1028 : vector<16xf32>
        %swap3A_1079 = arith.index_cast %add3A_1032 : i32 to index
        %swap3A_1080 = arith.constant 96 : index
        %swap3A_1081 = tpu.vector_load %arg14[%swap3A_1079, %swap3A_1080] {strides = array<i32>} : memref<96x128xf32, #tpu.memory_space<vmem>>, vector<16xf32>,
        tpu.vector_store %arg14[%swap3A_1079, %swap3A_1080], %mul3A_1078 {strides = array<i32>} : memref<96x128xf32, #tpu.memory_space<vmem>>, vector<16xf32>,
        %get3A_1082 = arith.index_cast %add3A_1032 : i32 to index
        %get3A_1083 = arith.constant 112 : index
        %get3A_1084 = tpu.vector_load %arg14[%get3A_1082, %get3A_1083] {strides = array<i32>} : memref<96x128xf32, #tpu.memory_space<vmem>>, vector<16xf32>,
        %mul3A_1085 = arith.mulf %get3A_1084, %gather3A_1028 : vector<16xf32>
        %swap3A_1086 = arith.index_cast %add3A_1032 : i32 to index
        %swap3A_1087 = arith.constant 112 : index
        %swap3A_1088 = tpu.vector_load %arg14[%swap3A_1086, %swap3A_1087] {strides = array<i32>} : memref<96x128xf32, #tpu.memory_space<vmem>>, vector<16xf32>,
        tpu.vector_store %arg14[%swap3A_1086, %swap3A_1087], %mul3A_1085 {strides = array<i32>} : memref<96x128xf32, #tpu.memory_space<vmem>>, vector<16xf32>,
        %broadcast_in_dim3A_1089 = arith.constant 13 : i32
        %broadcast_in_dim3A_1090 = vector.broadcast %broadcast_in_dim3A_1089 : i32 to vector<16x1xi32>
        %gather3A_1091 = vector.shape_cast %broadcast_in_dim3A_1090 : vector<16x1xi32> to vector<16xi32>
        %gather3A_1092 = tpu.dynamic_gather %exp3A[%gather3A_1091] in [0] : vector<16xf32>, vector<16xi32> -> vector<16xf32>
        %mul3A_1093 = arith.constant 16 : i32
        %mul3A_1094 = arith.muli %scan3A_244, %mul3A_1093 : i32
        %add3A_1095 = arith.constant 13 : i32
        %add3A_1096 = arith.addi %mul3A_1094, %add3A_1095 : i32
        %get3A_1097 = arith.index_cast %add3A_1096 : i32 to index
        %get3A_1098 = arith.constant 0 : index
        %get3A_1099 = tpu.vector_load %arg14[%get3A_1097, %get3A_1098] {strides = array<i32>} : memref<96x128xf32, #tpu.memory_space<vmem>>, vector<16xf32>,
        %mul3A_1100 = arith.mulf %get3A_1099, %gather3A_1092 : vector<16xf32>
        %swap3A_1101 = arith.index_cast %add3A_1096 : i32 to index
        %swap3A_1102 = arith.constant 0 : index
        %swap3A_1103 = tpu.vector_load %arg14[%swap3A_1101, %swap3A_1102] {strides = array<i32>} : memref<96x128xf32, #tpu.memory_space<vmem>>, vector<16xf32>,
        tpu.vector_store %arg14[%swap3A_1101, %swap3A_1102], %mul3A_1100 {strides = array<i32>} : memref<96x128xf32, #tpu.memory_space<vmem>>, vector<16xf32>,
        %get3A_1104 = arith.index_cast %add3A_1096 : i32 to index
        %get3A_1105 = arith.constant 16 : index
        %get3A_1106 = tpu.vector_load %arg14[%get3A_1104, %get3A_1105] {strides = array<i32>} : memref<96x128xf32, #tpu.memory_space<vmem>>, vector<16xf32>,
        %mul3A_1107 = arith.mulf %get3A_1106, %gather3A_1092 : vector<16xf32>
        %swap3A_1108 = arith.index_cast %add3A_1096 : i32 to index
        %swap3A_1109 = arith.constant 16 : index
        %swap3A_1110 = tpu.vector_load %arg14[%swap3A_1108, %swap3A_1109] {strides = array<i32>} : memref<96x128xf32, #tpu.memory_space<vmem>>, vector<16xf32>,
        tpu.vector_store %arg14[%swap3A_1108, %swap3A_1109], %mul3A_1107 {strides = array<i32>} : memref<96x128xf32, #tpu.memory_space<vmem>>, vector<16xf32>,
        %get3A_1111 = arith.index_cast %add3A_1096 : i32 to index
        %get3A_1112 = arith.constant 32 : index
        %get3A_1113 = tpu.vector_load %arg14[%get3A_1111, %get3A_1112] {strides = array<i32>} : memref<96x128xf32, #tpu.memory_space<vmem>>, vector<16xf32>,
        %mul3A_1114 = arith.mulf %get3A_1113, %gather3A_1092 : vector<16xf32>
        %swap3A_1115 = arith.index_cast %add3A_1096 : i32 to index
        %swap3A_1116 = arith.constant 32 : index
        %swap3A_1117 = tpu.vector_load %arg14[%swap3A_1115, %swap3A_1116] {strides = array<i32>} : memref<96x128xf32, #tpu.memory_space<vmem>>, vector<16xf32>,
        tpu.vector_store %arg14[%swap3A_1115, %swap3A_1116], %mul3A_1114 {strides = array<i32>} : memref<96x128xf32, #tpu.memory_space<vmem>>, vector<16xf32>,
        %get3A_1118 = arith.index_cast %add3A_1096 : i32 to index
        %get3A_1119 = arith.constant 48 : index
        %get3A_1120 = tpu.vector_load %arg14[%get3A_1118, %get3A_1119] {strides = array<i32>} : memref<96x128xf32, #tpu.memory_space<vmem>>, vector<16xf32>,
        %mul3A_1121 = arith.mulf %get3A_1120, %gather3A_1092 : vector<16xf32>
        %swap3A_1122 = arith.index_cast %add3A_1096 : i32 to index
        %swap3A_1123 = arith.constant 48 : index
        %swap3A_1124 = tpu.vector_load %arg14[%swap3A_1122, %swap3A_1123] {strides = array<i32>} : memref<96x128xf32, #tpu.memory_space<vmem>>, vector<16xf32>,
        tpu.vector_store %arg14[%swap3A_1122, %swap3A_1123], %mul3A_1121 {strides = array<i32>} : memref<96x128xf32, #tpu.memory_space<vmem>>, vector<16xf32>,
        %get3A_1125 = arith.index_cast %add3A_1096 : i32 to index
        %get3A_1126 = arith.constant 64 : index
        %get3A_1127 = tpu.vector_load %arg14[%get3A_1125, %get3A_1126] {strides = array<i32>} : memref<96x128xf32, #tpu.memory_space<vmem>>, vector<16xf32>,
        %mul3A_1128 = arith.mulf %get3A_1127, %gather3A_1092 : vector<16xf32>
        %swap3A_1129 = arith.index_cast %add3A_1096 : i32 to index
        %swap3A_1130 = arith.constant 64 : index
        %swap3A_1131 = tpu.vector_load %arg14[%swap3A_1129, %swap3A_1130] {strides = array<i32>} : memref<96x128xf32, #tpu.memory_space<vmem>>, vector<16xf32>,
        tpu.vector_store %arg14[%swap3A_1129, %swap3A_1130], %mul3A_1128 {strides = array<i32>} : memref<96x128xf32, #tpu.memory_space<vmem>>, vector<16xf32>,
        %get3A_1132 = arith.index_cast %add3A_1096 : i32 to index
        %get3A_1133 = arith.constant 80 : index
        %get3A_1134 = tpu.vector_load %arg14[%get3A_1132, %get3A_1133] {strides = array<i32>} : memref<96x128xf32, #tpu.memory_space<vmem>>, vector<16xf32>,
        %mul3A_1135 = arith.mulf %get3A_1134, %gather3A_1092 : vector<16xf32>
        %swap3A_1136 = arith.index_cast %add3A_1096 : i32 to index
        %swap3A_1137 = arith.constant 80 : index
        %swap3A_1138 = tpu.vector_load %arg14[%swap3A_1136, %swap3A_1137] {strides = array<i32>} : memref<96x128xf32, #tpu.memory_space<vmem>>, vector<16xf32>,
        tpu.vector_store %arg14[%swap3A_1136, %swap3A_1137], %mul3A_1135 {strides = array<i32>} : memref<96x128xf32, #tpu.memory_space<vmem>>, vector<16xf32>,
        %get3A_1139 = arith.index_cast %add3A_1096 : i32 to index
        %get3A_1140 = arith.constant 96 : index
        %get3A_1141 = tpu.vector_load %arg14[%get3A_1139, %get3A_1140] {strides = array<i32>} : memref<96x128xf32, #tpu.memory_space<vmem>>, vector<16xf32>,
        %mul3A_1142 = arith.mulf %get3A_1141, %gather3A_1092 : vector<16xf32>
        %swap3A_1143 = arith.index_cast %add3A_1096 : i32 to index
        %swap3A_1144 = arith.constant 96 : index
        %swap3A_1145 = tpu.vector_load %arg14[%swap3A_1143, %swap3A_1144] {strides = array<i32>} : memref<96x128xf32, #tpu.memory_space<vmem>>, vector<16xf32>,
        tpu.vector_store %arg14[%swap3A_1143, %swap3A_1144], %mul3A_1142 {strides = array<i32>} : memref<96x128xf32, #tpu.memory_space<vmem>>, vector<16xf32>,
        %get3A_1146 = arith.index_cast %add3A_1096 : i32 to index
        %get3A_1147 = arith.constant 112 : index
        %get3A_1148 = tpu.vector_load %arg14[%get3A_1146, %get3A_1147] {strides = array<i32>} : memref<96x128xf32, #tpu.memory_space<vmem>>, vector<16xf32>,
        %mul3A_1149 = arith.mulf %get3A_1148, %gather3A_1092 : vector<16xf32>
        %swap3A_1150 = arith.index_cast %add3A_1096 : i32 to index
        %swap3A_1151 = arith.constant 112 : index
        %swap3A_1152 = tpu.vector_load %arg14[%swap3A_1150, %swap3A_1151] {strides = array<i32>} : memref<96x128xf32, #tpu.memory_space<vmem>>, vector<16xf32>,
        tpu.vector_store %arg14[%swap3A_1150, %swap3A_1151], %mul3A_1149 {strides = array<i32>} : memref<96x128xf32, #tpu.memory_space<vmem>>, vector<16xf32>,
        %broadcast_in_dim3A_1153 = arith.constant 14 : i32
        %broadcast_in_dim3A_1154 = vector.broadcast %broadcast_in_dim3A_1153 : i32 to vector<16x1xi32>
        %gather3A_1155 = vector.shape_cast %broadcast_in_dim3A_1154 : vector<16x1xi32> to vector<16xi32>
        %gather3A_1156 = tpu.dynamic_gather %exp3A[%gather3A_1155] in [0] : vector<16xf32>, vector<16xi32> -> vector<16xf32>
        %mul3A_1157 = arith.constant 16 : i32
        %mul3A_1158 = arith.muli %scan3A_244, %mul3A_1157 : i32
        %add3A_1159 = arith.constant 14 : i32
        %add3A_1160 = arith.addi %mul3A_1158, %add3A_1159 : i32
        %get3A_1161 = arith.index_cast %add3A_1160 : i32 to index
        %get3A_1162 = arith.constant 0 : index
        %get3A_1163 = tpu.vector_load %arg14[%get3A_1161, %get3A_1162] {strides = array<i32>} : memref<96x128xf32, #tpu.memory_space<vmem>>, vector<16xf32>,
        %mul3A_1164 = arith.mulf %get3A_1163, %gather3A_1156 : vector<16xf32>
        %swap3A_1165 = arith.index_cast %add3A_1160 : i32 to index
        %swap3A_1166 = arith.constant 0 : index
        %swap3A_1167 = tpu.vector_load %arg14[%swap3A_1165, %swap3A_1166] {strides = array<i32>} : memref<96x128xf32, #tpu.memory_space<vmem>>, vector<16xf32>,
        tpu.vector_store %arg14[%swap3A_1165, %swap3A_1166], %mul3A_1164 {strides = array<i32>} : memref<96x128xf32, #tpu.memory_space<vmem>>, vector<16xf32>,
        %get3A_1168 = arith.index_cast %add3A_1160 : i32 to index
        %get3A_1169 = arith.constant 16 : index
        %get3A_1170 = tpu.vector_load %arg14[%get3A_1168, %get3A_1169] {strides = array<i32>} : memref<96x128xf32, #tpu.memory_space<vmem>>, vector<16xf32>,
        %mul3A_1171 = arith.mulf %get3A_1170, %gather3A_1156 : vector<16xf32>
        %swap3A_1172 = arith.index_cast %add3A_1160 : i32 to index
        %swap3A_1173 = arith.constant 16 : index
        %swap3A_1174 = tpu.vector_load %arg14[%swap3A_1172, %swap3A_1173] {strides = array<i32>} : memref<96x128xf32, #tpu.memory_space<vmem>>, vector<16xf32>,
        tpu.vector_store %arg14[%swap3A_1172, %swap3A_1173], %mul3A_1171 {strides = array<i32>} : memref<96x128xf32, #tpu.memory_space<vmem>>, vector<16xf32>,
        %get3A_1175 = arith.index_cast %add3A_1160 : i32 to index
        %get3A_1176 = arith.constant 32 : index
        %get3A_1177 = tpu.vector_load %arg14[%get3A_1175, %get3A_1176] {strides = array<i32>} : memref<96x128xf32, #tpu.memory_space<vmem>>, vector<16xf32>,
        %mul3A_1178 = arith.mulf %get3A_1177, %gather3A_1156 : vector<16xf32>
        %swap3A_1179 = arith.index_cast %add3A_1160 : i32 to index
        %swap3A_1180 = arith.constant 32 : index
        %swap3A_1181 = tpu.vector_load %arg14[%swap3A_1179, %swap3A_1180] {strides = array<i32>} : memref<96x128xf32, #tpu.memory_space<vmem>>, vector<16xf32>,
        tpu.vector_store %arg14[%swap3A_1179, %swap3A_1180], %mul3A_1178 {strides = array<i32>} : memref<96x128xf32, #tpu.memory_space<vmem>>, vector<16xf32>,
        %get3A_1182 = arith.index_cast %add3A_1160 : i32 to index
        %get3A_1183 = arith.constant 48 : index
        %get3A_1184 = tpu.vector_load %arg14[%get3A_1182, %get3A_1183] {strides = array<i32>} : memref<96x128xf32, #tpu.memory_space<vmem>>, vector<16xf32>,
        %mul3A_1185 = arith.mulf %get3A_1184, %gather3A_1156 : vector<16xf32>
        %swap3A_1186 = arith.index_cast %add3A_1160 : i32 to index
        %swap3A_1187 = arith.constant 48 : index
        %swap3A_1188 = tpu.vector_load %arg14[%swap3A_1186, %swap3A_1187] {strides = array<i32>} : memref<96x128xf32, #tpu.memory_space<vmem>>, vector<16xf32>,
        tpu.vector_store %arg14[%swap3A_1186, %swap3A_1187], %mul3A_1185 {strides = array<i32>} : memref<96x128xf32, #tpu.memory_space<vmem>>, vector<16xf32>,
        %get3A_1189 = arith.index_cast %add3A_1160 : i32 to index
        %get3A_1190 = arith.constant 64 : index
        %get3A_1191 = tpu.vector_load %arg14[%get3A_1189, %get3A_1190] {strides = array<i32>} : memref<96x128xf32, #tpu.memory_space<vmem>>, vector<16xf32>,
        %mul3A_1192 = arith.mulf %get3A_1191, %gather3A_1156 : vector<16xf32>
        %swap3A_1193 = arith.index_cast %add3A_1160 : i32 to index
        %swap3A_1194 = arith.constant 64 : index
        %swap3A_1195 = tpu.vector_load %arg14[%swap3A_1193, %swap3A_1194] {strides = array<i32>} : memref<96x128xf32, #tpu.memory_space<vmem>>, vector<16xf32>,
        tpu.vector_store %arg14[%swap3A_1193, %swap3A_1194], %mul3A_1192 {strides = array<i32>} : memref<96x128xf32, #tpu.memory_space<vmem>>, vector<16xf32>,
        %get3A_1196 = arith.index_cast %add3A_1160 : i32 to index
        %get3A_1197 = arith.constant 80 : index
        %get3A_1198 = tpu.vector_load %arg14[%get3A_1196, %get3A_1197] {strides = array<i32>} : memref<96x128xf32, #tpu.memory_space<vmem>>, vector<16xf32>,
        %mul3A_1199 = arith.mulf %get3A_1198, %gather3A_1156 : vector<16xf32>
        %swap3A_1200 = arith.index_cast %add3A_1160 : i32 to index
        %swap3A_1201 = arith.constant 80 : index
        %swap3A_1202 = tpu.vector_load %arg14[%swap3A_1200, %swap3A_1201] {strides = array<i32>} : memref<96x128xf32, #tpu.memory_space<vmem>>, vector<16xf32>,
        tpu.vector_store %arg14[%swap3A_1200, %swap3A_1201], %mul3A_1199 {strides = array<i32>} : memref<96x128xf32, #tpu.memory_space<vmem>>, vector<16xf32>,
        %get3A_1203 = arith.index_cast %add3A_1160 : i32 to index
        %get3A_1204 = arith.constant 96 : index
        %get3A_1205 = tpu.vector_load %arg14[%get3A_1203, %get3A_1204] {strides = array<i32>} : memref<96x128xf32, #tpu.memory_space<vmem>>, vector<16xf32>,
        %mul3A_1206 = arith.mulf %get3A_1205, %gather3A_1156 : vector<16xf32>
        %swap3A_1207 = arith.index_cast %add3A_1160 : i32 to index
        %swap3A_1208 = arith.constant 96 : index
        %swap3A_1209 = tpu.vector_load %arg14[%swap3A_1207, %swap3A_1208] {strides = array<i32>} : memref<96x128xf32, #tpu.memory_space<vmem>>, vector<16xf32>,
        tpu.vector_store %arg14[%swap3A_1207, %swap3A_1208], %mul3A_1206 {strides = array<i32>} : memref<96x128xf32, #tpu.memory_space<vmem>>, vector<16xf32>,
        %get3A_1210 = arith.index_cast %add3A_1160 : i32 to index
        %get3A_1211 = arith.constant 112 : index
        %get3A_1212 = tpu.vector_load %arg14[%get3A_1210, %get3A_1211] {strides = array<i32>} : memref<96x128xf32, #tpu.memory_space<vmem>>, vector<16xf32>,
        %mul3A_1213 = arith.mulf %get3A_1212, %gather3A_1156 : vector<16xf32>
        %swap3A_1214 = arith.index_cast %add3A_1160 : i32 to index
        %swap3A_1215 = arith.constant 112 : index
        %swap3A_1216 = tpu.vector_load %arg14[%swap3A_1214, %swap3A_1215] {strides = array<i32>} : memref<96x128xf32, #tpu.memory_space<vmem>>, vector<16xf32>,
        tpu.vector_store %arg14[%swap3A_1214, %swap3A_1215], %mul3A_1213 {strides = array<i32>} : memref<96x128xf32, #tpu.memory_space<vmem>>, vector<16xf32>,
        %broadcast_in_dim3A_1217 = arith.constant 15 : i32
        %broadcast_in_dim3A_1218 = vector.broadcast %broadcast_in_dim3A_1217 : i32 to vector<16x1xi32>
        %gather3A_1219 = vector.shape_cast %broadcast_in_dim3A_1218 : vector<16x1xi32> to vector<16xi32>
        %gather3A_1220 = tpu.dynamic_gather %exp3A[%gather3A_1219] in [0] : vector<16xf32>, vector<16xi32> -> vector<16xf32>
        %mul3A_1221 = arith.constant 16 : i32
        %mul3A_1222 = arith.muli %scan3A_244, %mul3A_1221 : i32
        %add3A_1223 = arith.constant 15 : i32
        %add3A_1224 = arith.addi %mul3A_1222, %add3A_1223 : i32
        %get3A_1225 = arith.index_cast %add3A_1224 : i32 to index
        %get3A_1226 = arith.constant 0 : index
        %get3A_1227 = tpu.vector_load %arg14[%get3A_1225, %get3A_1226] {strides = array<i32>} : memref<96x128xf32, #tpu.memory_space<vmem>>, vector<16xf32>,
        %mul3A_1228 = arith.mulf %get3A_1227, %gather3A_1220 : vector<16xf32>
        %swap3A_1229 = arith.index_cast %add3A_1224 : i32 to index
        %swap3A_1230 = arith.constant 0 : index
        %swap3A_1231 = tpu.vector_load %arg14[%swap3A_1229, %swap3A_1230] {strides = array<i32>} : memref<96x128xf32, #tpu.memory_space<vmem>>, vector<16xf32>,
        tpu.vector_store %arg14[%swap3A_1229, %swap3A_1230], %mul3A_1228 {strides = array<i32>} : memref<96x128xf32, #tpu.memory_space<vmem>>, vector<16xf32>,
        %get3A_1232 = arith.index_cast %add3A_1224 : i32 to index
        %get3A_1233 = arith.constant 16 : index
        %get3A_1234 = tpu.vector_load %arg14[%get3A_1232, %get3A_1233] {strides = array<i32>} : memref<96x128xf32, #tpu.memory_space<vmem>>, vector<16xf32>,
        %mul3A_1235 = arith.mulf %get3A_1234, %gather3A_1220 : vector<16xf32>
        %swap3A_1236 = arith.index_cast %add3A_1224 : i32 to index
        %swap3A_1237 = arith.constant 16 : index
        %swap3A_1238 = tpu.vector_load %arg14[%swap3A_1236, %swap3A_1237] {strides = array<i32>} : memref<96x128xf32, #tpu.memory_space<vmem>>, vector<16xf32>,
        tpu.vector_store %arg14[%swap3A_1236, %swap3A_1237], %mul3A_1235 {strides = array<i32>} : memref<96x128xf32, #tpu.memory_space<vmem>>, vector<16xf32>,
        %get3A_1239 = arith.index_cast %add3A_1224 : i32 to index
        %get3A_1240 = arith.constant 32 : index
        %get3A_1241 = tpu.vector_load %arg14[%get3A_1239, %get3A_1240] {strides = array<i32>} : memref<96x128xf32, #tpu.memory_space<vmem>>, vector<16xf32>,
        %mul3A_1242 = arith.mulf %get3A_1241, %gather3A_1220 : vector<16xf32>
        %swap3A_1243 = arith.index_cast %add3A_1224 : i32 to index
        %swap3A_1244 = arith.constant 32 : index
        %swap3A_1245 = tpu.vector_load %arg14[%swap3A_1243, %swap3A_1244] {strides = array<i32>} : memref<96x128xf32, #tpu.memory_space<vmem>>, vector<16xf32>,
        tpu.vector_store %arg14[%swap3A_1243, %swap3A_1244], %mul3A_1242 {strides = array<i32>} : memref<96x128xf32, #tpu.memory_space<vmem>>, vector<16xf32>,
        %get3A_1246 = arith.index_cast %add3A_1224 : i32 to index
        %get3A_1247 = arith.constant 48 : index
        %get3A_1248 = tpu.vector_load %arg14[%get3A_1246, %get3A_1247] {strides = array<i32>} : memref<96x128xf32, #tpu.memory_space<vmem>>, vector<16xf32>,
        %mul3A_1249 = arith.mulf %get3A_1248, %gather3A_1220 : vector<16xf32>
        %swap3A_1250 = arith.index_cast %add3A_1224 : i32 to index
        %swap3A_1251 = arith.constant 48 : index
        %swap3A_1252 = tpu.vector_load %arg14[%swap3A_1250, %swap3A_1251] {strides = array<i32>} : memref<96x128xf32, #tpu.memory_space<vmem>>, vector<16xf32>,
        tpu.vector_store %arg14[%swap3A_1250, %swap3A_1251], %mul3A_1249 {strides = array<i32>} : memref<96x128xf32, #tpu.memory_space<vmem>>, vector<16xf32>,
        %get3A_1253 = arith.index_cast %add3A_1224 : i32 to index
        %get3A_1254 = arith.constant 64 : index
        %get3A_1255 = tpu.vector_load %arg14[%get3A_1253, %get3A_1254] {strides = array<i32>} : memref<96x128xf32, #tpu.memory_space<vmem>>, vector<16xf32>,
        %mul3A_1256 = arith.mulf %get3A_1255, %gather3A_1220 : vector<16xf32>
        %swap3A_1257 = arith.index_cast %add3A_1224 : i32 to index
        %swap3A_1258 = arith.constant 64 : index
        %swap3A_1259 = tpu.vector_load %arg14[%swap3A_1257, %swap3A_1258] {strides = array<i32>} : memref<96x128xf32, #tpu.memory_space<vmem>>, vector<16xf32>,
        tpu.vector_store %arg14[%swap3A_1257, %swap3A_1258], %mul3A_1256 {strides = array<i32>} : memref<96x128xf32, #tpu.memory_space<vmem>>, vector<16xf32>,
        %get3A_1260 = arith.index_cast %add3A_1224 : i32 to index
        %get3A_1261 = arith.constant 80 : index
        %get3A_1262 = tpu.vector_load %arg14[%get3A_1260, %get3A_1261] {strides = array<i32>} : memref<96x128xf32, #tpu.memory_space<vmem>>, vector<16xf32>,
        %mul3A_1263 = arith.mulf %get3A_1262, %gather3A_1220 : vector<16xf32>
        %swap3A_1264 = arith.index_cast %add3A_1224 : i32 to index
        %swap3A_1265 = arith.constant 80 : index
        %swap3A_1266 = tpu.vector_load %arg14[%swap3A_1264, %swap3A_1265] {strides = array<i32>} : memref<96x128xf32, #tpu.memory_space<vmem>>, vector<16xf32>,
        tpu.vector_store %arg14[%swap3A_1264, %swap3A_1265], %mul3A_1263 {strides = array<i32>} : memref<96x128xf32, #tpu.memory_space<vmem>>, vector<16xf32>,
        %get3A_1267 = arith.index_cast %add3A_1224 : i32 to index
        %get3A_1268 = arith.constant 96 : index
        %get3A_1269 = tpu.vector_load %arg14[%get3A_1267, %get3A_1268] {strides = array<i32>} : memref<96x128xf32, #tpu.memory_space<vmem>>, vector<16xf32>,
        %mul3A_1270 = arith.mulf %get3A_1269, %gather3A_1220 : vector<16xf32>
        %swap3A_1271 = arith.index_cast %add3A_1224 : i32 to index
        %swap3A_1272 = arith.constant 96 : index
        %swap3A_1273 = tpu.vector_load %arg14[%swap3A_1271, %swap3A_1272] {strides = array<i32>} : memref<96x128xf32, #tpu.memory_space<vmem>>, vector<16xf32>,
        tpu.vector_store %arg14[%swap3A_1271, %swap3A_1272], %mul3A_1270 {strides = array<i32>} : memref<96x128xf32, #tpu.memory_space<vmem>>, vector<16xf32>,
        %get3A_1274 = arith.index_cast %add3A_1224 : i32 to index
        %get3A_1275 = arith.constant 112 : index
        %get3A_1276 = tpu.vector_load %arg14[%get3A_1274, %get3A_1275] {strides = array<i32>} : memref<96x128xf32, #tpu.memory_space<vmem>>, vector<16xf32>,
        %mul3A_1277 = arith.mulf %get3A_1276, %gather3A_1220 : vector<16xf32>
        %swap3A_1278 = arith.index_cast %add3A_1224 : i32 to index
        %swap3A_1279 = arith.constant 112 : index
        %swap3A_1280 = tpu.vector_load %arg14[%swap3A_1278, %swap3A_1279] {strides = array<i32>} : memref<96x128xf32, #tpu.memory_space<vmem>>, vector<16xf32>,
        tpu.vector_store %arg14[%swap3A_1278, %swap3A_1279], %mul3A_1277 {strides = array<i32>} : memref<96x128xf32, #tpu.memory_space<vmem>>, vector<16xf32>,
      }
      %scan3A_199 = arith.constant 6 : i32
      %get3A_200 = arith.constant 1 : i32
      %get3A_201 = arith.index_cast %get3A_200 : i32 to index
      %get3A_202 = arith.constant 0 : index
      %get3A_203 = tpu.vector_load %arg8[%get3A_201, %get3A_202] {strides = array<i32>} : memref<3x96xi32, #tpu.memory_space<vmem>>, vector<16xi32>,
      %swap3A_204 = arith.constant 0 : index
      %swap3A_205 = tpu.vector_load %arg10[%swap3A_204] {strides = array<i32>} : memref<96xi32, #tpu.memory_space<vmem>>, vector<16xi32>,
      tpu.vector_store %arg10[%swap3A_204], %get3A_203 {strides = array<i32>} : memref<96xi32, #tpu.memory_space<vmem>>, vector<16xi32>,
      %get3A_206 = arith.constant 1 : i32
      %get3A_207 = arith.index_cast %get3A_206 : i32 to index
      %get3A_208 = arith.constant 16 : index
      %get3A_209 = tpu.vector_load %arg8[%get3A_207, %get3A_208] {strides = array<i32>} : memref<3x96xi32, #tpu.memory_space<vmem>>, vector<16xi32>,
      %swap3A_210 = arith.constant 16 : index
      %swap3A_211 = tpu.vector_load %arg10[%swap3A_210] {strides = array<i32>} : memref<96xi32, #tpu.memory_space<vmem>>, vector<16xi32>,
      tpu.vector_store %arg10[%swap3A_210], %get3A_209 {strides = array<i32>} : memref<96xi32, #tpu.memory_space<vmem>>, vector<16xi32>,
      %get3A_212 = arith.constant 1 : i32
      %get3A_213 = arith.index_cast %get3A_212 : i32 to index
      %get3A_214 = arith.constant 32 : index
      %get3A_215 = tpu.vector_load %arg8[%get3A_213, %get3A_214] {strides = array<i32>} : memref<3x96xi32, #tpu.memory_space<vmem>>, vector<16xi32>,
      %swap3A_216 = arith.constant 32 : index
      %swap3A_217 = tpu.vector_load %arg10[%swap3A_216] {strides = array<i32>} : memref<96xi32, #tpu.memory_space<vmem>>, vector<16xi32>,
      tpu.vector_store %arg10[%swap3A_216], %get3A_215 {strides = array<i32>} : memref<96xi32, #tpu.memory_space<vmem>>, vector<16xi32>,
      %get3A_218 = arith.constant 1 : i32
      %get3A_219 = arith.index_cast %get3A_218 : i32 to index
      %get3A_220 = arith.constant 48 : index
      %get3A_221 = tpu.vector_load %arg8[%get3A_219, %get3A_220] {strides = array<i32>} : memref<3x96xi32, #tpu.memory_space<vmem>>, vector<16xi32>,
      %swap3A_222 = arith.constant 48 : index
      %swap3A_223 = tpu.vector_load %arg10[%swap3A_222] {strides = array<i32>} : memref<96xi32, #tpu.memory_space<vmem>>, vector<16xi32>,
      tpu.vector_store %arg10[%swap3A_222], %get3A_221 {strides = array<i32>} : memref<96xi32, #tpu.memory_space<vmem>>, vector<16xi32>,
      %get3A_224 = arith.constant 1 : i32
      %get3A_225 = arith.index_cast %get3A_224 : i32 to index
      %get3A_226 = arith.constant 64 : index
      %get3A_227 = tpu.vector_load %arg8[%get3A_225, %get3A_226] {strides = array<i32>} : memref<3x96xi32, #tpu.memory_space<vmem>>, vector<16xi32>,
      %swap3A_228 = arith.constant 64 : index
      %swap3A_229 = tpu.vector_load %arg10[%swap3A_228] {strides = array<i32>} : memref<96xi32, #tpu.memory_space<vmem>>, vector<16xi32>,
      tpu.vector_store %arg10[%swap3A_228], %get3A_227 {strides = array<i32>} : memref<96xi32, #tpu.memory_space<vmem>>, vector<16xi32>,
      %get3A_230 = arith.constant 1 : i32
      %get3A_231 = arith.index_cast %get3A_230 : i32 to index
      %get3A_232 = arith.constant 80 : index
      %get3A_233 = tpu.vector_load %arg8[%get3A_231, %get3A_232] {strides = array<i32>} : memref<3x96xi32, #tpu.memory_space<vmem>>, vector<16xi32>,
      %swap3A_234 = arith.constant 80 : index
      %swap3A_235 = tpu.vector_load %arg10[%swap3A_234] {strides = array<i32>} : memref<96xi32, #tpu.memory_space<vmem>>, vector<16xi32>,
      tpu.vector_store %arg10[%swap3A_234], %get3A_233 {strides = array<i32>} : memref<96xi32, #tpu.memory_space<vmem>>, vector<16xi32>,
      %dma_start3A_236 = arith.constant 0 : i32
      %dma_start3A_237 = arith.constant 0 : i32
      %dma_start3A_238 = tpu.memref_slice %arg15[%dma_start3A_236, %dma_start3A_237] : memref<10240x128xf32, #tpu.memory_space<vmem_shared>> -> memref<10240x128xf32, #tpu.memory_space<vmem_shared>>
      tpu.enqueue_indirect_dma source(%arg14 : memref<96x128xf32, #tpu.memory_space<vmem>>) target(%dma_start3A_238 : memref<10240x128xf32, #tpu.memory_space<vmem_shared>>) offsets(%arg10 : memref<96xi32, #tpu.memory_space<vmem>>) semaphore(%arg19 : memref<!tpu.dma_semaphore, #tpu.memory_space<semaphore_mem>>) {add = true}
      %lt3A_239 = arith.constant 53 : i32
      %lt3A_240 = arith.cmpi slt, %scan3A_64, %lt3A_239 : i32
      %convert_element_type3A_241 = arith.extui %lt3A_240 : i1 to i32
      %cond3A_242 = arith.constant 0 : i32
      %cond3A_243 = arith.cmpi ne, %convert_element_type3A_241, %cond3A_242 : i32
      scf.if %cond3A_243 {
        %mul3A_244 = arith.constant 2 : i32
        %mul3A_245 = arith.muli %mul3A_244, %scan3A_64 : i32
        %add3A_246 = arith.constant 3 : i32
        %add3A_247 = arith.addi %mul3A_245, %add3A_246 : i32
        %dma_start3A_248 = arith.constant 0 : i32
        %dma_start3A_249 = arith.constant 0 : i32
        %dma_start3A_250 = tpu.memref_slice %arg2[%add3A, %add3A_247, %dma_start3A_248, %dma_start3A_249] : memref<32x108x3x96xi32, #tpu.memory_space<hbm>> -> memref<1x1x3x96xi32, #tpu.memory_space<hbm>>
        %dma_start3A_251 = tpu.memref_squeeze %dma_start3A_250 : memref<1x1x3x96xi32, #tpu.memory_space<hbm>> -> memref<3x96xi32, #tpu.memory_space<hbm>>
        %dma_start3A_252 = arith.constant 0 : i32
        %dma_start3A_253 = arith.constant 0 : i32
        %dma_start3A_254 = tpu.memref_slice %arg2[%add3A, %add3A_247, %dma_start3A_252, %dma_start3A_253] : memref<32x108x3x96xi32, #tpu.memory_space<hbm>> -> memref<1x1x3x96xi32, #tpu.memory_space<hbm>>
        %dma_start3A_255 = tpu.memref_squeeze %dma_start3A_254 : memref<1x1x3x96xi32, #tpu.memory_space<hbm>> -> memref<3x96xi32, #tpu.memory_space<hbm>>
        tpu.enqueue_dma source(%dma_start3A_255 : memref<3x96xi32, #tpu.memory_space<hbm>>) target(%arg8 : memref<3x96xi32, #tpu.memory_space<vmem>>) target_semaphore(%arg21 : memref<!tpu.dma_semaphore, #tpu.memory_space<semaphore_mem>>)
      } else {
      }
    }
    %scan3A_56 = arith.constant 54 : i32
    %dma_wait3A = arith.constant 0 : i32
    %dma_wait3A_57 = arith.constant 0 : i32
    %dma_wait3A_58 = tpu.memref_slice %arg15[%dma_wait3A, %dma_wait3A_57] : memref<10240x128xf32, #tpu.memory_space<vmem_shared>> -> memref<10240x128xf32, #tpu.memory_space<vmem_shared>>
    tpu.wait_indirect_dma semaphore(%arg19 : memref<!tpu.dma_semaphore, #tpu.memory_space<semaphore_mem>>) src(%arg14 : memref<96x128xf32, #tpu.memory_space<vmem>>) dst(%dma_wait3A_58 : memref<10240x128xf32, #tpu.memory_space<vmem_shared>>)
    %barrier3A_59 = arith.constant 0 : index
    tpu.barrier barrier_id(%barrier3A_59)
    %mul3A_60 = arith.constant 640 : i32
    %mul3A_61 = arith.muli %arg1, %mul3A_60 : i32
    %mul3A_62 = arith.constant 640 : i32
    %mul3A_63 = arith.muli %arg1, %mul3A_62 : i32
    "tpu.region"() ({
      %run_scoped3A_64 = tpu.sem_alloc : memref<!tpu.dma_semaphore, #tpu.memory_space<semaphore_mem>>
      %dma_start3A_65 = arith.constant 0 : i32
      %dma_start3A_66 = tpu.memref_slice %arg6[%arg0, %mul3A_63, %dma_start3A_65] : memref<2x10240x128xf32, #tpu.memory_space<hbm>> -> memref<1x640x128xf32, #tpu.memory_space<hbm>>
      %dma_start3A_67 = tpu.memref_squeeze %dma_start3A_66 : memref<1x640x128xf32, #tpu.memory_space<hbm>> -> memref<640x128xf32, #tpu.memory_space<hbm>>
      %dma_start3A_68 = arith.constant 0 : i32
      %dma_start3A_69 = tpu.memref_slice %arg15[%mul3A_61, %dma_start3A_68] : memref<10240x128xf32, #tpu.memory_space<vmem_shared>> -> memref<640x128xf32, #tpu.memory_space<vmem_shared>>
      tpu.enqueue_dma source(%dma_start3A_69 : memref<640x128xf32, #tpu.memory_space<vmem_shared>>) target(%dma_start3A_67 : memref<640x128xf32, #tpu.memory_space<hbm>>) target_semaphore(%run_scoped3A_64 : memref<!tpu.dma_semaphore, #tpu.memory_space<semaphore_mem>>)
      %dma_wait3A_70 = arith.constant 0 : i32
      %dma_wait3A_71 = tpu.memref_slice %arg6[%arg0, %mul3A_63, %dma_wait3A_70] : memref<2x10240x128xf32, #tpu.memory_space<hbm>> -> memref<1x640x128xf32, #tpu.memory_space<hbm>>
      %dma_wait3A_72 = tpu.memref_squeeze %dma_wait3A_71 : memref<1x640x128xf32, #tpu.memory_space<hbm>> -> memref<640x128xf32, #tpu.memory_space<hbm>>
      %dma_wait3A_73 = arith.constant 0 : i32
      %dma_wait3A_74 = tpu.memref_slice %arg15[%mul3A_61, %dma_wait3A_73] : memref<10240x128xf32, #tpu.memory_space<vmem_shared>> -> memref<640x128xf32, #tpu.memory_space<vmem_shared>>
      tpu.wait_dma2 semaphore(%run_scoped3A_64 : memref<!tpu.dma_semaphore, #tpu.memory_space<semaphore_mem>>) src(%dma_wait3A_74 : memref<640x128xf32, #tpu.memory_space<vmem_shared>>) dst(%dma_wait3A_72 : memref<640x128xf32, #tpu.memory_space<hbm>>)
      tpu.yield
    }) : () -> ()
    "tpu.region"() ({
      %run_scoped3A_64 = tpu.sem_alloc : memref<!tpu.dma_semaphore, #tpu.memory_space<semaphore_mem>>
      %dma_start3A_65 = arith.constant 0 : i32
      %dma_start3A_66 = tpu.memref_slice %arg5[%add3A, %dma_start3A_65] : memref<32x10240xf32, #tpu.memory_space<hbm>> -> memref<1x10240xf32, #tpu.memory_space<hbm>>
      %dma_start3A_67 = tpu.memref_squeeze %dma_start3A_66 : memref<1x10240xf32, #tpu.memory_space<hbm>> -> memref<10240xf32, #tpu.memory_space<hbm>>
      %dma_start3A_68 = arith.constant 0 : i32
      %dma_start3A_69 = tpu.memref_slice %arg5[%add3A, %dma_start3A_68] : memref<32x10240xf32, #tpu.memory_space<hbm>> -> memref<1x10240xf32, #tpu.memory_space<hbm>>
      %dma_start3A_70 = tpu.memref_squeeze %dma_start3A_69 : memref<1x10240xf32, #tpu.memory_space<hbm>> -> memref<10240xf32, #tpu.memory_space<hbm>>
      tpu.enqueue_dma source(%arg12 : memref<10240xf32, #tpu.memory_space<vmem>>) target(%dma_start3A_70 : memref<10240xf32, #tpu.memory_space<hbm>>) target_semaphore(%run_scoped3A_64 : memref<!tpu.dma_semaphore, #tpu.memory_space<semaphore_mem>>)
      %dma_wait3A_71 = arith.constant 0 : i32
      %dma_wait3A_72 = tpu.memref_slice %arg5[%add3A, %dma_wait3A_71] : memref<32x10240xf32, #tpu.memory_space<hbm>> -> memref<1x10240xf32, #tpu.memory_space<hbm>>
      %dma_wait3A_73 = tpu.memref_squeeze %dma_wait3A_72 : memref<1x10240xf32, #tpu.memory_space<hbm>> -> memref<10240xf32, #tpu.memory_space<hbm>>
      %dma_wait3A_74 = arith.constant 0 : i32
      %dma_wait3A_75 = tpu.memref_slice %arg5[%add3A, %dma_wait3A_74] : memref<32x10240xf32, #tpu.memory_space<hbm>> -> memref<1x10240xf32, #tpu.memory_space<hbm>>
      %dma_wait3A_76 = tpu.memref_squeeze %dma_wait3A_75 : memref<1x10240xf32, #tpu.memory_space<hbm>> -> memref<10240xf32, #tpu.memory_space<hbm>>
      tpu.wait_dma2 semaphore(%run_scoped3A_64 : memref<!tpu.dma_semaphore, #tpu.memory_space<semaphore_mem>>) src(%arg12 : memref<10240xf32, #tpu.memory_space<vmem>>) dst(%dma_wait3A_76 : memref<10240xf32, #tpu.memory_space<hbm>>)
      tpu.yield
    }) : () -> ()
    return
  }
}

module attributes {stable_mosaic.version = 14 : i64} {
  func.func @_prep_body(%arg0: i32, %arg1: memref<1000x128xf32, #tpu.memory_space<vmem>>, %arg2: memref<128x128xf32, #tpu.memory_space<vmem>>, %arg3: memref<1x128xf32, #tpu.memory_space<vmem>>, %arg4: memref<1x128xf32, #tpu.memory_space<vmem>>, %arg5: memref<1000x128xf32, #tpu.memory_space<vmem>>, %arg6: memref<1000x1xf32, #tpu.memory_space<vmem>>, %arg7: memref<1000x1xf32, #tpu.memory_space<vmem>>) attributes {dimension_semantics = [#tpu.dimension_semantics<arbitrary>], iteration_bounds = array<i64: 10>, scalar_prefetch = 0 : i64, scratch_operands = 0 : i64, tpu.core_type = #tpu.core_type<tc>, window_params = [{transform_indices = @transform_0, window_bounds = array<i64: 1000, 128>}, {pipeline_mode = #tpu.pipeline_mode<synchronous>, transform_indices = @transform_1, window_bounds = array<i64: 128, 128>}, {pipeline_mode = #tpu.pipeline_mode<synchronous>, transform_indices = @transform_2, window_bounds = array<i64: 1, 128>}, {pipeline_mode = #tpu.pipeline_mode<synchronous>, transform_indices = @transform_3, window_bounds = array<i64: 1, 128>}, {transform_indices = @transform_4, window_bounds = array<i64: 1000, 128>}, {transform_indices = @transform_5, window_bounds = array<i64: 1000, 1>}, {transform_indices = @transform_6, window_bounds = array<i64: 1000, 1>}]} {
    %get3A = arith.constant 0 : index
    %get3A_0 = arith.constant 0 : index
    %get3A_1 = vector.load %arg1[%get3A, %get3A_0] : memref<1000x128xf32, #tpu.memory_space<vmem>>, vector<1000x128xf32>
    %get3A_2 = arith.constant 0 : index
    %get3A_3 = arith.constant 0 : index
    %get3A_4 = vector.load %arg2[%get3A_2, %get3A_3] : memref<128x128xf32, #tpu.memory_space<vmem>>, vector<128x128xf32>
    %dot_general3A = arith.constant dense<0.000000e+00> : vector<1000x128xf32>
    %dot_general3A_5 = tpu.matmul %get3A_1, %get3A_4, %dot_general3A {dimension_numbers = #tpu.dot_dimension_numbers<[1], [0], [0], [1], [0, 0, 1, 1], [], []>, transpose_lhs_hint = false} : vector<1000x128xf32>, vector<128x128xf32>, vector<1000x128xf32> -> vector<1000x128xf32>
    %swap3A = arith.constant 0 : index
    %swap3A_6 = arith.constant 0 : index
    %swap3A_7 = vector.load %arg5[%swap3A, %swap3A_6] : memref<1000x128xf32, #tpu.memory_space<vmem>>, vector<1000x128xf32>
    tpu.vector_store %arg5[%swap3A, %swap3A_6], %dot_general3A_5 {strides = array<i32>} : memref<1000x128xf32, #tpu.memory_space<vmem>>, vector<1000x128xf32>,
    %get3A_8 = arith.constant 0 : index
    %get3A_9 = arith.constant 0 : index
    %get3A_10 = vector.load %arg3[%get3A_8, %get3A_9] : memref<1x128xf32, #tpu.memory_space<vmem>>, vector<1x128xf32>
    %mul3A = vector.broadcast %get3A_10 : vector<1x128xf32> to vector<1000x128xf32>
    %mul3A_11 = arith.mulf %dot_general3A_5, %mul3A : vector<1000x128xf32>
    %reduce_sum3A = arith.constant dense<0.000000e+00> : vector<1000xf32>
    %reduce_sum3A_12 = vector.multi_reduction <add>, %mul3A_11, %reduce_sum3A [1] : vector<1000x128xf32> to vector<1000xf32>
    %broadcast_in_dim3A = vector.shape_cast %reduce_sum3A_12 : vector<1000xf32> to vector<1000x1xf32>
    %swap3A_13 = arith.constant 0 : index
    %swap3A_14 = arith.constant 0 : index
    %swap3A_15 = vector.load %arg6[%swap3A_13, %swap3A_14] : memref<1000x1xf32, #tpu.memory_space<vmem>>, vector<1000x1xf32>
    tpu.vector_store %arg6[%swap3A_13, %swap3A_14], %broadcast_in_dim3A {strides = array<i32>} : memref<1000x1xf32, #tpu.memory_space<vmem>>, vector<1000x1xf32>,
    %get3A_16 = arith.constant 0 : index
    %get3A_17 = arith.constant 0 : index
    %get3A_18 = vector.load %arg4[%get3A_16, %get3A_17] : memref<1x128xf32, #tpu.memory_space<vmem>>, vector<1x128xf32>
    %mul3A_19 = vector.broadcast %get3A_18 : vector<1x128xf32> to vector<1000x128xf32>
    %mul3A_20 = arith.mulf %dot_general3A_5, %mul3A_19 : vector<1000x128xf32>
    %reduce_sum3A_21 = arith.constant dense<0.000000e+00> : vector<1000xf32>
    %reduce_sum3A_22 = vector.multi_reduction <add>, %mul3A_20, %reduce_sum3A_21 [1] : vector<1000x128xf32> to vector<1000xf32>
    %broadcast_in_dim3A_23 = vector.shape_cast %reduce_sum3A_22 : vector<1000xf32> to vector<1000x1xf32>
    %swap3A_24 = arith.constant 0 : index
    %swap3A_25 = arith.constant 0 : index
    %swap3A_26 = vector.load %arg7[%swap3A_24, %swap3A_25] : memref<1000x1xf32, #tpu.memory_space<vmem>>, vector<1000x1xf32>
    tpu.vector_store %arg7[%swap3A_24, %swap3A_25], %broadcast_in_dim3A_23 {strides = array<i32>} : memref<1000x1xf32, #tpu.memory_space<vmem>>, vector<1000x1xf32>,
    return
  }
  func.func @transform_0(%arg0: i32) -> (i32, i32) {
    %c0_i32 = arith.constant 0 : i32
    %c0_i32_0 = arith.constant 0 : i32
    return %arg0, %c0_i32 : i32, i32
  }
  func.func @transform_1(%arg0: i32) -> (i32, i32) {
    %c0_i32 = arith.constant 0 : i32
    %c0_i32_0 = arith.constant 0 : i32
    %c0_i32_1 = arith.constant 0 : i32
    return %c0_i32, %c0_i32_0 : i32, i32
  }
  func.func @transform_2(%arg0: i32) -> (i32, i32) {
    %c0_i32 = arith.constant 0 : i32
    %c0_i32_0 = arith.constant 0 : i32
    %c0_i32_1 = arith.constant 0 : i32
    return %c0_i32, %c0_i32_0 : i32, i32
  }
  func.func @transform_3(%arg0: i32) -> (i32, i32) {
    %c0_i32 = arith.constant 0 : i32
    %c0_i32_0 = arith.constant 0 : i32
    %c0_i32_1 = arith.constant 0 : i32
    return %c0_i32, %c0_i32_0 : i32, i32
  }
  func.func @transform_4(%arg0: i32) -> (i32, i32) {
    %c0_i32 = arith.constant 0 : i32
    %c0_i32_0 = arith.constant 0 : i32
    return %arg0, %c0_i32 : i32, i32
  }
  func.func @transform_5(%arg0: i32) -> (i32, i32) {
    %c0_i32 = arith.constant 0 : i32
    %c0_i32_0 = arith.constant 0 : i32
    return %arg0, %c0_i32 : i32, i32
  }
  func.func @transform_6(%arg0: i32) -> (i32, i32) {
    %c0_i32 = arith.constant 0 : i32
    %c0_i32_0 = arith.constant 0 : i32
    return %arg0, %c0_i32 : i32, i32
  }
}

module attributes {stable_mosaic.version = 14 : i64} {
  func.func @_combine_body(%arg0: memref<32x10240xf32, #tpu.memory_space<vmem>>, %arg1: memref<1x10240xf32, #tpu.memory_space<vmem>>) attributes {dimension_semantics = [], scalar_prefetch = 0 : i64, scratch_operands = 0 : i64, tpu.core_type = #tpu.core_type<tc>} {
    %get3A = arith.constant 0 : index
    %get3A_0 = arith.constant 0 : index
    %get3A_1 = vector.load %arg0[%get3A, %get3A_0] : memref<32x10240xf32, #tpu.memory_space<vmem>>, vector<32x10240xf32>
    %reduce_max3A = arith.constant dense<0xFF800000> : vector<10240xf32>
    %reduce_max3A_2 = vector.multi_reduction <maximumf>, %get3A_1, %reduce_max3A [0] : vector<32x10240xf32> to vector<10240xf32>
    %broadcast_in_dim3A = vector.shape_cast %reduce_max3A_2 : vector<10240xf32> to vector<1x10240xf32>
    %is_finite3A = tpu.weird %broadcast_in_dim3A : vector<1x10240xf32> -> vector<1x10240xi1>
    %is_finite3A_3 = arith.constant dense<true> : vector<1x10240xi1>
    %is_finite3A_4 = arith.xori %is_finite3A, %is_finite3A_3 : vector<1x10240xi1>
    %jit3A = arith.constant 0.000000e+00 : f32
    %broadcast_in_dim3A_5 = vector.broadcast %jit3A : f32 to vector<1x10240xf32>
    %select_n3A = arith.select %is_finite3A_4, %broadcast_in_dim3A, %broadcast_in_dim3A_5 : vector<1x10240xi1>, vector<1x10240xf32>
    %swap3A = arith.constant 0 : index
    %swap3A_6 = arith.constant 0 : index
    %swap3A_7 = vector.load %arg1[%swap3A, %swap3A_6] : memref<1x10240xf32, #tpu.memory_space<vmem>>, vector<1x10240xf32>
    tpu.vector_store %arg1[%swap3A, %swap3A_6], %select_n3A {strides = array<i32>} : memref<1x10240xf32, #tpu.memory_space<vmem>>, vector<1x10240xf32>,
    return
  }
}

module attributes {stable_mosaic.version = 14 : i64} {
  func.func @_final_body(%arg0: i32, %arg1: memref<2x1280x128xf32, #tpu.memory_space<vmem>>, %arg2: memref<32x1280xf32, #tpu.memory_space<vmem>>, %arg3: memref<1x1x1280xi32, #tpu.memory_space<vmem>>, %arg4: memref<1x128xf32, #tpu.memory_space<vmem>>, %arg5: memref<128x10xf32, #tpu.memory_space<vmem>>, %arg6: memref<1x10xf32, #tpu.memory_space<vmem>>, %arg7: memref<64x10xf32, #tpu.memory_space<vmem>>, %arg8: memref<64x128xf32, #tpu.memory_space<vmem>>, %arg9: memref<64x128xf32, #tpu.memory_space<vmem>>) attributes {dimension_semantics = [#tpu.dimension_semantics<arbitrary>], iteration_bounds = array<i64: 8>, scalar_prefetch = 0 : i64, scratch_operands = 2 : i64, tpu.core_type = #tpu.core_type<tc>, window_params = [{transform_indices = @transform_0, window_bounds = array<i64: 2, 1280, 128>}, {transform_indices = @transform_1, window_bounds = array<i64: 32, 1280>}, {transform_indices = @transform_2, window_bounds = array<i64: 1, 1, 1280>}, {pipeline_mode = #tpu.pipeline_mode<synchronous>, transform_indices = @transform_3, window_bounds = array<i64: 1, 128>}, {pipeline_mode = #tpu.pipeline_mode<synchronous>, transform_indices = @transform_4, window_bounds = array<i64: 128, 10>}, {pipeline_mode = #tpu.pipeline_mode<synchronous>, transform_indices = @transform_5, window_bounds = array<i64: 1, 10>}, {pipeline_mode = #tpu.pipeline_mode<synchronous>, transform_indices = @transform_6, window_bounds = array<i64: 64, 10>}]} {
    %eq3A = arith.constant 0 : i32
    %eq3A_0 = arith.cmpi eq, %arg0, %eq3A : i32
    %convert_element_type3A = arith.extui %eq3A_0 : i1 to i32
    %cond3A = arith.constant 0 : i32
    %cond3A_1 = arith.cmpi ne, %convert_element_type3A, %cond3A : i32
    scf.if %cond3A_1 {
      %broadcast_in_dim3A_57 = arith.constant 0.000000e+00 : f32
      %broadcast_in_dim3A_58 = vector.broadcast %broadcast_in_dim3A_57 : f32 to vector<64x128xf32>
      %swap3A_59 = arith.constant 0 : index
      %swap3A_60 = arith.constant 0 : index
      %swap3A_61 = vector.load %arg8[%swap3A_59, %swap3A_60] : memref<64x128xf32, #tpu.memory_space<vmem>>, vector<64x128xf32>
      tpu.vector_store %arg8[%swap3A_59, %swap3A_60], %broadcast_in_dim3A_58 {strides = array<i32>} : memref<64x128xf32, #tpu.memory_space<vmem>>, vector<64x128xf32>,
      %broadcast_in_dim3A_62 = arith.constant 0.000000e+00 : f32
      %broadcast_in_dim3A_63 = vector.broadcast %broadcast_in_dim3A_62 : f32 to vector<64x128xf32>
      %swap3A_64 = arith.constant 0 : index
      %swap3A_65 = arith.constant 0 : index
      %swap3A_66 = vector.load %arg9[%swap3A_64, %swap3A_65] : memref<64x128xf32, #tpu.memory_space<vmem>>, vector<64x128xf32>
      tpu.vector_store %arg9[%swap3A_64, %swap3A_65], %broadcast_in_dim3A_63 {strides = array<i32>} : memref<64x128xf32, #tpu.memory_space<vmem>>, vector<64x128xf32>,
    } else {
    }
    %get3A = arith.constant 0 : index
    %get3A_2 = arith.constant 0 : index
    %get3A_3 = vector.load %arg2[%get3A, %get3A_2] : memref<32x1280xf32, #tpu.memory_space<vmem>>, vector<32x1280xf32>
    %reduce_sum3A = arith.constant dense<0.000000e+00> : vector<1280xf32>
    %reduce_sum3A_4 = vector.multi_reduction <add>, %get3A_3, %reduce_sum3A [0] : vector<32x1280xf32> to vector<1280xf32>
    %get3A_5 = arith.constant 0 : index
    %get3A_6 = arith.constant 0 : index
    %get3A_7 = arith.constant 0 : index
    %get3A_8 = vector.load %arg1[%get3A_5, %get3A_6, %get3A_7] : memref<2x1280x128xf32, #tpu.memory_space<vmem>>, vector<1x1280x128xf32>
    %get3A_9 = vector.shape_cast %get3A_8 : vector<1x1280x128xf32> to vector<1280x128xf32>
    %get3A_10 = arith.constant 1 : index
    %get3A_11 = arith.constant 0 : index
    %get3A_12 = arith.constant 0 : index
    %get3A_13 = vector.load %arg1[%get3A_10, %get3A_11, %get3A_12] : memref<2x1280x128xf32, #tpu.memory_space<vmem>>, vector<1x1280x128xf32>
    %get3A_14 = vector.shape_cast %get3A_13 : vector<1x1280x128xf32> to vector<1280x128xf32>
    %add3A = arith.addf %get3A_9, %get3A_14 : vector<1280x128xf32>
    %add3A_15 = arith.constant 1.000000e-16 : f32
    %add3A_16 = vector.broadcast %add3A_15 : f32 to vector<1280xf32>
    %add3A_17 = arith.addf %reduce_sum3A_4, %add3A_16 : vector<1280xf32>
    %broadcast_in_dim3A = vector.shape_cast %add3A_17 : vector<1280xf32> to vector<1280x1xf32>
    %div3A = vector.broadcast %broadcast_in_dim3A : vector<1280x1xf32> to vector<1280x128xf32>
    %div3A_18 = arith.divf %add3A, %div3A : vector<1280x128xf32>
    %get3A_19 = arith.constant 0 : index
    %get3A_20 = arith.constant 0 : index
    %get3A_21 = vector.load %arg4[%get3A_19, %get3A_20] : memref<1x128xf32, #tpu.memory_space<vmem>>, vector<1x128xf32>
    %add3A_22 = vector.broadcast %get3A_21 : vector<1x128xf32> to vector<1280x128xf32>
    %add3A_23 = arith.addf %div3A_18, %add3A_22 : vector<1280x128xf32>
    %get3A_24 = arith.constant 0 : index
    %get3A_25 = arith.constant 0 : index
    %get3A_26 = arith.constant 0 : index
    %get3A_27 = vector.load %arg3[%get3A_24, %get3A_25, %get3A_26] : memref<1x1x1280xi32, #tpu.memory_space<vmem>>, vector<1x1x1280xi32>
    %get3A_28 = vector.shape_cast %get3A_27 : vector<1x1x1280xi32> to vector<1280xi32>
    %iota3A = tpu.iota {dimensions = array<i32: 0>} : vector<64x1280xi32>
    %broadcast_in_dim3A_29 = vector.shape_cast %get3A_28 : vector<1280xi32> to vector<1x1280xi32>
    %eq3A_30 = vector.broadcast %broadcast_in_dim3A_29 : vector<1x1280xi32> to vector<64x1280xi32>
    %eq3A_31 = arith.cmpi eq, %iota3A, %eq3A_30 : vector<64x1280xi32>
    %convert_element_type3A_32 = arith.extui %eq3A_31 : vector<64x1280xi1> to vector<64x1280xi32>
    %convert_element_type3A_33 = arith.sitofp %convert_element_type3A_32 : vector<64x1280xi32> to vector<64x1280xf32>
    %get3A_34 = arith.constant 0 : index
    %get3A_35 = arith.constant 0 : index
    %get3A_36 = vector.load %arg8[%get3A_34, %get3A_35] : memref<64x128xf32, #tpu.memory_space<vmem>>, vector<64x128xf32>
    %dot_general3A = arith.constant dense<0.000000e+00> : vector<64x128xf32>
    %dot_general3A_37 = tpu.matmul %convert_element_type3A_33, %add3A_23, %dot_general3A {dimension_numbers = #tpu.dot_dimension_numbers<[1], [0], [0], [1], [0, 0, 1, 1], [], []>, transpose_lhs_hint = false} : vector<64x1280xf32>, vector<1280x128xf32>, vector<64x128xf32> -> vector<64x128xf32>
    %add3A_38 = arith.addf %get3A_36, %dot_general3A_37 : vector<64x128xf32>
    %swap3A = arith.constant 0 : index
    %swap3A_39 = arith.constant 0 : index
    %swap3A_40 = vector.load %arg8[%swap3A, %swap3A_39] : memref<64x128xf32, #tpu.memory_space<vmem>>, vector<64x128xf32>
    tpu.vector_store %arg8[%swap3A, %swap3A_39], %add3A_38 {strides = array<i32>} : memref<64x128xf32, #tpu.memory_space<vmem>>, vector<64x128xf32>,
    %get3A_41 = arith.constant 0 : index
    %get3A_42 = arith.constant 0 : index
    %get3A_43 = vector.load %arg9[%get3A_41, %get3A_42] : memref<64x128xf32, #tpu.memory_space<vmem>>, vector<64x128xf32>
    %broadcast_in_dim3A_44 = arith.constant 1.000000e+00 : f32
    %broadcast_in_dim3A_45 = vector.broadcast %broadcast_in_dim3A_44 : f32 to vector<1280x128xf32>
    %dot_general3A_46 = arith.constant dense<0.000000e+00> : vector<64x128xf32>
    %dot_general3A_47 = tpu.matmul %convert_element_type3A_33, %broadcast_in_dim3A_45, %dot_general3A_46 {dimension_numbers = #tpu.dot_dimension_numbers<[1], [0], [0], [1], [0, 0, 1, 1], [], []>, transpose_lhs_hint = false} : vector<64x1280xf32>, vector<1280x128xf32>, vector<64x128xf32> -> vector<64x128xf32>
    %add3A_48 = arith.addf %get3A_43, %dot_general3A_47 : vector<64x128xf32>
    %swap3A_49 = arith.constant 0 : index
    %swap3A_50 = arith.constant 0 : index
    %swap3A_51 = vector.load %arg9[%swap3A_49, %swap3A_50] : memref<64x128xf32, #tpu.memory_space<vmem>>, vector<64x128xf32>
    tpu.vector_store %arg9[%swap3A_49, %swap3A_50], %add3A_48 {strides = array<i32>} : memref<64x128xf32, #tpu.memory_space<vmem>>, vector<64x128xf32>,
    %eq3A_52 = arith.constant 7 : i32
    %eq3A_53 = arith.cmpi eq, %arg0, %eq3A_52 : i32
    %convert_element_type3A_54 = arith.extui %eq3A_53 : i1 to i32
    %cond3A_55 = arith.constant 0 : i32
    %cond3A_56 = arith.cmpi ne, %convert_element_type3A_54, %cond3A_55 : i32
    scf.if %cond3A_56 {
      %get3A_57 = arith.constant 0 : index
      %get3A_58 = arith.constant 0 : index
      %get3A_59 = vector.load %arg8[%get3A_57, %get3A_58] : memref<64x128xf32, #tpu.memory_space<vmem>>, vector<64x128xf32>
      %get3A_60 = arith.constant 0 : index
      %get3A_61 = arith.constant 0 : index
      %get3A_62 = vector.load %arg9[%get3A_60, %get3A_61] : memref<64x128xf32, #tpu.memory_space<vmem>>, vector<64x128xf32>
      %max3A = arith.constant 1.000000e+00 : f32
      %max3A_63 = vector.broadcast %max3A : f32 to vector<64x128xf32>
      %max3A_64 = arith.maximumf %get3A_62, %max3A_63 : vector<64x128xf32>
      %div3A_65 = arith.divf %get3A_59, %max3A_64 : vector<64x128xf32>
      %get3A_66 = arith.constant 0 : index
      %get3A_67 = arith.constant 0 : index
      %get3A_68 = vector.load %arg5[%get3A_66, %get3A_67] : memref<128x10xf32, #tpu.memory_space<vmem>>, vector<128x10xf32>
      %dot_general3A_69 = arith.constant dense<0.000000e+00> : vector<64x10xf32>
      %dot_general3A_70 = tpu.matmul %div3A_65, %get3A_68, %dot_general3A_69 {dimension_numbers = #tpu.dot_dimension_numbers<[1], [0], [0], [1], [0, 0, 1, 1], [], []>, transpose_lhs_hint = false} : vector<64x128xf32>, vector<128x10xf32>, vector<64x10xf32> -> vector<64x10xf32>
      %get3A_71 = arith.constant 0 : index
      %get3A_72 = arith.constant 0 : index
      %get3A_73 = vector.load %arg6[%get3A_71, %get3A_72] : memref<1x10xf32, #tpu.memory_space<vmem>>, vector<1x10xf32>
      %add3A_74 = vector.broadcast %get3A_73 : vector<1x10xf32> to vector<64x10xf32>
      %add3A_75 = arith.addf %dot_general3A_70, %add3A_74 : vector<64x10xf32>
      %max3A_76 = arith.constant 0.000000e+00 : f32
      %max3A_77 = vector.broadcast %max3A_76 : f32 to vector<64x10xf32>
      %max3A_78 = arith.maximumf %add3A_75, %max3A_77 : vector<64x10xf32>
      %swap3A_79 = arith.constant 0 : index
      %swap3A_80 = arith.constant 0 : index
      %swap3A_81 = vector.load %arg7[%swap3A_79, %swap3A_80] : memref<64x10xf32, #tpu.memory_space<vmem>>, vector<64x10xf32>
      tpu.vector_store %arg7[%swap3A_79, %swap3A_80], %max3A_78 {strides = array<i32>} : memref<64x10xf32, #tpu.memory_space<vmem>>, vector<64x10xf32>,
    } else {
    }
    return
  }
  func.func @transform_0(%arg0: i32) -> (i32, i32, i32) {
    %c0_i32 = arith.constant 0 : i32
    %c0_i32_0 = arith.constant 0 : i32
    %c0_i32_1 = arith.constant 0 : i32
    return %c0_i32, %arg0, %c0_i32_0 : i32, i32, i32
  }
  func.func @transform_1(%arg0: i32) -> (i32, i32) {
    %c0_i32 = arith.constant 0 : i32
    %c0_i32_0 = arith.constant 0 : i32
    return %c0_i32, %arg0 : i32, i32
  }
  func.func @transform_2(%arg0: i32) -> (i32, i32, i32) {
    %c0_i32 = arith.constant 0 : i32
    %c0_i32_0 = arith.constant 0 : i32
    %c0_i32_1 = arith.constant 0 : i32
    return %arg0, %c0_i32, %c0_i32_0 : i32, i32, i32
  }
  func.func @transform_3(%arg0: i32) -> (i32, i32) {
    %c0_i32 = arith.constant 0 : i32
    %c0_i32_0 = arith.constant 0 : i32
    %c0_i32_1 = arith.constant 0 : i32
    return %c0_i32, %c0_i32_0 : i32, i32
  }
  func.func @transform_4(%arg0: i32) -> (i32, i32) {
    %c0_i32 = arith.constant 0 : i32
    %c0_i32_0 = arith.constant 0 : i32
    %c0_i32_1 = arith.constant 0 : i32
    return %c0_i32, %c0_i32_0 : i32, i32
  }
  func.func @transform_5(%arg0: i32) -> (i32, i32) {
    %c0_i32 = arith.constant 0 : i32
    %c0_i32_0 = arith.constant 0 : i32
    %c0_i32_1 = arith.constant 0 : i32
    return %c0_i32, %c0_i32_0 : i32, i32
  }
  func.func @transform_6(%arg0: i32) -> (i32, i32) {
    %c0_i32 = arith.constant 0 : i32
    %c0_i32_0 = arith.constant 0 : i32
    %c0_i32_1 = arith.constant 0 : i32
    return %c0_i32, %c0_i32_0 : i32, i32
  }
}

</mosaic_0001>

<sc_bundles>
// kernel: kernel.10.cloned.1.call-start
scs
__scs_entry_jumppad:
0x0: {  	(pc) =	sbr.rel $0x88, $3  }
0x1: {  	(tag) =	ssettag $0x0;
	lr =	simm.s32 $0x1  }
0x2: {  	[smem:$0x3F98] =	sst lr;
	_ =	strace $0xD0000000  }
0x3: {  	_ = 	snop  }
0x4: {  	_ = 	snop  }
0x5: {  	_ = 	snop  }
0x6: {  	_ = 	snop  }
0x7: {  	_ = 	snop  }
__scs_overlays_trampoline_lowered:
0x8: {  	[smem:$0x3FA7] =	sst s0  }
0x9: {  	[smem:$0x3FA8] =	sst s1  }
0xa: {  	[smem:$0x3FA9] =	sst s2  }
0xb: {  	[smem:$0x3FAA] =	sst s3  }
0xc: {  	[smem:$0x3FAB] =	sst s4  }
0xd: {  	[smem:$0x3FAC] =	sst s5  }
0xe: {  	[smem:$0x3FAD] =	sst s6  }
0xf: {  	[smem:$0x3FAE] =	sst s7  }
0x10: {  	[smem:$0x3FAF] =	sst s8  }
0x11: {  	[smem:$0x3FB0] =	sst s9;
	s0 =	simm.s32 @!p0 $0x0  }
0x12: {  	s1 =	sld [smem:$0x3F96];
	s0 =	simm.s32 @p0 $0x1  }
0x13: {  	[smem:$0x3FB1] =	sst s0;
	s0 =	simm.s32 @!p1 $0x0  }
0x14: {  	s2 =	sld [smem:$0x3F95];
	s0 =	simm.s32 @p1 $0x1  }
0x15: {  	[smem:$0x3FB2] =	sst s0;
	s0 =	simm.s32 @!p2 $0x0  }
0x16: {  	s3 =	sld [smem:$0x3FDB];
	s0 =	simm.s32 @p2 $0x1  }
0x17: {  	s4 =	simm.s32 $0x1BF5;
	[smem:$0x3FB4] =	sst s0  }
0x18: {  	s0 =	sld [smem:$0x3F97];
	_ =	swait.ge [sflag:s4], $0x0  }
0x19: {  	s7 =	sld [smem:$0x3F98]  }
0x1a: {  	s8 =	sadd.s32 $0xFFFFE003, lr  }
0x1b: {  	s9 =	sadd.s32 $0xFFFFFEF7, lr;
	s5 =	simm.s32 $0xFFFFFFFF;
	p2 =	slt.u32 s8, $0xFFFFF086  }
0x1c: {  	p1 =	slt.u32 s9, $0xF7A;
	s5 =	simm.s32 @!p2 $0x0  }
0x1d: {  	s5 =	simm.s32 @p1 $0x1;
	p0 =	seq.s32 s7, s2  }
0x1e: {  	s7 =	smul.u32 @!p0 $0xF7A, s2;
	p2 =	seq.s32 @!p0 s5, $0x0  }
0x1f: {  	s9 =	smul.u32 $0xF7A, s1;
	s8 =	simm.s32 @!p0 $0x1BF5;
	p2 =	por !p2, p0  }
0x20: {  	[sflag:s8] =	ssyncset.s32 @!p0 $0xFFFFF086;
	s6 =	sadd.s32 @!p0 s3, s7;
	s7 =	simm.s32 @!p0 $0x108  }
0x21: {  	s3 =	sadd.s32 s3, s9;
	s6 =	sadd.s32 @!p0 $0x88, s6;
	s7 =	simm.s32 @p2 $0x1082  }
0x22: {  	[simem:s7], [sflag:s8] =	dma.local @!p0 [hbm:s6], $0xF7A  }
0x23: {  	s9 =	sor.u32 $0xD0000000, s2;
	s6 =	simm.s32 $0x108;
	_ =	swait.ge @!p0 [sflag:s8], $0x0  }
0x24: {  	s3 =	sadd.s32 $0x88, s3;
	s6 =	simm.s32 @!p1 $0x1082;
	[sflag:s4] =	ssyncset.s32 $0xFFFFF086  }
0x25: {  	[simem:s6], [sflag:s4] =	dma.local [hbm:s3], $0xF7A  }
0x26: {  	[smem:$0x3F98] =	sst s1;
	(tag) =	ssettag s2;
	_ =	strace s9  }
0x27: {  	s1 =	sld [smem:$0x3FA8]  }
0x28: {  	s2 =	sld [smem:$0x3FA9]  }
0x29: {  	s4 =	sld [smem:$0x3FAB]  }
0x2a: {  	p0 =	seq.s32 s5, $0x0;
	s5 =	sld [smem:$0x3FAC]  }
0x2b: {  	s6 =	sld [smem:$0x3FAD]  }
0x2c: {  	s7 =	sld [smem:$0x3FAE]  }
0x2d: {  	s3 =	simm.s32 $0x108;
	s8 =	sld [smem:$0x3FAF]  }
0x2e: {  	s3 =	simm.s32 @!p0 $0x1082;
	s9 =	sld [smem:$0x3FB0]  }
0x2f: {  	lr =	sadd.s32 s0, s3;
	s0 =	sld [smem:$0x3FA7]  }
0x30: {  	s3 =	sld [smem:$0x3FAA]  }
0x31: {  	[smem:$0x3FB3] =	sst s10  }
0x32: {  	s10 =	sld [smem:$0x3FB1];
	_ =	sdelay $0x3  }
0x33: {  	p0 =	seq.s32 s10, $0x1;
	s10 =	sld [smem:$0x3FB3];
	_ =	sdelay $0x3  }
0x34: {  	[smem:$0x3FB3] =	sst s10  }
0x35: {  	s10 =	sld [smem:$0x3FB2];
	_ =	sdelay $0x3  }
0x36: {  	p1 =	seq.s32 s10, $0x1;
	s10 =	sld [smem:$0x3FB3];
	_ =	sdelay $0x3  }
0x37: {  	[smem:$0x3FB3] =	sst s10  }
0x38: {  	s10 =	sld [smem:$0x3FB4]  }
0x39: {  	_ = 	snop;
	(pc) =	sbr.ind lr, $3  }
0x3a: {  	_ = 	snop  }
0x3b: {  	_ = 	snop  }
0x3c: {  	p2 =	seq.s32 s10, $0x1;
	s10 =	sld [smem:$0x3FB3]  }
0x3d: {  	_ =	shalt  }
0x3e: {  	_ =	shalt  }
0x3f: {  	_ =	shalt  }
0x40: {  	_ =	shalt  }
0x41: {  	_ =	shalt  }
0x42: {  	_ =	shalt  }
0x43: {  	_ =	shalt  }
0x44: {  	_ =	shalt  }
0x45: {  	_ =	shalt  }
0x46: {  	_ =	shalt  }
0x47: {  	_ =	shalt  }
0x48: {  	_ =	shalt  }
0x49: {  	_ =	shalt  }
0x4a: {  	_ =	shalt  }
0x4b: {  	_ =	shalt  }
0x4c: {  	_ =	shalt  }
0x4d: {  	_ =	shalt  }
0x4e: {  	_ =	shalt  }
0x4f: {  	_ =	shalt  }
0x50: {  	_ =	shalt  }
0x51: {  	_ =	shalt  }
0x52: {  	_ =	shalt  }
0x53: {  	_ =	shalt  }
0x54: {  	_ =	shalt  }
0x55: {  	_ =	shalt  }
0x56: {  	_ =	shalt  }
0x57: {  	_ =	shalt  }
0x58: {  	_ =	shalt  }
0x59: {  	_ =	shalt  }
0x5a: {  	_ =	shalt  }
0x5b: {  	_ =	shalt  }
0x5c: {  	_ =	shalt  }
0x5d: {  	_ =	shalt  }
0x5e: {  	_ =	shalt  }
0x5f: {  	_ =	shalt  }
0x60: {  	_ =	shalt  }
0x61: {  	_ =	shalt  }
0x62: {  	_ =	shalt  }
0x63: {  	_ =	shalt  }
0x64: {  	_ =	shalt  }
0x65: {  	_ =	shalt  }
0x66: {  	_ =	shalt  }
0x67: {  	_ =	shalt  }
0x68: {  	_ =	shalt  }
0x69: {  	_ =	shalt  }
0x6a: {  	_ =	shalt  }
0x6b: {  	_ =	shalt  }
0x6c: {  	_ =	shalt  }
0x6d: {  	_ =	shalt  }
0x6e: {  	_ =	shalt  }
0x6f: {  	_ =	shalt  }
0x70: {  	_ =	shalt  }
0x71: {  	_ =	shalt  }
0x72: {  	_ =	shalt  }
0x73: {  	_ =	shalt  }
0x74: {  	_ =	shalt  }
0x75: {  	_ =	shalt  }
0x76: {  	_ =	shalt  }
0x77: {  	_ =	shalt  }
0x78: {  	_ =	shalt  }
0x79: {  	_ =	shalt  }
0x7a: {  	_ =	shalt  }
0x7b: {  	_ =	shalt  }
0x7c: {  	_ =	shalt  }
0x7d: {  	_ =	shalt  }
0x7e: {  	_ =	shalt  }
0x7f: {  	_ =	shalt  }
0x80: {  	_ =	shalt  }
0x81: {  	_ =	shalt  }
0x82: {  	_ =	shalt  }
0x83: {  	_ =	shalt  }
0x84: {  	_ =	shalt  }
0x85: {  	_ =	shalt  }
0x86: {  	_ =	shalt  }
0x87: {  	_ =	shalt  }
.Lfunc_end0:
.L_simem_size_0:
called_computation.1_lowered:
.L_overlay_start_0:
0x88: {  	s2 =	sld [smem:$0x3FD9]  }
0x89: {  	s3 =	sld [smem:$0x3FFE];
	_ =	sdelay $0x1  }
0x8a: {  	s1 =	srdreg.scid  }
0x8b: {  	s0 =	sand.u32 $0x1, s1  }
0x8c: {  	s16 =	sshll.u32 s0, $0xA;
	s2 =	sadd.s32 s3, s2  }
0x8d: {  	s2 =	sadd.s32 s2, s16  }
0x8e: {  	[smem:$0x3FBF] =	sst s2  }
0x8f: {  	_ = 	snop  }
0x90: {  	(tm) =	ssettm $0x1  }
0x91: {  	s17 =	sld [smem:$0x3FFB];
	_ =	sdelay $0x3  }
0x92: {  	_ =	strace s17  }
0x93: {  	s2 =	sld [smem:$0x3FFC];
	_ =	sdelay $0x3  }
0x94: {  	_ =	strace s2  }
0x95: {  	s2 =	sld [smem:$0x3FFD];
	_ =	sdelay $0x3  }
0x96: {  	_ =	strace s2  }
0x97: {  	_ =	strace $0x8FFFFFFF  }
0x98: {  	s18 =	sld [smem:$0x3FDB];
	_ =	sdelay $0x1  }
0x99: {  	s19 =	simm.s32 $_scs_section_size  }
0x9a: {  	s4 =	simm.s32 $_size__tile_overlayer_lowered;
	s5 =	simm.s32 $_tile_overlayer_lowered  }
0x9b: {  	s22 =	simm.s32 $0x1BFF;
	s21 =	sshll.u32 s5, $0x1;
	s2 =	sadd.s32 s19, s18  }
0x9c: {  	s6 =	simm.s32 $0x0;
	s20 =	sshll.u32 s4, $0x1;
	s4 =	sadd.s32 s21, s2  }
0x9d: {  	[timem:s6], [sflag:s22] =	dma.local [hbm:s4], s20  }
0x9e: {  	_ =	swait.ge [sflag:s22], s20  }
0x9f: {  	s3 =	ssub.s32 $0x0, s20;
	[sflag:s22] =	ssyncset.done $0x0  }
0xa0: {  	[sflag:s22] =	ssyncadd.s32 s3;
	_ =	sdelay $0x1  }
0xa1: {  	s23 =	simm.s32 $0x1B8B  }
0xa2: {  	_ =	swait.ge [sflag:s23], $0x1  }
0xa3: {  	[sflag:s23] =	ssyncset.done $0x0  }
0xa4: {  	s25 =	simm.s32 $0x1B8E;
	s24 =	sld [smem:$0x3FFE];
	[sflag:s23] =	ssyncadd.s32 $0xFFFFFFFF  }
0xa5: {  	s26 =	simm.s32 $execute0_lowered;
	[smem:$0x3FD2] =	sst s25  }
0xa6: {  	s4 =	sshll.u32 s26, $0x1;
	_ =	strace $0x80000049;
	[dreg:$0x1] =	wrdreg $0xFFFFFFFF  }
0xa7: {  	s28 =	simm.s32 $_size_execute0_lowered;
	s2 =	sadd.s32 s2, s4;
	[dreg:$0x0] =	wrdreg $0x0  }
0xa8: {  	s4 =	sshll.u32 s28, $0x1;
	[dreg:$0x2] =	wrdreg s2  }
0xa9: {  	[dreg:$0x3] =	wrdreg s4  }
0xaa: {  	[dreg:$0x4] =	wrdreg $0xC0  }
0xab: {  	_ =	task [dreg:s6], $0x5FFFF  }
0xac: {  	[dreg:$0x1] =	wrdreg $0xFFFFFFFF  }
0xad: {  	[dreg:$0x0] =	wrdreg $0x60  }
0xae: {  	[dreg:$0x2] =	wrdreg s24  }
0xaf: {  	[dreg:$0x3] =	wrdreg $0xB5000  }
0xb0: {  	[dreg:$0x4] =	wrdreg $0x9  }
0xb1: {  	_ =	task.clear_ibuf [dreg:s6], $0x5FFFF;
	_ =	strace $0x90000049  }
0xb2: {  	s29 =	simm.s32 $0x9;
	_ =	strace $0x8000004B  }
0xb3: {  	_ =	swait.ge [sflag:s29], $0x1  }
0xb4: {  	[sflag:s29] =	ssyncadd.s32 $0xFFFFFFFF  }
0xb5: {  	_ =	strace $0x9000004B  }
0xb6: {  	_ =	sfence  }
0xb7: {  	s30 =	sld [smem:$0x0];
	_ =	sdelay $0x2  }
0xb8: {  	s31 =	sshll.u32 s1, $0xD;
	s1 =	sshrl.u32 s1, $0x2  }
0xb9: {  	s3 =	sand.u32 $0x4000, s31;
	s1 =	sadd.s32 s1, s30  }
0xba: {  	s0 =	sor.u32 s3, s0;
	s1 =	sshll.u32 s1, $0x11  }
0xbb: {  	s0 =	sor.u32 s1, s0  }
0xbc: {  	s0 =	sadd.s32 $0x8F2B, s0  }
0xbd: {  	[sflag:s0] =	ssyncadd.remote.s32 $0x1  }
0xbe: {  	_ =	sfence.sel $0xFFFF  }
0xbf: {  	[dreg:$0x0] =	wrdreg $0xFFFFFFFF;
	(pc) =	sbr.abs _section_cstart, $3  }
0xc0: {  	[dreg:$0x1] =	wrdreg $0xFFFFFFFF  }
0xc1: {  	_ =	task.clear_ibuf [dreg:s6], $0x2FFFF;
	_ =	strace $0x9FFFFFFF  }
0xc2: {  	(tm) =	ssettm $0x7FFFFFFF  }
0xc3: {  	_ =	shalt  }
tec
execute0_lowered:
.L_overlay_start_1:
0x0: {  	(tag) =	ssettag $0x1  }
0x1: {  	s0 =	rddreg [dreg:$0x0]  }
0x2: {  	s2 =	rddreg [dreg:$0x1];
	s3 =	simm.s32 $0x0  }
0x3: {  	s11 =	stileid.u32;
	s1 =	srdreg.scid;
	s28 =	simm.s32 $0x1  }
0x4: {  	s29 =	simm.s32 $0x6;
	s30 =	simm.s32 $0x8500;
	s31 =	simm.s32 $0x230  }
0x5: {  	s13 =	simm.s32 $0x0;
	[smem:$0x7FF] =	sst s3;
	s10 =	smul.u32 $0x14000, s11  }
0x6: {  	s4 =	sshrl.u32 s11, $0x2;
	s1 =	sand.u32 $0x1, s1;
	s15 =	smul.u32 $0x50000, s11  }
0x7: {  	s5 =	sshll.u32 s11, $0x1;
	s6 =	sadd.s32 $0x1C00, s0;
	s7 =	smul.u32 $0x14000, s4  }
0x8: {  	_ =	strace $0x8000004A;
	s5 =	sor.u32 s1, s5;
	s8 =	smul.u32 $0x140000, s1  }
0x9: {  	s4 =	sadd.s32 $0x3D200, s0;
	[dreg:$0x3] =	wrdreg s6;
	s6 =	sadd.s32 $0x16000, s0  }
0xa: {  	s1 =	ssub.s32 $0x2, s1;
	s9 =	sshll.u32 s5, $0x7;
	s5 =	smul.u32 $0xD800, s5  }
0xb: {  	s17 =	sshrl.u32 s1, $0x1;
	s18 =	sshrl.u32 s15, $0x2;
	s9 =	sand.u32 $0x380, s9  }
0xc: {  	s8 =	sadd.s32 s10, s8;
	s1 =	ssub.s32 s1, s17;
	s10 =	simm.s32 $0x4  }
0xd: {  	s7 =	sor.u32 s7, s9;
	s8 =	sshrl.u32 s8, $0x3;
	s19 =	sshrl.u32 s5, $0x3  }
0xe: {  	s11 =	sor.u32 $0x400, s5;
	s23 =	smax.u32 s1, $0x1;
	s7 =	sshrl.u32 s7, $0x3  }
0xf: {  	[dreg:$0x8] =	wrdreg s23;
	s16 =	sadd.s32 s7, s0;
	s7 =	sadd.s32 s18, s2  }
0x10: {  	s0 =	sadd.s32 s8, s0;
	s8 =	sadd.s32 s4, s19;
	s20 =	sadd.s32 $0x12000, s7  }
0x11: {  	s12 =	sor.u32 $0x600, s5;
	s21 =	sadd.s32 $0x40, s8;
	[dreg:$0x4] =	wrdreg s20  }
0x12: {  	s1 =	simm.s32 $0x60;
	s0 =	sadd.s32 $0x73200, s0;
	[dreg:$0x5] =	wrdreg s21  }
0x13: {  	s5 =	simm.s32 $0x400;
	s22 =	sadd.s32 $0x2200, s16;
	[dreg:$0x6] =	wrdreg s0  }
0x14: {  	v0 =	vimm.f32 $0.0e+00;
	v1 =	vimm.s32 $0x0;
	s9 =	simm.s32 $0x480;
	s24 =	sadd.s32 $0x3000, s7;
	[dreg:$0x7] =	wrdreg s22  }
.Ltmp0:
0x15: {  	v2 =	vimm.s32 $0x1;
	v3 =	vimm.s32 $0x2;
	v4 =	vimm.s32 $0x3;
	s25 =	sadd.s32 $0x6000, s7;
	[dreg:$0x9] =	wrdreg s24;
	(pc) =	sbr.rel .LBB2_1-.Ltmp0, $4  }
0x16: {  	v5 =	vimm.s32 $0x4;
	v6 =	vimm.s32 $0x5;
	v7 =	vimm.s32 $0x6;
	s23 =	simm.s32 $0x5500;
	s26 =	sadd.s32 $0x9000, s7;
	[dreg:$0xa] =	wrdreg s25  }
0x17: {  	v8 =	vimm.s32 $0x7;
	v9 =	vimm.s32 $0x8;
	v10 =	vimm.s32 $0x9;
	s19 =	sadd.s32 $0xC000, s7;
	[dreg:$0xb] =	wrdreg s26;
	s20 =	sadd.s32 $0xF000, s7  }
0x18: {  	v11 =	vimm.s32 $0xA;
	v12 =	vimm.s32 $0xB;
	v13 =	vimm.s32 $0xC;
	s21 =	simm.s32 $0x500;
	s22 =	simm.s32 $0x7;
	s24 =	simm.s32 $0x200  }
0x19: {  	v14 =	vimm.s32 $0xD;
	v15 =	vimm.s32 $0xE;
	v16 =	vimm.s32 $0xF;
	s25 =	simm.s32 $0x30;
	s0 =	simm.s32 $0x9D00;
	s26 =	simm.s32 $0x2D00  }
.LBB2_12:
0x1a: {  	_ =	swait.ge [sflag:s10], $0x3000  }
0x1b: {  	[sflag:s10] =	ssyncset.done $0x0  }
0x1c: {  	s14 =	stileid.u32;
	[sflag:s10] =	ssyncadd.s32 $0xFFFFD000  }
0x1d: {  	s14 =	sshll.u32 s14, $0x6;
	[bflag:$0x0] =	sbarrier.arrive $0xFFFF  }
0x1e: {  	s15 =	sshrl.u32 s7, $0x3;
	s14 =	sor.u32 $0x1C07, s14;
	s16 =	rddreg [dreg:$0x6]  }
0x1f: {  	[hbm:s16], [sflag:s14] =	dma.local [spmem:s15], $0x2800  }
0x20: {  	_ =	swait.ge [sflag:s22], $0x2800  }
0x21: {  	[sflag:s22] =	ssyncset.done $0x0  }
0x22: {  	s17 =	simm.s32 $0x80;
	s16 =	rddreg [dreg:$0x7];
	[sflag:s22] =	ssyncadd.s32 $0xFFFFD800  }
0x23: {  	[hbm4b:s16+s17] =	stream.strided.scatter [tilespmem:s26], [sflag:$0x7], $0x2800, s5, s17, $0x38;
	[tilespmem:$0x1F500] =	vst v63  }
0x24: {  	_ =	swait.ge [sflag:s22], $0x2800  }
0x25: {  	s13 =	sadd.s32 $0x1, s13;
	s18 =	rddreg [dreg:$0x8]  }
0x26: {  	p0 =	sne.s32 s13, s18  }
.Ltmp1:
0x27: {  	_ = 	snop;
	(pc) =	sbr.rel @!p0 .LBB2_13-.Ltmp1, $3  }
0x28: {  	_ =	sdelay $0x1  }
0x29: {  	[sflag:s22] =	ssyncset.done $0x0  }
0x2a: {  	[sflag:s22] =	ssyncadd.s32 $0xFFFFD800  }
.LBB2_1:
0x2b: {  	s14 =	rddreg [dreg:$0x3]  }
0x2c: {  	[tilespmem:s21], [sflag:$0x7] =	stream.linear.gather [hbm4b:s14+s3], $0x2800, $0x38;
	[tilespmem:$0x1F500] =	vst v63  }
0x2d: {  	_ =	swait.ge [sflag:s22], $0x2800  }
0x2e: {  	[sflag:s22] =	ssyncset.done $0x0  }
0x2f: {  	s14 =	simm.s32 $0x0;
	[sflag:s22] =	ssyncadd.s32 $0xFFFFD800  }
.LBB2_2:
0x30: {  	p0 =	sne.s32 s14, $0x9FC0  }
.Ltmp2:
0x31: {  	_ = 	snop;
	(pc) =	sbr.rel @p0 .LBB2_2-.Ltmp2, $3  }
0x32: {  	_ =	sdelay $0x1  }
0x33: {  	s15 =	sshra.s32 s14, $0x2  }
0x34: {  	s14 =	sadd.s32 $0x40, s14;
	[tilespmem:s15+$0x2D00] =	vst v0  }
0x35: {  	s14 =	simm.s32 $0x0  }
0x36: {  	s15 =	sand.u32 $0xFE00, s14  }
0x37: {  	s16 =	sand.u32 $0x70, s14;
	s17 =	sshrl.u32 s15, $0x2  }
0x38: {  	s15 =	simm.s32 $0x40;
	s16 =	sor.u32 s16, s17  }
.LBB2_4:
0x39: {  	p0 =	sne.s32 s15, $0xBFC0  }
0x3a: {  	[tilespmem:s16+$0x5500] =	vst v0;
	s14 =	sadd.s32 $0x10, s14;
	s16 =	smov.u32 s15;
	s15 =	sadd.s32 $0x40, s15  }
.Ltmp3:
0x3b: {  	(pc) =	sbr.rel @p0 .LBB2_4-.Ltmp3, $4  }
0x3c: {  	_ = 	snop  }
0x3d: {  	s16 =	sand.u32 $0xFE00, s16  }
0x3e: {  	s17 =	sand.u32 $0x70, s14;
	s16 =	sshrl.u32 s16, $0x2  }
0x3f: {  	s16 =	sor.u32 s17, s16  }
0x40: {  	[tilespmem:s16+$0x5500] =	vst v0  }
0x41: {  	[spmem:s7] =	stream.linear.scatter [tilespmem:s23], [sflag:$0x7], $0x3000, $0x38;
	[tilespmem:$0x1F500] =	vst v63  }
0x42: {  	_ =	swait.ge [sflag:s22], $0x3000  }
0x43: {  	[sflag:s22] =	ssyncset.done $0x0  }
0x44: {  	s14 =	rddreg [dreg:$0x9];
	[sflag:s22] =	ssyncadd.s32 $0xFFFFD000  }
0x45: {  	[spmem:s14] =	stream.linear.scatter [tilespmem:s23], [sflag:$0x7], $0x3000, $0x38;
	[tilespmem:$0x1F500] =	vst v63  }
0x46: {  	_ =	swait.ge [sflag:s22], $0x3000  }
0x47: {  	[sflag:s22] =	ssyncset.done $0x0  }
0x48: {  	s15 =	rddreg [dreg:$0xa];
	[sflag:s22] =	ssyncadd.s32 $0xFFFFD000  }
0x49: {  	[spmem:s15] =	stream.linear.scatter [tilespmem:s23], [sflag:$0x7], $0x3000, $0x38;
	[tilespmem:$0x1F500] =	vst v63  }
0x4a: {  	_ =	swait.ge [sflag:s22], $0x3000  }
0x4b: {  	[sflag:s22] =	ssyncset.done $0x0  }
0x4c: {  	s16 =	rddreg [dreg:$0xb];
	[sflag:s22] =	ssyncadd.s32 $0xFFFFD000  }
0x4d: {  	[spmem:s16] =	stream.linear.scatter [tilespmem:s23], [sflag:$0x7], $0x3000, $0x38;
	[tilespmem:$0x1F500] =	vst v63  }
0x4e: {  	_ =	swait.ge [sflag:s22], $0x3000  }
0x4f: {  	[sflag:s22] =	ssyncset.done $0x0  }
0x50: {  	[sflag:s22] =	ssyncadd.s32 $0xFFFFD000  }
0x51: {  	[spmem:s19] =	stream.linear.scatter [tilespmem:s23], [sflag:$0x7], $0x3000, $0x38;
	[tilespmem:$0x1F500] =	vst v63  }
0x52: {  	_ =	swait.ge [sflag:s22], $0x3000  }
0x53: {  	[sflag:s22] =	ssyncset.done $0x0  }
0x54: {  	[sflag:s22] =	ssyncadd.s32 $0xFFFFD000  }
0x55: {  	[spmem:s20] =	stream.linear.scatter [tilespmem:s23], [sflag:$0x7], $0x3000, $0x38;
	[tilespmem:$0x1F500] =	vst v63  }
0x56: {  	_ =	swait.ge [sflag:s22], $0x3000  }
0x57: {  	[sflag:s22] =	ssyncset.done $0x0  }
0x58: {  	s17 =	rddreg [dreg:$0x4];
	[sflag:s22] =	ssyncadd.s32 $0xFFFFD000  }
0x59: {  	[spmem:s17] =	stream.linear.scatter [tilespmem:s23], [sflag:$0x7], $0x2000, $0x38;
	[tilespmem:$0x1F500] =	vst v63  }
0x5a: {  	_ =	swait.ge [sflag:s22], $0x2000  }
0x5b: {  	[sflag:s22] =	ssyncset.done $0x0  }
0x5c: {  	[sflag:s22] =	ssyncadd.s32 $0xFFFFE000  }
0x5d: {  	s14 =	simm.s32 $0x0;
	[bflag:$0x0] =	sbarrier.arrive $0xFFFF  }
0x5e: {  	[tilespmem:s14], [sflag:$0x7] =	stream.linear.gather [hbm4b:s8+s14], $0x180, $0x38;
	[tilespmem:$0x1F500] =	vst v63  }
0x5f: {  	_ =	swait.ge [sflag:s22], $0x180  }
0x60: {  	[sflag:s22] =	ssyncset.done $0x0  }
0x61: {  	s15 =	rddreg [dreg:$0x5];
	[sflag:s22] =	ssyncadd.s32 $0xFFFFFE80  }
0x62: {  	[tilespmem:s24], [sflag:$0x6] =	stream.linear.gather [hbm4b:s15+s14], $0x180, $0x38;
	[tilespmem:$0x1F500] =	vst v63  }
0x63: {  	_ = 	snop  }
0x64: {  	[tilespmem:s23], [sflag:$0x1] =	stream.indirect.gather [hbm4b:s6+s25], $0x80, s14, s25, $0xb8;
	[tilespmem:$0x1F500] =	vst v63  }
0x65: {  	s18 =	simm.s32 $0x6D00  }
0x66: {  	[tilespmem:s18], [sflag:$0x1] =	stream.indirect.gather [hbm4b:s6+s25], $0x80, s25, s25, $0xb8;
	[tilespmem:$0x1F500] =	vst v63  }
.LBB2_6:
0x67: {  	_ =	swait.ge [sflag:s28], $0x1800  }
0x68: {  	[sflag:s28] =	ssyncset.done $0x0  }
0x69: {  	[sflag:s28] =	ssyncadd.s32 $0xFFFFE800  }
0x6a: {  	_ =	swait.ge [sflag:s28], $0x1800  }
0x6b: {  	p0 =	seq.s32 s14, $0x0;
	[sflag:s28] =	ssyncset.done $0x0  }
0x6c: {  	s15 =	simm.s32 @!p0 $0x4;
	[sflag:s28] =	ssyncadd.s32 $0xFFFFE800  }
0x6d: {  	_ =	swait.ge @!p0 [sflag:s15], $0x3000  }
0x6e: {  	[sflag:s15] =	ssyncset.done @!p0 $0x0  }
0x6f: {  	[sflag:s15] =	ssyncadd.s32 @!p0 $0xFFFFD000  }
0x70: {  	_ =	swait.ge [sflag:s29], $0x180  }
0x71: {  	[sflag:s29] =	ssyncset.done $0x0  }
0x72: {  	[sflag:s29] =	ssyncadd.s32 $0xFFFFFE80  }
0x73: {  	[tilespmem:s30], [sflag:$0x2] =	stream.indirect.gather [hbm4b:s6+s25], $0x80, s24, s25, $0xb8;
	[tilespmem:$0x1F500] =	vst v63  }
0x74: {  	s15 =	simm.s32 $0x0  }
0x75: {  	[tilespmem:s0], [sflag:$0x2] =	stream.indirect.gather [hbm4b:s6+s25], $0x80, s31, s25, $0xb8;
	[tilespmem:$0x1F500] =	vst v63  }
.LBB2_7:
0x76: {  	s16 =	sshll.u32 s15, $0x4  }
0x77: {  	v18 =	vld [tilespmem:s16+$0x80];
	_ =	sdelay $0x6  }
0x78: {  	v17 =	vld [tilespmem:s16+$0x100]  }
0x79: {  	v19 =	vld.idx.msk [tilespmem:v18+s21+$0x0], $0xffff;
	_ =	sdelay $0x4  }
0x7a: {  	v17 =	vsub.f32 v17, v19;
	_ =	sdelay $0x1  }
0x7b: {  	v17 =	vmul.f32 $1.442695020e+00, v17;
	_ =	sdelay $0x1  }
0x7c: {  	(erf) = vpow2.f32 v17;
	_ =	sdelay $0x8  }
0x7d: {  	s18 =	sshll.u32 s15, $0xB;
	v17 =	vpop (erf)  }
0x7e: {  	s16 =	sand.u32 $0x3FFFF800, s18;
	[tilespmem:v18+s26+$0x0] =	vst.idx.add.f32.msk $0xffff, v17  }
0x7f: {  	v18 =	vld [tilespmem:s16+$0x5500]  }
0x80: {  	v19 =	vld [tilespmem:s16+$0x5510]  }
0x81: {  	v20 =	vld [tilespmem:s16+$0x5520]  }
0x82: {  	v21 =	vperm.xlane v17, v1;
	v22 =	vld [tilespmem:s16+$0x5530]  }
0x83: {  	v23 =	vld [tilespmem:s16+$0x5540]  }
0x84: {  	v24 =	vld [tilespmem:s16+$0x5550];
	v18 =	vmul.f32 v18, v21  }
0x85: {  	v25 =	vld [tilespmem:s16+$0x5560];
	v19 =	vmul.f32 v19, v21  }
0x86: {  	v38 =	vld [tilespmem:s16+$0x5570];
	[tilespmem:s16+$0x5500] =	vst v18;
	v18 =	vmul.f32 v20, v21  }
0x87: {  	v39 =	vld [tilespmem:s16+$0x5580];
	[tilespmem:s16+$0x5510] =	vst v19;
	v19 =	vmul.f32 v22, v21  }
0x88: {  	v40 =	vld [tilespmem:s16+$0x5590];
	[tilespmem:s16+$0x5520] =	vst v18;
	v18 =	vmul.f32 v23, v21  }
0x89: {  	v41 =	vld [tilespmem:s16+$0x55A0];
	[tilespmem:s16+$0x5530] =	vst v19;
	v19 =	vmul.f32 v24, v21  }
0x8a: {  	v42 =	vperm.xlane v17, v2;
	v26 =	vld [tilespmem:s16+$0x55B0];
	[tilespmem:s16+$0x5540] =	vst v18;
	v18 =	vmul.f32 v25, v21  }
0x8b: {  	v43 =	vld [tilespmem:s16+$0x55C0];
	[tilespmem:s16+$0x5550] =	vst v19;
	v19 =	vmul.f32 v38, v21  }
0x8c: {  	v44 =	vld [tilespmem:s16+$0x55D0];
	[tilespmem:s16+$0x5560] =	vst v18;
	v18 =	vmul.f32 v39, v42  }
0x8d: {  	v45 =	vld [tilespmem:s16+$0x55E0];
	[tilespmem:s16+$0x5570] =	vst v19;
	v19 =	vmul.f32 v40, v42  }
0x8e: {  	v46 =	vld [tilespmem:s16+$0x55F0];
	[tilespmem:s16+$0x5580] =	vst v18;
	v18 =	vmul.f32 v41, v42  }
0x8f: {  	v47 =	vld [tilespmem:s16+$0x5600];
	[tilespmem:s16+$0x5590] =	vst v19;
	v19 =	vmul.f32 v26, v42  }
0x90: {  	v48 =	vld [tilespmem:s16+$0x5610];
	[tilespmem:s16+$0x55A0] =	vst v18;
	v18 =	vmul.f32 v43, v42  }
0x91: {  	v49 =	vld [tilespmem:s16+$0x5620];
	[tilespmem:s16+$0x55B0] =	vst v19;
	v19 =	vmul.f32 v44, v42  }
0x92: {  	v50 =	vperm.xlane v17, v3;
	v51 =	vld [tilespmem:s16+$0x5630];
	[tilespmem:s16+$0x55C0] =	vst v18;
	v18 =	vmul.f32 v45, v42  }
0x93: {  	v52 =	vld [tilespmem:s16+$0x5640];
	[tilespmem:s16+$0x55D0] =	vst v19;
	v19 =	vmul.f32 v46, v42  }
0x94: {  	v53 =	vld [tilespmem:s16+$0x5650];
	[tilespmem:s16+$0x55E0] =	vst v18;
	v18 =	vmul.f32 v47, v50  }
0x95: {  	v54 =	vld [tilespmem:s16+$0x5660];
	[tilespmem:s16+$0x55F0] =	vst v19;
	v19 =	vmul.f32 v48, v50  }
0x96: {  	v55 =	vld [tilespmem:s16+$0x5670];
	[tilespmem:s16+$0x5600] =	vst v18;
	v18 =	vmul.f32 v49, v50  }
0x97: {  	v56 =	vld [tilespmem:s16+$0x5680];
	[tilespmem:s16+$0x5610] =	vst v19;
	v19 =	vmul.f32 v51, v50  }
0x98: {  	v57 =	vld [tilespmem:s16+$0x5690];
	[tilespmem:s16+$0x5620] =	vst v18;
	v18 =	vmul.f32 v52, v50  }
0x99: {  	v58 =	vld [tilespmem:s16+$0x56A0];
	[tilespmem:s16+$0x5630] =	vst v19;
	v19 =	vmul.f32 v53, v50  }
0x9a: {  	v59 =	vperm.xlane v17, v4;
	v60 =	vld [tilespmem:s16+$0x56B0];
	[tilespmem:s16+$0x5640] =	vst v18;
	v18 =	vmul.f32 v54, v50  }
0x9b: {  	v61 =	vld [tilespmem:s16+$0x56C0];
	[tilespmem:s16+$0x5650] =	vst v19;
	v19 =	vmul.f32 v55, v50  }
0x9c: {  	v62 =	vld [tilespmem:s16+$0x56D0];
	[tilespmem:s16+$0x5660] =	vst v18;
	v18 =	vmul.f32 v56, v59  }
0x9d: {  	v63 =	vld [tilespmem:s16+$0x56E0];
	[tilespmem:s16+$0x5670] =	vst v19;
	v19 =	vmul.f32 v57, v59  }
0x9e: {  	v28 =	vld [tilespmem:s16+$0x56F0];
	[tilespmem:s16+$0x5680] =	vst v18;
	v18 =	vmul.f32 v58, v59  }
0x9f: {  	v29 =	vld [tilespmem:s16+$0x5700];
	[tilespmem:s16+$0x5690] =	vst v19;
	v19 =	vmul.f32 v60, v59  }
0xa0: {  	v30 =	vld [tilespmem:s16+$0x5710];
	[tilespmem:s16+$0x56A0] =	vst v18;
	v18 =	vmul.f32 v61, v59  }
0xa1: {  	v31 =	vld [tilespmem:s16+$0x5720];
	[tilespmem:s16+$0x56B0] =	vst v19;
	v19 =	vmul.f32 v62, v59  }
0xa2: {  	v32 =	vperm.xlane v17, v5;
	v33 =	vld [tilespmem:s16+$0x5730];
	[tilespmem:s16+$0x56C0] =	vst v18;
	v18 =	vmul.f32 v63, v59  }
0xa3: {  	v34 =	vld [tilespmem:s16+$0x5740];
	[tilespmem:s16+$0x56D0] =	vst v19;
	v19 =	vmul.f32 v28, v59  }
0xa4: {  	v35 =	vld [tilespmem:s16+$0x5750];
	[tilespmem:s16+$0x56E0] =	vst v18;
	v18 =	vmul.f32 v29, v32  }
0xa5: {  	v36 =	vld [tilespmem:s16+$0x5760];
	[tilespmem:s16+$0x56F0] =	vst v19;
	v19 =	vmul.f32 v30, v32  }
0xa6: {  	v37 =	vld [tilespmem:s16+$0x5770];
	[tilespmem:s16+$0x5700] =	vst v18;
	v18 =	vmul.f32 v31, v32  }
0xa7: {  	v38 =	vld [tilespmem:s16+$0x5780];
	[tilespmem:s16+$0x5710] =	vst v19;
	v19 =	vmul.f32 v33, v32  }
0xa8: {  	v39 =	vld [tilespmem:s16+$0x5790];
	[tilespmem:s16+$0x5720] =	vst v18;
	v18 =	vmul.f32 v34, v32  }
0xa9: {  	v40 =	vld [tilespmem:s16+$0x57A0];
	[tilespmem:s16+$0x5730] =	vst v19;
	v19 =	vmul.f32 v35, v32  }
0xaa: {  	v41 =	vperm.xlane v17, v6;
	v42 =	vld [tilespmem:s16+$0x57B0];
	[tilespmem:s16+$0x5740] =	vst v18;
	v18 =	vmul.f32 v36, v32  }
0xab: {  	v43 =	vld [tilespmem:s16+$0x57C0];
	[tilespmem:s16+$0x5750] =	vst v19;
	v19 =	vmul.f32 v37, v32  }
0xac: {  	v44 =	vld [tilespmem:s16+$0x57D0];
	[tilespmem:s16+$0x5760] =	vst v18;
	v18 =	vmul.f32 v38, v41  }
0xad: {  	v45 =	vld [tilespmem:s16+$0x57E0];
	[tilespmem:s16+$0x5770] =	vst v19;
	v19 =	vmul.f32 v39, v41  }
0xae: {  	v46 =	vld [tilespmem:s16+$0x57F0];
	[tilespmem:s16+$0x5780] =	vst v18;
	v18 =	vmul.f32 v40, v41  }
0xaf: {  	v47 =	vld [tilespmem:s16+$0x5800];
	[tilespmem:s16+$0x5790] =	vst v19;
	v19 =	vmul.f32 v42, v41  }
0xb0: {  	v48 =	vld [tilespmem:s16+$0x5810];
	[tilespmem:s16+$0x57A0] =	vst v18;
	v18 =	vmul.f32 v43, v41  }
0xb1: {  	v49 =	vld [tilespmem:s16+$0x5820];
	[tilespmem:s16+$0x57B0] =	vst v19;
	v19 =	vmul.f32 v44, v41  }
0xb2: {  	v51 =	vld [tilespmem:s16+$0x5830];
	v50 =	vperm.xlane v17, v7;
	[tilespmem:s16+$0x57C0] =	vst v18;
	v18 =	vmul.f32 v45, v41  }
0xb3: {  	v52 =	vld [tilespmem:s16+$0x5840];
	[tilespmem:s16+$0x57D0] =	vst v19;
	v19 =	vmul.f32 v46, v41  }
0xb4: {  	v53 =	vld [tilespmem:s16+$0x5850];
	[tilespmem:s16+$0x57E0] =	vst v18;
	v18 =	vmul.f32 v47, v50  }
0xb5: {  	v54 =	vld [tilespmem:s16+$0x5860];
	[tilespmem:s16+$0x57F0] =	vst v19;
	v19 =	vmul.f32 v48, v50  }
0xb6: {  	v55 =	vld [tilespmem:s16+$0x5870];
	[tilespmem:s16+$0x5800] =	vst v18;
	v18 =	vmul.f32 v49, v50  }
0xb7: {  	v56 =	vld [tilespmem:s16+$0x5880];
	[tilespmem:s16+$0x5810] =	vst v19;
	v19 =	vmul.f32 v51, v50  }
0xb8: {  	v57 =	vld [tilespmem:s16+$0x5890];
	[tilespmem:s16+$0x5820] =	vst v18;
	v18 =	vmul.f32 v52, v50  }
0xb9: {  	v58 =	vld [tilespmem:s16+$0x58A0];
	[tilespmem:s16+$0x5830] =	vst v19;
	v19 =	vmul.f32 v53, v50  }
0xba: {  	v60 =	vld [tilespmem:s16+$0x58B0];
	v59 =	vperm.xlane v17, v8;
	[tilespmem:s16+$0x5840] =	vst v18;
	v18 =	vmul.f32 v54, v50  }
0xbb: {  	v61 =	vld [tilespmem:s16+$0x58C0];
	[tilespmem:s16+$0x5850] =	vst v19;
	v19 =	vmul.f32 v55, v50  }
0xbc: {  	v62 =	vld [tilespmem:s16+$0x58D0];
	[tilespmem:s16+$0x5860] =	vst v18;
	v18 =	vmul.f32 v56, v59  }
0xbd: {  	v63 =	vld [tilespmem:s16+$0x58E0];
	[tilespmem:s16+$0x5870] =	vst v19;
	v19 =	vmul.f32 v57, v59  }
0xbe: {  	v28 =	vld [tilespmem:s16+$0x58F0];
	[tilespmem:s16+$0x5880] =	vst v18;
	v18 =	vmul.f32 v58, v59  }
0xbf: {  	v29 =	vld [tilespmem:s16+$0x5900];
	[tilespmem:s16+$0x5890] =	vst v19;
	v19 =	vmul.f32 v60, v59  }
0xc0: {  	v30 =	vld [tilespmem:s16+$0x5910];
	[tilespmem:s16+$0x58A0] =	vst v18;
	v18 =	vmul.f32 v61, v59  }
0xc1: {  	v31 =	vld [tilespmem:s16+$0x5920];
	[tilespmem:s16+$0x58B0] =	vst v19;
	v19 =	vmul.f32 v62, v59  }
0xc2: {  	v33 =	vld [tilespmem:s16+$0x5930];
	v32 =	vperm.xlane v17, v9;
	[tilespmem:s16+$0x58C0] =	vst v18;
	v18 =	vmul.f32 v63, v59  }
0xc3: {  	v34 =	vld [tilespmem:s16+$0x5940];
	[tilespmem:s16+$0x58D0] =	vst v19;
	v19 =	vmul.f32 v28, v59  }
0xc4: {  	v35 =	vld [tilespmem:s16+$0x5950];
	[tilespmem:s16+$0x58E0] =	vst v18;
	v18 =	vmul.f32 v29, v32  }
0xc5: {  	v36 =	vld [tilespmem:s16+$0x5960];
	[tilespmem:s16+$0x58F0] =	vst v19;
	v19 =	vmul.f32 v30, v32  }
0xc6: {  	v37 =	vld [tilespmem:s16+$0x5970];
	[tilespmem:s16+$0x5900] =	vst v18;
	v18 =	vmul.f32 v31, v32  }
0xc7: {  	v38 =	vld [tilespmem:s16+$0x5980];
	[tilespmem:s16+$0x5910] =	vst v19;
	v19 =	vmul.f32 v33, v32  }
0xc8: {  	v39 =	vld [tilespmem:s16+$0x5990];
	[tilespmem:s16+$0x5920] =	vst v18;
	v18 =	vmul.f32 v34, v32  }
0xc9: {  	v40 =	vld [tilespmem:s16+$0x59A0];
	[tilespmem:s16+$0x5930] =	vst v19;
	v19 =	vmul.f32 v35, v32  }
0xca: {  	v42 =	vld [tilespmem:s16+$0x59B0];
	v41 =	vperm.xlane v17, v10;
	[tilespmem:s16+$0x5940] =	vst v18;
	v18 =	vmul.f32 v36, v32  }
0xcb: {  	v43 =	vld [tilespmem:s16+$0x59C0];
	[tilespmem:s16+$0x5950] =	vst v19;
	v19 =	vmul.f32 v37, v32  }
0xcc: {  	v44 =	vld [tilespmem:s16+$0x59D0];
	[tilespmem:s16+$0x5960] =	vst v18;
	v18 =	vmul.f32 v38, v41  }
0xcd: {  	v45 =	vld [tilespmem:s16+$0x59E0];
	[tilespmem:s16+$0x5970] =	vst v19;
	v19 =	vmul.f32 v39, v41  }
0xce: {  	v46 =	vld [tilespmem:s16+$0x59F0];
	[tilespmem:s16+$0x5980] =	vst v18;
	v18 =	vmul.f32 v40, v41  }
0xcf: {  	v47 =	vld [tilespmem:s16+$0x5A00];
	[tilespmem:s16+$0x5990] =	vst v19;
	v19 =	vmul.f32 v42, v41  }
0xd0: {  	v48 =	vld [tilespmem:s16+$0x5A10];
	[tilespmem:s16+$0x59A0] =	vst v18;
	v18 =	vmul.f32 v43, v41  }
0xd1: {  	v49 =	vld [tilespmem:s16+$0x5A20];
	[tilespmem:s16+$0x59B0] =	vst v19;
	v19 =	vmul.f32 v44, v41  }
0xd2: {  	v51 =	vld [tilespmem:s16+$0x5A30];
	v50 =	vperm.xlane v17, v11;
	[tilespmem:s16+$0x59C0] =	vst v18;
	v18 =	vmul.f32 v45, v41  }
0xd3: {  	v52 =	vld [tilespmem:s16+$0x5A40];
	[tilespmem:s16+$0x59D0] =	vst v19;
	v19 =	vmul.f32 v46, v41  }
0xd4: {  	v53 =	vld [tilespmem:s16+$0x5A50];
	[tilespmem:s16+$0x59E0] =	vst v18;
	v18 =	vmul.f32 v47, v50  }
0xd5: {  	v54 =	vld [tilespmem:s16+$0x5A60];
	[tilespmem:s16+$0x59F0] =	vst v19;
	v19 =	vmul.f32 v48, v50  }
0xd6: {  	v55 =	vld [tilespmem:s16+$0x5A70];
	[tilespmem:s16+$0x5A00] =	vst v18;
	v18 =	vmul.f32 v49, v50  }
0xd7: {  	v56 =	vld [tilespmem:s16+$0x5A80];
	[tilespmem:s16+$0x5A10] =	vst v19;
	v19 =	vmul.f32 v51, v50  }
0xd8: {  	v57 =	vld [tilespmem:s16+$0x5A90];
	[tilespmem:s16+$0x5A20] =	vst v18;
	v18 =	vmul.f32 v52, v50  }
0xd9: {  	v58 =	vld [tilespmem:s16+$0x5AA0];
	[tilespmem:s16+$0x5A30] =	vst v19;
	v19 =	vmul.f32 v53, v50  }
0xda: {  	v60 =	vld [tilespmem:s16+$0x5AB0];
	v59 =	vperm.xlane v17, v12;
	[tilespmem:s16+$0x5A40] =	vst v18;
	v18 =	vmul.f32 v54, v50  }
0xdb: {  	v61 =	vld [tilespmem:s16+$0x5AC0];
	[tilespmem:s16+$0x5A50] =	vst v19;
	v19 =	vmul.f32 v55, v50  }
0xdc: {  	v62 =	vld [tilespmem:s16+$0x5AD0];
	[tilespmem:s16+$0x5A60] =	vst v18;
	v18 =	vmul.f32 v56, v59  }
0xdd: {  	v63 =	vld [tilespmem:s16+$0x5AE0];
	[tilespmem:s16+$0x5A70] =	vst v19;
	v19 =	vmul.f32 v57, v59  }
0xde: {  	v28 =	vld [tilespmem:s16+$0x5AF0];
	[tilespmem:s16+$0x5A80] =	vst v18;
	v18 =	vmul.f32 v58, v59  }
0xdf: {  	v29 =	vld [tilespmem:s16+$0x5B00];
	[tilespmem:s16+$0x5A90] =	vst v19;
	v19 =	vmul.f32 v60, v59  }
0xe0: {  	v30 =	vld [tilespmem:s16+$0x5B10];
	[tilespmem:s16+$0x5AA0] =	vst v18;
	v18 =	vmul.f32 v61, v59  }
0xe1: {  	v31 =	vld [tilespmem:s16+$0x5B20];
	[tilespmem:s16+$0x5AB0] =	vst v19;
	v19 =	vmul.f32 v62, v59  }
0xe2: {  	v33 =	vld [tilespmem:s16+$0x5B30];
	v32 =	vperm.xlane v17, v13;
	[tilespmem:s16+$0x5AC0] =	vst v18;
	v18 =	vmul.f32 v63, v59  }
0xe3: {  	v34 =	vld [tilespmem:s16+$0x5B40];
	[tilespmem:s16+$0x5AD0] =	vst v19;
	v19 =	vmul.f32 v28, v59  }
0xe4: {  	v35 =	vld [tilespmem:s16+$0x5B50];
	[tilespmem:s16+$0x5AE0] =	vst v18;
	v18 =	vmul.f32 v29, v32  }
0xe5: {  	v36 =	vld [tilespmem:s16+$0x5B60];
	[tilespmem:s16+$0x5AF0] =	vst v19;
	v19 =	vmul.f32 v30, v32  }
0xe6: {  	v37 =	vld [tilespmem:s16+$0x5B70];
	[tilespmem:s16+$0x5B00] =	vst v18;
	v18 =	vmul.f32 v31, v32  }
0xe7: {  	v38 =	vld [tilespmem:s16+$0x5B80];
	[tilespmem:s16+$0x5B10] =	vst v19;
	v19 =	vmul.f32 v33, v32  }
0xe8: {  	v39 =	vld [tilespmem:s16+$0x5B90];
	[tilespmem:s16+$0x5B20] =	vst v18;
	v18 =	vmul.f32 v34, v32  }
0xe9: {  	v40 =	vld [tilespmem:s16+$0x5BA0];
	[tilespmem:s16+$0x5B30] =	vst v19;
	v19 =	vmul.f32 v35, v32  }
0xea: {  	v42 =	vld [tilespmem:s16+$0x5BB0];
	v41 =	vperm.xlane v17, v14;
	[tilespmem:s16+$0x5B40] =	vst v18;
	v18 =	vmul.f32 v36, v32  }
0xeb: {  	v43 =	vld [tilespmem:s16+$0x5BC0];
	[tilespmem:s16+$0x5B50] =	vst v19;
	v19 =	vmul.f32 v37, v32  }
0xec: {  	v44 =	vld [tilespmem:s16+$0x5BD0];
	[tilespmem:s16+$0x5B60] =	vst v18;
	v18 =	vmul.f32 v38, v41  }
0xed: {  	v45 =	vld [tilespmem:s16+$0x5BE0];
	[tilespmem:s16+$0x5B70] =	vst v19;
	v19 =	vmul.f32 v39, v41  }
0xee: {  	v46 =	vld [tilespmem:s16+$0x5BF0];
	[tilespmem:s16+$0x5B80] =	vst v18;
	v18 =	vmul.f32 v40, v41  }
0xef: {  	v47 =	vld [tilespmem:s16+$0x5C00];
	[tilespmem:s16+$0x5B90] =	vst v19;
	v19 =	vmul.f32 v42, v41  }
0xf0: {  	v48 =	vld [tilespmem:s16+$0x5C10];
	[tilespmem:s16+$0x5BA0] =	vst v18;
	v18 =	vmul.f32 v43, v41  }
0xf1: {  	v49 =	vld [tilespmem:s16+$0x5C20];
	[tilespmem:s16+$0x5BB0] =	vst v19;
	v19 =	vmul.f32 v44, v41  }
0xf2: {  	v51 =	vld [tilespmem:s16+$0x5C30];
	v50 =	vperm.xlane v17, v15;
	[tilespmem:s16+$0x5BC0] =	vst v18;
	v18 =	vmul.f32 v45, v41  }
0xf3: {  	v52 =	vld [tilespmem:s16+$0x5C40];
	[tilespmem:s16+$0x5BD0] =	vst v19;
	v19 =	vmul.f32 v46, v41  }
0xf4: {  	v53 =	vld [tilespmem:s16+$0x5C50];
	[tilespmem:s16+$0x5BE0] =	vst v18;
	v18 =	vmul.f32 v47, v50  }
0xf5: {  	v54 =	vld [tilespmem:s16+$0x5C60];
	[tilespmem:s16+$0x5BF0] =	vst v19;
	v19 =	vmul.f32 v48, v50  }
0xf6: {  	v55 =	vld [tilespmem:s16+$0x5C70];
	[tilespmem:s16+$0x5C00] =	vst v18;
	v18 =	vmul.f32 v49, v50  }
0xf7: {  	v56 =	vld [tilespmem:s16+$0x5C80];
	[tilespmem:s16+$0x5C10] =	vst v19;
	v19 =	vmul.f32 v51, v50  }
0xf8: {  	v57 =	vld [tilespmem:s16+$0x5C90];
	[tilespmem:s16+$0x5C20] =	vst v18;
	v18 =	vmul.f32 v52, v50  }
0xf9: {  	v58 =	vld [tilespmem:s16+$0x5CA0];
	[tilespmem:s16+$0x5C30] =	vst v19;
	v19 =	vmul.f32 v53, v50  }
0xfa: {  	v17 =	vperm.xlane v17, v16;
	v59 =	vld [tilespmem:s16+$0x5CB0];
	[tilespmem:s16+$0x5C40] =	vst v18;
	v18 =	vmul.f32 v54, v50  }
0xfb: {  	v60 =	vld [tilespmem:s16+$0x5CC0];
	[tilespmem:s16+$0x5C50] =	vst v19;
	v19 =	vmul.f32 v55, v50  }
0xfc: {  	v61 =	vld [tilespmem:s16+$0x5CD0];
	[tilespmem:s16+$0x5C60] =	vst v18;
	v18 =	vmul.f32 v56, v17  }
0xfd: {  	v62 =	vld [tilespmem:s16+$0x5CE0];
	[tilespmem:s16+$0x5C70] =	vst v19;
	v19 =	vmul.f32 v57, v17  }
0xfe: {  	v63 =	vld [tilespmem:s16+$0x5CF0];
	[tilespmem:s16+$0x5C80] =	vst v18;
	v18 =	vmul.f32 v58, v17  }
0xff: {  	[tilespmem:s16+$0x5C90] =	vst v19;
	v19 =	vmul.f32 v59, v17  }
0x100: {  	p0 =	sne.s32 s15, $0x5;
	[tilespmem:s16+$0x5CA0] =	vst v18;
	v18 =	vmul.f32 v60, v17  }
.Ltmp4:
0x101: {  	[tilespmem:s16+$0x5CB0] =	vst v19;
	v19 =	vmul.f32 v61, v17;
	(pc) =	sbr.rel @p0 .LBB2_7-.Ltmp4, $4  }
0x102: {  	[tilespmem:s16+$0x5CC0] =	vst v18;
	v18 =	vmul.f32 v62, v17  }
0x103: {  	[tilespmem:s16+$0x5CD0] =	vst v19;
	v17 =	vmul.f32 v63, v17  }
0x104: {  	[tilespmem:s16+$0x5CE0] =	vst v18  }
0x105: {  	s15 =	sadd.s32 $0x1, s15;
	[tilespmem:s16+$0x5CF0] =	vst v17  }
0x106: {  	v17 =	vld [tilespmem:$0x80]  }
0x107: {  	v18 =	vld [tilespmem:$0x90]  }
0x108: {  	v19 =	vld [tilespmem:$0xA0]  }
0x109: {  	v20 =	vld [tilespmem:$0xB0]  }
0x10a: {  	v21 =	vld [tilespmem:$0xC0]  }
0x10b: {  	[tilespmem:$0x400] =	vst v17;
	v17 =	vld [tilespmem:$0xD0]  }
0x10c: {  	[tilespmem:$0x410] =	vst v18  }
0x10d: {  	[tilespmem:$0x420] =	vst v19  }
0x10e: {  	[tilespmem:$0x430] =	vst v20  }
0x10f: {  	p0 =	seq.s32 s14, $0x35;
	[tilespmem:$0x440] =	vst v21  }
0x110: {  	s16 =	simm.s32 @p0 $0x2;
	[tilespmem:$0x450] =	vst v17  }
0x111: {  	[spmem:s2] =	stream.indirect.scatter.add.f32 [tilespmem:s23], [sflag:$0x3], $0x80, s5, s1, $0xb8;
	[tilespmem:$0x1F500] =	vst v63  }
0x112: {  	_ =	swait.ge @p0 [sflag:s16], $0x1800  }
0x113: {  	[sflag:s16] =	ssyncset.done @p0 $0x0  }
0x114: {  	[sflag:s16] =	ssyncadd.s32 @p0 $0xFFFFE800  }
0x115: {  	_ =	swait.ge @p0 [sflag:s16], $0x1800  }
0x116: {  	[sflag:s16] =	ssyncset.done @p0 $0x0  }
0x117: {  	s15 =	sshll.u32 s14, $0xA;
	[sflag:s16] =	ssyncadd.s32 @p0 $0xFFFFE800;
	s16 =	simm.s32 @p0 $0x3  }
0x118: {  	s17 =	sadd.s32 @!p0 s15, s11;
	_ =	swait.ge @p0 [sflag:s16], $0x3000  }
0x119: {  	s17 =	sshrl.u32 @!p0 s17, $0x3;
	[sflag:s16] =	ssyncset.done @p0 $0x0  }
0x11a: {  	[sflag:s16] =	ssyncadd.s32 @p0 $0xFFFFD000;
	s16 =	sadd.s32 @!p0 s4, s17;
	s17 =	simm.s32 @!p0 $0x0  }
0x11b: {  	[tilespmem:s17], [sflag:$0x5] =	stream.linear.gather @!p0 [hbm4b:s16+s17], $0x180, $0x38;
	[tilespmem:$0x1F500] =	vst v63  }
0x11c: {  	s16 =	simm.s32 @!p0 $0x2  }
0x11d: {  	_ =	swait.ge @!p0 [sflag:s16], $0x1800  }
0x11e: {  	[sflag:s16] =	ssyncset.done @!p0 $0x0  }
0x11f: {  	[sflag:s16] =	ssyncadd.s32 @!p0 $0xFFFFE800  }
0x120: {  	_ =	swait.ge @!p0 [sflag:s16], $0x1800  }
0x121: {  	[sflag:s16] =	ssyncset.done @!p0 $0x0  }
0x122: {  	[sflag:s16] =	ssyncadd.s32 @!p0 $0xFFFFE800;
	s16 =	simm.s32 @!p0 $0x3  }
0x123: {  	_ =	swait.ge @!p0 [sflag:s16], $0x3000  }
0x124: {  	[sflag:s16] =	ssyncset.done @!p0 $0x0  }
0x125: {  	[sflag:s16] =	ssyncadd.s32 @!p0 $0xFFFFD000;
	s16 =	simm.s32 @!p0 $0x5  }
0x126: {  	_ =	swait.ge @!p0 [sflag:s16], $0x180  }
0x127: {  	[sflag:s16] =	ssyncset.done @!p0 $0x0  }
0x128: {  	s18 =	simm.s32 @!p0 $0x5500;
	[sflag:s16] =	ssyncadd.s32 @!p0 $0xFFFFFE80;
	s16 =	simm.s32 @!p0 $0x30  }
0x129: {  	[tilespmem:s18], [sflag:$0x1] =	stream.indirect.gather @!p0 [hbm4b:s6+s16], $0x80, s17, s16, $0xb8;
	[tilespmem:$0x1F500] =	vst v63  }
0x12a: {  	s17 =	simm.s32 @!p0 $0x6D00  }
0x12b: {  	[tilespmem:s17], [sflag:$0x1] =	stream.indirect.gather @!p0 [hbm4b:s6+s16], $0x80, s16, s16, $0xb8;
	[tilespmem:$0x1F500] =	vst v63  }
0x12c: {  	s16 =	simm.s32 $0x0  }
.LBB2_9:
0x12d: {  	s17 =	sshll.u32 s16, $0x4  }
0x12e: {  	v18 =	vld [tilespmem:s17+$0x280];
	_ =	sdelay $0x6  }
0x12f: {  	v17 =	vld [tilespmem:s17+$0x300]  }
0x130: {  	v19 =	vld.idx.msk [tilespmem:v18+s21+$0x0], $0xffff;
	_ =	sdelay $0x4  }
0x131: {  	v17 =	vsub.f32 v17, v19;
	_ =	sdelay $0x1  }
0x132: {  	v17 =	vmul.f32 $1.442695020e+00, v17;
	_ =	sdelay $0x1  }
0x133: {  	(erf) = vpow2.f32 v17;
	_ =	sdelay $0x8  }
0x134: {  	s18 =	sshll.u32 s16, $0xB;
	v17 =	vpop (erf)  }
0x135: {  	s17 =	sand.u32 $0x3FFFF800, s18;
	[tilespmem:v18+s26+$0x0] =	vst.idx.add.f32.msk $0xffff, v17  }
0x136: {  	v18 =	vld [tilespmem:s17+$0x8500]  }
0x137: {  	v19 =	vld [tilespmem:s17+$0x8510]  }
0x138: {  	v20 =	vld [tilespmem:s17+$0x8520]  }
0x139: {  	v21 =	vperm.xlane v17, v1;
	v22 =	vld [tilespmem:s17+$0x8530]  }
0x13a: {  	v23 =	vld [tilespmem:s17+$0x8540]  }
0x13b: {  	v24 =	vld [tilespmem:s17+$0x8550];
	v18 =	vmul.f32 v18, v21  }
0x13c: {  	v25 =	vld [tilespmem:s17+$0x8560];
	v19 =	vmul.f32 v19, v21  }
0x13d: {  	v38 =	vld [tilespmem:s17+$0x8570];
	[tilespmem:s17+$0x8500] =	vst v18;
	v18 =	vmul.f32 v20, v21  }
0x13e: {  	v39 =	vld [tilespmem:s17+$0x8580];
	[tilespmem:s17+$0x8510] =	vst v19;
	v19 =	vmul.f32 v22, v21  }
0x13f: {  	v40 =	vld [tilespmem:s17+$0x8590];
	[tilespmem:s17+$0x8520] =	vst v18;
	v18 =	vmul.f32 v23, v21  }
0x140: {  	v41 =	vld [tilespmem:s17+$0x85A0];
	[tilespmem:s17+$0x8530] =	vst v19;
	v19 =	vmul.f32 v24, v21  }
0x141: {  	v42 =	vperm.xlane v17, v2;
	v26 =	vld [tilespmem:s17+$0x85B0];
	[tilespmem:s17+$0x8540] =	vst v18;
	v18 =	vmul.f32 v25, v21  }
0x142: {  	v43 =	vld [tilespmem:s17+$0x85C0];
	[tilespmem:s17+$0x8550] =	vst v19;
	v19 =	vmul.f32 v38, v21  }
0x143: {  	v44 =	vld [tilespmem:s17+$0x85D0];
	[tilespmem:s17+$0x8560] =	vst v18;
	v18 =	vmul.f32 v39, v42  }
0x144: {  	v45 =	vld [tilespmem:s17+$0x85E0];
	[tilespmem:s17+$0x8570] =	vst v19;
	v19 =	vmul.f32 v40, v42  }
0x145: {  	v46 =	vld [tilespmem:s17+$0x85F0];
	[tilespmem:s17+$0x8580] =	vst v18;
	v18 =	vmul.f32 v41, v42  }
0x146: {  	v47 =	vld [tilespmem:s17+$0x8600];
	[tilespmem:s17+$0x8590] =	vst v19;
	v19 =	vmul.f32 v26, v42  }
0x147: {  	v48 =	vld [tilespmem:s17+$0x8610];
	[tilespmem:s17+$0x85A0] =	vst v18;
	v18 =	vmul.f32 v43, v42  }
0x148: {  	v49 =	vld [tilespmem:s17+$0x8620];
	[tilespmem:s17+$0x85B0] =	vst v19;
	v19 =	vmul.f32 v44, v42  }
0x149: {  	v50 =	vperm.xlane v17, v3;
	v51 =	vld [tilespmem:s17+$0x8630];
	[tilespmem:s17+$0x85C0] =	vst v18;
	v18 =	vmul.f32 v45, v42  }
0x14a: {  	v52 =	vld [tilespmem:s17+$0x8640];
	[tilespmem:s17+$0x85D0] =	vst v19;
	v19 =	vmul.f32 v46, v42  }
0x14b: {  	v53 =	vld [tilespmem:s17+$0x8650];
	[tilespmem:s17+$0x85E0] =	vst v18;
	v18 =	vmul.f32 v47, v50  }
0x14c: {  	v54 =	vld [tilespmem:s17+$0x8660];
	[tilespmem:s17+$0x85F0] =	vst v19;
	v19 =	vmul.f32 v48, v50  }
0x14d: {  	v55 =	vld [tilespmem:s17+$0x8670];
	[tilespmem:s17+$0x8600] =	vst v18;
	v18 =	vmul.f32 v49, v50  }
0x14e: {  	v56 =	vld [tilespmem:s17+$0x8680];
	[tilespmem:s17+$0x8610] =	vst v19;
	v19 =	vmul.f32 v51, v50  }
0x14f: {  	v57 =	vld [tilespmem:s17+$0x8690];
	[tilespmem:s17+$0x8620] =	vst v18;
	v18 =	vmul.f32 v52, v50  }
0x150: {  	v58 =	vld [tilespmem:s17+$0x86A0];
	[tilespmem:s17+$0x8630] =	vst v19;
	v19 =	vmul.f32 v53, v50  }
0x151: {  	v59 =	vperm.xlane v17, v4;
	v60 =	vld [tilespmem:s17+$0x86B0];
	[tilespmem:s17+$0x8640] =	vst v18;
	v18 =	vmul.f32 v54, v50  }
0x152: {  	v61 =	vld [tilespmem:s17+$0x86C0];
	[tilespmem:s17+$0x8650] =	vst v19;
	v19 =	vmul.f32 v55, v50  }
0x153: {  	v62 =	vld [tilespmem:s17+$0x86D0];
	[tilespmem:s17+$0x8660] =	vst v18;
	v18 =	vmul.f32 v56, v59  }
0x154: {  	v63 =	vld [tilespmem:s17+$0x86E0];
	[tilespmem:s17+$0x8670] =	vst v19;
	v19 =	vmul.f32 v57, v59  }
0x155: {  	v28 =	vld [tilespmem:s17+$0x86F0];
	[tilespmem:s17+$0x8680] =	vst v18;
	v18 =	vmul.f32 v58, v59  }
0x156: {  	v29 =	vld [tilespmem:s17+$0x8700];
	[tilespmem:s17+$0x8690] =	vst v19;
	v19 =	vmul.f32 v60, v59  }
0x157: {  	v30 =	vld [tilespmem:s17+$0x8710];
	[tilespmem:s17+$0x86A0] =	vst v18;
	v18 =	vmul.f32 v61, v59  }
0x158: {  	v31 =	vld [tilespmem:s17+$0x8720];
	[tilespmem:s17+$0x86B0] =	vst v19;
	v19 =	vmul.f32 v62, v59  }
0x159: {  	v32 =	vperm.xlane v17, v5;
	v33 =	vld [tilespmem:s17+$0x8730];
	[tilespmem:s17+$0x86C0] =	vst v18;
	v18 =	vmul.f32 v63, v59  }
0x15a: {  	v34 =	vld [tilespmem:s17+$0x8740];
	[tilespmem:s17+$0x86D0] =	vst v19;
	v19 =	vmul.f32 v28, v59  }
0x15b: {  	v35 =	vld [tilespmem:s17+$0x8750];
	[tilespmem:s17+$0x86E0] =	vst v18;
	v18 =	vmul.f32 v29, v32  }
0x15c: {  	v36 =	vld [tilespmem:s17+$0x8760];
	[tilespmem:s17+$0x86F0] =	vst v19;
	v19 =	vmul.f32 v30, v32  }
0x15d: {  	v37 =	vld [tilespmem:s17+$0x8770];
	[tilespmem:s17+$0x8700] =	vst v18;
	v18 =	vmul.f32 v31, v32  }
0x15e: {  	v38 =	vld [tilespmem:s17+$0x8780];
	[tilespmem:s17+$0x8710] =	vst v19;
	v19 =	vmul.f32 v33, v32  }
0x15f: {  	v39 =	vld [tilespmem:s17+$0x8790];
	[tilespmem:s17+$0x8720] =	vst v18;
	v18 =	vmul.f32 v34, v32  }
0x160: {  	v40 =	vld [tilespmem:s17+$0x87A0];
	[tilespmem:s17+$0x8730] =	vst v19;
	v19 =	vmul.f32 v35, v32  }
0x161: {  	v41 =	vperm.xlane v17, v6;
	v42 =	vld [tilespmem:s17+$0x87B0];
	[tilespmem:s17+$0x8740] =	vst v18;
	v18 =	vmul.f32 v36, v32  }
0x162: {  	v43 =	vld [tilespmem:s17+$0x87C0];
	[tilespmem:s17+$0x8750] =	vst v19;
	v19 =	vmul.f32 v37, v32  }
0x163: {  	v44 =	vld [tilespmem:s17+$0x87D0];
	[tilespmem:s17+$0x8760] =	vst v18;
	v18 =	vmul.f32 v38, v41  }
0x164: {  	v45 =	vld [tilespmem:s17+$0x87E0];
	[tilespmem:s17+$0x8770] =	vst v19;
	v19 =	vmul.f32 v39, v41  }
0x165: {  	v46 =	vld [tilespmem:s17+$0x87F0];
	[tilespmem:s17+$0x8780] =	vst v18;
	v18 =	vmul.f32 v40, v41  }
0x166: {  	v47 =	vld [tilespmem:s17+$0x8800];
	[tilespmem:s17+$0x8790] =	vst v19;
	v19 =	vmul.f32 v42, v41  }
0x167: {  	v48 =	vld [tilespmem:s17+$0x8810];
	[tilespmem:s17+$0x87A0] =	vst v18;
	v18 =	vmul.f32 v43, v41  }
0x168: {  	v49 =	vld [tilespmem:s17+$0x8820];
	[tilespmem:s17+$0x87B0] =	vst v19;
	v19 =	vmul.f32 v44, v41  }
0x169: {  	v51 =	vld [tilespmem:s17+$0x8830];
	v50 =	vperm.xlane v17, v7;
	[tilespmem:s17+$0x87C0] =	vst v18;
	v18 =	vmul.f32 v45, v41  }
0x16a: {  	v52 =	vld [tilespmem:s17+$0x8840];
	[tilespmem:s17+$0x87D0] =	vst v19;
	v19 =	vmul.f32 v46, v41  }
0x16b: {  	v53 =	vld [tilespmem:s17+$0x8850];
	[tilespmem:s17+$0x87E0] =	vst v18;
	v18 =	vmul.f32 v47, v50  }
0x16c: {  	v54 =	vld [tilespmem:s17+$0x8860];
	[tilespmem:s17+$0x87F0] =	vst v19;
	v19 =	vmul.f32 v48, v50  }
0x16d: {  	v55 =	vld [tilespmem:s17+$0x8870];
	[tilespmem:s17+$0x8800] =	vst v18;
	v18 =	vmul.f32 v49, v50  }
0x16e: {  	v56 =	vld [tilespmem:s17+$0x8880];
	[tilespmem:s17+$0x8810] =	vst v19;
	v19 =	vmul.f32 v51, v50  }
0x16f: {  	v57 =	vld [tilespmem:s17+$0x8890];
	[tilespmem:s17+$0x8820] =	vst v18;
	v18 =	vmul.f32 v52, v50  }
0x170: {  	v58 =	vld [tilespmem:s17+$0x88A0];
	[tilespmem:s17+$0x8830] =	vst v19;
	v19 =	vmul.f32 v53, v50  }
0x171: {  	v60 =	vld [tilespmem:s17+$0x88B0];
	v59 =	vperm.xlane v17, v8;
	[tilespmem:s17+$0x8840] =	vst v18;
	v18 =	vmul.f32 v54, v50  }
0x172: {  	v61 =	vld [tilespmem:s17+$0x88C0];
	[tilespmem:s17+$0x8850] =	vst v19;
	v19 =	vmul.f32 v55, v50  }
0x173: {  	v62 =	vld [tilespmem:s17+$0x88D0];
	[tilespmem:s17+$0x8860] =	vst v18;
	v18 =	vmul.f32 v56, v59  }
0x174: {  	v63 =	vld [tilespmem:s17+$0x88E0];
	[tilespmem:s17+$0x8870] =	vst v19;
	v19 =	vmul.f32 v57, v59  }
0x175: {  	v28 =	vld [tilespmem:s17+$0x88F0];
	[tilespmem:s17+$0x8880] =	vst v18;
	v18 =	vmul.f32 v58, v59  }
0x176: {  	v29 =	vld [tilespmem:s17+$0x8900];
	[tilespmem:s17+$0x8890] =	vst v19;
	v19 =	vmul.f32 v60, v59  }
0x177: {  	v30 =	vld [tilespmem:s17+$0x8910];
	[tilespmem:s17+$0x88A0] =	vst v18;
	v18 =	vmul.f32 v61, v59  }
0x178: {  	v31 =	vld [tilespmem:s17+$0x8920];
	[tilespmem:s17+$0x88B0] =	vst v19;
	v19 =	vmul.f32 v62, v59  }
0x179: {  	v33 =	vld [tilespmem:s17+$0x8930];
	v32 =	vperm.xlane v17, v9;
	[tilespmem:s17+$0x88C0] =	vst v18;
	v18 =	vmul.f32 v63, v59  }
0x17a: {  	v34 =	vld [tilespmem:s17+$0x8940];
	[tilespmem:s17+$0x88D0] =	vst v19;
	v19 =	vmul.f32 v28, v59  }
0x17b: {  	v35 =	vld [tilespmem:s17+$0x8950];
	[tilespmem:s17+$0x88E0] =	vst v18;
	v18 =	vmul.f32 v29, v32  }
0x17c: {  	v36 =	vld [tilespmem:s17+$0x8960];
	[tilespmem:s17+$0x88F0] =	vst v19;
	v19 =	vmul.f32 v30, v32  }
0x17d: {  	v37 =	vld [tilespmem:s17+$0x8970];
	[tilespmem:s17+$0x8900] =	vst v18;
	v18 =	vmul.f32 v31, v32  }
0x17e: {  	v38 =	vld [tilespmem:s17+$0x8980];
	[tilespmem:s17+$0x8910] =	vst v19;
	v19 =	vmul.f32 v33, v32  }
0x17f: {  	v39 =	vld [tilespmem:s17+$0x8990];
	[tilespmem:s17+$0x8920] =	vst v18;
	v18 =	vmul.f32 v34, v32  }
0x180: {  	v40 =	vld [tilespmem:s17+$0x89A0];
	[tilespmem:s17+$0x8930] =	vst v19;
	v19 =	vmul.f32 v35, v32  }
0x181: {  	v42 =	vld [tilespmem:s17+$0x89B0];
	v41 =	vperm.xlane v17, v10;
	[tilespmem:s17+$0x8940] =	vst v18;
	v18 =	vmul.f32 v36, v32  }
0x182: {  	v43 =	vld [tilespmem:s17+$0x89C0];
	[tilespmem:s17+$0x8950] =	vst v19;
	v19 =	vmul.f32 v37, v32  }
0x183: {  	v44 =	vld [tilespmem:s17+$0x89D0];
	[tilespmem:s17+$0x8960] =	vst v18;
	v18 =	vmul.f32 v38, v41  }
0x184: {  	v45 =	vld [tilespmem:s17+$0x89E0];
	[tilespmem:s17+$0x8970] =	vst v19;
	v19 =	vmul.f32 v39, v41  }
0x185: {  	v46 =	vld [tilespmem:s17+$0x89F0];
	[tilespmem:s17+$0x8980] =	vst v18;
	v18 =	vmul.f32 v40, v41  }
0x186: {  	v47 =	vld [tilespmem:s17+$0x8A00];
	[tilespmem:s17+$0x8990] =	vst v19;
	v19 =	vmul.f32 v42, v41  }
0x187: {  	v48 =	vld [tilespmem:s17+$0x8A10];
	[tilespmem:s17+$0x89A0] =	vst v18;
	v18 =	vmul.f32 v43, v41  }
0x188: {  	v49 =	vld [tilespmem:s17+$0x8A20];
	[tilespmem:s17+$0x89B0] =	vst v19;
	v19 =	vmul.f32 v44, v41  }
0x189: {  	v51 =	vld [tilespmem:s17+$0x8A30];
	v50 =	vperm.xlane v17, v11;
	[tilespmem:s17+$0x89C0] =	vst v18;
	v18 =	vmul.f32 v45, v41  }
0x18a: {  	v52 =	vld [tilespmem:s17+$0x8A40];
	[tilespmem:s17+$0x89D0] =	vst v19;
	v19 =	vmul.f32 v46, v41  }
0x18b: {  	v53 =	vld [tilespmem:s17+$0x8A50];
	[tilespmem:s17+$0x89E0] =	vst v18;
	v18 =	vmul.f32 v47, v50  }
0x18c: {  	v54 =	vld [tilespmem:s17+$0x8A60];
	[tilespmem:s17+$0x89F0] =	vst v19;
	v19 =	vmul.f32 v48, v50  }
0x18d: {  	v55 =	vld [tilespmem:s17+$0x8A70];
	[tilespmem:s17+$0x8A00] =	vst v18;
	v18 =	vmul.f32 v49, v50  }
0x18e: {  	v56 =	vld [tilespmem:s17+$0x8A80];
	[tilespmem:s17+$0x8A10] =	vst v19;
	v19 =	vmul.f32 v51, v50  }
0x18f: {  	v57 =	vld [tilespmem:s17+$0x8A90];
	[tilespmem:s17+$0x8A20] =	vst v18;
	v18 =	vmul.f32 v52, v50  }
0x190: {  	v58 =	vld [tilespmem:s17+$0x8AA0];
	[tilespmem:s17+$0x8A30] =	vst v19;
	v19 =	vmul.f32 v53, v50  }
0x191: {  	v60 =	vld [tilespmem:s17+$0x8AB0];
	v59 =	vperm.xlane v17, v12;
	[tilespmem:s17+$0x8A40] =	vst v18;
	v18 =	vmul.f32 v54, v50  }
0x192: {  	v61 =	vld [tilespmem:s17+$0x8AC0];
	[tilespmem:s17+$0x8A50] =	vst v19;
	v19 =	vmul.f32 v55, v50  }
0x193: {  	v62 =	vld [tilespmem:s17+$0x8AD0];
	[tilespmem:s17+$0x8A60] =	vst v18;
	v18 =	vmul.f32 v56, v59  }
0x194: {  	v63 =	vld [tilespmem:s17+$0x8AE0];
	[tilespmem:s17+$0x8A70] =	vst v19;
	v19 =	vmul.f32 v57, v59  }
0x195: {  	v28 =	vld [tilespmem:s17+$0x8AF0];
	[tilespmem:s17+$0x8A80] =	vst v18;
	v18 =	vmul.f32 v58, v59  }
0x196: {  	v29 =	vld [tilespmem:s17+$0x8B00];
	[tilespmem:s17+$0x8A90] =	vst v19;
	v19 =	vmul.f32 v60, v59  }
0x197: {  	v30 =	vld [tilespmem:s17+$0x8B10];
	[tilespmem:s17+$0x8AA0] =	vst v18;
	v18 =	vmul.f32 v61, v59  }
0x198: {  	v31 =	vld [tilespmem:s17+$0x8B20];
	[tilespmem:s17+$0x8AB0] =	vst v19;
	v19 =	vmul.f32 v62, v59  }
0x199: {  	v33 =	vld [tilespmem:s17+$0x8B30];
	v32 =	vperm.xlane v17, v13;
	[tilespmem:s17+$0x8AC0] =	vst v18;
	v18 =	vmul.f32 v63, v59  }
0x19a: {  	v34 =	vld [tilespmem:s17+$0x8B40];
	[tilespmem:s17+$0x8AD0] =	vst v19;
	v19 =	vmul.f32 v28, v59  }
0x19b: {  	v35 =	vld [tilespmem:s17+$0x8B50];
	[tilespmem:s17+$0x8AE0] =	vst v18;
	v18 =	vmul.f32 v29, v32  }
0x19c: {  	v36 =	vld [tilespmem:s17+$0x8B60];
	[tilespmem:s17+$0x8AF0] =	vst v19;
	v19 =	vmul.f32 v30, v32  }
0x19d: {  	v37 =	vld [tilespmem:s17+$0x8B70];
	[tilespmem:s17+$0x8B00] =	vst v18;
	v18 =	vmul.f32 v31, v32  }
0x19e: {  	v38 =	vld [tilespmem:s17+$0x8B80];
	[tilespmem:s17+$0x8B10] =	vst v19;
	v19 =	vmul.f32 v33, v32  }
0x19f: {  	v39 =	vld [tilespmem:s17+$0x8B90];
	[tilespmem:s17+$0x8B20] =	vst v18;
	v18 =	vmul.f32 v34, v32  }
0x1a0: {  	v40 =	vld [tilespmem:s17+$0x8BA0];
	[tilespmem:s17+$0x8B30] =	vst v19;
	v19 =	vmul.f32 v35, v32  }
0x1a1: {  	v42 =	vld [tilespmem:s17+$0x8BB0];
	v41 =	vperm.xlane v17, v14;
	[tilespmem:s17+$0x8B40] =	vst v18;
	v18 =	vmul.f32 v36, v32  }
0x1a2: {  	v43 =	vld [tilespmem:s17+$0x8BC0];
	[tilespmem:s17+$0x8B50] =	vst v19;
	v19 =	vmul.f32 v37, v32  }
0x1a3: {  	v44 =	vld [tilespmem:s17+$0x8BD0];
	[tilespmem:s17+$0x8B60] =	vst v18;
	v18 =	vmul.f32 v38, v41  }
0x1a4: {  	v45 =	vld [tilespmem:s17+$0x8BE0];
	[tilespmem:s17+$0x8B70] =	vst v19;
	v19 =	vmul.f32 v39, v41  }
0x1a5: {  	v46 =	vld [tilespmem:s17+$0x8BF0];
	[tilespmem:s17+$0x8B80] =	vst v18;
	v18 =	vmul.f32 v40, v41  }
0x1a6: {  	v47 =	vld [tilespmem:s17+$0x8C00];
	[tilespmem:s17+$0x8B90] =	vst v19;
	v19 =	vmul.f32 v42, v41  }
0x1a7: {  	v48 =	vld [tilespmem:s17+$0x8C10];
	[tilespmem:s17+$0x8BA0] =	vst v18;
	v18 =	vmul.f32 v43, v41  }
0x1a8: {  	v49 =	vld [tilespmem:s17+$0x8C20];
	[tilespmem:s17+$0x8BB0] =	vst v19;
	v19 =	vmul.f32 v44, v41  }
0x1a9: {  	v51 =	vld [tilespmem:s17+$0x8C30];
	v50 =	vperm.xlane v17, v15;
	[tilespmem:s17+$0x8BC0] =	vst v18;
	v18 =	vmul.f32 v45, v41  }
0x1aa: {  	v52 =	vld [tilespmem:s17+$0x8C40];
	[tilespmem:s17+$0x8BD0] =	vst v19;
	v19 =	vmul.f32 v46, v41  }
0x1ab: {  	v53 =	vld [tilespmem:s17+$0x8C50];
	[tilespmem:s17+$0x8BE0] =	vst v18;
	v18 =	vmul.f32 v47, v50  }
0x1ac: {  	v54 =	vld [tilespmem:s17+$0x8C60];
	[tilespmem:s17+$0x8BF0] =	vst v19;
	v19 =	vmul.f32 v48, v50  }
0x1ad: {  	v55 =	vld [tilespmem:s17+$0x8C70];
	[tilespmem:s17+$0x8C00] =	vst v18;
	v18 =	vmul.f32 v49, v50  }
0x1ae: {  	v56 =	vld [tilespmem:s17+$0x8C80];
	[tilespmem:s17+$0x8C10] =	vst v19;
	v19 =	vmul.f32 v51, v50  }
0x1af: {  	v57 =	vld [tilespmem:s17+$0x8C90];
	[tilespmem:s17+$0x8C20] =	vst v18;
	v18 =	vmul.f32 v52, v50  }
0x1b0: {  	v58 =	vld [tilespmem:s17+$0x8CA0];
	[tilespmem:s17+$0x8C30] =	vst v19;
	v19 =	vmul.f32 v53, v50  }
0x1b1: {  	v17 =	vperm.xlane v17, v16;
	v59 =	vld [tilespmem:s17+$0x8CB0];
	[tilespmem:s17+$0x8C40] =	vst v18;
	v18 =	vmul.f32 v54, v50  }
0x1b2: {  	v60 =	vld [tilespmem:s17+$0x8CC0];
	[tilespmem:s17+$0x8C50] =	vst v19;
	v19 =	vmul.f32 v55, v50  }
0x1b3: {  	v61 =	vld [tilespmem:s17+$0x8CD0];
	[tilespmem:s17+$0x8C60] =	vst v18;
	v18 =	vmul.f32 v56, v17  }
0x1b4: {  	v62 =	vld [tilespmem:s17+$0x8CE0];
	[tilespmem:s17+$0x8C70] =	vst v19;
	v19 =	vmul.f32 v57, v17  }
0x1b5: {  	v63 =	vld [tilespmem:s17+$0x8CF0];
	[tilespmem:s17+$0x8C80] =	vst v18;
	v18 =	vmul.f32 v58, v17  }
0x1b6: {  	[tilespmem:s17+$0x8C90] =	vst v19;
	v19 =	vmul.f32 v59, v17  }
0x1b7: {  	p1 =	sne.s32 s16, $0x5;
	[tilespmem:s17+$0x8CA0] =	vst v18;
	v18 =	vmul.f32 v60, v17  }
.Ltmp5:
0x1b8: {  	[tilespmem:s17+$0x8CB0] =	vst v19;
	v19 =	vmul.f32 v61, v17;
	(pc) =	sbr.rel @p1 .LBB2_9-.Ltmp5, $4  }
0x1b9: {  	[tilespmem:s17+$0x8CC0] =	vst v18;
	v18 =	vmul.f32 v62, v17  }
0x1ba: {  	[tilespmem:s17+$0x8CD0] =	vst v19;
	v17 =	vmul.f32 v63, v17  }
0x1bb: {  	[tilespmem:s17+$0x8CE0] =	vst v18  }
0x1bc: {  	s16 =	sadd.s32 $0x1, s16;
	[tilespmem:s17+$0x8CF0] =	vst v17  }
0x1bd: {  	v17 =	vld [tilespmem:$0x280]  }
0x1be: {  	v18 =	vld [tilespmem:$0x290]  }
0x1bf: {  	v19 =	vld [tilespmem:$0x2A0]  }
0x1c0: {  	v20 =	vld [tilespmem:$0x2B0]  }
0x1c1: {  	v21 =	vld [tilespmem:$0x2C0]  }
0x1c2: {  	[tilespmem:$0x480] =	vst v17;
	v17 =	vld [tilespmem:$0x2D0]  }
0x1c3: {  	[tilespmem:$0x490] =	vst v18  }
.Ltmp6:
0x1c4: {  	[tilespmem:$0x4A0] =	vst v19;
	(pc) =	sbr.rel @p0 .LBB2_12-.Ltmp6, $4  }
0x1c5: {  	[tilespmem:$0x4B0] =	vst v20  }
0x1c6: {  	[tilespmem:$0x4C0] =	vst v21  }
0x1c7: {  	[tilespmem:$0x4D0] =	vst v17  }
0x1c8: {  	[spmem:s2] =	stream.indirect.scatter.add.f32 [tilespmem:s30], [sflag:$0x4], $0x80, s9, s1, $0xb8;
	[tilespmem:$0x1F500] =	vst v63  }
.Ltmp7:
0x1c9: {  	(pc) =	sbr.rel .LBB2_6-.Ltmp7, $4  }
0x1ca: {  	s15 =	sadd.s32 s15, s12  }
0x1cb: {  	s15 =	sshrl.u32 s15, $0x3  }
0x1cc: {  	s14 =	sadd.s32 $0x1, s14;
	s15 =	sadd.s32 s4, s15  }
0x1cd: {  	[tilespmem:s24], [sflag:$0x6] =	stream.linear.gather [hbm4b:s15+s3], $0x180, $0x38;
	[tilespmem:$0x1F500] =	vst v63  }
.LBB2_13:
0x1ce: {  	_ =	sfence.sel $0x180000  }
0x1cf: {  	[bflag:$0x0] =	sbarrier.arrive $0xFFFF  }
0x1d0: {  	_ =	strace $0x9000004A  }
0x1d1: {  	s0 =	stileid.u32;
	[bflag:$0x2] =	sbarrier.arrive $0xFFFF  }
0x1d2: {  	p0 =	sne.s32 s0, $0x0;
	s0 =	rddreg [dreg:$0x2]  }
0x1d3: {  	s0 =	sadd.s32 @!p0 $0x100000, s0  }
0x1d4: {  	[sflag:s0] =	ssyncadd.tile.s32 @!p0 $0x1;
	_ =	shalt  }
.Lfunc_end2:
_tile_overlayer_lowered:
.L_overlay_start_2:
0x1d5: {  	(tag) =	ssettag $0x2  }
0x1d6: {  	s0 =	rddreg [dreg:$0x0];
	s2 =	stileid.u32  }
0x1d7: {  	s1 =	rddreg [dreg:$0x1];
	p0 =	sne.s32 s2, $0x0  }
0x1d8: {  	s3 =	rddreg [dreg:$0x2];
	[bflag:$0x3] =	sbarrier.arrive $0xFFFF;
	s2 =	simm.s32 @!p0 $0x1C07  }
0x1d9: {  	[timem:s3], [sflag:s2] =	dma.local @!p0 [hbm:s0], s1  }
0x1da: {  	s0 =	simm.s32 @!p0 $0x7  }
0x1db: {  	_ =	swait.ge @!p0 [sflag:s0], s1  }
0x1dc: {  	s1 =	ssub.s32 @!p0 $0x0, s1;
	[sflag:s0] =	ssyncset.done @!p0 $0x0  }
0x1dd: {  	[sflag:s0] =	ssyncadd.s32 @!p0 s1  }
0x1de: {  	[bflag:$0x3] =	sbarrier.arrive $0xFFFF  }
0x1df: {  	_ =	shalt  }

// kernel: kernel.7.cloned.1.call-start
scs
__scs_entry_jumppad:
0x0: {  	(pc) =	sbr.rel $0x88, $3  }
0x1: {  	(tag) =	ssettag $0x0;
	lr =	simm.s32 $0x1  }
0x2: {  	[smem:$0x3F98] =	sst lr;
	_ =	strace $0xD0000000  }
0x3: {  	_ = 	snop  }
0x4: {  	_ = 	snop  }
0x5: {  	_ = 	snop  }
0x6: {  	_ = 	snop  }
0x7: {  	_ = 	snop  }
__scs_overlays_trampoline_lowered:
0x8: {  	[smem:$0x3FA7] =	sst s0  }
0x9: {  	[smem:$0x3FA8] =	sst s1  }
0xa: {  	[smem:$0x3FA9] =	sst s2  }
0xb: {  	[smem:$0x3FAA] =	sst s3  }
0xc: {  	[smem:$0x3FAB] =	sst s4  }
0xd: {  	[smem:$0x3FAC] =	sst s5  }
0xe: {  	[smem:$0x3FAD] =	sst s6  }
0xf: {  	[smem:$0x3FAE] =	sst s7  }
0x10: {  	[smem:$0x3FAF] =	sst s8  }
0x11: {  	[smem:$0x3FB0] =	sst s9;
	s0 =	simm.s32 @!p0 $0x0  }
0x12: {  	s1 =	sld [smem:$0x3F96];
	s0 =	simm.s32 @p0 $0x1  }
0x13: {  	[smem:$0x3FB1] =	sst s0;
	s0 =	simm.s32 @!p1 $0x0  }
0x14: {  	s2 =	sld [smem:$0x3F95];
	s0 =	simm.s32 @p1 $0x1  }
0x15: {  	[smem:$0x3FB2] =	sst s0;
	s0 =	simm.s32 @!p2 $0x0  }
0x16: {  	s3 =	sld [smem:$0x3FDB];
	s0 =	simm.s32 @p2 $0x1  }
0x17: {  	s4 =	simm.s32 $0x1BF5;
	[smem:$0x3FB4] =	sst s0  }
0x18: {  	s0 =	sld [smem:$0x3F97];
	_ =	swait.ge [sflag:s4], $0x0  }
0x19: {  	s7 =	sld [smem:$0x3F98]  }
0x1a: {  	s8 =	sadd.s32 $0xFFFFE003, lr  }
0x1b: {  	s9 =	sadd.s32 $0xFFFFFEF7, lr;
	s5 =	simm.s32 $0xFFFFFFFF;
	p2 =	slt.u32 s8, $0xFFFFF086  }
0x1c: {  	p1 =	slt.u32 s9, $0xF7A;
	s5 =	simm.s32 @!p2 $0x0  }
0x1d: {  	s5 =	simm.s32 @p1 $0x1;
	p0 =	seq.s32 s7, s2  }
0x1e: {  	s7 =	smul.u32 @!p0 $0xF7A, s2;
	p2 =	seq.s32 @!p0 s5, $0x0  }
0x1f: {  	s9 =	smul.u32 $0xF7A, s1;
	s8 =	simm.s32 @!p0 $0x1BF5;
	p2 =	por !p2, p0  }
0x20: {  	[sflag:s8] =	ssyncset.s32 @!p0 $0xFFFFF086;
	s6 =	sadd.s32 @!p0 s3, s7;
	s7 =	simm.s32 @!p0 $0x108  }
0x21: {  	s3 =	sadd.s32 s3, s9;
	s6 =	sadd.s32 @!p0 $0x88, s6;
	s7 =	simm.s32 @p2 $0x1082  }
0x22: {  	[simem:s7], [sflag:s8] =	dma.local @!p0 [hbm:s6], $0xF7A  }
0x23: {  	s9 =	sor.u32 $0xD0000000, s2;
	s6 =	simm.s32 $0x108;
	_ =	swait.ge @!p0 [sflag:s8], $0x0  }
0x24: {  	s3 =	sadd.s32 $0x88, s3;
	s6 =	simm.s32 @!p1 $0x1082;
	[sflag:s4] =	ssyncset.s32 $0xFFFFF086  }
0x25: {  	[simem:s6], [sflag:s4] =	dma.local [hbm:s3], $0xF7A  }
0x26: {  	[smem:$0x3F98] =	sst s1;
	(tag) =	ssettag s2;
	_ =	strace s9  }
0x27: {  	s1 =	sld [smem:$0x3FA8]  }
0x28: {  	s2 =	sld [smem:$0x3FA9]  }
0x29: {  	s4 =	sld [smem:$0x3FAB]  }
0x2a: {  	p0 =	seq.s32 s5, $0x0;
	s5 =	sld [smem:$0x3FAC]  }
0x2b: {  	s6 =	sld [smem:$0x3FAD]  }
0x2c: {  	s7 =	sld [smem:$0x3FAE]  }
0x2d: {  	s3 =	simm.s32 $0x108;
	s8 =	sld [smem:$0x3FAF]  }
0x2e: {  	s3 =	simm.s32 @!p0 $0x1082;
	s9 =	sld [smem:$0x3FB0]  }
0x2f: {  	lr =	sadd.s32 s0, s3;
	s0 =	sld [smem:$0x3FA7]  }
0x30: {  	s3 =	sld [smem:$0x3FAA]  }
0x31: {  	[smem:$0x3FB3] =	sst s10  }
0x32: {  	s10 =	sld [smem:$0x3FB1];
	_ =	sdelay $0x3  }
0x33: {  	p0 =	seq.s32 s10, $0x1;
	s10 =	sld [smem:$0x3FB3];
	_ =	sdelay $0x3  }
0x34: {  	[smem:$0x3FB3] =	sst s10  }
0x35: {  	s10 =	sld [smem:$0x3FB2];
	_ =	sdelay $0x3  }
0x36: {  	p1 =	seq.s32 s10, $0x1;
	s10 =	sld [smem:$0x3FB3];
	_ =	sdelay $0x3  }
0x37: {  	[smem:$0x3FB3] =	sst s10  }
0x38: {  	s10 =	sld [smem:$0x3FB4]  }
0x39: {  	_ = 	snop;
	(pc) =	sbr.ind lr, $3  }
0x3a: {  	_ = 	snop  }
0x3b: {  	_ = 	snop  }
0x3c: {  	p2 =	seq.s32 s10, $0x1;
	s10 =	sld [smem:$0x3FB3]  }
0x3d: {  	_ =	shalt  }
0x3e: {  	_ =	shalt  }
0x3f: {  	_ =	shalt  }
0x40: {  	_ =	shalt  }
0x41: {  	_ =	shalt  }
0x42: {  	_ =	shalt  }
0x43: {  	_ =	shalt  }
0x44: {  	_ =	shalt  }
0x45: {  	_ =	shalt  }
0x46: {  	_ =	shalt  }
0x47: {  	_ =	shalt  }
0x48: {  	_ =	shalt  }
0x49: {  	_ =	shalt  }
0x4a: {  	_ =	shalt  }
0x4b: {  	_ =	shalt  }
0x4c: {  	_ =	shalt  }
0x4d: {  	_ =	shalt  }
0x4e: {  	_ =	shalt  }
0x4f: {  	_ =	shalt  }
0x50: {  	_ =	shalt  }
0x51: {  	_ =	shalt  }
0x52: {  	_ =	shalt  }
0x53: {  	_ =	shalt  }
0x54: {  	_ =	shalt  }
0x55: {  	_ =	shalt  }
0x56: {  	_ =	shalt  }
0x57: {  	_ =	shalt  }
0x58: {  	_ =	shalt  }
0x59: {  	_ =	shalt  }
0x5a: {  	_ =	shalt  }
0x5b: {  	_ =	shalt  }
0x5c: {  	_ =	shalt  }
0x5d: {  	_ =	shalt  }
0x5e: {  	_ =	shalt  }
0x5f: {  	_ =	shalt  }
0x60: {  	_ =	shalt  }
0x61: {  	_ =	shalt  }
0x62: {  	_ =	shalt  }
0x63: {  	_ =	shalt  }
0x64: {  	_ =	shalt  }
0x65: {  	_ =	shalt  }
0x66: {  	_ =	shalt  }
0x67: {  	_ =	shalt  }
0x68: {  	_ =	shalt  }
0x69: {  	_ =	shalt  }
0x6a: {  	_ =	shalt  }
0x6b: {  	_ =	shalt  }
0x6c: {  	_ =	shalt  }
0x6d: {  	_ =	shalt  }
0x6e: {  	_ =	shalt  }
0x6f: {  	_ =	shalt  }
0x70: {  	_ =	shalt  }
0x71: {  	_ =	shalt  }
0x72: {  	_ =	shalt  }
0x73: {  	_ =	shalt  }
0x74: {  	_ =	shalt  }
0x75: {  	_ =	shalt  }
0x76: {  	_ =	shalt  }
0x77: {  	_ =	shalt  }
0x78: {  	_ =	shalt  }
0x79: {  	_ =	shalt  }
0x7a: {  	_ =	shalt  }
0x7b: {  	_ =	shalt  }
0x7c: {  	_ =	shalt  }
0x7d: {  	_ =	shalt  }
0x7e: {  	_ =	shalt  }
0x7f: {  	_ =	shalt  }
0x80: {  	_ =	shalt  }
0x81: {  	_ =	shalt  }
0x82: {  	_ =	shalt  }
0x83: {  	_ =	shalt  }
0x84: {  	_ =	shalt  }
0x85: {  	_ =	shalt  }
0x86: {  	_ =	shalt  }
0x87: {  	_ =	shalt  }
.Lfunc_end0:
.L_simem_size_0:
called_computation_lowered:
.L_overlay_start_0:
0x88: {  	s2 =	sld [smem:$0x3FD9]  }
0x89: {  	s3 =	sld [smem:$0x3FFE];
	_ =	sdelay $0x1  }
0x8a: {  	s1 =	srdreg.scid  }
0x8b: {  	s0 =	sand.u32 $0x1, s1  }
0x8c: {  	s16 =	sshll.u32 s0, $0xA;
	s2 =	sadd.s32 s3, s2  }
0x8d: {  	s2 =	sadd.s32 s2, s16  }
0x8e: {  	[smem:$0x3FBF] =	sst s2  }
0x8f: {  	_ = 	snop  }
0x90: {  	(tm) =	ssettm $0x1  }
0x91: {  	s17 =	sld [smem:$0x3FFB];
	_ =	sdelay $0x3  }
0x92: {  	_ =	strace s17  }
0x93: {  	s2 =	sld [smem:$0x3FFC];
	_ =	sdelay $0x3  }
0x94: {  	_ =	strace s2  }
0x95: {  	s2 =	sld [smem:$0x3FFD];
	_ =	sdelay $0x3  }
0x96: {  	_ =	strace s2  }
0x97: {  	_ =	strace $0x8FFFFFFF  }
0x98: {  	s18 =	sld [smem:$0x3FDB];
	_ =	sdelay $0x1  }
0x99: {  	s19 =	simm.s32 $_scs_section_size  }
0x9a: {  	s4 =	simm.s32 $_size__tile_overlayer_lowered;
	s5 =	simm.s32 $_tile_overlayer_lowered  }
0x9b: {  	s22 =	simm.s32 $0x1BFF;
	s21 =	sshll.u32 s5, $0x1;
	s2 =	sadd.s32 s19, s18  }
0x9c: {  	s6 =	simm.s32 $0x0;
	s20 =	sshll.u32 s4, $0x1;
	s4 =	sadd.s32 s21, s2  }
0x9d: {  	[timem:s6], [sflag:s22] =	dma.local [hbm:s4], s20  }
0x9e: {  	_ =	swait.ge [sflag:s22], s20  }
0x9f: {  	s3 =	ssub.s32 $0x0, s20;
	[sflag:s22] =	ssyncset.done $0x0  }
0xa0: {  	[sflag:s22] =	ssyncadd.s32 s3;
	_ =	sdelay $0x1  }
0xa1: {  	s23 =	simm.s32 $0x1B8B  }
0xa2: {  	_ =	swait.ge [sflag:s23], $0x1  }
0xa3: {  	[sflag:s23] =	ssyncset.done $0x0  }
0xa4: {  	s25 =	simm.s32 $0x1B8E;
	s24 =	sld [smem:$0x3FFE];
	[sflag:s23] =	ssyncadd.s32 $0xFFFFFFFF  }
0xa5: {  	s26 =	simm.s32 $execute0_lowered;
	[smem:$0x3FD2] =	sst s25  }
0xa6: {  	s4 =	sshll.u32 s26, $0x1;
	_ =	strace $0x80000046;
	[dreg:$0x1] =	wrdreg $0xFFFFFFFF  }
0xa7: {  	s28 =	simm.s32 $_size_execute0_lowered;
	s2 =	sadd.s32 s2, s4;
	[dreg:$0x0] =	wrdreg $0x0  }
0xa8: {  	s4 =	sshll.u32 s28, $0x1;
	[dreg:$0x2] =	wrdreg s2  }
0xa9: {  	[dreg:$0x3] =	wrdreg s4  }
0xaa: {  	[dreg:$0x4] =	wrdreg $0xC0  }
0xab: {  	_ =	task [dreg:s6], $0x5FFFF  }
0xac: {  	[dreg:$0x1] =	wrdreg $0xFFFFFFFF  }
0xad: {  	[dreg:$0x0] =	wrdreg $0x60  }
0xae: {  	[dreg:$0x2] =	wrdreg s24  }
0xaf: {  	[dreg:$0x3] =	wrdreg $0x9  }
0xb0: {  	_ =	task.clear_ibuf [dreg:s6], $0x4FFFF;
	_ =	strace $0x90000046  }
0xb1: {  	s29 =	simm.s32 $0x9;
	_ =	strace $0x80000048  }
0xb2: {  	_ =	swait.ge [sflag:s29], $0x1  }
0xb3: {  	[sflag:s29] =	ssyncadd.s32 $0xFFFFFFFF  }
0xb4: {  	_ =	strace $0x90000048  }
0xb5: {  	_ =	sfence  }
0xb6: {  	s30 =	sld [smem:$0x0];
	_ =	sdelay $0x2  }
0xb7: {  	s31 =	sshll.u32 s1, $0xD;
	s1 =	sshrl.u32 s1, $0x2  }
0xb8: {  	s3 =	sand.u32 $0x4000, s31;
	s1 =	sadd.s32 s1, s30  }
0xb9: {  	s0 =	sor.u32 s3, s0;
	s1 =	sshll.u32 s1, $0x11  }
0xba: {  	s0 =	sor.u32 s1, s0  }
0xbb: {  	s0 =	sadd.s32 $0x8F2B, s0  }
0xbc: {  	[sflag:s0] =	ssyncadd.remote.s32 $0x1  }
0xbd: {  	_ =	sfence.sel $0xFFFF  }
0xbe: {  	[dreg:$0x0] =	wrdreg $0xFFFFFFFF;
	(pc) =	sbr.abs _section_cstart, $3  }
0xbf: {  	[dreg:$0x1] =	wrdreg $0xFFFFFFFF  }
0xc0: {  	_ =	task.clear_ibuf [dreg:s6], $0x2FFFF;
	_ =	strace $0x9FFFFFFF  }
0xc1: {  	(tm) =	ssettm $0x7FFFFFFF  }
tec
execute0_lowered:
.L_overlay_start_1:
0x0: {  	(tag) =	ssettag $0x1  }
0x1: {  	s6 =	rddreg [dreg:$0x0];
	s2 =	srdreg.scid  }
0x2: {  	s1 =	stileid.u32;
	s0 =	rddreg [dreg:$0x1]  }
0x3: {  	s12 =	simm.s32 $0x2880;
	s13 =	simm.s32 $0x5100;
	s14 =	simm.s32 $0x7880  }
0x4: {  	s15 =	simm.s32 $0xC880;
	s16 =	simm.s32 $0xA000;
	s17 =	simm.s32 $0x80  }
0x5: {  	s18 =	simm.s32 $0x400;
	s19 =	simm.s32 $0x0;
	s7 =	sand.u32 $0x1, s2  }
0x6: {  	s3 =	sshll.u32 s1, $0x1;
	s2 =	simm.s32 $0x0;
	s4 =	sshrl.u32 s1, $0x2  }
0x7: {  	s5 =	sadd.s32 $0x3D800, s6;
	s3 =	sor.u32 s7, s3;
	[smem:$0x7FF] =	sst s2  }
0x8: {  	s8 =	smul.u32 $0x14000, s4;
	s4 =	sadd.s32 $0x3D200, s6;
	s29 =	sshll.u32 s3, $0x7  }
0x9: {  	s7 =	ssub.s32 $0x2, s7;
	s3 =	smul.u32 $0x2880, s3;
	s9 =	sand.u32 $0x380, s29  }
.Ltmp0:
0xa: {  	_ =	strace $0x80000047;
	s8 =	sor.u32 s8, s9;
	(pc) =	sbr.rel .LBB2_1-.Ltmp0, $4  }
0xb: {  	s31 =	sshrl.u32 s7, $0x1;
	s30 =	sshrl.u32 s3, $0x3;
	s8 =	sshrl.u32 s8, $0x3  }
0xc: {  	s11 =	ssub.s32 s7, s31;
	s9 =	sadd.s32 s30, s6;
	s10 =	sadd.s32 s8, s6  }
0xd: {  	s6 =	sadd.s32 $0x1C00, s9;
	s7 =	sadd.s32 $0xBE00, s9;
	s8 =	sadd.s32 $0x3DE00, s9  }
0xe: {  	v0 =	vimm.f32 $-Inf;
	v1 =	vimm.f32 $0.0e+00;
	s9 =	sadd.s32 $0x48000, s10;
	s10 =	smax.u32 s11, $0x1;
	s11 =	simm.s32 $0x1  }
.LBB2_7:
0xf: {  	[hbm4b:s8+s2] =	stream.linear.scatter [tilespmem:s16], [sflag:$0x1], $0x2880, $0x38;
	[tilespmem:$0xF080] =	vst v63  }
0x10: {  	s19 =	sadd.s32 $0x1, s19;
	_ =	swait.ge [sflag:s11], $0x2880  }
0x11: {  	p0 =	sne.s32 s19, s10;
	[sflag:s11] =	ssyncset.done $0x0  }
.Ltmp1:
0x12: {  	[sflag:s11] =	ssyncadd.s32 $0xFFFFD780;
	(pc) =	sbr.rel @!p0 .LBB2_8-.Ltmp1, $4  }
0x13: {  	[hbm4b:s9+s17] =	stream.strided.scatter [tilespmem:s15], [sflag:$0x1], $0x2800, s18, s17, $0x38;
	[tilespmem:$0xF080] =	vst v63  }
0x14: {  	_ =	swait.ge [sflag:s11], $0x2800  }
0x15: {  	[sflag:s11] =	ssyncset.done $0x0  }
0x16: {  	[sflag:s11] =	ssyncadd.s32 $0xFFFFD800  }
.LBB2_1:
0x17: {  	[tilespmem:s2], [sflag:$0x1] =	stream.linear.gather [hbm4b:s6+s2], $0x2880, $0x38;
	[tilespmem:$0xF080] =	vst v63  }
0x18: {  	_ =	swait.ge [sflag:s11], $0x2880  }
0x19: {  	[sflag:s11] =	ssyncset.done $0x0  }
0x1a: {  	[sflag:s11] =	ssyncadd.s32 $0xFFFFD780  }
0x1b: {  	[tilespmem:s12], [sflag:$0x1] =	stream.linear.gather [hbm4b:s7+s2], $0x2880, $0x38;
	[tilespmem:$0xF080] =	vst v63  }
0x1c: {  	_ =	swait.ge [sflag:s11], $0x2880  }
0x1d: {  	[sflag:s11] =	ssyncset.done $0x0  }
0x1e: {  	[sflag:s11] =	ssyncadd.s32 $0xFFFFD780  }
0x1f: {  	[tilespmem:s13], [sflag:$0x1] =	stream.linear.gather [hbm4b:s4+s2], $0x2780, $0x38;
	[tilespmem:$0xF080] =	vst v63  }
0x20: {  	_ =	swait.ge [sflag:s11], $0x2780  }
0x21: {  	[sflag:s11] =	ssyncset.done $0x0  }
0x22: {  	[sflag:s11] =	ssyncadd.s32 $0xFFFFD880  }
0x23: {  	[tilespmem:s14], [sflag:$0x1] =	stream.linear.gather [hbm4b:s5+s2], $0x2780, $0x38;
	[tilespmem:$0xF080] =	vst v63  }
0x24: {  	_ =	swait.ge [sflag:s11], $0x2780  }
0x25: {  	[sflag:s11] =	ssyncset.done $0x0  }
0x26: {  	s20 =	simm.s32 $0x0;
	[sflag:s11] =	ssyncadd.s32 $0xFFFFD880  }
.LBB2_2:
0x27: {  	p0 =	sne.s32 s20, $0x9FC0  }
.Ltmp2:
0x28: {  	_ = 	snop;
	(pc) =	sbr.rel @p0 .LBB2_2-.Ltmp2, $3  }
0x29: {  	_ =	sdelay $0x1  }
0x2a: {  	s21 =	sshra.s32 s20, $0x2  }
0x2b: {  	s20 =	sadd.s32 $0x40, s20;
	[tilespmem:s21+$0xC880] =	vst v0  }
.Ltmp3:
0x2c: {  	(pc) =	sbr.rel .LBB2_4-.Ltmp3, $2  }
0x2d: {  	_ =	sdelay $0x2  }
0x2e: {  	s20 =	simm.s32 $0x0  }
.LBB2_6:
0x2f: {  	s20 =	sadd.s32 $0x1, s20  }
0x30: {  	p0 =	sne.s32 s20, $0x288  }
.Ltmp4:
0x31: {  	_ = 	snop;
	(pc) =	sbr.rel @!p0 .LBB2_7-.Ltmp4, $1  }
0x32: {  	_ =	sdelay $0x3  }
.LBB2_4:
0x33: {  	s21 =	sshll.u32 s20, $0x4  }
0x34: {  	v3 =	vld [tilespmem:s21+$0x0]  }
0x35: {  	v2 =	vld [tilespmem:s21+$0x2880];
	_ =	sdelay $0x6  }
0x36: {  	v3 =	vld.idx.msk [tilespmem:v3+s13+$0x0], $0xffff  }
0x37: {  	v4 =	vld.idx.msk [tilespmem:v2+s14+$0x0], $0xffff;
	_ =	sdelay $0x4  }
0x38: {  	v3 =	vadd.f32 v4, v3;
	_ =	sdelay $0x1  }
0x39: {  	v4 =	vmul.f32 $2.000000030e-01, v3  }
0x3a: {  	s22 =	sadd.s32 s3, s21;
	vm0 =	vge.f32 v3, $0.0e+00  }
0x3b: {  	p0 =	slt.u32 s22, $0x50910;
	v3 =	vsel vm0, v3, v4  }
0x3c: {  	v3 =	vpsel !p0, $0xF149F2CA, v3  }
0x3d: {  	[tilespmem:s21+$0xA000] =	vst v3  }
0x3e: {  	v4 =	vld.idx.msk [tilespmem:v2+s15+$0x0], $0xffff;
	_ =	sdelay $0x4  }
0x3f: {  	vm0 =	vgt.f32 v3, v4  }
0x40: {  	v4 =	vsel vm0, $0x3F800000, v1  }
0x41: {  	(xrf0) =	vmax.scan.msk.f32 $0xffff, v4;
	_ =	sdelay $0x5  }
0x42: {  	v4, _, _ =	vpop (xrf0)  }
0x43: {  	(v2sf) =	vpush v4, $0xF;
	_ =	sdelay $0xe  }
0x44: {  	s31 =	spop (v2sf)  }
0x45: {  	p0 =	sgt.f32 s31, $0.0e+00  }
.Ltmp5:
0x46: {  	_ = 	snop;
	(pc) =	sbr.rel @!p0 .LBB2_6-.Ltmp5, $1  }
0x47: {  	_ =	sdelay $0x3  }
.LBB2_5:
0x48: {  	[tilespmem:v2+s15+$0x0] =	vst.idx.msk vm0, v3  }
0x49: {  	v4 =	vld.idx.msk [tilespmem:v2+s15+$0x0], $0xffff;
	_ =	sdelay $0x4  }
0x4a: {  	vm1 =	vgt.f32 v3, v4  }
0x4b: {  	vm0 =	vmand vm0, vm1  }
0x4c: {  	v4 =	vsel vm0, $0x3F800000, v1  }
0x4d: {  	(xrf0) =	vmax.scan.msk.f32 $0xffff, v4;
	_ =	sdelay $0x5  }
0x4e: {  	v4, _, _ =	vpop (xrf0)  }
0x4f: {  	(v2sf) =	vpush v4, $0xF;
	_ =	sdelay $0xe  }
0x50: {  	s21 =	spop (v2sf)  }
0x51: {  	p0 =	sgt.f32 s21, $0.0e+00  }
.Ltmp6:
0x52: {  	_ = 	snop;
	(pc) =	sbr.rel @p0 .LBB2_5-.Ltmp6, $1  }
0x53: {  	_ =	sdelay $0x3  }
.Ltmp7:
0x54: {  	_ = 	snop;
	(pc) =	sbr.rel .LBB2_6-.Ltmp7, $1  }
0x55: {  	_ =	sdelay $0x3  }
.LBB2_8:
0x56: {  	_ =	sfence.sel $0x180000  }
0x57: {  	[bflag:$0x0] =	sbarrier.arrive $0xFFFF  }
0x58: {  	p0 =	sne.s32 s1, $0x0;
	_ =	strace $0x90000047  }
0x59: {  	s0 =	sadd.s32 @!p0 $0x100000, s0;
	[bflag:$0x2] =	sbarrier.arrive $0xFFFF  }
0x5a: {  	[sflag:s0] =	ssyncadd.tile.s32 @!p0 $0x1;
	_ =	shalt  }
.Lfunc_end2:
_tile_overlayer_lowered:
.L_overlay_start_2:
0x5b: {  	(tag) =	ssettag $0x2  }
0x5c: {  	s0 =	rddreg [dreg:$0x0];
	s2 =	stileid.u32  }
0x5d: {  	s1 =	rddreg [dreg:$0x1];
	p0 =	sne.s32 s2, $0x0  }
0x5e: {  	s3 =	rddreg [dreg:$0x2];
	[bflag:$0x3] =	sbarrier.arrive $0xFFFF;
	s2 =	simm.s32 @!p0 $0x1C01  }
0x5f: {  	[timem:s3], [sflag:s2] =	dma.local @!p0 [hbm:s0], s1  }
0x60: {  	s0 =	simm.s32 @!p0 $0x1  }
0x61: {  	_ =	swait.ge @!p0 [sflag:s0], s1  }
0x62: {  	s1 =	ssub.s32 @!p0 $0x0, s1;
	[sflag:s0] =	ssyncset.done @!p0 $0x0  }
0x63: {  	[sflag:s0] =	ssyncadd.s32 @!p0 s1  }
0x64: {  	[bflag:$0x3] =	sbarrier.arrive $0xFFFF  }
0x65: {  	_ =	shalt  }

</sc_bundles>
